<compile_context>
chip_gen: v7x
topology: tpu7x:2x2x1
jax: 0.10.2.dev20260603
libtpu: 0.0.44.dev20260713+nightly
codegen_flags: <defaults>
</compile_context>

<pallas_src>
import functools

import jax
import jax.numpy as jnp
from jax import lax
from jax.experimental import pallas as pl
from jax.experimental.pallas import tpu as pltpu
from jax.experimental.pallas import tpu_sc as plsc

NC = 2
NS = 16
NW = NC * NS

BLKB = 128
HP = 25
NBLK = 4
ROWS = 256
GBYTES = ROWS * 128 * 4
OBYTES = 2 * 32 * BLKB * 4


def _body(idx_hbm, table4_hbm, out3_hbm,
          idx_all, gidx0, gidx1, rbuf0, rbuf1, rows0, rows1, ov0, ov1,
          gsem, osem):
    wid = lax.axis_index("s") * NC + lax.axis_index("c")
    iota = lax.broadcasted_iota(jnp.int32, (16,), 0)

    def build(i, gidx, rbuf):
        h = 2 * i
        for half in range(2):
            for k in range(8):
                addr = (h + half) + 800 * k + 50 * iota
                v = plsc.load_gather(idx_all, [addr])
                gidx[pl.ds(128 * half + 16 * k, 16)] = v >> 2
                rbuf[pl.ds(128 * half + 16 * k, 16)] = (v & 3) * 32

    def transpose_half(rows_v, rbuf, out_v, half):
        def kstep(k, c):
            base = 128 * half + 16 * k
            rvec = base + iota
            rvals = rbuf[pl.ds(base, 16)]
            for f in range(32):
                vals = plsc.load_gather(rows_v, [rvec, rvals + f])
                out_v[f, pl.ds(16 * k, 16)] = vals
            return c
        lax.fori_loop(0, 8, kstep, 0, unroll=2)

    def process(rows_v, rbuf, h, b0):
        transpose_half(rows_v, rbuf, ov0, 0)
        pltpu.async_copy(ov0, out3_hbm.at[h, :, pl.ds(b0, BLKB)], osem)
        transpose_half(rows_v, rbuf, ov1, 1)
        pltpu.async_copy(ov1, out3_hbm.at[h + 1, :, pl.ds(b0, BLKB)], osem)

    def block(bi, carry):
        b0 = pl.multiple_of((4 * wid + bi) * BLKB, BLKB)
        pltpu.sync_copy(idx_hbm.at[pl.ds(b0 * 50, 50 * BLKB)], idx_all)

        build(0, gidx0, rbuf0)
        pltpu.async_copy(table4_hbm.at[gidx0], rows0, gsem)

        def wait_gather(i):
            pltpu.make_async_copy(
                table4_hbm.at[pl.ds(0, ROWS)], rows0, gsem).wait()

        def wait_out(i):
            pltpu.make_async_copy(
                ov0, out3_hbm.at[0, :, pl.ds(b0, BLKB)], osem).wait()
            pltpu.make_async_copy(
                ov1, out3_hbm.at[0, :, pl.ds(b0, BLKB)], osem).wait()

        def unit(i, carry2):
            p = lax.rem(i, 2)

            @pl.when(i < HP - 1)
            def _():
                @pl.when(p == 0)
                def _():
                    build(i + 1, gidx1, rbuf1)
                    pltpu.async_copy(table4_hbm.at[gidx1], rows1, gsem)

                @pl.when(p == 1)
                def _():
                    build(i + 1, gidx0, rbuf0)
                    pltpu.async_copy(table4_hbm.at[gidx0], rows0, gsem)

            wait_gather(i)

            @pl.when(i >= 1)
            def _():
                wait_out(i)

            h = 2 * i

            @pl.when(p == 0)
            def _():
                process(rows0, rbuf0, h, b0)

            @pl.when(p == 1)
            def _():
                process(rows1, rbuf1, h, b0)

            return carry2

        lax.fori_loop(0, HP, unit, 0)
        wait_out(HP)
        return carry

    lax.fori_loop(0, NBLK, block, 0)


@functools.partial(jax.jit, static_argnames=("n", "d"))
def _gather(flat_idx, table4, n, d):
    mesh = plsc.VectorSubcoreMesh(core_axis_name="c", subcore_axis_name="s")
    return pl.kernel(
        _body,
        out_type=jax.ShapeDtypeStruct((50, d, n // 50), jnp.float32),
        mesh=mesh,
        scratch_types=[
            pltpu.VMEM((50 * BLKB,), jnp.int32),
            pltpu.VMEM((ROWS,), jnp.int32),
            pltpu.VMEM((ROWS,), jnp.int32),
            pltpu.VMEM((ROWS,), jnp.int32),
            pltpu.VMEM((ROWS,), jnp.int32),
            pltpu.VMEM((ROWS, 128), jnp.float32),
            pltpu.VMEM((ROWS, 128), jnp.float32),
            pltpu.VMEM((32, BLKB), jnp.float32),
            pltpu.VMEM((32, BLKB), jnp.float32),
            pltpu.SemaphoreType.DMA,
            pltpu.SemaphoreType.DMA,
        ],
        compiler_params=pltpu.CompilerParams(use_tc_tiling_on_sc=True, needs_layout_passes=False),
    )(flat_idx, table4)


def kernel(action_idx, table):
    b, h = action_idx.shape
    n = b * h
    d = table.shape[1]
    flat_idx = action_idx.reshape(n).astype(jnp.int32)
    table4 = table.reshape(table.shape[0] // 4, 128)
    out3 = _gather(flat_idx, table4, n, d)
    return jnp.transpose(out3, (2, 0, 1))

# --- scband reference (transcript-rebuilt; emitter-appended) ---
"""Pipeline reference for scband-action-embedding-16965120819872 (READ-ONLY COPY).

The authoritative reference and input builder live on the scoring server;
editing this copy changes nothing except your own understanding.
"""

import jax, jax.numpy as jnp
import numpy as np

NUM_ACTIONS = 1000000
EMBED_DIM = 32
BATCH = 16384
HIST = 50


def setup_inputs(seed: int = 0) -> dict:
    key = jax.random.key(seed)
    k_idx, k_tab = jax.random.split(key)
    action_idx = jax.random.randint(k_idx, (BATCH, HIST), 0, NUM_ACTIONS, dtype=jnp.int64 if jax.config.jax_enable_x64 else jnp.int32)
    table = jax.random.normal(k_tab, (NUM_ACTIONS, EMBED_DIM), dtype=jnp.float32) * 0.02
    return {"action_idx": action_idx, "table": table}


def reference(action_idx, table):
    # nn.Embedding forward: row gather from the embedding table
    return jnp.take(table, action_idx, axis=0)

if __name__ == "__main__":
    import jax
    _d = setup_inputs()
    print(jax.jit(kernel)(*tuple(_d.values())))

</pallas_src>

<mosaic_0001>
#map = affine_map<(d0, d1) -> (0)>
#map1 = affine_map<(d0, d1) -> (0, 0)>
#map2 = affine_map<(d0, d1) -> (0, 0, 0)>
module attributes {stable_mosaic.version = 14 : i64} {
  func.func @_body(%arg0: i32, %arg1: i32, %arg2: memref<819200xi32, #tpu.memory_space<hbm>>, %arg3: memref<250000x128xf32, #tpu.memory_space<hbm>>, %arg4: memref<50x32x16384xf32, #tpu.memory_space<hbm>>, %arg5: memref<6400xi32, #tpu.memory_space<vmem>>, %arg6: memref<256xi32, #tpu.memory_space<vmem>>, %arg7: memref<256xi32, #tpu.memory_space<vmem>>, %arg8: memref<256xi32, #tpu.memory_space<vmem>>, %arg9: memref<256xi32, #tpu.memory_space<vmem>>, %arg10: memref<256x128xf32, #tpu.memory_space<vmem>>, %arg11: memref<256x128xf32, #tpu.memory_space<vmem>>, %arg12: memref<32x128xf32, #tpu.memory_space<vmem>>, %arg13: memref<32x128xf32, #tpu.memory_space<vmem>>, %arg14: memref<!tpu.dma_semaphore, #tpu.memory_space<semaphore_mem>>, %arg15: memref<!tpu.dma_semaphore, #tpu.memory_space<semaphore_mem>>) attributes {dimension_semantics = [#tpu.dimension_semantics<core_parallel>, #tpu.dimension_semantics<subcore_parallel>], iteration_bounds = array<i64: 2, 16>, scalar_prefetch = 0 : i64, scratch_operands = 11 : i64, tpu.core_type = #tpu.core_type<sc_vector_subcore>, window_params = [{transform_indices = #map}, {transform_indices = #map1}, {transform_indices = #map2}]} {
    %mul3A = arith.constant 2 : i32
    %mul3A_0 = arith.muli %arg1, %mul3A : i32
    %add3A = arith.addi %mul3A_0, %arg0 : i32
    %iota3A = tpu.iota {dimensions = array<i32: 0>} : vector<16xi32>
    %scan3A = arith.constant 0 : i32
    %scan3A_1 = arith.constant 0 : i32
    %scan3A_2 = arith.constant 4 : i32
    %scan3A_3 = arith.addi %scan3A_1, %scan3A_2 : i32
    %scan3A_4 = arith.constant 1 : i32
    scf.for %scan3A_6 = %scan3A_1 to %scan3A_3 step %scan3A_4  : i32 {
      %mul3A_7 = arith.constant 4 : i32
      %mul3A_8 = arith.muli %mul3A_7, %add3A : i32
      %add3A_9 = arith.addi %mul3A_8, %scan3A_6 : i32
      %mul3A_10 = arith.constant 128 : i32
      %mul3A_11 = arith.muli %add3A_9, %mul3A_10 : i32
      %multiple_of3A = tpu.assume_multiple %mul3A_11, 128 : i32
      %mul3A_12 = arith.constant 50 : i32
      %mul3A_13 = arith.muli %multiple_of3A, %mul3A_12 : i32
      "tpu.region"() ({
        %run_scoped3A = tpu.sem_alloc : memref<!tpu.dma_semaphore, #tpu.memory_space<semaphore_mem>>
        %dma_start3A_351 = tpu.memref_slice %arg2[%mul3A_13] : memref<819200xi32, #tpu.memory_space<hbm>> -> memref<6400xi32, #tpu.memory_space<hbm>>
        %dma_start3A_352 = tpu.memref_slice %arg2[%mul3A_13] : memref<819200xi32, #tpu.memory_space<hbm>> -> memref<6400xi32, #tpu.memory_space<hbm>>
        tpu.enqueue_dma source(%dma_start3A_352 : memref<6400xi32, #tpu.memory_space<hbm>>) target(%arg5 : memref<6400xi32, #tpu.memory_space<vmem>>) target_semaphore(%run_scoped3A : memref<!tpu.dma_semaphore, #tpu.memory_space<semaphore_mem>>)
        %dma_wait3A_353 = tpu.memref_slice %arg2[%mul3A_13] : memref<819200xi32, #tpu.memory_space<hbm>> -> memref<6400xi32, #tpu.memory_space<hbm>>
        %dma_wait3A_354 = tpu.memref_slice %arg2[%mul3A_13] : memref<819200xi32, #tpu.memory_space<hbm>> -> memref<6400xi32, #tpu.memory_space<hbm>>
        tpu.wait_dma2 semaphore(%run_scoped3A : memref<!tpu.dma_semaphore, #tpu.memory_space<semaphore_mem>>) src(%dma_wait3A_354 : memref<6400xi32, #tpu.memory_space<hbm>>) dst(%arg5 : memref<6400xi32, #tpu.memory_space<vmem>>)
        tpu.yield
      }) : () -> ()
      %mul3A_14 = arith.constant 50 : i32
      %mul3A_15 = vector.broadcast %mul3A_14 : i32 to vector<16xi32>
      %mul3A_16 = arith.muli %mul3A_15, %iota3A : vector<16xi32>
      %add3A_17 = arith.constant 0 : i32
      %add3A_18 = vector.broadcast %add3A_17 : i32 to vector<16xi32>
      %add3A_19 = arith.addi %add3A_18, %mul3A_16 : vector<16xi32>
      %gather3A = tpu.vector_load_idx %arg5[%add3A_19] : memref<6400xi32, #tpu.memory_space<vmem>>[vector<16xi32>], vector<16xi32>,
      %shift_right_arithmetic3A = arith.constant 2 : i32
      %shift_right_arithmetic3A_20 = vector.broadcast %shift_right_arithmetic3A : i32 to vector<16xi32>
      %shift_right_arithmetic3A_21 = arith.shrsi %gather3A, %shift_right_arithmetic3A_20 : vector<16xi32>
      %swap3A = arith.constant 0 : index
      %swap3A_22 = tpu.vector_load %arg6[%swap3A] {strides = array<i32>} : memref<256xi32, #tpu.memory_space<vmem>>, vector<16xi32>,
      tpu.vector_store %arg6[%swap3A], %shift_right_arithmetic3A_21 {strides = array<i32>} : memref<256xi32, #tpu.memory_space<vmem>>, vector<16xi32>,
      %and3A = arith.constant 3 : i32
      %and3A_23 = vector.broadcast %and3A : i32 to vector<16xi32>
      %and3A_24 = arith.andi %gather3A, %and3A_23 : vector<16xi32>
      %mul3A_25 = arith.constant 32 : i32
      %mul3A_26 = vector.broadcast %mul3A_25 : i32 to vector<16xi32>
      %mul3A_27 = arith.muli %and3A_24, %mul3A_26 : vector<16xi32>
      %swap3A_28 = arith.constant 0 : index
      %swap3A_29 = tpu.vector_load %arg8[%swap3A_28] {strides = array<i32>} : memref<256xi32, #tpu.memory_space<vmem>>, vector<16xi32>,
      tpu.vector_store %arg8[%swap3A_28], %mul3A_27 {strides = array<i32>} : memref<256xi32, #tpu.memory_space<vmem>>, vector<16xi32>,
      %mul3A_30 = arith.constant 50 : i32
      %mul3A_31 = vector.broadcast %mul3A_30 : i32 to vector<16xi32>
      %mul3A_32 = arith.muli %mul3A_31, %iota3A : vector<16xi32>
      %add3A_33 = arith.constant 800 : i32
      %add3A_34 = vector.broadcast %add3A_33 : i32 to vector<16xi32>
      %add3A_35 = arith.addi %add3A_34, %mul3A_32 : vector<16xi32>
      %gather3A_36 = tpu.vector_load_idx %arg5[%add3A_35] : memref<6400xi32, #tpu.memory_space<vmem>>[vector<16xi32>], vector<16xi32>,
      %shift_right_arithmetic3A_37 = arith.constant 2 : i32
      %shift_right_arithmetic3A_38 = vector.broadcast %shift_right_arithmetic3A_37 : i32 to vector<16xi32>
      %shift_right_arithmetic3A_39 = arith.shrsi %gather3A_36, %shift_right_arithmetic3A_38 : vector<16xi32>
      %swap3A_40 = arith.constant 16 : index
      %swap3A_41 = tpu.vector_load %arg6[%swap3A_40] {strides = array<i32>} : memref<256xi32, #tpu.memory_space<vmem>>, vector<16xi32>,
      tpu.vector_store %arg6[%swap3A_40], %shift_right_arithmetic3A_39 {strides = array<i32>} : memref<256xi32, #tpu.memory_space<vmem>>, vector<16xi32>,
      %and3A_42 = arith.constant 3 : i32
      %and3A_43 = vector.broadcast %and3A_42 : i32 to vector<16xi32>
      %and3A_44 = arith.andi %gather3A_36, %and3A_43 : vector<16xi32>
      %mul3A_45 = arith.constant 32 : i32
      %mul3A_46 = vector.broadcast %mul3A_45 : i32 to vector<16xi32>
      %mul3A_47 = arith.muli %and3A_44, %mul3A_46 : vector<16xi32>
      %swap3A_48 = arith.constant 16 : index
      %swap3A_49 = tpu.vector_load %arg8[%swap3A_48] {strides = array<i32>} : memref<256xi32, #tpu.memory_space<vmem>>, vector<16xi32>,
      tpu.vector_store %arg8[%swap3A_48], %mul3A_47 {strides = array<i32>} : memref<256xi32, #tpu.memory_space<vmem>>, vector<16xi32>,
      %mul3A_50 = arith.constant 50 : i32
      %mul3A_51 = vector.broadcast %mul3A_50 : i32 to vector<16xi32>
      %mul3A_52 = arith.muli %mul3A_51, %iota3A : vector<16xi32>
      %add3A_53 = arith.constant 1600 : i32
      %add3A_54 = vector.broadcast %add3A_53 : i32 to vector<16xi32>
      %add3A_55 = arith.addi %add3A_54, %mul3A_52 : vector<16xi32>
      %gather3A_56 = tpu.vector_load_idx %arg5[%add3A_55] : memref<6400xi32, #tpu.memory_space<vmem>>[vector<16xi32>], vector<16xi32>,
      %shift_right_arithmetic3A_57 = arith.constant 2 : i32
      %shift_right_arithmetic3A_58 = vector.broadcast %shift_right_arithmetic3A_57 : i32 to vector<16xi32>
      %shift_right_arithmetic3A_59 = arith.shrsi %gather3A_56, %shift_right_arithmetic3A_58 : vector<16xi32>
      %swap3A_60 = arith.constant 32 : index
      %swap3A_61 = tpu.vector_load %arg6[%swap3A_60] {strides = array<i32>} : memref<256xi32, #tpu.memory_space<vmem>>, vector<16xi32>,
      tpu.vector_store %arg6[%swap3A_60], %shift_right_arithmetic3A_59 {strides = array<i32>} : memref<256xi32, #tpu.memory_space<vmem>>, vector<16xi32>,
      %and3A_62 = arith.constant 3 : i32
      %and3A_63 = vector.broadcast %and3A_62 : i32 to vector<16xi32>
      %and3A_64 = arith.andi %gather3A_56, %and3A_63 : vector<16xi32>
      %mul3A_65 = arith.constant 32 : i32
      %mul3A_66 = vector.broadcast %mul3A_65 : i32 to vector<16xi32>
      %mul3A_67 = arith.muli %and3A_64, %mul3A_66 : vector<16xi32>
      %swap3A_68 = arith.constant 32 : index
      %swap3A_69 = tpu.vector_load %arg8[%swap3A_68] {strides = array<i32>} : memref<256xi32, #tpu.memory_space<vmem>>, vector<16xi32>,
      tpu.vector_store %arg8[%swap3A_68], %mul3A_67 {strides = array<i32>} : memref<256xi32, #tpu.memory_space<vmem>>, vector<16xi32>,
      %mul3A_70 = arith.constant 50 : i32
      %mul3A_71 = vector.broadcast %mul3A_70 : i32 to vector<16xi32>
      %mul3A_72 = arith.muli %mul3A_71, %iota3A : vector<16xi32>
      %add3A_73 = arith.constant 2400 : i32
      %add3A_74 = vector.broadcast %add3A_73 : i32 to vector<16xi32>
      %add3A_75 = arith.addi %add3A_74, %mul3A_72 : vector<16xi32>
      %gather3A_76 = tpu.vector_load_idx %arg5[%add3A_75] : memref<6400xi32, #tpu.memory_space<vmem>>[vector<16xi32>], vector<16xi32>,
      %shift_right_arithmetic3A_77 = arith.constant 2 : i32
      %shift_right_arithmetic3A_78 = vector.broadcast %shift_right_arithmetic3A_77 : i32 to vector<16xi32>
      %shift_right_arithmetic3A_79 = arith.shrsi %gather3A_76, %shift_right_arithmetic3A_78 : vector<16xi32>
      %swap3A_80 = arith.constant 48 : index
      %swap3A_81 = tpu.vector_load %arg6[%swap3A_80] {strides = array<i32>} : memref<256xi32, #tpu.memory_space<vmem>>, vector<16xi32>,
      tpu.vector_store %arg6[%swap3A_80], %shift_right_arithmetic3A_79 {strides = array<i32>} : memref<256xi32, #tpu.memory_space<vmem>>, vector<16xi32>,
      %and3A_82 = arith.constant 3 : i32
      %and3A_83 = vector.broadcast %and3A_82 : i32 to vector<16xi32>
      %and3A_84 = arith.andi %gather3A_76, %and3A_83 : vector<16xi32>
      %mul3A_85 = arith.constant 32 : i32
      %mul3A_86 = vector.broadcast %mul3A_85 : i32 to vector<16xi32>
      %mul3A_87 = arith.muli %and3A_84, %mul3A_86 : vector<16xi32>
      %swap3A_88 = arith.constant 48 : index
      %swap3A_89 = tpu.vector_load %arg8[%swap3A_88] {strides = array<i32>} : memref<256xi32, #tpu.memory_space<vmem>>, vector<16xi32>,
      tpu.vector_store %arg8[%swap3A_88], %mul3A_87 {strides = array<i32>} : memref<256xi32, #tpu.memory_space<vmem>>, vector<16xi32>,
      %mul3A_90 = arith.constant 50 : i32
      %mul3A_91 = vector.broadcast %mul3A_90 : i32 to vector<16xi32>
      %mul3A_92 = arith.muli %mul3A_91, %iota3A : vector<16xi32>
      %add3A_93 = arith.constant 3200 : i32
      %add3A_94 = vector.broadcast %add3A_93 : i32 to vector<16xi32>
      %add3A_95 = arith.addi %add3A_94, %mul3A_92 : vector<16xi32>
      %gather3A_96 = tpu.vector_load_idx %arg5[%add3A_95] : memref<6400xi32, #tpu.memory_space<vmem>>[vector<16xi32>], vector<16xi32>,
      %shift_right_arithmetic3A_97 = arith.constant 2 : i32
      %shift_right_arithmetic3A_98 = vector.broadcast %shift_right_arithmetic3A_97 : i32 to vector<16xi32>
      %shift_right_arithmetic3A_99 = arith.shrsi %gather3A_96, %shift_right_arithmetic3A_98 : vector<16xi32>
      %swap3A_100 = arith.constant 64 : index
      %swap3A_101 = tpu.vector_load %arg6[%swap3A_100] {strides = array<i32>} : memref<256xi32, #tpu.memory_space<vmem>>, vector<16xi32>,
      tpu.vector_store %arg6[%swap3A_100], %shift_right_arithmetic3A_99 {strides = array<i32>} : memref<256xi32, #tpu.memory_space<vmem>>, vector<16xi32>,
      %and3A_102 = arith.constant 3 : i32
      %and3A_103 = vector.broadcast %and3A_102 : i32 to vector<16xi32>
      %and3A_104 = arith.andi %gather3A_96, %and3A_103 : vector<16xi32>
      %mul3A_105 = arith.constant 32 : i32
      %mul3A_106 = vector.broadcast %mul3A_105 : i32 to vector<16xi32>
      %mul3A_107 = arith.muli %and3A_104, %mul3A_106 : vector<16xi32>
      %swap3A_108 = arith.constant 64 : index
      %swap3A_109 = tpu.vector_load %arg8[%swap3A_108] {strides = array<i32>} : memref<256xi32, #tpu.memory_space<vmem>>, vector<16xi32>,
      tpu.vector_store %arg8[%swap3A_108], %mul3A_107 {strides = array<i32>} : memref<256xi32, #tpu.memory_space<vmem>>, vector<16xi32>,
      %mul3A_110 = arith.constant 50 : i32
      %mul3A_111 = vector.broadcast %mul3A_110 : i32 to vector<16xi32>
      %mul3A_112 = arith.muli %mul3A_111, %iota3A : vector<16xi32>
      %add3A_113 = arith.constant 4000 : i32
      %add3A_114 = vector.broadcast %add3A_113 : i32 to vector<16xi32>
      %add3A_115 = arith.addi %add3A_114, %mul3A_112 : vector<16xi32>
      %gather3A_116 = tpu.vector_load_idx %arg5[%add3A_115] : memref<6400xi32, #tpu.memory_space<vmem>>[vector<16xi32>], vector<16xi32>,
      %shift_right_arithmetic3A_117 = arith.constant 2 : i32
      %shift_right_arithmetic3A_118 = vector.broadcast %shift_right_arithmetic3A_117 : i32 to vector<16xi32>
      %shift_right_arithmetic3A_119 = arith.shrsi %gather3A_116, %shift_right_arithmetic3A_118 : vector<16xi32>
      %swap3A_120 = arith.constant 80 : index
      %swap3A_121 = tpu.vector_load %arg6[%swap3A_120] {strides = array<i32>} : memref<256xi32, #tpu.memory_space<vmem>>, vector<16xi32>,
      tpu.vector_store %arg6[%swap3A_120], %shift_right_arithmetic3A_119 {strides = array<i32>} : memref<256xi32, #tpu.memory_space<vmem>>, vector<16xi32>,
      %and3A_122 = arith.constant 3 : i32
      %and3A_123 = vector.broadcast %and3A_122 : i32 to vector<16xi32>
      %and3A_124 = arith.andi %gather3A_116, %and3A_123 : vector<16xi32>
      %mul3A_125 = arith.constant 32 : i32
      %mul3A_126 = vector.broadcast %mul3A_125 : i32 to vector<16xi32>
      %mul3A_127 = arith.muli %and3A_124, %mul3A_126 : vector<16xi32>
      %swap3A_128 = arith.constant 80 : index
      %swap3A_129 = tpu.vector_load %arg8[%swap3A_128] {strides = array<i32>} : memref<256xi32, #tpu.memory_space<vmem>>, vector<16xi32>,
      tpu.vector_store %arg8[%swap3A_128], %mul3A_127 {strides = array<i32>} : memref<256xi32, #tpu.memory_space<vmem>>, vector<16xi32>,
      %mul3A_130 = arith.constant 50 : i32
      %mul3A_131 = vector.broadcast %mul3A_130 : i32 to vector<16xi32>
      %mul3A_132 = arith.muli %mul3A_131, %iota3A : vector<16xi32>
      %add3A_133 = arith.constant 4800 : i32
      %add3A_134 = vector.broadcast %add3A_133 : i32 to vector<16xi32>
      %add3A_135 = arith.addi %add3A_134, %mul3A_132 : vector<16xi32>
      %gather3A_136 = tpu.vector_load_idx %arg5[%add3A_135] : memref<6400xi32, #tpu.memory_space<vmem>>[vector<16xi32>], vector<16xi32>,
      %shift_right_arithmetic3A_137 = arith.constant 2 : i32
      %shift_right_arithmetic3A_138 = vector.broadcast %shift_right_arithmetic3A_137 : i32 to vector<16xi32>
      %shift_right_arithmetic3A_139 = arith.shrsi %gather3A_136, %shift_right_arithmetic3A_138 : vector<16xi32>
      %swap3A_140 = arith.constant 96 : index
      %swap3A_141 = tpu.vector_load %arg6[%swap3A_140] {strides = array<i32>} : memref<256xi32, #tpu.memory_space<vmem>>, vector<16xi32>,
      tpu.vector_store %arg6[%swap3A_140], %shift_right_arithmetic3A_139 {strides = array<i32>} : memref<256xi32, #tpu.memory_space<vmem>>, vector<16xi32>,
      %and3A_142 = arith.constant 3 : i32
      %and3A_143 = vector.broadcast %and3A_142 : i32 to vector<16xi32>
      %and3A_144 = arith.andi %gather3A_136, %and3A_143 : vector<16xi32>
      %mul3A_145 = arith.constant 32 : i32
      %mul3A_146 = vector.broadcast %mul3A_145 : i32 to vector<16xi32>
      %mul3A_147 = arith.muli %and3A_144, %mul3A_146 : vector<16xi32>
      %swap3A_148 = arith.constant 96 : index
      %swap3A_149 = tpu.vector_load %arg8[%swap3A_148] {strides = array<i32>} : memref<256xi32, #tpu.memory_space<vmem>>, vector<16xi32>,
      tpu.vector_store %arg8[%swap3A_148], %mul3A_147 {strides = array<i32>} : memref<256xi32, #tpu.memory_space<vmem>>, vector<16xi32>,
      %mul3A_150 = arith.constant 50 : i32
      %mul3A_151 = vector.broadcast %mul3A_150 : i32 to vector<16xi32>
      %mul3A_152 = arith.muli %mul3A_151, %iota3A : vector<16xi32>
      %add3A_153 = arith.constant 5600 : i32
      %add3A_154 = vector.broadcast %add3A_153 : i32 to vector<16xi32>
      %add3A_155 = arith.addi %add3A_154, %mul3A_152 : vector<16xi32>
      %gather3A_156 = tpu.vector_load_idx %arg5[%add3A_155] : memref<6400xi32, #tpu.memory_space<vmem>>[vector<16xi32>], vector<16xi32>,
      %shift_right_arithmetic3A_157 = arith.constant 2 : i32
      %shift_right_arithmetic3A_158 = vector.broadcast %shift_right_arithmetic3A_157 : i32 to vector<16xi32>
      %shift_right_arithmetic3A_159 = arith.shrsi %gather3A_156, %shift_right_arithmetic3A_158 : vector<16xi32>
      %swap3A_160 = arith.constant 112 : index
      %swap3A_161 = tpu.vector_load %arg6[%swap3A_160] {strides = array<i32>} : memref<256xi32, #tpu.memory_space<vmem>>, vector<16xi32>,
      tpu.vector_store %arg6[%swap3A_160], %shift_right_arithmetic3A_159 {strides = array<i32>} : memref<256xi32, #tpu.memory_space<vmem>>, vector<16xi32>,
      %and3A_162 = arith.constant 3 : i32
      %and3A_163 = vector.broadcast %and3A_162 : i32 to vector<16xi32>
      %and3A_164 = arith.andi %gather3A_156, %and3A_163 : vector<16xi32>
      %mul3A_165 = arith.constant 32 : i32
      %mul3A_166 = vector.broadcast %mul3A_165 : i32 to vector<16xi32>
      %mul3A_167 = arith.muli %and3A_164, %mul3A_166 : vector<16xi32>
      %swap3A_168 = arith.constant 112 : index
      %swap3A_169 = tpu.vector_load %arg8[%swap3A_168] {strides = array<i32>} : memref<256xi32, #tpu.memory_space<vmem>>, vector<16xi32>,
      tpu.vector_store %arg8[%swap3A_168], %mul3A_167 {strides = array<i32>} : memref<256xi32, #tpu.memory_space<vmem>>, vector<16xi32>,
      %mul3A_170 = arith.constant 50 : i32
      %mul3A_171 = vector.broadcast %mul3A_170 : i32 to vector<16xi32>
      %mul3A_172 = arith.muli %mul3A_171, %iota3A : vector<16xi32>
      %add3A_173 = arith.constant 1 : i32
      %add3A_174 = vector.broadcast %add3A_173 : i32 to vector<16xi32>
      %add3A_175 = arith.addi %add3A_174, %mul3A_172 : vector<16xi32>
      %gather3A_176 = tpu.vector_load_idx %arg5[%add3A_175] : memref<6400xi32, #tpu.memory_space<vmem>>[vector<16xi32>], vector<16xi32>,
      %shift_right_arithmetic3A_177 = arith.constant 2 : i32
      %shift_right_arithmetic3A_178 = vector.broadcast %shift_right_arithmetic3A_177 : i32 to vector<16xi32>
      %shift_right_arithmetic3A_179 = arith.shrsi %gather3A_176, %shift_right_arithmetic3A_178 : vector<16xi32>
      %swap3A_180 = arith.constant 128 : index
      %swap3A_181 = tpu.vector_load %arg6[%swap3A_180] {strides = array<i32>} : memref<256xi32, #tpu.memory_space<vmem>>, vector<16xi32>,
      tpu.vector_store %arg6[%swap3A_180], %shift_right_arithmetic3A_179 {strides = array<i32>} : memref<256xi32, #tpu.memory_space<vmem>>, vector<16xi32>,
      %and3A_182 = arith.constant 3 : i32
      %and3A_183 = vector.broadcast %and3A_182 : i32 to vector<16xi32>
      %and3A_184 = arith.andi %gather3A_176, %and3A_183 : vector<16xi32>
      %mul3A_185 = arith.constant 32 : i32
      %mul3A_186 = vector.broadcast %mul3A_185 : i32 to vector<16xi32>
      %mul3A_187 = arith.muli %and3A_184, %mul3A_186 : vector<16xi32>
      %swap3A_188 = arith.constant 128 : index
      %swap3A_189 = tpu.vector_load %arg8[%swap3A_188] {strides = array<i32>} : memref<256xi32, #tpu.memory_space<vmem>>, vector<16xi32>,
      tpu.vector_store %arg8[%swap3A_188], %mul3A_187 {strides = array<i32>} : memref<256xi32, #tpu.memory_space<vmem>>, vector<16xi32>,
      %mul3A_190 = arith.constant 50 : i32
      %mul3A_191 = vector.broadcast %mul3A_190 : i32 to vector<16xi32>
      %mul3A_192 = arith.muli %mul3A_191, %iota3A : vector<16xi32>
      %add3A_193 = arith.constant 801 : i32
      %add3A_194 = vector.broadcast %add3A_193 : i32 to vector<16xi32>
      %add3A_195 = arith.addi %add3A_194, %mul3A_192 : vector<16xi32>
      %gather3A_196 = tpu.vector_load_idx %arg5[%add3A_195] : memref<6400xi32, #tpu.memory_space<vmem>>[vector<16xi32>], vector<16xi32>,
      %shift_right_arithmetic3A_197 = arith.constant 2 : i32
      %shift_right_arithmetic3A_198 = vector.broadcast %shift_right_arithmetic3A_197 : i32 to vector<16xi32>
      %shift_right_arithmetic3A_199 = arith.shrsi %gather3A_196, %shift_right_arithmetic3A_198 : vector<16xi32>
      %swap3A_200 = arith.constant 144 : index
      %swap3A_201 = tpu.vector_load %arg6[%swap3A_200] {strides = array<i32>} : memref<256xi32, #tpu.memory_space<vmem>>, vector<16xi32>,
      tpu.vector_store %arg6[%swap3A_200], %shift_right_arithmetic3A_199 {strides = array<i32>} : memref<256xi32, #tpu.memory_space<vmem>>, vector<16xi32>,
      %and3A_202 = arith.constant 3 : i32
      %and3A_203 = vector.broadcast %and3A_202 : i32 to vector<16xi32>
      %and3A_204 = arith.andi %gather3A_196, %and3A_203 : vector<16xi32>
      %mul3A_205 = arith.constant 32 : i32
      %mul3A_206 = vector.broadcast %mul3A_205 : i32 to vector<16xi32>
      %mul3A_207 = arith.muli %and3A_204, %mul3A_206 : vector<16xi32>
      %swap3A_208 = arith.constant 144 : index
      %swap3A_209 = tpu.vector_load %arg8[%swap3A_208] {strides = array<i32>} : memref<256xi32, #tpu.memory_space<vmem>>, vector<16xi32>,
      tpu.vector_store %arg8[%swap3A_208], %mul3A_207 {strides = array<i32>} : memref<256xi32, #tpu.memory_space<vmem>>, vector<16xi32>,
      %mul3A_210 = arith.constant 50 : i32
      %mul3A_211 = vector.broadcast %mul3A_210 : i32 to vector<16xi32>
      %mul3A_212 = arith.muli %mul3A_211, %iota3A : vector<16xi32>
      %add3A_213 = arith.constant 1601 : i32
      %add3A_214 = vector.broadcast %add3A_213 : i32 to vector<16xi32>
      %add3A_215 = arith.addi %add3A_214, %mul3A_212 : vector<16xi32>
      %gather3A_216 = tpu.vector_load_idx %arg5[%add3A_215] : memref<6400xi32, #tpu.memory_space<vmem>>[vector<16xi32>], vector<16xi32>,
      %shift_right_arithmetic3A_217 = arith.constant 2 : i32
      %shift_right_arithmetic3A_218 = vector.broadcast %shift_right_arithmetic3A_217 : i32 to vector<16xi32>
      %shift_right_arithmetic3A_219 = arith.shrsi %gather3A_216, %shift_right_arithmetic3A_218 : vector<16xi32>
      %swap3A_220 = arith.constant 160 : index
      %swap3A_221 = tpu.vector_load %arg6[%swap3A_220] {strides = array<i32>} : memref<256xi32, #tpu.memory_space<vmem>>, vector<16xi32>,
      tpu.vector_store %arg6[%swap3A_220], %shift_right_arithmetic3A_219 {strides = array<i32>} : memref<256xi32, #tpu.memory_space<vmem>>, vector<16xi32>,
      %and3A_222 = arith.constant 3 : i32
      %and3A_223 = vector.broadcast %and3A_222 : i32 to vector<16xi32>
      %and3A_224 = arith.andi %gather3A_216, %and3A_223 : vector<16xi32>
      %mul3A_225 = arith.constant 32 : i32
      %mul3A_226 = vector.broadcast %mul3A_225 : i32 to vector<16xi32>
      %mul3A_227 = arith.muli %and3A_224, %mul3A_226 : vector<16xi32>
      %swap3A_228 = arith.constant 160 : index
      %swap3A_229 = tpu.vector_load %arg8[%swap3A_228] {strides = array<i32>} : memref<256xi32, #tpu.memory_space<vmem>>, vector<16xi32>,
      tpu.vector_store %arg8[%swap3A_228], %mul3A_227 {strides = array<i32>} : memref<256xi32, #tpu.memory_space<vmem>>, vector<16xi32>,
      %mul3A_230 = arith.constant 50 : i32
      %mul3A_231 = vector.broadcast %mul3A_230 : i32 to vector<16xi32>
      %mul3A_232 = arith.muli %mul3A_231, %iota3A : vector<16xi32>
      %add3A_233 = arith.constant 2401 : i32
      %add3A_234 = vector.broadcast %add3A_233 : i32 to vector<16xi32>
      %add3A_235 = arith.addi %add3A_234, %mul3A_232 : vector<16xi32>
      %gather3A_236 = tpu.vector_load_idx %arg5[%add3A_235] : memref<6400xi32, #tpu.memory_space<vmem>>[vector<16xi32>], vector<16xi32>,
      %shift_right_arithmetic3A_237 = arith.constant 2 : i32
      %shift_right_arithmetic3A_238 = vector.broadcast %shift_right_arithmetic3A_237 : i32 to vector<16xi32>
      %shift_right_arithmetic3A_239 = arith.shrsi %gather3A_236, %shift_right_arithmetic3A_238 : vector<16xi32>
      %swap3A_240 = arith.constant 176 : index
      %swap3A_241 = tpu.vector_load %arg6[%swap3A_240] {strides = array<i32>} : memref<256xi32, #tpu.memory_space<vmem>>, vector<16xi32>,
      tpu.vector_store %arg6[%swap3A_240], %shift_right_arithmetic3A_239 {strides = array<i32>} : memref<256xi32, #tpu.memory_space<vmem>>, vector<16xi32>,
      %and3A_242 = arith.constant 3 : i32
      %and3A_243 = vector.broadcast %and3A_242 : i32 to vector<16xi32>
      %and3A_244 = arith.andi %gather3A_236, %and3A_243 : vector<16xi32>
      %mul3A_245 = arith.constant 32 : i32
      %mul3A_246 = vector.broadcast %mul3A_245 : i32 to vector<16xi32>
      %mul3A_247 = arith.muli %and3A_244, %mul3A_246 : vector<16xi32>
      %swap3A_248 = arith.constant 176 : index
      %swap3A_249 = tpu.vector_load %arg8[%swap3A_248] {strides = array<i32>} : memref<256xi32, #tpu.memory_space<vmem>>, vector<16xi32>,
      tpu.vector_store %arg8[%swap3A_248], %mul3A_247 {strides = array<i32>} : memref<256xi32, #tpu.memory_space<vmem>>, vector<16xi32>,
      %mul3A_250 = arith.constant 50 : i32
      %mul3A_251 = vector.broadcast %mul3A_250 : i32 to vector<16xi32>
      %mul3A_252 = arith.muli %mul3A_251, %iota3A : vector<16xi32>
      %add3A_253 = arith.constant 3201 : i32
      %add3A_254 = vector.broadcast %add3A_253 : i32 to vector<16xi32>
      %add3A_255 = arith.addi %add3A_254, %mul3A_252 : vector<16xi32>
      %gather3A_256 = tpu.vector_load_idx %arg5[%add3A_255] : memref<6400xi32, #tpu.memory_space<vmem>>[vector<16xi32>], vector<16xi32>,
      %shift_right_arithmetic3A_257 = arith.constant 2 : i32
      %shift_right_arithmetic3A_258 = vector.broadcast %shift_right_arithmetic3A_257 : i32 to vector<16xi32>
      %shift_right_arithmetic3A_259 = arith.shrsi %gather3A_256, %shift_right_arithmetic3A_258 : vector<16xi32>
      %swap3A_260 = arith.constant 192 : index
      %swap3A_261 = tpu.vector_load %arg6[%swap3A_260] {strides = array<i32>} : memref<256xi32, #tpu.memory_space<vmem>>, vector<16xi32>,
      tpu.vector_store %arg6[%swap3A_260], %shift_right_arithmetic3A_259 {strides = array<i32>} : memref<256xi32, #tpu.memory_space<vmem>>, vector<16xi32>,
      %and3A_262 = arith.constant 3 : i32
      %and3A_263 = vector.broadcast %and3A_262 : i32 to vector<16xi32>
      %and3A_264 = arith.andi %gather3A_256, %and3A_263 : vector<16xi32>
      %mul3A_265 = arith.constant 32 : i32
      %mul3A_266 = vector.broadcast %mul3A_265 : i32 to vector<16xi32>
      %mul3A_267 = arith.muli %and3A_264, %mul3A_266 : vector<16xi32>
      %swap3A_268 = arith.constant 192 : index
      %swap3A_269 = tpu.vector_load %arg8[%swap3A_268] {strides = array<i32>} : memref<256xi32, #tpu.memory_space<vmem>>, vector<16xi32>,
      tpu.vector_store %arg8[%swap3A_268], %mul3A_267 {strides = array<i32>} : memref<256xi32, #tpu.memory_space<vmem>>, vector<16xi32>,
      %mul3A_270 = arith.constant 50 : i32
      %mul3A_271 = vector.broadcast %mul3A_270 : i32 to vector<16xi32>
      %mul3A_272 = arith.muli %mul3A_271, %iota3A : vector<16xi32>
      %add3A_273 = arith.constant 4001 : i32
      %add3A_274 = vector.broadcast %add3A_273 : i32 to vector<16xi32>
      %add3A_275 = arith.addi %add3A_274, %mul3A_272 : vector<16xi32>
      %gather3A_276 = tpu.vector_load_idx %arg5[%add3A_275] : memref<6400xi32, #tpu.memory_space<vmem>>[vector<16xi32>], vector<16xi32>,
      %shift_right_arithmetic3A_277 = arith.constant 2 : i32
      %shift_right_arithmetic3A_278 = vector.broadcast %shift_right_arithmetic3A_277 : i32 to vector<16xi32>
      %shift_right_arithmetic3A_279 = arith.shrsi %gather3A_276, %shift_right_arithmetic3A_278 : vector<16xi32>
      %swap3A_280 = arith.constant 208 : index
      %swap3A_281 = tpu.vector_load %arg6[%swap3A_280] {strides = array<i32>} : memref<256xi32, #tpu.memory_space<vmem>>, vector<16xi32>,
      tpu.vector_store %arg6[%swap3A_280], %shift_right_arithmetic3A_279 {strides = array<i32>} : memref<256xi32, #tpu.memory_space<vmem>>, vector<16xi32>,
      %and3A_282 = arith.constant 3 : i32
      %and3A_283 = vector.broadcast %and3A_282 : i32 to vector<16xi32>
      %and3A_284 = arith.andi %gather3A_276, %and3A_283 : vector<16xi32>
      %mul3A_285 = arith.constant 32 : i32
      %mul3A_286 = vector.broadcast %mul3A_285 : i32 to vector<16xi32>
      %mul3A_287 = arith.muli %and3A_284, %mul3A_286 : vector<16xi32>
      %swap3A_288 = arith.constant 208 : index
      %swap3A_289 = tpu.vector_load %arg8[%swap3A_288] {strides = array<i32>} : memref<256xi32, #tpu.memory_space<vmem>>, vector<16xi32>,
      tpu.vector_store %arg8[%swap3A_288], %mul3A_287 {strides = array<i32>} : memref<256xi32, #tpu.memory_space<vmem>>, vector<16xi32>,
      %mul3A_290 = arith.constant 50 : i32
      %mul3A_291 = vector.broadcast %mul3A_290 : i32 to vector<16xi32>
      %mul3A_292 = arith.muli %mul3A_291, %iota3A : vector<16xi32>
      %add3A_293 = arith.constant 4801 : i32
      %add3A_294 = vector.broadcast %add3A_293 : i32 to vector<16xi32>
      %add3A_295 = arith.addi %add3A_294, %mul3A_292 : vector<16xi32>
      %gather3A_296 = tpu.vector_load_idx %arg5[%add3A_295] : memref<6400xi32, #tpu.memory_space<vmem>>[vector<16xi32>], vector<16xi32>,
      %shift_right_arithmetic3A_297 = arith.constant 2 : i32
      %shift_right_arithmetic3A_298 = vector.broadcast %shift_right_arithmetic3A_297 : i32 to vector<16xi32>
      %shift_right_arithmetic3A_299 = arith.shrsi %gather3A_296, %shift_right_arithmetic3A_298 : vector<16xi32>
      %swap3A_300 = arith.constant 224 : index
      %swap3A_301 = tpu.vector_load %arg6[%swap3A_300] {strides = array<i32>} : memref<256xi32, #tpu.memory_space<vmem>>, vector<16xi32>,
      tpu.vector_store %arg6[%swap3A_300], %shift_right_arithmetic3A_299 {strides = array<i32>} : memref<256xi32, #tpu.memory_space<vmem>>, vector<16xi32>,
      %and3A_302 = arith.constant 3 : i32
      %and3A_303 = vector.broadcast %and3A_302 : i32 to vector<16xi32>
      %and3A_304 = arith.andi %gather3A_296, %and3A_303 : vector<16xi32>
      %mul3A_305 = arith.constant 32 : i32
      %mul3A_306 = vector.broadcast %mul3A_305 : i32 to vector<16xi32>
      %mul3A_307 = arith.muli %and3A_304, %mul3A_306 : vector<16xi32>
      %swap3A_308 = arith.constant 224 : index
      %swap3A_309 = tpu.vector_load %arg8[%swap3A_308] {strides = array<i32>} : memref<256xi32, #tpu.memory_space<vmem>>, vector<16xi32>,
      tpu.vector_store %arg8[%swap3A_308], %mul3A_307 {strides = array<i32>} : memref<256xi32, #tpu.memory_space<vmem>>, vector<16xi32>,
      %mul3A_310 = arith.constant 50 : i32
      %mul3A_311 = vector.broadcast %mul3A_310 : i32 to vector<16xi32>
      %mul3A_312 = arith.muli %mul3A_311, %iota3A : vector<16xi32>
      %add3A_313 = arith.constant 5601 : i32
      %add3A_314 = vector.broadcast %add3A_313 : i32 to vector<16xi32>
      %add3A_315 = arith.addi %add3A_314, %mul3A_312 : vector<16xi32>
      %gather3A_316 = tpu.vector_load_idx %arg5[%add3A_315] : memref<6400xi32, #tpu.memory_space<vmem>>[vector<16xi32>], vector<16xi32>,
      %shift_right_arithmetic3A_317 = arith.constant 2 : i32
      %shift_right_arithmetic3A_318 = vector.broadcast %shift_right_arithmetic3A_317 : i32 to vector<16xi32>
      %shift_right_arithmetic3A_319 = arith.shrsi %gather3A_316, %shift_right_arithmetic3A_318 : vector<16xi32>
      %swap3A_320 = arith.constant 240 : index
      %swap3A_321 = tpu.vector_load %arg6[%swap3A_320] {strides = array<i32>} : memref<256xi32, #tpu.memory_space<vmem>>, vector<16xi32>,
      tpu.vector_store %arg6[%swap3A_320], %shift_right_arithmetic3A_319 {strides = array<i32>} : memref<256xi32, #tpu.memory_space<vmem>>, vector<16xi32>,
      %and3A_322 = arith.constant 3 : i32
      %and3A_323 = vector.broadcast %and3A_322 : i32 to vector<16xi32>
      %and3A_324 = arith.andi %gather3A_316, %and3A_323 : vector<16xi32>
      %mul3A_325 = arith.constant 32 : i32
      %mul3A_326 = vector.broadcast %mul3A_325 : i32 to vector<16xi32>
      %mul3A_327 = arith.muli %and3A_324, %mul3A_326 : vector<16xi32>
      %swap3A_328 = arith.constant 240 : index
      %swap3A_329 = tpu.vector_load %arg8[%swap3A_328] {strides = array<i32>} : memref<256xi32, #tpu.memory_space<vmem>>, vector<16xi32>,
      tpu.vector_store %arg8[%swap3A_328], %mul3A_327 {strides = array<i32>} : memref<256xi32, #tpu.memory_space<vmem>>, vector<16xi32>,
      %dma_start3A = arith.constant 0 : i32
      %dma_start3A_330 = arith.constant 0 : i32
      %dma_start3A_331 = tpu.memref_slice %arg3[%dma_start3A, %dma_start3A_330] : memref<250000x128xf32, #tpu.memory_space<hbm>> -> memref<250000x128xf32, #tpu.memory_space<hbm>>
      tpu.enqueue_indirect_dma source(%dma_start3A_331 : memref<250000x128xf32, #tpu.memory_space<hbm>>) target(%arg10 : memref<256x128xf32, #tpu.memory_space<vmem>>) offsets(%arg6 : memref<256xi32, #tpu.memory_space<vmem>>) semaphore(%arg14 : memref<!tpu.dma_semaphore, #tpu.memory_space<semaphore_mem>>)
      %scan3A_332 = arith.constant 0 : i32
      %scan3A_333 = arith.constant 0 : i32
      %scan3A_334 = arith.constant 25 : i32
      %scan3A_335 = arith.addi %scan3A_333, %scan3A_334 : i32
      %scan3A_336 = arith.constant 1 : i32
      scf.for %scan3A_351 = %scan3A_333 to %scan3A_335 step %scan3A_336  : i32 {
        %rem3A = arith.constant 2 : i32
        %rem3A_352 = arith.remsi %scan3A_351, %rem3A : i32
        %lt3A = arith.constant 24 : i32
        %lt3A_353 = arith.cmpi slt, %scan3A_351, %lt3A : i32
        %convert_element_type3A = arith.extui %lt3A_353 : i1 to i32
        %cond3A = arith.constant 0 : i32
        %cond3A_354 = arith.cmpi ne, %convert_element_type3A, %cond3A : i32
        scf.if %cond3A_354 {
          %eq3A_376 = arith.constant 0 : i32
          %eq3A_377 = arith.cmpi eq, %rem3A_352, %eq3A_376 : i32
          %convert_element_type3A_378 = arith.extui %eq3A_377 : i1 to i32
          %cond3A_379 = arith.constant 0 : i32
          %cond3A_380 = arith.cmpi ne, %convert_element_type3A_378, %cond3A_379 : i32
          scf.if %cond3A_380 {
            %add3A_386 = arith.constant 1 : i32
            %add3A_387 = arith.addi %scan3A_351, %add3A_386 : i32
            %mul3A_388 = arith.constant 2 : i32
            %mul3A_389 = arith.muli %mul3A_388, %add3A_387 : i32
            %add3A_390 = arith.constant 0 : i32
            %add3A_391 = arith.addi %mul3A_389, %add3A_390 : i32
            %add3A_392 = arith.constant 0 : i32
            %add3A_393 = arith.addi %add3A_391, %add3A_392 : i32
            %mul3A_394 = arith.constant 50 : i32
            %mul3A_395 = vector.broadcast %mul3A_394 : i32 to vector<16xi32>
            %mul3A_396 = arith.muli %mul3A_395, %iota3A : vector<16xi32>
            %add3A_397 = vector.broadcast %add3A_393 : i32 to vector<16xi32>
            %add3A_398 = arith.addi %add3A_397, %mul3A_396 : vector<16xi32>
            %gather3A_399 = tpu.vector_load_idx %arg5[%add3A_398] : memref<6400xi32, #tpu.memory_space<vmem>>[vector<16xi32>], vector<16xi32>,
            %shift_right_arithmetic3A_400 = arith.constant 2 : i32
            %shift_right_arithmetic3A_401 = vector.broadcast %shift_right_arithmetic3A_400 : i32 to vector<16xi32>
            %shift_right_arithmetic3A_402 = arith.shrsi %gather3A_399, %shift_right_arithmetic3A_401 : vector<16xi32>
            %swap3A_403 = arith.constant 0 : index
            %swap3A_404 = tpu.vector_load %arg7[%swap3A_403] {strides = array<i32>} : memref<256xi32, #tpu.memory_space<vmem>>, vector<16xi32>,
            tpu.vector_store %arg7[%swap3A_403], %shift_right_arithmetic3A_402 {strides = array<i32>} : memref<256xi32, #tpu.memory_space<vmem>>, vector<16xi32>,
            %and3A_405 = arith.constant 3 : i32
            %and3A_406 = vector.broadcast %and3A_405 : i32 to vector<16xi32>
            %and3A_407 = arith.andi %gather3A_399, %and3A_406 : vector<16xi32>
            %mul3A_408 = arith.constant 32 : i32
            %mul3A_409 = vector.broadcast %mul3A_408 : i32 to vector<16xi32>
            %mul3A_410 = arith.muli %and3A_407, %mul3A_409 : vector<16xi32>
            %swap3A_411 = arith.constant 0 : index
            %swap3A_412 = tpu.vector_load %arg9[%swap3A_411] {strides = array<i32>} : memref<256xi32, #tpu.memory_space<vmem>>, vector<16xi32>,
            tpu.vector_store %arg9[%swap3A_411], %mul3A_410 {strides = array<i32>} : memref<256xi32, #tpu.memory_space<vmem>>, vector<16xi32>,
            %add3A_413 = arith.constant 0 : i32
            %add3A_414 = arith.addi %mul3A_389, %add3A_413 : i32
            %add3A_415 = arith.constant 800 : i32
            %add3A_416 = arith.addi %add3A_414, %add3A_415 : i32
            %mul3A_417 = arith.constant 50 : i32
            %mul3A_418 = vector.broadcast %mul3A_417 : i32 to vector<16xi32>
            %mul3A_419 = arith.muli %mul3A_418, %iota3A : vector<16xi32>
            %add3A_420 = vector.broadcast %add3A_416 : i32 to vector<16xi32>
            %add3A_421 = arith.addi %add3A_420, %mul3A_419 : vector<16xi32>
            %gather3A_422 = tpu.vector_load_idx %arg5[%add3A_421] : memref<6400xi32, #tpu.memory_space<vmem>>[vector<16xi32>], vector<16xi32>,
            %shift_right_arithmetic3A_423 = arith.constant 2 : i32
            %shift_right_arithmetic3A_424 = vector.broadcast %shift_right_arithmetic3A_423 : i32 to vector<16xi32>
            %shift_right_arithmetic3A_425 = arith.shrsi %gather3A_422, %shift_right_arithmetic3A_424 : vector<16xi32>
            %swap3A_426 = arith.constant 16 : index
            %swap3A_427 = tpu.vector_load %arg7[%swap3A_426] {strides = array<i32>} : memref<256xi32, #tpu.memory_space<vmem>>, vector<16xi32>,
            tpu.vector_store %arg7[%swap3A_426], %shift_right_arithmetic3A_425 {strides = array<i32>} : memref<256xi32, #tpu.memory_space<vmem>>, vector<16xi32>,
            %and3A_428 = arith.constant 3 : i32
            %and3A_429 = vector.broadcast %and3A_428 : i32 to vector<16xi32>
            %and3A_430 = arith.andi %gather3A_422, %and3A_429 : vector<16xi32>
            %mul3A_431 = arith.constant 32 : i32
            %mul3A_432 = vector.broadcast %mul3A_431 : i32 to vector<16xi32>
            %mul3A_433 = arith.muli %and3A_430, %mul3A_432 : vector<16xi32>
            %swap3A_434 = arith.constant 16 : index
            %swap3A_435 = tpu.vector_load %arg9[%swap3A_434] {strides = array<i32>} : memref<256xi32, #tpu.memory_space<vmem>>, vector<16xi32>,
            tpu.vector_store %arg9[%swap3A_434], %mul3A_433 {strides = array<i32>} : memref<256xi32, #tpu.memory_space<vmem>>, vector<16xi32>,
            %add3A_436 = arith.constant 0 : i32
            %add3A_437 = arith.addi %mul3A_389, %add3A_436 : i32
            %add3A_438 = arith.constant 1600 : i32
            %add3A_439 = arith.addi %add3A_437, %add3A_438 : i32
            %mul3A_440 = arith.constant 50 : i32
            %mul3A_441 = vector.broadcast %mul3A_440 : i32 to vector<16xi32>
            %mul3A_442 = arith.muli %mul3A_441, %iota3A : vector<16xi32>
            %add3A_443 = vector.broadcast %add3A_439 : i32 to vector<16xi32>
            %add3A_444 = arith.addi %add3A_443, %mul3A_442 : vector<16xi32>
            %gather3A_445 = tpu.vector_load_idx %arg5[%add3A_444] : memref<6400xi32, #tpu.memory_space<vmem>>[vector<16xi32>], vector<16xi32>,
            %shift_right_arithmetic3A_446 = arith.constant 2 : i32
            %shift_right_arithmetic3A_447 = vector.broadcast %shift_right_arithmetic3A_446 : i32 to vector<16xi32>
            %shift_right_arithmetic3A_448 = arith.shrsi %gather3A_445, %shift_right_arithmetic3A_447 : vector<16xi32>
            %swap3A_449 = arith.constant 32 : index
            %swap3A_450 = tpu.vector_load %arg7[%swap3A_449] {strides = array<i32>} : memref<256xi32, #tpu.memory_space<vmem>>, vector<16xi32>,
            tpu.vector_store %arg7[%swap3A_449], %shift_right_arithmetic3A_448 {strides = array<i32>} : memref<256xi32, #tpu.memory_space<vmem>>, vector<16xi32>,
            %and3A_451 = arith.constant 3 : i32
            %and3A_452 = vector.broadcast %and3A_451 : i32 to vector<16xi32>
            %and3A_453 = arith.andi %gather3A_445, %and3A_452 : vector<16xi32>
            %mul3A_454 = arith.constant 32 : i32
            %mul3A_455 = vector.broadcast %mul3A_454 : i32 to vector<16xi32>
            %mul3A_456 = arith.muli %and3A_453, %mul3A_455 : vector<16xi32>
            %swap3A_457 = arith.constant 32 : index
            %swap3A_458 = tpu.vector_load %arg9[%swap3A_457] {strides = array<i32>} : memref<256xi32, #tpu.memory_space<vmem>>, vector<16xi32>,
            tpu.vector_store %arg9[%swap3A_457], %mul3A_456 {strides = array<i32>} : memref<256xi32, #tpu.memory_space<vmem>>, vector<16xi32>,
            %add3A_459 = arith.constant 0 : i32
            %add3A_460 = arith.addi %mul3A_389, %add3A_459 : i32
            %add3A_461 = arith.constant 2400 : i32
            %add3A_462 = arith.addi %add3A_460, %add3A_461 : i32
            %mul3A_463 = arith.constant 50 : i32
            %mul3A_464 = vector.broadcast %mul3A_463 : i32 to vector<16xi32>
            %mul3A_465 = arith.muli %mul3A_464, %iota3A : vector<16xi32>
            %add3A_466 = vector.broadcast %add3A_462 : i32 to vector<16xi32>
            %add3A_467 = arith.addi %add3A_466, %mul3A_465 : vector<16xi32>
            %gather3A_468 = tpu.vector_load_idx %arg5[%add3A_467] : memref<6400xi32, #tpu.memory_space<vmem>>[vector<16xi32>], vector<16xi32>,
            %shift_right_arithmetic3A_469 = arith.constant 2 : i32
            %shift_right_arithmetic3A_470 = vector.broadcast %shift_right_arithmetic3A_469 : i32 to vector<16xi32>
            %shift_right_arithmetic3A_471 = arith.shrsi %gather3A_468, %shift_right_arithmetic3A_470 : vector<16xi32>
            %swap3A_472 = arith.constant 48 : index
            %swap3A_473 = tpu.vector_load %arg7[%swap3A_472] {strides = array<i32>} : memref<256xi32, #tpu.memory_space<vmem>>, vector<16xi32>,
            tpu.vector_store %arg7[%swap3A_472], %shift_right_arithmetic3A_471 {strides = array<i32>} : memref<256xi32, #tpu.memory_space<vmem>>, vector<16xi32>,
            %and3A_474 = arith.constant 3 : i32
            %and3A_475 = vector.broadcast %and3A_474 : i32 to vector<16xi32>
            %and3A_476 = arith.andi %gather3A_468, %and3A_475 : vector<16xi32>
            %mul3A_477 = arith.constant 32 : i32
            %mul3A_478 = vector.broadcast %mul3A_477 : i32 to vector<16xi32>
            %mul3A_479 = arith.muli %and3A_476, %mul3A_478 : vector<16xi32>
            %swap3A_480 = arith.constant 48 : index
            %swap3A_481 = tpu.vector_load %arg9[%swap3A_480] {strides = array<i32>} : memref<256xi32, #tpu.memory_space<vmem>>, vector<16xi32>,
            tpu.vector_store %arg9[%swap3A_480], %mul3A_479 {strides = array<i32>} : memref<256xi32, #tpu.memory_space<vmem>>, vector<16xi32>,
            %add3A_482 = arith.constant 0 : i32
            %add3A_483 = arith.addi %mul3A_389, %add3A_482 : i32
            %add3A_484 = arith.constant 3200 : i32
            %add3A_485 = arith.addi %add3A_483, %add3A_484 : i32
            %mul3A_486 = arith.constant 50 : i32
            %mul3A_487 = vector.broadcast %mul3A_486 : i32 to vector<16xi32>
            %mul3A_488 = arith.muli %mul3A_487, %iota3A : vector<16xi32>
            %add3A_489 = vector.broadcast %add3A_485 : i32 to vector<16xi32>
            %add3A_490 = arith.addi %add3A_489, %mul3A_488 : vector<16xi32>
            %gather3A_491 = tpu.vector_load_idx %arg5[%add3A_490] : memref<6400xi32, #tpu.memory_space<vmem>>[vector<16xi32>], vector<16xi32>,
            %shift_right_arithmetic3A_492 = arith.constant 2 : i32
            %shift_right_arithmetic3A_493 = vector.broadcast %shift_right_arithmetic3A_492 : i32 to vector<16xi32>
            %shift_right_arithmetic3A_494 = arith.shrsi %gather3A_491, %shift_right_arithmetic3A_493 : vector<16xi32>
            %swap3A_495 = arith.constant 64 : index
            %swap3A_496 = tpu.vector_load %arg7[%swap3A_495] {strides = array<i32>} : memref<256xi32, #tpu.memory_space<vmem>>, vector<16xi32>,
            tpu.vector_store %arg7[%swap3A_495], %shift_right_arithmetic3A_494 {strides = array<i32>} : memref<256xi32, #tpu.memory_space<vmem>>, vector<16xi32>,
            %and3A_497 = arith.constant 3 : i32
            %and3A_498 = vector.broadcast %and3A_497 : i32 to vector<16xi32>
            %and3A_499 = arith.andi %gather3A_491, %and3A_498 : vector<16xi32>
            %mul3A_500 = arith.constant 32 : i32
            %mul3A_501 = vector.broadcast %mul3A_500 : i32 to vector<16xi32>
            %mul3A_502 = arith.muli %and3A_499, %mul3A_501 : vector<16xi32>
            %swap3A_503 = arith.constant 64 : index
            %swap3A_504 = tpu.vector_load %arg9[%swap3A_503] {strides = array<i32>} : memref<256xi32, #tpu.memory_space<vmem>>, vector<16xi32>,
            tpu.vector_store %arg9[%swap3A_503], %mul3A_502 {strides = array<i32>} : memref<256xi32, #tpu.memory_space<vmem>>, vector<16xi32>,
            %add3A_505 = arith.constant 0 : i32
            %add3A_506 = arith.addi %mul3A_389, %add3A_505 : i32
            %add3A_507 = arith.constant 4000 : i32
            %add3A_508 = arith.addi %add3A_506, %add3A_507 : i32
            %mul3A_509 = arith.constant 50 : i32
            %mul3A_510 = vector.broadcast %mul3A_509 : i32 to vector<16xi32>
            %mul3A_511 = arith.muli %mul3A_510, %iota3A : vector<16xi32>
            %add3A_512 = vector.broadcast %add3A_508 : i32 to vector<16xi32>
            %add3A_513 = arith.addi %add3A_512, %mul3A_511 : vector<16xi32>
            %gather3A_514 = tpu.vector_load_idx %arg5[%add3A_513] : memref<6400xi32, #tpu.memory_space<vmem>>[vector<16xi32>], vector<16xi32>,
            %shift_right_arithmetic3A_515 = arith.constant 2 : i32
            %shift_right_arithmetic3A_516 = vector.broadcast %shift_right_arithmetic3A_515 : i32 to vector<16xi32>
            %shift_right_arithmetic3A_517 = arith.shrsi %gather3A_514, %shift_right_arithmetic3A_516 : vector<16xi32>
            %swap3A_518 = arith.constant 80 : index
            %swap3A_519 = tpu.vector_load %arg7[%swap3A_518] {strides = array<i32>} : memref<256xi32, #tpu.memory_space<vmem>>, vector<16xi32>,
            tpu.vector_store %arg7[%swap3A_518], %shift_right_arithmetic3A_517 {strides = array<i32>} : memref<256xi32, #tpu.memory_space<vmem>>, vector<16xi32>,
            %and3A_520 = arith.constant 3 : i32
            %and3A_521 = vector.broadcast %and3A_520 : i32 to vector<16xi32>
            %and3A_522 = arith.andi %gather3A_514, %and3A_521 : vector<16xi32>
            %mul3A_523 = arith.constant 32 : i32
            %mul3A_524 = vector.broadcast %mul3A_523 : i32 to vector<16xi32>
            %mul3A_525 = arith.muli %and3A_522, %mul3A_524 : vector<16xi32>
            %swap3A_526 = arith.constant 80 : index
            %swap3A_527 = tpu.vector_load %arg9[%swap3A_526] {strides = array<i32>} : memref<256xi32, #tpu.memory_space<vmem>>, vector<16xi32>,
            tpu.vector_store %arg9[%swap3A_526], %mul3A_525 {strides = array<i32>} : memref<256xi32, #tpu.memory_space<vmem>>, vector<16xi32>,
            %add3A_528 = arith.constant 0 : i32
            %add3A_529 = arith.addi %mul3A_389, %add3A_528 : i32
            %add3A_530 = arith.constant 4800 : i32
            %add3A_531 = arith.addi %add3A_529, %add3A_530 : i32
            %mul3A_532 = arith.constant 50 : i32
            %mul3A_533 = vector.broadcast %mul3A_532 : i32 to vector<16xi32>
            %mul3A_534 = arith.muli %mul3A_533, %iota3A : vector<16xi32>
            %add3A_535 = vector.broadcast %add3A_531 : i32 to vector<16xi32>
            %add3A_536 = arith.addi %add3A_535, %mul3A_534 : vector<16xi32>
            %gather3A_537 = tpu.vector_load_idx %arg5[%add3A_536] : memref<6400xi32, #tpu.memory_space<vmem>>[vector<16xi32>], vector<16xi32>,
            %shift_right_arithmetic3A_538 = arith.constant 2 : i32
            %shift_right_arithmetic3A_539 = vector.broadcast %shift_right_arithmetic3A_538 : i32 to vector<16xi32>
            %shift_right_arithmetic3A_540 = arith.shrsi %gather3A_537, %shift_right_arithmetic3A_539 : vector<16xi32>
            %swap3A_541 = arith.constant 96 : index
            %swap3A_542 = tpu.vector_load %arg7[%swap3A_541] {strides = array<i32>} : memref<256xi32, #tpu.memory_space<vmem>>, vector<16xi32>,
            tpu.vector_store %arg7[%swap3A_541], %shift_right_arithmetic3A_540 {strides = array<i32>} : memref<256xi32, #tpu.memory_space<vmem>>, vector<16xi32>,
            %and3A_543 = arith.constant 3 : i32
            %and3A_544 = vector.broadcast %and3A_543 : i32 to vector<16xi32>
            %and3A_545 = arith.andi %gather3A_537, %and3A_544 : vector<16xi32>
            %mul3A_546 = arith.constant 32 : i32
            %mul3A_547 = vector.broadcast %mul3A_546 : i32 to vector<16xi32>
            %mul3A_548 = arith.muli %and3A_545, %mul3A_547 : vector<16xi32>
            %swap3A_549 = arith.constant 96 : index
            %swap3A_550 = tpu.vector_load %arg9[%swap3A_549] {strides = array<i32>} : memref<256xi32, #tpu.memory_space<vmem>>, vector<16xi32>,
            tpu.vector_store %arg9[%swap3A_549], %mul3A_548 {strides = array<i32>} : memref<256xi32, #tpu.memory_space<vmem>>, vector<16xi32>,
            %add3A_551 = arith.constant 0 : i32
            %add3A_552 = arith.addi %mul3A_389, %add3A_551 : i32
            %add3A_553 = arith.constant 5600 : i32
            %add3A_554 = arith.addi %add3A_552, %add3A_553 : i32
            %mul3A_555 = arith.constant 50 : i32
            %mul3A_556 = vector.broadcast %mul3A_555 : i32 to vector<16xi32>
            %mul3A_557 = arith.muli %mul3A_556, %iota3A : vector<16xi32>
            %add3A_558 = vector.broadcast %add3A_554 : i32 to vector<16xi32>
            %add3A_559 = arith.addi %add3A_558, %mul3A_557 : vector<16xi32>
            %gather3A_560 = tpu.vector_load_idx %arg5[%add3A_559] : memref<6400xi32, #tpu.memory_space<vmem>>[vector<16xi32>], vector<16xi32>,
            %shift_right_arithmetic3A_561 = arith.constant 2 : i32
            %shift_right_arithmetic3A_562 = vector.broadcast %shift_right_arithmetic3A_561 : i32 to vector<16xi32>
            %shift_right_arithmetic3A_563 = arith.shrsi %gather3A_560, %shift_right_arithmetic3A_562 : vector<16xi32>
            %swap3A_564 = arith.constant 112 : index
            %swap3A_565 = tpu.vector_load %arg7[%swap3A_564] {strides = array<i32>} : memref<256xi32, #tpu.memory_space<vmem>>, vector<16xi32>,
            tpu.vector_store %arg7[%swap3A_564], %shift_right_arithmetic3A_563 {strides = array<i32>} : memref<256xi32, #tpu.memory_space<vmem>>, vector<16xi32>,
            %and3A_566 = arith.constant 3 : i32
            %and3A_567 = vector.broadcast %and3A_566 : i32 to vector<16xi32>
            %and3A_568 = arith.andi %gather3A_560, %and3A_567 : vector<16xi32>
            %mul3A_569 = arith.constant 32 : i32
            %mul3A_570 = vector.broadcast %mul3A_569 : i32 to vector<16xi32>
            %mul3A_571 = arith.muli %and3A_568, %mul3A_570 : vector<16xi32>
            %swap3A_572 = arith.constant 112 : index
            %swap3A_573 = tpu.vector_load %arg9[%swap3A_572] {strides = array<i32>} : memref<256xi32, #tpu.memory_space<vmem>>, vector<16xi32>,
            tpu.vector_store %arg9[%swap3A_572], %mul3A_571 {strides = array<i32>} : memref<256xi32, #tpu.memory_space<vmem>>, vector<16xi32>,
            %add3A_574 = arith.constant 1 : i32
            %add3A_575 = arith.addi %mul3A_389, %add3A_574 : i32
            %add3A_576 = arith.constant 0 : i32
            %add3A_577 = arith.addi %add3A_575, %add3A_576 : i32
            %mul3A_578 = arith.constant 50 : i32
            %mul3A_579 = vector.broadcast %mul3A_578 : i32 to vector<16xi32>
            %mul3A_580 = arith.muli %mul3A_579, %iota3A : vector<16xi32>
            %add3A_581 = vector.broadcast %add3A_577 : i32 to vector<16xi32>
            %add3A_582 = arith.addi %add3A_581, %mul3A_580 : vector<16xi32>
            %gather3A_583 = tpu.vector_load_idx %arg5[%add3A_582] : memref<6400xi32, #tpu.memory_space<vmem>>[vector<16xi32>], vector<16xi32>,
            %shift_right_arithmetic3A_584 = arith.constant 2 : i32
            %shift_right_arithmetic3A_585 = vector.broadcast %shift_right_arithmetic3A_584 : i32 to vector<16xi32>
            %shift_right_arithmetic3A_586 = arith.shrsi %gather3A_583, %shift_right_arithmetic3A_585 : vector<16xi32>
            %swap3A_587 = arith.constant 128 : index
            %swap3A_588 = tpu.vector_load %arg7[%swap3A_587] {strides = array<i32>} : memref<256xi32, #tpu.memory_space<vmem>>, vector<16xi32>,
            tpu.vector_store %arg7[%swap3A_587], %shift_right_arithmetic3A_586 {strides = array<i32>} : memref<256xi32, #tpu.memory_space<vmem>>, vector<16xi32>,
            %and3A_589 = arith.constant 3 : i32
            %and3A_590 = vector.broadcast %and3A_589 : i32 to vector<16xi32>
            %and3A_591 = arith.andi %gather3A_583, %and3A_590 : vector<16xi32>
            %mul3A_592 = arith.constant 32 : i32
            %mul3A_593 = vector.broadcast %mul3A_592 : i32 to vector<16xi32>
            %mul3A_594 = arith.muli %and3A_591, %mul3A_593 : vector<16xi32>
            %swap3A_595 = arith.constant 128 : index
            %swap3A_596 = tpu.vector_load %arg9[%swap3A_595] {strides = array<i32>} : memref<256xi32, #tpu.memory_space<vmem>>, vector<16xi32>,
            tpu.vector_store %arg9[%swap3A_595], %mul3A_594 {strides = array<i32>} : memref<256xi32, #tpu.memory_space<vmem>>, vector<16xi32>,
            %add3A_597 = arith.constant 1 : i32
            %add3A_598 = arith.addi %mul3A_389, %add3A_597 : i32
            %add3A_599 = arith.constant 800 : i32
            %add3A_600 = arith.addi %add3A_598, %add3A_599 : i32
            %mul3A_601 = arith.constant 50 : i32
            %mul3A_602 = vector.broadcast %mul3A_601 : i32 to vector<16xi32>
            %mul3A_603 = arith.muli %mul3A_602, %iota3A : vector<16xi32>
            %add3A_604 = vector.broadcast %add3A_600 : i32 to vector<16xi32>
            %add3A_605 = arith.addi %add3A_604, %mul3A_603 : vector<16xi32>
            %gather3A_606 = tpu.vector_load_idx %arg5[%add3A_605] : memref<6400xi32, #tpu.memory_space<vmem>>[vector<16xi32>], vector<16xi32>,
            %shift_right_arithmetic3A_607 = arith.constant 2 : i32
            %shift_right_arithmetic3A_608 = vector.broadcast %shift_right_arithmetic3A_607 : i32 to vector<16xi32>
            %shift_right_arithmetic3A_609 = arith.shrsi %gather3A_606, %shift_right_arithmetic3A_608 : vector<16xi32>
            %swap3A_610 = arith.constant 144 : index
            %swap3A_611 = tpu.vector_load %arg7[%swap3A_610] {strides = array<i32>} : memref<256xi32, #tpu.memory_space<vmem>>, vector<16xi32>,
            tpu.vector_store %arg7[%swap3A_610], %shift_right_arithmetic3A_609 {strides = array<i32>} : memref<256xi32, #tpu.memory_space<vmem>>, vector<16xi32>,
            %and3A_612 = arith.constant 3 : i32
            %and3A_613 = vector.broadcast %and3A_612 : i32 to vector<16xi32>
            %and3A_614 = arith.andi %gather3A_606, %and3A_613 : vector<16xi32>
            %mul3A_615 = arith.constant 32 : i32
            %mul3A_616 = vector.broadcast %mul3A_615 : i32 to vector<16xi32>
            %mul3A_617 = arith.muli %and3A_614, %mul3A_616 : vector<16xi32>
            %swap3A_618 = arith.constant 144 : index
            %swap3A_619 = tpu.vector_load %arg9[%swap3A_618] {strides = array<i32>} : memref<256xi32, #tpu.memory_space<vmem>>, vector<16xi32>,
            tpu.vector_store %arg9[%swap3A_618], %mul3A_617 {strides = array<i32>} : memref<256xi32, #tpu.memory_space<vmem>>, vector<16xi32>,
            %add3A_620 = arith.constant 1 : i32
            %add3A_621 = arith.addi %mul3A_389, %add3A_620 : i32
            %add3A_622 = arith.constant 1600 : i32
            %add3A_623 = arith.addi %add3A_621, %add3A_622 : i32
            %mul3A_624 = arith.constant 50 : i32
            %mul3A_625 = vector.broadcast %mul3A_624 : i32 to vector<16xi32>
            %mul3A_626 = arith.muli %mul3A_625, %iota3A : vector<16xi32>
            %add3A_627 = vector.broadcast %add3A_623 : i32 to vector<16xi32>
            %add3A_628 = arith.addi %add3A_627, %mul3A_626 : vector<16xi32>
            %gather3A_629 = tpu.vector_load_idx %arg5[%add3A_628] : memref<6400xi32, #tpu.memory_space<vmem>>[vector<16xi32>], vector<16xi32>,
            %shift_right_arithmetic3A_630 = arith.constant 2 : i32
            %shift_right_arithmetic3A_631 = vector.broadcast %shift_right_arithmetic3A_630 : i32 to vector<16xi32>
            %shift_right_arithmetic3A_632 = arith.shrsi %gather3A_629, %shift_right_arithmetic3A_631 : vector<16xi32>
            %swap3A_633 = arith.constant 160 : index
            %swap3A_634 = tpu.vector_load %arg7[%swap3A_633] {strides = array<i32>} : memref<256xi32, #tpu.memory_space<vmem>>, vector<16xi32>,
            tpu.vector_store %arg7[%swap3A_633], %shift_right_arithmetic3A_632 {strides = array<i32>} : memref<256xi32, #tpu.memory_space<vmem>>, vector<16xi32>,
            %and3A_635 = arith.constant 3 : i32
            %and3A_636 = vector.broadcast %and3A_635 : i32 to vector<16xi32>
            %and3A_637 = arith.andi %gather3A_629, %and3A_636 : vector<16xi32>
            %mul3A_638 = arith.constant 32 : i32
            %mul3A_639 = vector.broadcast %mul3A_638 : i32 to vector<16xi32>
            %mul3A_640 = arith.muli %and3A_637, %mul3A_639 : vector<16xi32>
            %swap3A_641 = arith.constant 160 : index
            %swap3A_642 = tpu.vector_load %arg9[%swap3A_641] {strides = array<i32>} : memref<256xi32, #tpu.memory_space<vmem>>, vector<16xi32>,
            tpu.vector_store %arg9[%swap3A_641], %mul3A_640 {strides = array<i32>} : memref<256xi32, #tpu.memory_space<vmem>>, vector<16xi32>,
            %add3A_643 = arith.constant 1 : i32
            %add3A_644 = arith.addi %mul3A_389, %add3A_643 : i32
            %add3A_645 = arith.constant 2400 : i32
            %add3A_646 = arith.addi %add3A_644, %add3A_645 : i32
            %mul3A_647 = arith.constant 50 : i32
            %mul3A_648 = vector.broadcast %mul3A_647 : i32 to vector<16xi32>
            %mul3A_649 = arith.muli %mul3A_648, %iota3A : vector<16xi32>
            %add3A_650 = vector.broadcast %add3A_646 : i32 to vector<16xi32>
            %add3A_651 = arith.addi %add3A_650, %mul3A_649 : vector<16xi32>
            %gather3A_652 = tpu.vector_load_idx %arg5[%add3A_651] : memref<6400xi32, #tpu.memory_space<vmem>>[vector<16xi32>], vector<16xi32>,
            %shift_right_arithmetic3A_653 = arith.constant 2 : i32
            %shift_right_arithmetic3A_654 = vector.broadcast %shift_right_arithmetic3A_653 : i32 to vector<16xi32>
            %shift_right_arithmetic3A_655 = arith.shrsi %gather3A_652, %shift_right_arithmetic3A_654 : vector<16xi32>
            %swap3A_656 = arith.constant 176 : index
            %swap3A_657 = tpu.vector_load %arg7[%swap3A_656] {strides = array<i32>} : memref<256xi32, #tpu.memory_space<vmem>>, vector<16xi32>,
            tpu.vector_store %arg7[%swap3A_656], %shift_right_arithmetic3A_655 {strides = array<i32>} : memref<256xi32, #tpu.memory_space<vmem>>, vector<16xi32>,
            %and3A_658 = arith.constant 3 : i32
            %and3A_659 = vector.broadcast %and3A_658 : i32 to vector<16xi32>
            %and3A_660 = arith.andi %gather3A_652, %and3A_659 : vector<16xi32>
            %mul3A_661 = arith.constant 32 : i32
            %mul3A_662 = vector.broadcast %mul3A_661 : i32 to vector<16xi32>
            %mul3A_663 = arith.muli %and3A_660, %mul3A_662 : vector<16xi32>
            %swap3A_664 = arith.constant 176 : index
            %swap3A_665 = tpu.vector_load %arg9[%swap3A_664] {strides = array<i32>} : memref<256xi32, #tpu.memory_space<vmem>>, vector<16xi32>,
            tpu.vector_store %arg9[%swap3A_664], %mul3A_663 {strides = array<i32>} : memref<256xi32, #tpu.memory_space<vmem>>, vector<16xi32>,
            %add3A_666 = arith.constant 1 : i32
            %add3A_667 = arith.addi %mul3A_389, %add3A_666 : i32
            %add3A_668 = arith.constant 3200 : i32
            %add3A_669 = arith.addi %add3A_667, %add3A_668 : i32
            %mul3A_670 = arith.constant 50 : i32
            %mul3A_671 = vector.broadcast %mul3A_670 : i32 to vector<16xi32>
            %mul3A_672 = arith.muli %mul3A_671, %iota3A : vector<16xi32>
            %add3A_673 = vector.broadcast %add3A_669 : i32 to vector<16xi32>
            %add3A_674 = arith.addi %add3A_673, %mul3A_672 : vector<16xi32>
            %gather3A_675 = tpu.vector_load_idx %arg5[%add3A_674] : memref<6400xi32, #tpu.memory_space<vmem>>[vector<16xi32>], vector<16xi32>,
            %shift_right_arithmetic3A_676 = arith.constant 2 : i32
            %shift_right_arithmetic3A_677 = vector.broadcast %shift_right_arithmetic3A_676 : i32 to vector<16xi32>
            %shift_right_arithmetic3A_678 = arith.shrsi %gather3A_675, %shift_right_arithmetic3A_677 : vector<16xi32>
            %swap3A_679 = arith.constant 192 : index
            %swap3A_680 = tpu.vector_load %arg7[%swap3A_679] {strides = array<i32>} : memref<256xi32, #tpu.memory_space<vmem>>, vector<16xi32>,
            tpu.vector_store %arg7[%swap3A_679], %shift_right_arithmetic3A_678 {strides = array<i32>} : memref<256xi32, #tpu.memory_space<vmem>>, vector<16xi32>,
            %and3A_681 = arith.constant 3 : i32
            %and3A_682 = vector.broadcast %and3A_681 : i32 to vector<16xi32>
            %and3A_683 = arith.andi %gather3A_675, %and3A_682 : vector<16xi32>
            %mul3A_684 = arith.constant 32 : i32
            %mul3A_685 = vector.broadcast %mul3A_684 : i32 to vector<16xi32>
            %mul3A_686 = arith.muli %and3A_683, %mul3A_685 : vector<16xi32>
            %swap3A_687 = arith.constant 192 : index
            %swap3A_688 = tpu.vector_load %arg9[%swap3A_687] {strides = array<i32>} : memref<256xi32, #tpu.memory_space<vmem>>, vector<16xi32>,
            tpu.vector_store %arg9[%swap3A_687], %mul3A_686 {strides = array<i32>} : memref<256xi32, #tpu.memory_space<vmem>>, vector<16xi32>,
            %add3A_689 = arith.constant 1 : i32
            %add3A_690 = arith.addi %mul3A_389, %add3A_689 : i32
            %add3A_691 = arith.constant 4000 : i32
            %add3A_692 = arith.addi %add3A_690, %add3A_691 : i32
            %mul3A_693 = arith.constant 50 : i32
            %mul3A_694 = vector.broadcast %mul3A_693 : i32 to vector<16xi32>
            %mul3A_695 = arith.muli %mul3A_694, %iota3A : vector<16xi32>
            %add3A_696 = vector.broadcast %add3A_692 : i32 to vector<16xi32>
            %add3A_697 = arith.addi %add3A_696, %mul3A_695 : vector<16xi32>
            %gather3A_698 = tpu.vector_load_idx %arg5[%add3A_697] : memref<6400xi32, #tpu.memory_space<vmem>>[vector<16xi32>], vector<16xi32>,
            %shift_right_arithmetic3A_699 = arith.constant 2 : i32
            %shift_right_arithmetic3A_700 = vector.broadcast %shift_right_arithmetic3A_699 : i32 to vector<16xi32>
            %shift_right_arithmetic3A_701 = arith.shrsi %gather3A_698, %shift_right_arithmetic3A_700 : vector<16xi32>
            %swap3A_702 = arith.constant 208 : index
            %swap3A_703 = tpu.vector_load %arg7[%swap3A_702] {strides = array<i32>} : memref<256xi32, #tpu.memory_space<vmem>>, vector<16xi32>,
            tpu.vector_store %arg7[%swap3A_702], %shift_right_arithmetic3A_701 {strides = array<i32>} : memref<256xi32, #tpu.memory_space<vmem>>, vector<16xi32>,
            %and3A_704 = arith.constant 3 : i32
            %and3A_705 = vector.broadcast %and3A_704 : i32 to vector<16xi32>
            %and3A_706 = arith.andi %gather3A_698, %and3A_705 : vector<16xi32>
            %mul3A_707 = arith.constant 32 : i32
            %mul3A_708 = vector.broadcast %mul3A_707 : i32 to vector<16xi32>
            %mul3A_709 = arith.muli %and3A_706, %mul3A_708 : vector<16xi32>
            %swap3A_710 = arith.constant 208 : index
            %swap3A_711 = tpu.vector_load %arg9[%swap3A_710] {strides = array<i32>} : memref<256xi32, #tpu.memory_space<vmem>>, vector<16xi32>,
            tpu.vector_store %arg9[%swap3A_710], %mul3A_709 {strides = array<i32>} : memref<256xi32, #tpu.memory_space<vmem>>, vector<16xi32>,
            %add3A_712 = arith.constant 1 : i32
            %add3A_713 = arith.addi %mul3A_389, %add3A_712 : i32
            %add3A_714 = arith.constant 4800 : i32
            %add3A_715 = arith.addi %add3A_713, %add3A_714 : i32
            %mul3A_716 = arith.constant 50 : i32
            %mul3A_717 = vector.broadcast %mul3A_716 : i32 to vector<16xi32>
            %mul3A_718 = arith.muli %mul3A_717, %iota3A : vector<16xi32>
            %add3A_719 = vector.broadcast %add3A_715 : i32 to vector<16xi32>
            %add3A_720 = arith.addi %add3A_719, %mul3A_718 : vector<16xi32>
            %gather3A_721 = tpu.vector_load_idx %arg5[%add3A_720] : memref<6400xi32, #tpu.memory_space<vmem>>[vector<16xi32>], vector<16xi32>,
            %shift_right_arithmetic3A_722 = arith.constant 2 : i32
            %shift_right_arithmetic3A_723 = vector.broadcast %shift_right_arithmetic3A_722 : i32 to vector<16xi32>
            %shift_right_arithmetic3A_724 = arith.shrsi %gather3A_721, %shift_right_arithmetic3A_723 : vector<16xi32>
            %swap3A_725 = arith.constant 224 : index
            %swap3A_726 = tpu.vector_load %arg7[%swap3A_725] {strides = array<i32>} : memref<256xi32, #tpu.memory_space<vmem>>, vector<16xi32>,
            tpu.vector_store %arg7[%swap3A_725], %shift_right_arithmetic3A_724 {strides = array<i32>} : memref<256xi32, #tpu.memory_space<vmem>>, vector<16xi32>,
            %and3A_727 = arith.constant 3 : i32
            %and3A_728 = vector.broadcast %and3A_727 : i32 to vector<16xi32>
            %and3A_729 = arith.andi %gather3A_721, %and3A_728 : vector<16xi32>
            %mul3A_730 = arith.constant 32 : i32
            %mul3A_731 = vector.broadcast %mul3A_730 : i32 to vector<16xi32>
            %mul3A_732 = arith.muli %and3A_729, %mul3A_731 : vector<16xi32>
            %swap3A_733 = arith.constant 224 : index
            %swap3A_734 = tpu.vector_load %arg9[%swap3A_733] {strides = array<i32>} : memref<256xi32, #tpu.memory_space<vmem>>, vector<16xi32>,
            tpu.vector_store %arg9[%swap3A_733], %mul3A_732 {strides = array<i32>} : memref<256xi32, #tpu.memory_space<vmem>>, vector<16xi32>,
            %add3A_735 = arith.constant 1 : i32
            %add3A_736 = arith.addi %mul3A_389, %add3A_735 : i32
            %add3A_737 = arith.constant 5600 : i32
            %add3A_738 = arith.addi %add3A_736, %add3A_737 : i32
            %mul3A_739 = arith.constant 50 : i32
            %mul3A_740 = vector.broadcast %mul3A_739 : i32 to vector<16xi32>
            %mul3A_741 = arith.muli %mul3A_740, %iota3A : vector<16xi32>
            %add3A_742 = vector.broadcast %add3A_738 : i32 to vector<16xi32>
            %add3A_743 = arith.addi %add3A_742, %mul3A_741 : vector<16xi32>
            %gather3A_744 = tpu.vector_load_idx %arg5[%add3A_743] : memref<6400xi32, #tpu.memory_space<vmem>>[vector<16xi32>], vector<16xi32>,
            %shift_right_arithmetic3A_745 = arith.constant 2 : i32
            %shift_right_arithmetic3A_746 = vector.broadcast %shift_right_arithmetic3A_745 : i32 to vector<16xi32>
            %shift_right_arithmetic3A_747 = arith.shrsi %gather3A_744, %shift_right_arithmetic3A_746 : vector<16xi32>
            %swap3A_748 = arith.constant 240 : index
            %swap3A_749 = tpu.vector_load %arg7[%swap3A_748] {strides = array<i32>} : memref<256xi32, #tpu.memory_space<vmem>>, vector<16xi32>,
            tpu.vector_store %arg7[%swap3A_748], %shift_right_arithmetic3A_747 {strides = array<i32>} : memref<256xi32, #tpu.memory_space<vmem>>, vector<16xi32>,
            %and3A_750 = arith.constant 3 : i32
            %and3A_751 = vector.broadcast %and3A_750 : i32 to vector<16xi32>
            %and3A_752 = arith.andi %gather3A_744, %and3A_751 : vector<16xi32>
            %mul3A_753 = arith.constant 32 : i32
            %mul3A_754 = vector.broadcast %mul3A_753 : i32 to vector<16xi32>
            %mul3A_755 = arith.muli %and3A_752, %mul3A_754 : vector<16xi32>
            %swap3A_756 = arith.constant 240 : index
            %swap3A_757 = tpu.vector_load %arg9[%swap3A_756] {strides = array<i32>} : memref<256xi32, #tpu.memory_space<vmem>>, vector<16xi32>,
            tpu.vector_store %arg9[%swap3A_756], %mul3A_755 {strides = array<i32>} : memref<256xi32, #tpu.memory_space<vmem>>, vector<16xi32>,
            %dma_start3A_758 = arith.constant 0 : i32
            %dma_start3A_759 = arith.constant 0 : i32
            %dma_start3A_760 = tpu.memref_slice %arg3[%dma_start3A_758, %dma_start3A_759] : memref<250000x128xf32, #tpu.memory_space<hbm>> -> memref<250000x128xf32, #tpu.memory_space<hbm>>
            tpu.enqueue_indirect_dma source(%dma_start3A_760 : memref<250000x128xf32, #tpu.memory_space<hbm>>) target(%arg11 : memref<256x128xf32, #tpu.memory_space<vmem>>) offsets(%arg7 : memref<256xi32, #tpu.memory_space<vmem>>) semaphore(%arg14 : memref<!tpu.dma_semaphore, #tpu.memory_space<semaphore_mem>>)
          } else {
          }
          %eq3A_381 = arith.constant 1 : i32
          %eq3A_382 = arith.cmpi eq, %rem3A_352, %eq3A_381 : i32
          %convert_element_type3A_383 = arith.extui %eq3A_382 : i1 to i32
          %cond3A_384 = arith.constant 0 : i32
          %cond3A_385 = arith.cmpi ne, %convert_element_type3A_383, %cond3A_384 : i32
          scf.if %cond3A_385 {
            %add3A_386 = arith.constant 1 : i32
            %add3A_387 = arith.addi %scan3A_351, %add3A_386 : i32
            %mul3A_388 = arith.constant 2 : i32
            %mul3A_389 = arith.muli %mul3A_388, %add3A_387 : i32
            %add3A_390 = arith.constant 0 : i32
            %add3A_391 = arith.addi %mul3A_389, %add3A_390 : i32
            %add3A_392 = arith.constant 0 : i32
            %add3A_393 = arith.addi %add3A_391, %add3A_392 : i32
            %mul3A_394 = arith.constant 50 : i32
            %mul3A_395 = vector.broadcast %mul3A_394 : i32 to vector<16xi32>
            %mul3A_396 = arith.muli %mul3A_395, %iota3A : vector<16xi32>
            %add3A_397 = vector.broadcast %add3A_393 : i32 to vector<16xi32>
            %add3A_398 = arith.addi %add3A_397, %mul3A_396 : vector<16xi32>
            %gather3A_399 = tpu.vector_load_idx %arg5[%add3A_398] : memref<6400xi32, #tpu.memory_space<vmem>>[vector<16xi32>], vector<16xi32>,
            %shift_right_arithmetic3A_400 = arith.constant 2 : i32
            %shift_right_arithmetic3A_401 = vector.broadcast %shift_right_arithmetic3A_400 : i32 to vector<16xi32>
            %shift_right_arithmetic3A_402 = arith.shrsi %gather3A_399, %shift_right_arithmetic3A_401 : vector<16xi32>
            %swap3A_403 = arith.constant 0 : index
            %swap3A_404 = tpu.vector_load %arg6[%swap3A_403] {strides = array<i32>} : memref<256xi32, #tpu.memory_space<vmem>>, vector<16xi32>,
            tpu.vector_store %arg6[%swap3A_403], %shift_right_arithmetic3A_402 {strides = array<i32>} : memref<256xi32, #tpu.memory_space<vmem>>, vector<16xi32>,
            %and3A_405 = arith.constant 3 : i32
            %and3A_406 = vector.broadcast %and3A_405 : i32 to vector<16xi32>
            %and3A_407 = arith.andi %gather3A_399, %and3A_406 : vector<16xi32>
            %mul3A_408 = arith.constant 32 : i32
            %mul3A_409 = vector.broadcast %mul3A_408 : i32 to vector<16xi32>
            %mul3A_410 = arith.muli %and3A_407, %mul3A_409 : vector<16xi32>
            %swap3A_411 = arith.constant 0 : index
            %swap3A_412 = tpu.vector_load %arg8[%swap3A_411] {strides = array<i32>} : memref<256xi32, #tpu.memory_space<vmem>>, vector<16xi32>,
            tpu.vector_store %arg8[%swap3A_411], %mul3A_410 {strides = array<i32>} : memref<256xi32, #tpu.memory_space<vmem>>, vector<16xi32>,
            %add3A_413 = arith.constant 0 : i32
            %add3A_414 = arith.addi %mul3A_389, %add3A_413 : i32
            %add3A_415 = arith.constant 800 : i32
            %add3A_416 = arith.addi %add3A_414, %add3A_415 : i32
            %mul3A_417 = arith.constant 50 : i32
            %mul3A_418 = vector.broadcast %mul3A_417 : i32 to vector<16xi32>
            %mul3A_419 = arith.muli %mul3A_418, %iota3A : vector<16xi32>
            %add3A_420 = vector.broadcast %add3A_416 : i32 to vector<16xi32>
            %add3A_421 = arith.addi %add3A_420, %mul3A_419 : vector<16xi32>
            %gather3A_422 = tpu.vector_load_idx %arg5[%add3A_421] : memref<6400xi32, #tpu.memory_space<vmem>>[vector<16xi32>], vector<16xi32>,
            %shift_right_arithmetic3A_423 = arith.constant 2 : i32
            %shift_right_arithmetic3A_424 = vector.broadcast %shift_right_arithmetic3A_423 : i32 to vector<16xi32>
            %shift_right_arithmetic3A_425 = arith.shrsi %gather3A_422, %shift_right_arithmetic3A_424 : vector<16xi32>
            %swap3A_426 = arith.constant 16 : index
            %swap3A_427 = tpu.vector_load %arg6[%swap3A_426] {strides = array<i32>} : memref<256xi32, #tpu.memory_space<vmem>>, vector<16xi32>,
            tpu.vector_store %arg6[%swap3A_426], %shift_right_arithmetic3A_425 {strides = array<i32>} : memref<256xi32, #tpu.memory_space<vmem>>, vector<16xi32>,
            %and3A_428 = arith.constant 3 : i32
            %and3A_429 = vector.broadcast %and3A_428 : i32 to vector<16xi32>
            %and3A_430 = arith.andi %gather3A_422, %and3A_429 : vector<16xi32>
            %mul3A_431 = arith.constant 32 : i32
            %mul3A_432 = vector.broadcast %mul3A_431 : i32 to vector<16xi32>
            %mul3A_433 = arith.muli %and3A_430, %mul3A_432 : vector<16xi32>
            %swap3A_434 = arith.constant 16 : index
            %swap3A_435 = tpu.vector_load %arg8[%swap3A_434] {strides = array<i32>} : memref<256xi32, #tpu.memory_space<vmem>>, vector<16xi32>,
            tpu.vector_store %arg8[%swap3A_434], %mul3A_433 {strides = array<i32>} : memref<256xi32, #tpu.memory_space<vmem>>, vector<16xi32>,
            %add3A_436 = arith.constant 0 : i32
            %add3A_437 = arith.addi %mul3A_389, %add3A_436 : i32
            %add3A_438 = arith.constant 1600 : i32
            %add3A_439 = arith.addi %add3A_437, %add3A_438 : i32
            %mul3A_440 = arith.constant 50 : i32
            %mul3A_441 = vector.broadcast %mul3A_440 : i32 to vector<16xi32>
            %mul3A_442 = arith.muli %mul3A_441, %iota3A : vector<16xi32>
            %add3A_443 = vector.broadcast %add3A_439 : i32 to vector<16xi32>
            %add3A_444 = arith.addi %add3A_443, %mul3A_442 : vector<16xi32>
            %gather3A_445 = tpu.vector_load_idx %arg5[%add3A_444] : memref<6400xi32, #tpu.memory_space<vmem>>[vector<16xi32>], vector<16xi32>,
            %shift_right_arithmetic3A_446 = arith.constant 2 : i32
            %shift_right_arithmetic3A_447 = vector.broadcast %shift_right_arithmetic3A_446 : i32 to vector<16xi32>
            %shift_right_arithmetic3A_448 = arith.shrsi %gather3A_445, %shift_right_arithmetic3A_447 : vector<16xi32>
            %swap3A_449 = arith.constant 32 : index
            %swap3A_450 = tpu.vector_load %arg6[%swap3A_449] {strides = array<i32>} : memref<256xi32, #tpu.memory_space<vmem>>, vector<16xi32>,
            tpu.vector_store %arg6[%swap3A_449], %shift_right_arithmetic3A_448 {strides = array<i32>} : memref<256xi32, #tpu.memory_space<vmem>>, vector<16xi32>,
            %and3A_451 = arith.constant 3 : i32
            %and3A_452 = vector.broadcast %and3A_451 : i32 to vector<16xi32>
            %and3A_453 = arith.andi %gather3A_445, %and3A_452 : vector<16xi32>
            %mul3A_454 = arith.constant 32 : i32
            %mul3A_455 = vector.broadcast %mul3A_454 : i32 to vector<16xi32>
            %mul3A_456 = arith.muli %and3A_453, %mul3A_455 : vector<16xi32>
            %swap3A_457 = arith.constant 32 : index
            %swap3A_458 = tpu.vector_load %arg8[%swap3A_457] {strides = array<i32>} : memref<256xi32, #tpu.memory_space<vmem>>, vector<16xi32>,
            tpu.vector_store %arg8[%swap3A_457], %mul3A_456 {strides = array<i32>} : memref<256xi32, #tpu.memory_space<vmem>>, vector<16xi32>,
            %add3A_459 = arith.constant 0 : i32
            %add3A_460 = arith.addi %mul3A_389, %add3A_459 : i32
            %add3A_461 = arith.constant 2400 : i32
            %add3A_462 = arith.addi %add3A_460, %add3A_461 : i32
            %mul3A_463 = arith.constant 50 : i32
            %mul3A_464 = vector.broadcast %mul3A_463 : i32 to vector<16xi32>
            %mul3A_465 = arith.muli %mul3A_464, %iota3A : vector<16xi32>
            %add3A_466 = vector.broadcast %add3A_462 : i32 to vector<16xi32>
            %add3A_467 = arith.addi %add3A_466, %mul3A_465 : vector<16xi32>
            %gather3A_468 = tpu.vector_load_idx %arg5[%add3A_467] : memref<6400xi32, #tpu.memory_space<vmem>>[vector<16xi32>], vector<16xi32>,
            %shift_right_arithmetic3A_469 = arith.constant 2 : i32
            %shift_right_arithmetic3A_470 = vector.broadcast %shift_right_arithmetic3A_469 : i32 to vector<16xi32>
            %shift_right_arithmetic3A_471 = arith.shrsi %gather3A_468, %shift_right_arithmetic3A_470 : vector<16xi32>
            %swap3A_472 = arith.constant 48 : index
            %swap3A_473 = tpu.vector_load %arg6[%swap3A_472] {strides = array<i32>} : memref<256xi32, #tpu.memory_space<vmem>>, vector<16xi32>,
            tpu.vector_store %arg6[%swap3A_472], %shift_right_arithmetic3A_471 {strides = array<i32>} : memref<256xi32, #tpu.memory_space<vmem>>, vector<16xi32>,
            %and3A_474 = arith.constant 3 : i32
            %and3A_475 = vector.broadcast %and3A_474 : i32 to vector<16xi32>
            %and3A_476 = arith.andi %gather3A_468, %and3A_475 : vector<16xi32>
            %mul3A_477 = arith.constant 32 : i32
            %mul3A_478 = vector.broadcast %mul3A_477 : i32 to vector<16xi32>
            %mul3A_479 = arith.muli %and3A_476, %mul3A_478 : vector<16xi32>
            %swap3A_480 = arith.constant 48 : index
            %swap3A_481 = tpu.vector_load %arg8[%swap3A_480] {strides = array<i32>} : memref<256xi32, #tpu.memory_space<vmem>>, vector<16xi32>,
            tpu.vector_store %arg8[%swap3A_480], %mul3A_479 {strides = array<i32>} : memref<256xi32, #tpu.memory_space<vmem>>, vector<16xi32>,
            %add3A_482 = arith.constant 0 : i32
            %add3A_483 = arith.addi %mul3A_389, %add3A_482 : i32
            %add3A_484 = arith.constant 3200 : i32
            %add3A_485 = arith.addi %add3A_483, %add3A_484 : i32
            %mul3A_486 = arith.constant 50 : i32
            %mul3A_487 = vector.broadcast %mul3A_486 : i32 to vector<16xi32>
            %mul3A_488 = arith.muli %mul3A_487, %iota3A : vector<16xi32>
            %add3A_489 = vector.broadcast %add3A_485 : i32 to vector<16xi32>
            %add3A_490 = arith.addi %add3A_489, %mul3A_488 : vector<16xi32>
            %gather3A_491 = tpu.vector_load_idx %arg5[%add3A_490] : memref<6400xi32, #tpu.memory_space<vmem>>[vector<16xi32>], vector<16xi32>,
            %shift_right_arithmetic3A_492 = arith.constant 2 : i32
            %shift_right_arithmetic3A_493 = vector.broadcast %shift_right_arithmetic3A_492 : i32 to vector<16xi32>
            %shift_right_arithmetic3A_494 = arith.shrsi %gather3A_491, %shift_right_arithmetic3A_493 : vector<16xi32>
            %swap3A_495 = arith.constant 64 : index
            %swap3A_496 = tpu.vector_load %arg6[%swap3A_495] {strides = array<i32>} : memref<256xi32, #tpu.memory_space<vmem>>, vector<16xi32>,
            tpu.vector_store %arg6[%swap3A_495], %shift_right_arithmetic3A_494 {strides = array<i32>} : memref<256xi32, #tpu.memory_space<vmem>>, vector<16xi32>,
            %and3A_497 = arith.constant 3 : i32
            %and3A_498 = vector.broadcast %and3A_497 : i32 to vector<16xi32>
            %and3A_499 = arith.andi %gather3A_491, %and3A_498 : vector<16xi32>
            %mul3A_500 = arith.constant 32 : i32
            %mul3A_501 = vector.broadcast %mul3A_500 : i32 to vector<16xi32>
            %mul3A_502 = arith.muli %and3A_499, %mul3A_501 : vector<16xi32>
            %swap3A_503 = arith.constant 64 : index
            %swap3A_504 = tpu.vector_load %arg8[%swap3A_503] {strides = array<i32>} : memref<256xi32, #tpu.memory_space<vmem>>, vector<16xi32>,
            tpu.vector_store %arg8[%swap3A_503], %mul3A_502 {strides = array<i32>} : memref<256xi32, #tpu.memory_space<vmem>>, vector<16xi32>,
            %add3A_505 = arith.constant 0 : i32
            %add3A_506 = arith.addi %mul3A_389, %add3A_505 : i32
            %add3A_507 = arith.constant 4000 : i32
            %add3A_508 = arith.addi %add3A_506, %add3A_507 : i32
            %mul3A_509 = arith.constant 50 : i32
            %mul3A_510 = vector.broadcast %mul3A_509 : i32 to vector<16xi32>
            %mul3A_511 = arith.muli %mul3A_510, %iota3A : vector<16xi32>
            %add3A_512 = vector.broadcast %add3A_508 : i32 to vector<16xi32>
            %add3A_513 = arith.addi %add3A_512, %mul3A_511 : vector<16xi32>
            %gather3A_514 = tpu.vector_load_idx %arg5[%add3A_513] : memref<6400xi32, #tpu.memory_space<vmem>>[vector<16xi32>], vector<16xi32>,
            %shift_right_arithmetic3A_515 = arith.constant 2 : i32
            %shift_right_arithmetic3A_516 = vector.broadcast %shift_right_arithmetic3A_515 : i32 to vector<16xi32>
            %shift_right_arithmetic3A_517 = arith.shrsi %gather3A_514, %shift_right_arithmetic3A_516 : vector<16xi32>
            %swap3A_518 = arith.constant 80 : index
            %swap3A_519 = tpu.vector_load %arg6[%swap3A_518] {strides = array<i32>} : memref<256xi32, #tpu.memory_space<vmem>>, vector<16xi32>,
            tpu.vector_store %arg6[%swap3A_518], %shift_right_arithmetic3A_517 {strides = array<i32>} : memref<256xi32, #tpu.memory_space<vmem>>, vector<16xi32>,
            %and3A_520 = arith.constant 3 : i32
            %and3A_521 = vector.broadcast %and3A_520 : i32 to vector<16xi32>
            %and3A_522 = arith.andi %gather3A_514, %and3A_521 : vector<16xi32>
            %mul3A_523 = arith.constant 32 : i32
            %mul3A_524 = vector.broadcast %mul3A_523 : i32 to vector<16xi32>
            %mul3A_525 = arith.muli %and3A_522, %mul3A_524 : vector<16xi32>
            %swap3A_526 = arith.constant 80 : index
            %swap3A_527 = tpu.vector_load %arg8[%swap3A_526] {strides = array<i32>} : memref<256xi32, #tpu.memory_space<vmem>>, vector<16xi32>,
            tpu.vector_store %arg8[%swap3A_526], %mul3A_525 {strides = array<i32>} : memref<256xi32, #tpu.memory_space<vmem>>, vector<16xi32>,
            %add3A_528 = arith.constant 0 : i32
            %add3A_529 = arith.addi %mul3A_389, %add3A_528 : i32
            %add3A_530 = arith.constant 4800 : i32
            %add3A_531 = arith.addi %add3A_529, %add3A_530 : i32
            %mul3A_532 = arith.constant 50 : i32
            %mul3A_533 = vector.broadcast %mul3A_532 : i32 to vector<16xi32>
            %mul3A_534 = arith.muli %mul3A_533, %iota3A : vector<16xi32>
            %add3A_535 = vector.broadcast %add3A_531 : i32 to vector<16xi32>
            %add3A_536 = arith.addi %add3A_535, %mul3A_534 : vector<16xi32>
            %gather3A_537 = tpu.vector_load_idx %arg5[%add3A_536] : memref<6400xi32, #tpu.memory_space<vmem>>[vector<16xi32>], vector<16xi32>,
            %shift_right_arithmetic3A_538 = arith.constant 2 : i32
            %shift_right_arithmetic3A_539 = vector.broadcast %shift_right_arithmetic3A_538 : i32 to vector<16xi32>
            %shift_right_arithmetic3A_540 = arith.shrsi %gather3A_537, %shift_right_arithmetic3A_539 : vector<16xi32>
            %swap3A_541 = arith.constant 96 : index
            %swap3A_542 = tpu.vector_load %arg6[%swap3A_541] {strides = array<i32>} : memref<256xi32, #tpu.memory_space<vmem>>, vector<16xi32>,
            tpu.vector_store %arg6[%swap3A_541], %shift_right_arithmetic3A_540 {strides = array<i32>} : memref<256xi32, #tpu.memory_space<vmem>>, vector<16xi32>,
            %and3A_543 = arith.constant 3 : i32
            %and3A_544 = vector.broadcast %and3A_543 : i32 to vector<16xi32>
            %and3A_545 = arith.andi %gather3A_537, %and3A_544 : vector<16xi32>
            %mul3A_546 = arith.constant 32 : i32
            %mul3A_547 = vector.broadcast %mul3A_546 : i32 to vector<16xi32>
            %mul3A_548 = arith.muli %and3A_545, %mul3A_547 : vector<16xi32>
            %swap3A_549 = arith.constant 96 : index
            %swap3A_550 = tpu.vector_load %arg8[%swap3A_549] {strides = array<i32>} : memref<256xi32, #tpu.memory_space<vmem>>, vector<16xi32>,
            tpu.vector_store %arg8[%swap3A_549], %mul3A_548 {strides = array<i32>} : memref<256xi32, #tpu.memory_space<vmem>>, vector<16xi32>,
            %add3A_551 = arith.constant 0 : i32
            %add3A_552 = arith.addi %mul3A_389, %add3A_551 : i32
            %add3A_553 = arith.constant 5600 : i32
            %add3A_554 = arith.addi %add3A_552, %add3A_553 : i32
            %mul3A_555 = arith.constant 50 : i32
            %mul3A_556 = vector.broadcast %mul3A_555 : i32 to vector<16xi32>
            %mul3A_557 = arith.muli %mul3A_556, %iota3A : vector<16xi32>
            %add3A_558 = vector.broadcast %add3A_554 : i32 to vector<16xi32>
            %add3A_559 = arith.addi %add3A_558, %mul3A_557 : vector<16xi32>
            %gather3A_560 = tpu.vector_load_idx %arg5[%add3A_559] : memref<6400xi32, #tpu.memory_space<vmem>>[vector<16xi32>], vector<16xi32>,
            %shift_right_arithmetic3A_561 = arith.constant 2 : i32
            %shift_right_arithmetic3A_562 = vector.broadcast %shift_right_arithmetic3A_561 : i32 to vector<16xi32>
            %shift_right_arithmetic3A_563 = arith.shrsi %gather3A_560, %shift_right_arithmetic3A_562 : vector<16xi32>
            %swap3A_564 = arith.constant 112 : index
            %swap3A_565 = tpu.vector_load %arg6[%swap3A_564] {strides = array<i32>} : memref<256xi32, #tpu.memory_space<vmem>>, vector<16xi32>,
            tpu.vector_store %arg6[%swap3A_564], %shift_right_arithmetic3A_563 {strides = array<i32>} : memref<256xi32, #tpu.memory_space<vmem>>, vector<16xi32>,
            %and3A_566 = arith.constant 3 : i32
            %and3A_567 = vector.broadcast %and3A_566 : i32 to vector<16xi32>
            %and3A_568 = arith.andi %gather3A_560, %and3A_567 : vector<16xi32>
            %mul3A_569 = arith.constant 32 : i32
            %mul3A_570 = vector.broadcast %mul3A_569 : i32 to vector<16xi32>
            %mul3A_571 = arith.muli %and3A_568, %mul3A_570 : vector<16xi32>
            %swap3A_572 = arith.constant 112 : index
            %swap3A_573 = tpu.vector_load %arg8[%swap3A_572] {strides = array<i32>} : memref<256xi32, #tpu.memory_space<vmem>>, vector<16xi32>,
            tpu.vector_store %arg8[%swap3A_572], %mul3A_571 {strides = array<i32>} : memref<256xi32, #tpu.memory_space<vmem>>, vector<16xi32>,
            %add3A_574 = arith.constant 1 : i32
            %add3A_575 = arith.addi %mul3A_389, %add3A_574 : i32
            %add3A_576 = arith.constant 0 : i32
            %add3A_577 = arith.addi %add3A_575, %add3A_576 : i32
            %mul3A_578 = arith.constant 50 : i32
            %mul3A_579 = vector.broadcast %mul3A_578 : i32 to vector<16xi32>
            %mul3A_580 = arith.muli %mul3A_579, %iota3A : vector<16xi32>
            %add3A_581 = vector.broadcast %add3A_577 : i32 to vector<16xi32>
            %add3A_582 = arith.addi %add3A_581, %mul3A_580 : vector<16xi32>
            %gather3A_583 = tpu.vector_load_idx %arg5[%add3A_582] : memref<6400xi32, #tpu.memory_space<vmem>>[vector<16xi32>], vector<16xi32>,
            %shift_right_arithmetic3A_584 = arith.constant 2 : i32
            %shift_right_arithmetic3A_585 = vector.broadcast %shift_right_arithmetic3A_584 : i32 to vector<16xi32>
            %shift_right_arithmetic3A_586 = arith.shrsi %gather3A_583, %shift_right_arithmetic3A_585 : vector<16xi32>
            %swap3A_587 = arith.constant 128 : index
            %swap3A_588 = tpu.vector_load %arg6[%swap3A_587] {strides = array<i32>} : memref<256xi32, #tpu.memory_space<vmem>>, vector<16xi32>,
            tpu.vector_store %arg6[%swap3A_587], %shift_right_arithmetic3A_586 {strides = array<i32>} : memref<256xi32, #tpu.memory_space<vmem>>, vector<16xi32>,
            %and3A_589 = arith.constant 3 : i32
            %and3A_590 = vector.broadcast %and3A_589 : i32 to vector<16xi32>
            %and3A_591 = arith.andi %gather3A_583, %and3A_590 : vector<16xi32>
            %mul3A_592 = arith.constant 32 : i32
            %mul3A_593 = vector.broadcast %mul3A_592 : i32 to vector<16xi32>
            %mul3A_594 = arith.muli %and3A_591, %mul3A_593 : vector<16xi32>
            %swap3A_595 = arith.constant 128 : index
            %swap3A_596 = tpu.vector_load %arg8[%swap3A_595] {strides = array<i32>} : memref<256xi32, #tpu.memory_space<vmem>>, vector<16xi32>,
            tpu.vector_store %arg8[%swap3A_595], %mul3A_594 {strides = array<i32>} : memref<256xi32, #tpu.memory_space<vmem>>, vector<16xi32>,
            %add3A_597 = arith.constant 1 : i32
            %add3A_598 = arith.addi %mul3A_389, %add3A_597 : i32
            %add3A_599 = arith.constant 800 : i32
            %add3A_600 = arith.addi %add3A_598, %add3A_599 : i32
            %mul3A_601 = arith.constant 50 : i32
            %mul3A_602 = vector.broadcast %mul3A_601 : i32 to vector<16xi32>
            %mul3A_603 = arith.muli %mul3A_602, %iota3A : vector<16xi32>
            %add3A_604 = vector.broadcast %add3A_600 : i32 to vector<16xi32>
            %add3A_605 = arith.addi %add3A_604, %mul3A_603 : vector<16xi32>
            %gather3A_606 = tpu.vector_load_idx %arg5[%add3A_605] : memref<6400xi32, #tpu.memory_space<vmem>>[vector<16xi32>], vector<16xi32>,
            %shift_right_arithmetic3A_607 = arith.constant 2 : i32
            %shift_right_arithmetic3A_608 = vector.broadcast %shift_right_arithmetic3A_607 : i32 to vector<16xi32>
            %shift_right_arithmetic3A_609 = arith.shrsi %gather3A_606, %shift_right_arithmetic3A_608 : vector<16xi32>
            %swap3A_610 = arith.constant 144 : index
            %swap3A_611 = tpu.vector_load %arg6[%swap3A_610] {strides = array<i32>} : memref<256xi32, #tpu.memory_space<vmem>>, vector<16xi32>,
            tpu.vector_store %arg6[%swap3A_610], %shift_right_arithmetic3A_609 {strides = array<i32>} : memref<256xi32, #tpu.memory_space<vmem>>, vector<16xi32>,
            %and3A_612 = arith.constant 3 : i32
            %and3A_613 = vector.broadcast %and3A_612 : i32 to vector<16xi32>
            %and3A_614 = arith.andi %gather3A_606, %and3A_613 : vector<16xi32>
            %mul3A_615 = arith.constant 32 : i32
            %mul3A_616 = vector.broadcast %mul3A_615 : i32 to vector<16xi32>
            %mul3A_617 = arith.muli %and3A_614, %mul3A_616 : vector<16xi32>
            %swap3A_618 = arith.constant 144 : index
            %swap3A_619 = tpu.vector_load %arg8[%swap3A_618] {strides = array<i32>} : memref<256xi32, #tpu.memory_space<vmem>>, vector<16xi32>,
            tpu.vector_store %arg8[%swap3A_618], %mul3A_617 {strides = array<i32>} : memref<256xi32, #tpu.memory_space<vmem>>, vector<16xi32>,
            %add3A_620 = arith.constant 1 : i32
            %add3A_621 = arith.addi %mul3A_389, %add3A_620 : i32
            %add3A_622 = arith.constant 1600 : i32
            %add3A_623 = arith.addi %add3A_621, %add3A_622 : i32
            %mul3A_624 = arith.constant 50 : i32
            %mul3A_625 = vector.broadcast %mul3A_624 : i32 to vector<16xi32>
            %mul3A_626 = arith.muli %mul3A_625, %iota3A : vector<16xi32>
            %add3A_627 = vector.broadcast %add3A_623 : i32 to vector<16xi32>
            %add3A_628 = arith.addi %add3A_627, %mul3A_626 : vector<16xi32>
            %gather3A_629 = tpu.vector_load_idx %arg5[%add3A_628] : memref<6400xi32, #tpu.memory_space<vmem>>[vector<16xi32>], vector<16xi32>,
            %shift_right_arithmetic3A_630 = arith.constant 2 : i32
            %shift_right_arithmetic3A_631 = vector.broadcast %shift_right_arithmetic3A_630 : i32 to vector<16xi32>
            %shift_right_arithmetic3A_632 = arith.shrsi %gather3A_629, %shift_right_arithmetic3A_631 : vector<16xi32>
            %swap3A_633 = arith.constant 160 : index
            %swap3A_634 = tpu.vector_load %arg6[%swap3A_633] {strides = array<i32>} : memref<256xi32, #tpu.memory_space<vmem>>, vector<16xi32>,
            tpu.vector_store %arg6[%swap3A_633], %shift_right_arithmetic3A_632 {strides = array<i32>} : memref<256xi32, #tpu.memory_space<vmem>>, vector<16xi32>,
            %and3A_635 = arith.constant 3 : i32
            %and3A_636 = vector.broadcast %and3A_635 : i32 to vector<16xi32>
            %and3A_637 = arith.andi %gather3A_629, %and3A_636 : vector<16xi32>
            %mul3A_638 = arith.constant 32 : i32
            %mul3A_639 = vector.broadcast %mul3A_638 : i32 to vector<16xi32>
            %mul3A_640 = arith.muli %and3A_637, %mul3A_639 : vector<16xi32>
            %swap3A_641 = arith.constant 160 : index
            %swap3A_642 = tpu.vector_load %arg8[%swap3A_641] {strides = array<i32>} : memref<256xi32, #tpu.memory_space<vmem>>, vector<16xi32>,
            tpu.vector_store %arg8[%swap3A_641], %mul3A_640 {strides = array<i32>} : memref<256xi32, #tpu.memory_space<vmem>>, vector<16xi32>,
            %add3A_643 = arith.constant 1 : i32
            %add3A_644 = arith.addi %mul3A_389, %add3A_643 : i32
            %add3A_645 = arith.constant 2400 : i32
            %add3A_646 = arith.addi %add3A_644, %add3A_645 : i32
            %mul3A_647 = arith.constant 50 : i32
            %mul3A_648 = vector.broadcast %mul3A_647 : i32 to vector<16xi32>
            %mul3A_649 = arith.muli %mul3A_648, %iota3A : vector<16xi32>
            %add3A_650 = vector.broadcast %add3A_646 : i32 to vector<16xi32>
            %add3A_651 = arith.addi %add3A_650, %mul3A_649 : vector<16xi32>
            %gather3A_652 = tpu.vector_load_idx %arg5[%add3A_651] : memref<6400xi32, #tpu.memory_space<vmem>>[vector<16xi32>], vector<16xi32>,
            %shift_right_arithmetic3A_653 = arith.constant 2 : i32
            %shift_right_arithmetic3A_654 = vector.broadcast %shift_right_arithmetic3A_653 : i32 to vector<16xi32>
            %shift_right_arithmetic3A_655 = arith.shrsi %gather3A_652, %shift_right_arithmetic3A_654 : vector<16xi32>
            %swap3A_656 = arith.constant 176 : index
            %swap3A_657 = tpu.vector_load %arg6[%swap3A_656] {strides = array<i32>} : memref<256xi32, #tpu.memory_space<vmem>>, vector<16xi32>,
            tpu.vector_store %arg6[%swap3A_656], %shift_right_arithmetic3A_655 {strides = array<i32>} : memref<256xi32, #tpu.memory_space<vmem>>, vector<16xi32>,
            %and3A_658 = arith.constant 3 : i32
            %and3A_659 = vector.broadcast %and3A_658 : i32 to vector<16xi32>
            %and3A_660 = arith.andi %gather3A_652, %and3A_659 : vector<16xi32>
            %mul3A_661 = arith.constant 32 : i32
            %mul3A_662 = vector.broadcast %mul3A_661 : i32 to vector<16xi32>
            %mul3A_663 = arith.muli %and3A_660, %mul3A_662 : vector<16xi32>
            %swap3A_664 = arith.constant 176 : index
            %swap3A_665 = tpu.vector_load %arg8[%swap3A_664] {strides = array<i32>} : memref<256xi32, #tpu.memory_space<vmem>>, vector<16xi32>,
            tpu.vector_store %arg8[%swap3A_664], %mul3A_663 {strides = array<i32>} : memref<256xi32, #tpu.memory_space<vmem>>, vector<16xi32>,
            %add3A_666 = arith.constant 1 : i32
            %add3A_667 = arith.addi %mul3A_389, %add3A_666 : i32
            %add3A_668 = arith.constant 3200 : i32
            %add3A_669 = arith.addi %add3A_667, %add3A_668 : i32
            %mul3A_670 = arith.constant 50 : i32
            %mul3A_671 = vector.broadcast %mul3A_670 : i32 to vector<16xi32>
            %mul3A_672 = arith.muli %mul3A_671, %iota3A : vector<16xi32>
            %add3A_673 = vector.broadcast %add3A_669 : i32 to vector<16xi32>
            %add3A_674 = arith.addi %add3A_673, %mul3A_672 : vector<16xi32>
            %gather3A_675 = tpu.vector_load_idx %arg5[%add3A_674] : memref<6400xi32, #tpu.memory_space<vmem>>[vector<16xi32>], vector<16xi32>,
            %shift_right_arithmetic3A_676 = arith.constant 2 : i32
            %shift_right_arithmetic3A_677 = vector.broadcast %shift_right_arithmetic3A_676 : i32 to vector<16xi32>
            %shift_right_arithmetic3A_678 = arith.shrsi %gather3A_675, %shift_right_arithmetic3A_677 : vector<16xi32>
            %swap3A_679 = arith.constant 192 : index
            %swap3A_680 = tpu.vector_load %arg6[%swap3A_679] {strides = array<i32>} : memref<256xi32, #tpu.memory_space<vmem>>, vector<16xi32>,
            tpu.vector_store %arg6[%swap3A_679], %shift_right_arithmetic3A_678 {strides = array<i32>} : memref<256xi32, #tpu.memory_space<vmem>>, vector<16xi32>,
            %and3A_681 = arith.constant 3 : i32
            %and3A_682 = vector.broadcast %and3A_681 : i32 to vector<16xi32>
            %and3A_683 = arith.andi %gather3A_675, %and3A_682 : vector<16xi32>
            %mul3A_684 = arith.constant 32 : i32
            %mul3A_685 = vector.broadcast %mul3A_684 : i32 to vector<16xi32>
            %mul3A_686 = arith.muli %and3A_683, %mul3A_685 : vector<16xi32>
            %swap3A_687 = arith.constant 192 : index
            %swap3A_688 = tpu.vector_load %arg8[%swap3A_687] {strides = array<i32>} : memref<256xi32, #tpu.memory_space<vmem>>, vector<16xi32>,
            tpu.vector_store %arg8[%swap3A_687], %mul3A_686 {strides = array<i32>} : memref<256xi32, #tpu.memory_space<vmem>>, vector<16xi32>,
            %add3A_689 = arith.constant 1 : i32
            %add3A_690 = arith.addi %mul3A_389, %add3A_689 : i32
            %add3A_691 = arith.constant 4000 : i32
            %add3A_692 = arith.addi %add3A_690, %add3A_691 : i32
            %mul3A_693 = arith.constant 50 : i32
            %mul3A_694 = vector.broadcast %mul3A_693 : i32 to vector<16xi32>
            %mul3A_695 = arith.muli %mul3A_694, %iota3A : vector<16xi32>
            %add3A_696 = vector.broadcast %add3A_692 : i32 to vector<16xi32>
            %add3A_697 = arith.addi %add3A_696, %mul3A_695 : vector<16xi32>
            %gather3A_698 = tpu.vector_load_idx %arg5[%add3A_697] : memref<6400xi32, #tpu.memory_space<vmem>>[vector<16xi32>], vector<16xi32>,
            %shift_right_arithmetic3A_699 = arith.constant 2 : i32
            %shift_right_arithmetic3A_700 = vector.broadcast %shift_right_arithmetic3A_699 : i32 to vector<16xi32>
            %shift_right_arithmetic3A_701 = arith.shrsi %gather3A_698, %shift_right_arithmetic3A_700 : vector<16xi32>
            %swap3A_702 = arith.constant 208 : index
            %swap3A_703 = tpu.vector_load %arg6[%swap3A_702] {strides = array<i32>} : memref<256xi32, #tpu.memory_space<vmem>>, vector<16xi32>,
            tpu.vector_store %arg6[%swap3A_702], %shift_right_arithmetic3A_701 {strides = array<i32>} : memref<256xi32, #tpu.memory_space<vmem>>, vector<16xi32>,
            %and3A_704 = arith.constant 3 : i32
            %and3A_705 = vector.broadcast %and3A_704 : i32 to vector<16xi32>
            %and3A_706 = arith.andi %gather3A_698, %and3A_705 : vector<16xi32>
            %mul3A_707 = arith.constant 32 : i32
            %mul3A_708 = vector.broadcast %mul3A_707 : i32 to vector<16xi32>
            %mul3A_709 = arith.muli %and3A_706, %mul3A_708 : vector<16xi32>
            %swap3A_710 = arith.constant 208 : index
            %swap3A_711 = tpu.vector_load %arg8[%swap3A_710] {strides = array<i32>} : memref<256xi32, #tpu.memory_space<vmem>>, vector<16xi32>,
            tpu.vector_store %arg8[%swap3A_710], %mul3A_709 {strides = array<i32>} : memref<256xi32, #tpu.memory_space<vmem>>, vector<16xi32>,
            %add3A_712 = arith.constant 1 : i32
            %add3A_713 = arith.addi %mul3A_389, %add3A_712 : i32
            %add3A_714 = arith.constant 4800 : i32
            %add3A_715 = arith.addi %add3A_713, %add3A_714 : i32
            %mul3A_716 = arith.constant 50 : i32
            %mul3A_717 = vector.broadcast %mul3A_716 : i32 to vector<16xi32>
            %mul3A_718 = arith.muli %mul3A_717, %iota3A : vector<16xi32>
            %add3A_719 = vector.broadcast %add3A_715 : i32 to vector<16xi32>
            %add3A_720 = arith.addi %add3A_719, %mul3A_718 : vector<16xi32>
            %gather3A_721 = tpu.vector_load_idx %arg5[%add3A_720] : memref<6400xi32, #tpu.memory_space<vmem>>[vector<16xi32>], vector<16xi32>,
            %shift_right_arithmetic3A_722 = arith.constant 2 : i32
            %shift_right_arithmetic3A_723 = vector.broadcast %shift_right_arithmetic3A_722 : i32 to vector<16xi32>
            %shift_right_arithmetic3A_724 = arith.shrsi %gather3A_721, %shift_right_arithmetic3A_723 : vector<16xi32>
            %swap3A_725 = arith.constant 224 : index
            %swap3A_726 = tpu.vector_load %arg6[%swap3A_725] {strides = array<i32>} : memref<256xi32, #tpu.memory_space<vmem>>, vector<16xi32>,
            tpu.vector_store %arg6[%swap3A_725], %shift_right_arithmetic3A_724 {strides = array<i32>} : memref<256xi32, #tpu.memory_space<vmem>>, vector<16xi32>,
            %and3A_727 = arith.constant 3 : i32
            %and3A_728 = vector.broadcast %and3A_727 : i32 to vector<16xi32>
            %and3A_729 = arith.andi %gather3A_721, %and3A_728 : vector<16xi32>
            %mul3A_730 = arith.constant 32 : i32
            %mul3A_731 = vector.broadcast %mul3A_730 : i32 to vector<16xi32>
            %mul3A_732 = arith.muli %and3A_729, %mul3A_731 : vector<16xi32>
            %swap3A_733 = arith.constant 224 : index
            %swap3A_734 = tpu.vector_load %arg8[%swap3A_733] {strides = array<i32>} : memref<256xi32, #tpu.memory_space<vmem>>, vector<16xi32>,
            tpu.vector_store %arg8[%swap3A_733], %mul3A_732 {strides = array<i32>} : memref<256xi32, #tpu.memory_space<vmem>>, vector<16xi32>,
            %add3A_735 = arith.constant 1 : i32
            %add3A_736 = arith.addi %mul3A_389, %add3A_735 : i32
            %add3A_737 = arith.constant 5600 : i32
            %add3A_738 = arith.addi %add3A_736, %add3A_737 : i32
            %mul3A_739 = arith.constant 50 : i32
            %mul3A_740 = vector.broadcast %mul3A_739 : i32 to vector<16xi32>
            %mul3A_741 = arith.muli %mul3A_740, %iota3A : vector<16xi32>
            %add3A_742 = vector.broadcast %add3A_738 : i32 to vector<16xi32>
            %add3A_743 = arith.addi %add3A_742, %mul3A_741 : vector<16xi32>
            %gather3A_744 = tpu.vector_load_idx %arg5[%add3A_743] : memref<6400xi32, #tpu.memory_space<vmem>>[vector<16xi32>], vector<16xi32>,
            %shift_right_arithmetic3A_745 = arith.constant 2 : i32
            %shift_right_arithmetic3A_746 = vector.broadcast %shift_right_arithmetic3A_745 : i32 to vector<16xi32>
            %shift_right_arithmetic3A_747 = arith.shrsi %gather3A_744, %shift_right_arithmetic3A_746 : vector<16xi32>
            %swap3A_748 = arith.constant 240 : index
            %swap3A_749 = tpu.vector_load %arg6[%swap3A_748] {strides = array<i32>} : memref<256xi32, #tpu.memory_space<vmem>>, vector<16xi32>,
            tpu.vector_store %arg6[%swap3A_748], %shift_right_arithmetic3A_747 {strides = array<i32>} : memref<256xi32, #tpu.memory_space<vmem>>, vector<16xi32>,
            %and3A_750 = arith.constant 3 : i32
            %and3A_751 = vector.broadcast %and3A_750 : i32 to vector<16xi32>
            %and3A_752 = arith.andi %gather3A_744, %and3A_751 : vector<16xi32>
            %mul3A_753 = arith.constant 32 : i32
            %mul3A_754 = vector.broadcast %mul3A_753 : i32 to vector<16xi32>
            %mul3A_755 = arith.muli %and3A_752, %mul3A_754 : vector<16xi32>
            %swap3A_756 = arith.constant 240 : index
            %swap3A_757 = tpu.vector_load %arg8[%swap3A_756] {strides = array<i32>} : memref<256xi32, #tpu.memory_space<vmem>>, vector<16xi32>,
            tpu.vector_store %arg8[%swap3A_756], %mul3A_755 {strides = array<i32>} : memref<256xi32, #tpu.memory_space<vmem>>, vector<16xi32>,
            %dma_start3A_758 = arith.constant 0 : i32
            %dma_start3A_759 = arith.constant 0 : i32
            %dma_start3A_760 = tpu.memref_slice %arg3[%dma_start3A_758, %dma_start3A_759] : memref<250000x128xf32, #tpu.memory_space<hbm>> -> memref<250000x128xf32, #tpu.memory_space<hbm>>
            tpu.enqueue_indirect_dma source(%dma_start3A_760 : memref<250000x128xf32, #tpu.memory_space<hbm>>) target(%arg10 : memref<256x128xf32, #tpu.memory_space<vmem>>) offsets(%arg6 : memref<256xi32, #tpu.memory_space<vmem>>) semaphore(%arg14 : memref<!tpu.dma_semaphore, #tpu.memory_space<semaphore_mem>>)
          } else {
          }
        } else {
        }
        %dma_wait3A_355 = arith.constant 0 : i32
        %dma_wait3A_356 = arith.constant 0 : i32
        %dma_wait3A_357 = tpu.memref_slice %arg3[%dma_wait3A_355, %dma_wait3A_356] : memref<250000x128xf32, #tpu.memory_space<hbm>> -> memref<256x128xf32, #tpu.memory_space<hbm>>
        %dma_wait3A_358 = arith.constant 0 : i32
        %dma_wait3A_359 = arith.constant 0 : i32
        %dma_wait3A_360 = tpu.memref_slice %arg3[%dma_wait3A_358, %dma_wait3A_359] : memref<250000x128xf32, #tpu.memory_space<hbm>> -> memref<256x128xf32, #tpu.memory_space<hbm>>
        tpu.wait_dma2 semaphore(%arg14 : memref<!tpu.dma_semaphore, #tpu.memory_space<semaphore_mem>>) src(%dma_wait3A_360 : memref<256x128xf32, #tpu.memory_space<hbm>>) dst(%arg10 : memref<256x128xf32, #tpu.memory_space<vmem>>)
        %ge3A = arith.constant 1 : i32
        %ge3A_361 = arith.cmpi sge, %scan3A_351, %ge3A : i32
        %convert_element_type3A_362 = arith.extui %ge3A_361 : i1 to i32
        %cond3A_363 = arith.constant 0 : i32
        %cond3A_364 = arith.cmpi ne, %convert_element_type3A_362, %cond3A_363 : i32
        scf.if %cond3A_364 {
          %dma_wait3A_376 = arith.constant 0 : i32
          %dma_wait3A_377 = arith.constant 0 : i32
          %dma_wait3A_378 = tpu.memref_slice %arg4[%dma_wait3A_376, %dma_wait3A_377, %multiple_of3A] : memref<50x32x16384xf32, #tpu.memory_space<hbm>> -> memref<1x32x128xf32, #tpu.memory_space<hbm>>
          %dma_wait3A_379 = tpu.memref_squeeze %dma_wait3A_378 : memref<1x32x128xf32, #tpu.memory_space<hbm>> -> memref<32x128xf32, #tpu.memory_space<hbm>>
          %dma_wait3A_380 = arith.constant 0 : i32
          %dma_wait3A_381 = tpu.memref_slice %arg4[%dma_wait3A_376, %dma_wait3A_380, %multiple_of3A] : memref<50x32x16384xf32, #tpu.memory_space<hbm>> -> memref<1x32x128xf32, #tpu.memory_space<hbm>>
          %dma_wait3A_382 = tpu.memref_squeeze %dma_wait3A_381 : memref<1x32x128xf32, #tpu.memory_space<hbm>> -> memref<32x128xf32, #tpu.memory_space<hbm>>
          tpu.wait_dma2 semaphore(%arg15 : memref<!tpu.dma_semaphore, #tpu.memory_space<semaphore_mem>>) src(%arg12 : memref<32x128xf32, #tpu.memory_space<vmem>>) dst(%dma_wait3A_382 : memref<32x128xf32, #tpu.memory_space<hbm>>)
          %dma_wait3A_383 = arith.constant 0 : i32
          %dma_wait3A_384 = arith.constant 0 : i32
          %dma_wait3A_385 = tpu.memref_slice %arg4[%dma_wait3A_383, %dma_wait3A_384, %multiple_of3A] : memref<50x32x16384xf32, #tpu.memory_space<hbm>> -> memref<1x32x128xf32, #tpu.memory_space<hbm>>
          %dma_wait3A_386 = tpu.memref_squeeze %dma_wait3A_385 : memref<1x32x128xf32, #tpu.memory_space<hbm>> -> memref<32x128xf32, #tpu.memory_space<hbm>>
          %dma_wait3A_387 = arith.constant 0 : i32
          %dma_wait3A_388 = tpu.memref_slice %arg4[%dma_wait3A_383, %dma_wait3A_387, %multiple_of3A] : memref<50x32x16384xf32, #tpu.memory_space<hbm>> -> memref<1x32x128xf32, #tpu.memory_space<hbm>>
          %dma_wait3A_389 = tpu.memref_squeeze %dma_wait3A_388 : memref<1x32x128xf32, #tpu.memory_space<hbm>> -> memref<32x128xf32, #tpu.memory_space<hbm>>
          tpu.wait_dma2 semaphore(%arg15 : memref<!tpu.dma_semaphore, #tpu.memory_space<semaphore_mem>>) src(%arg13 : memref<32x128xf32, #tpu.memory_space<vmem>>) dst(%dma_wait3A_389 : memref<32x128xf32, #tpu.memory_space<hbm>>)
        } else {
        }
        %mul3A_365 = arith.constant 2 : i32
        %mul3A_366 = arith.muli %mul3A_365, %scan3A_351 : i32
        %eq3A = arith.constant 0 : i32
        %eq3A_367 = arith.cmpi eq, %rem3A_352, %eq3A : i32
        %convert_element_type3A_368 = arith.extui %eq3A_367 : i1 to i32
        %cond3A_369 = arith.constant 0 : i32
        %cond3A_370 = arith.cmpi ne, %convert_element_type3A_368, %cond3A_369 : i32
        scf.if %cond3A_370 {
          %scan3A_376 = arith.constant 0 : i32
          %scan3A_377 = arith.constant 0 : i32
          %scan3A_378 = arith.constant 8 : i32
          %scan3A_379 = arith.addi %scan3A_377, %scan3A_378 : i32
          %scan3A_380 = arith.constant 2 : i32
          scf.for %scan3A_402 = %scan3A_377 to %scan3A_379 step %scan3A_380  : i32 {
            %mul3A_403 = arith.constant 16 : i32
            %mul3A_404 = arith.muli %mul3A_403, %scan3A_402 : i32
            %add3A_405 = arith.constant 0 : i32
            %add3A_406 = arith.addi %add3A_405, %mul3A_404 : i32
            %add3A_407 = vector.broadcast %add3A_406 : i32 to vector<16xi32>
            %add3A_408 = arith.addi %add3A_407, %iota3A : vector<16xi32>
            %get3A = arith.index_cast %add3A_406 : i32 to index
            %get3A_409 = tpu.vector_load %arg8[%get3A] {strides = array<i32>} : memref<256xi32, #tpu.memory_space<vmem>>, vector<16xi32>,
            %add3A_410 = arith.constant 0 : i32
            %add3A_411 = vector.broadcast %add3A_410 : i32 to vector<16xi32>
            %add3A_412 = arith.addi %get3A_409, %add3A_411 : vector<16xi32>
            %gather3A_413 = tpu.vector_load_idx %arg10[%add3A_408, %add3A_412] : memref<256x128xf32, #tpu.memory_space<vmem>>[vector<16xi32>, vector<16xi32>], vector<16xf32>,
            %mul3A_414 = arith.constant 16 : i32
            %mul3A_415 = arith.muli %mul3A_414, %scan3A_402 : i32
            %swap3A_416 = arith.constant 0 : i32
            %swap3A_417 = arith.index_cast %swap3A_416 : i32 to index
            %swap3A_418 = arith.index_cast %mul3A_415 : i32 to index
            %swap3A_419 = tpu.vector_load %arg12[%swap3A_417, %swap3A_418] {strides = array<i32>} : memref<32x128xf32, #tpu.memory_space<vmem>>, vector<16xf32>,
            tpu.vector_store %arg12[%swap3A_417, %swap3A_418], %gather3A_413 {strides = array<i32>} : memref<32x128xf32, #tpu.memory_space<vmem>>, vector<16xf32>,
            %add3A_420 = arith.constant 1 : i32
            %add3A_421 = vector.broadcast %add3A_420 : i32 to vector<16xi32>
            %add3A_422 = arith.addi %get3A_409, %add3A_421 : vector<16xi32>
            %gather3A_423 = tpu.vector_load_idx %arg10[%add3A_408, %add3A_422] : memref<256x128xf32, #tpu.memory_space<vmem>>[vector<16xi32>, vector<16xi32>], vector<16xf32>,
            %mul3A_424 = arith.constant 16 : i32
            %mul3A_425 = arith.muli %mul3A_424, %scan3A_402 : i32
            %swap3A_426 = arith.constant 1 : i32
            %swap3A_427 = arith.index_cast %swap3A_426 : i32 to index
            %swap3A_428 = arith.index_cast %mul3A_425 : i32 to index
            %swap3A_429 = tpu.vector_load %arg12[%swap3A_427, %swap3A_428] {strides = array<i32>} : memref<32x128xf32, #tpu.memory_space<vmem>>, vector<16xf32>,
            tpu.vector_store %arg12[%swap3A_427, %swap3A_428], %gather3A_423 {strides = array<i32>} : memref<32x128xf32, #tpu.memory_space<vmem>>, vector<16xf32>,
            %add3A_430 = arith.constant 2 : i32
            %add3A_431 = vector.broadcast %add3A_430 : i32 to vector<16xi32>
            %add3A_432 = arith.addi %get3A_409, %add3A_431 : vector<16xi32>
            %gather3A_433 = tpu.vector_load_idx %arg10[%add3A_408, %add3A_432] : memref<256x128xf32, #tpu.memory_space<vmem>>[vector<16xi32>, vector<16xi32>], vector<16xf32>,
            %mul3A_434 = arith.constant 16 : i32
            %mul3A_435 = arith.muli %mul3A_434, %scan3A_402 : i32
            %swap3A_436 = arith.constant 2 : i32
            %swap3A_437 = arith.index_cast %swap3A_436 : i32 to index
            %swap3A_438 = arith.index_cast %mul3A_435 : i32 to index
            %swap3A_439 = tpu.vector_load %arg12[%swap3A_437, %swap3A_438] {strides = array<i32>} : memref<32x128xf32, #tpu.memory_space<vmem>>, vector<16xf32>,
            tpu.vector_store %arg12[%swap3A_437, %swap3A_438], %gather3A_433 {strides = array<i32>} : memref<32x128xf32, #tpu.memory_space<vmem>>, vector<16xf32>,
            %add3A_440 = arith.constant 3 : i32
            %add3A_441 = vector.broadcast %add3A_440 : i32 to vector<16xi32>
            %add3A_442 = arith.addi %get3A_409, %add3A_441 : vector<16xi32>
            %gather3A_443 = tpu.vector_load_idx %arg10[%add3A_408, %add3A_442] : memref<256x128xf32, #tpu.memory_space<vmem>>[vector<16xi32>, vector<16xi32>], vector<16xf32>,
            %mul3A_444 = arith.constant 16 : i32
            %mul3A_445 = arith.muli %mul3A_444, %scan3A_402 : i32
            %swap3A_446 = arith.constant 3 : i32
            %swap3A_447 = arith.index_cast %swap3A_446 : i32 to index
            %swap3A_448 = arith.index_cast %mul3A_445 : i32 to index
            %swap3A_449 = tpu.vector_load %arg12[%swap3A_447, %swap3A_448] {strides = array<i32>} : memref<32x128xf32, #tpu.memory_space<vmem>>, vector<16xf32>,
            tpu.vector_store %arg12[%swap3A_447, %swap3A_448], %gather3A_443 {strides = array<i32>} : memref<32x128xf32, #tpu.memory_space<vmem>>, vector<16xf32>,
            %add3A_450 = arith.constant 4 : i32
            %add3A_451 = vector.broadcast %add3A_450 : i32 to vector<16xi32>
            %add3A_452 = arith.addi %get3A_409, %add3A_451 : vector<16xi32>
            %gather3A_453 = tpu.vector_load_idx %arg10[%add3A_408, %add3A_452] : memref<256x128xf32, #tpu.memory_space<vmem>>[vector<16xi32>, vector<16xi32>], vector<16xf32>,
            %mul3A_454 = arith.constant 16 : i32
            %mul3A_455 = arith.muli %mul3A_454, %scan3A_402 : i32
            %swap3A_456 = arith.constant 4 : i32
            %swap3A_457 = arith.index_cast %swap3A_456 : i32 to index
            %swap3A_458 = arith.index_cast %mul3A_455 : i32 to index
            %swap3A_459 = tpu.vector_load %arg12[%swap3A_457, %swap3A_458] {strides = array<i32>} : memref<32x128xf32, #tpu.memory_space<vmem>>, vector<16xf32>,
            tpu.vector_store %arg12[%swap3A_457, %swap3A_458], %gather3A_453 {strides = array<i32>} : memref<32x128xf32, #tpu.memory_space<vmem>>, vector<16xf32>,
            %add3A_460 = arith.constant 5 : i32
            %add3A_461 = vector.broadcast %add3A_460 : i32 to vector<16xi32>
            %add3A_462 = arith.addi %get3A_409, %add3A_461 : vector<16xi32>
            %gather3A_463 = tpu.vector_load_idx %arg10[%add3A_408, %add3A_462] : memref<256x128xf32, #tpu.memory_space<vmem>>[vector<16xi32>, vector<16xi32>], vector<16xf32>,
            %mul3A_464 = arith.constant 16 : i32
            %mul3A_465 = arith.muli %mul3A_464, %scan3A_402 : i32
            %swap3A_466 = arith.constant 5 : i32
            %swap3A_467 = arith.index_cast %swap3A_466 : i32 to index
            %swap3A_468 = arith.index_cast %mul3A_465 : i32 to index
            %swap3A_469 = tpu.vector_load %arg12[%swap3A_467, %swap3A_468] {strides = array<i32>} : memref<32x128xf32, #tpu.memory_space<vmem>>, vector<16xf32>,
            tpu.vector_store %arg12[%swap3A_467, %swap3A_468], %gather3A_463 {strides = array<i32>} : memref<32x128xf32, #tpu.memory_space<vmem>>, vector<16xf32>,
            %add3A_470 = arith.constant 6 : i32
            %add3A_471 = vector.broadcast %add3A_470 : i32 to vector<16xi32>
            %add3A_472 = arith.addi %get3A_409, %add3A_471 : vector<16xi32>
            %gather3A_473 = tpu.vector_load_idx %arg10[%add3A_408, %add3A_472] : memref<256x128xf32, #tpu.memory_space<vmem>>[vector<16xi32>, vector<16xi32>], vector<16xf32>,
            %mul3A_474 = arith.constant 16 : i32
            %mul3A_475 = arith.muli %mul3A_474, %scan3A_402 : i32
            %swap3A_476 = arith.constant 6 : i32
            %swap3A_477 = arith.index_cast %swap3A_476 : i32 to index
            %swap3A_478 = arith.index_cast %mul3A_475 : i32 to index
            %swap3A_479 = tpu.vector_load %arg12[%swap3A_477, %swap3A_478] {strides = array<i32>} : memref<32x128xf32, #tpu.memory_space<vmem>>, vector<16xf32>,
            tpu.vector_store %arg12[%swap3A_477, %swap3A_478], %gather3A_473 {strides = array<i32>} : memref<32x128xf32, #tpu.memory_space<vmem>>, vector<16xf32>,
            %add3A_480 = arith.constant 7 : i32
            %add3A_481 = vector.broadcast %add3A_480 : i32 to vector<16xi32>
            %add3A_482 = arith.addi %get3A_409, %add3A_481 : vector<16xi32>
            %gather3A_483 = tpu.vector_load_idx %arg10[%add3A_408, %add3A_482] : memref<256x128xf32, #tpu.memory_space<vmem>>[vector<16xi32>, vector<16xi32>], vector<16xf32>,
            %mul3A_484 = arith.constant 16 : i32
            %mul3A_485 = arith.muli %mul3A_484, %scan3A_402 : i32
            %swap3A_486 = arith.constant 7 : i32
            %swap3A_487 = arith.index_cast %swap3A_486 : i32 to index
            %swap3A_488 = arith.index_cast %mul3A_485 : i32 to index
            %swap3A_489 = tpu.vector_load %arg12[%swap3A_487, %swap3A_488] {strides = array<i32>} : memref<32x128xf32, #tpu.memory_space<vmem>>, vector<16xf32>,
            tpu.vector_store %arg12[%swap3A_487, %swap3A_488], %gather3A_483 {strides = array<i32>} : memref<32x128xf32, #tpu.memory_space<vmem>>, vector<16xf32>,
            %add3A_490 = arith.constant 8 : i32
            %add3A_491 = vector.broadcast %add3A_490 : i32 to vector<16xi32>
            %add3A_492 = arith.addi %get3A_409, %add3A_491 : vector<16xi32>
            %gather3A_493 = tpu.vector_load_idx %arg10[%add3A_408, %add3A_492] : memref<256x128xf32, #tpu.memory_space<vmem>>[vector<16xi32>, vector<16xi32>], vector<16xf32>,
            %mul3A_494 = arith.constant 16 : i32
            %mul3A_495 = arith.muli %mul3A_494, %scan3A_402 : i32
            %swap3A_496 = arith.constant 8 : i32
            %swap3A_497 = arith.index_cast %swap3A_496 : i32 to index
            %swap3A_498 = arith.index_cast %mul3A_495 : i32 to index
            %swap3A_499 = tpu.vector_load %arg12[%swap3A_497, %swap3A_498] {strides = array<i32>} : memref<32x128xf32, #tpu.memory_space<vmem>>, vector<16xf32>,
            tpu.vector_store %arg12[%swap3A_497, %swap3A_498], %gather3A_493 {strides = array<i32>} : memref<32x128xf32, #tpu.memory_space<vmem>>, vector<16xf32>,
            %add3A_500 = arith.constant 9 : i32
            %add3A_501 = vector.broadcast %add3A_500 : i32 to vector<16xi32>
            %add3A_502 = arith.addi %get3A_409, %add3A_501 : vector<16xi32>
            %gather3A_503 = tpu.vector_load_idx %arg10[%add3A_408, %add3A_502] : memref<256x128xf32, #tpu.memory_space<vmem>>[vector<16xi32>, vector<16xi32>], vector<16xf32>,
            %mul3A_504 = arith.constant 16 : i32
            %mul3A_505 = arith.muli %mul3A_504, %scan3A_402 : i32
            %swap3A_506 = arith.constant 9 : i32
            %swap3A_507 = arith.index_cast %swap3A_506 : i32 to index
            %swap3A_508 = arith.index_cast %mul3A_505 : i32 to index
            %swap3A_509 = tpu.vector_load %arg12[%swap3A_507, %swap3A_508] {strides = array<i32>} : memref<32x128xf32, #tpu.memory_space<vmem>>, vector<16xf32>,
            tpu.vector_store %arg12[%swap3A_507, %swap3A_508], %gather3A_503 {strides = array<i32>} : memref<32x128xf32, #tpu.memory_space<vmem>>, vector<16xf32>,
            %add3A_510 = arith.constant 10 : i32
            %add3A_511 = vector.broadcast %add3A_510 : i32 to vector<16xi32>
            %add3A_512 = arith.addi %get3A_409, %add3A_511 : vector<16xi32>
            %gather3A_513 = tpu.vector_load_idx %arg10[%add3A_408, %add3A_512] : memref<256x128xf32, #tpu.memory_space<vmem>>[vector<16xi32>, vector<16xi32>], vector<16xf32>,
            %mul3A_514 = arith.constant 16 : i32
            %mul3A_515 = arith.muli %mul3A_514, %scan3A_402 : i32
            %swap3A_516 = arith.constant 10 : i32
            %swap3A_517 = arith.index_cast %swap3A_516 : i32 to index
            %swap3A_518 = arith.index_cast %mul3A_515 : i32 to index
            %swap3A_519 = tpu.vector_load %arg12[%swap3A_517, %swap3A_518] {strides = array<i32>} : memref<32x128xf32, #tpu.memory_space<vmem>>, vector<16xf32>,
            tpu.vector_store %arg12[%swap3A_517, %swap3A_518], %gather3A_513 {strides = array<i32>} : memref<32x128xf32, #tpu.memory_space<vmem>>, vector<16xf32>,
            %add3A_520 = arith.constant 11 : i32
            %add3A_521 = vector.broadcast %add3A_520 : i32 to vector<16xi32>
            %add3A_522 = arith.addi %get3A_409, %add3A_521 : vector<16xi32>
            %gather3A_523 = tpu.vector_load_idx %arg10[%add3A_408, %add3A_522] : memref<256x128xf32, #tpu.memory_space<vmem>>[vector<16xi32>, vector<16xi32>], vector<16xf32>,
            %mul3A_524 = arith.constant 16 : i32
            %mul3A_525 = arith.muli %mul3A_524, %scan3A_402 : i32
            %swap3A_526 = arith.constant 11 : i32
            %swap3A_527 = arith.index_cast %swap3A_526 : i32 to index
            %swap3A_528 = arith.index_cast %mul3A_525 : i32 to index
            %swap3A_529 = tpu.vector_load %arg12[%swap3A_527, %swap3A_528] {strides = array<i32>} : memref<32x128xf32, #tpu.memory_space<vmem>>, vector<16xf32>,
            tpu.vector_store %arg12[%swap3A_527, %swap3A_528], %gather3A_523 {strides = array<i32>} : memref<32x128xf32, #tpu.memory_space<vmem>>, vector<16xf32>,
            %add3A_530 = arith.constant 12 : i32
            %add3A_531 = vector.broadcast %add3A_530 : i32 to vector<16xi32>
            %add3A_532 = arith.addi %get3A_409, %add3A_531 : vector<16xi32>
            %gather3A_533 = tpu.vector_load_idx %arg10[%add3A_408, %add3A_532] : memref<256x128xf32, #tpu.memory_space<vmem>>[vector<16xi32>, vector<16xi32>], vector<16xf32>,
            %mul3A_534 = arith.constant 16 : i32
            %mul3A_535 = arith.muli %mul3A_534, %scan3A_402 : i32
            %swap3A_536 = arith.constant 12 : i32
            %swap3A_537 = arith.index_cast %swap3A_536 : i32 to index
            %swap3A_538 = arith.index_cast %mul3A_535 : i32 to index
            %swap3A_539 = tpu.vector_load %arg12[%swap3A_537, %swap3A_538] {strides = array<i32>} : memref<32x128xf32, #tpu.memory_space<vmem>>, vector<16xf32>,
            tpu.vector_store %arg12[%swap3A_537, %swap3A_538], %gather3A_533 {strides = array<i32>} : memref<32x128xf32, #tpu.memory_space<vmem>>, vector<16xf32>,
            %add3A_540 = arith.constant 13 : i32
            %add3A_541 = vector.broadcast %add3A_540 : i32 to vector<16xi32>
            %add3A_542 = arith.addi %get3A_409, %add3A_541 : vector<16xi32>
            %gather3A_543 = tpu.vector_load_idx %arg10[%add3A_408, %add3A_542] : memref<256x128xf32, #tpu.memory_space<vmem>>[vector<16xi32>, vector<16xi32>], vector<16xf32>,
            %mul3A_544 = arith.constant 16 : i32
            %mul3A_545 = arith.muli %mul3A_544, %scan3A_402 : i32
            %swap3A_546 = arith.constant 13 : i32
            %swap3A_547 = arith.index_cast %swap3A_546 : i32 to index
            %swap3A_548 = arith.index_cast %mul3A_545 : i32 to index
            %swap3A_549 = tpu.vector_load %arg12[%swap3A_547, %swap3A_548] {strides = array<i32>} : memref<32x128xf32, #tpu.memory_space<vmem>>, vector<16xf32>,
            tpu.vector_store %arg12[%swap3A_547, %swap3A_548], %gather3A_543 {strides = array<i32>} : memref<32x128xf32, #tpu.memory_space<vmem>>, vector<16xf32>,
            %add3A_550 = arith.constant 14 : i32
            %add3A_551 = vector.broadcast %add3A_550 : i32 to vector<16xi32>
            %add3A_552 = arith.addi %get3A_409, %add3A_551 : vector<16xi32>
            %gather3A_553 = tpu.vector_load_idx %arg10[%add3A_408, %add3A_552] : memref<256x128xf32, #tpu.memory_space<vmem>>[vector<16xi32>, vector<16xi32>], vector<16xf32>,
            %mul3A_554 = arith.constant 16 : i32
            %mul3A_555 = arith.muli %mul3A_554, %scan3A_402 : i32
            %swap3A_556 = arith.constant 14 : i32
            %swap3A_557 = arith.index_cast %swap3A_556 : i32 to index
            %swap3A_558 = arith.index_cast %mul3A_555 : i32 to index
            %swap3A_559 = tpu.vector_load %arg12[%swap3A_557, %swap3A_558] {strides = array<i32>} : memref<32x128xf32, #tpu.memory_space<vmem>>, vector<16xf32>,
            tpu.vector_store %arg12[%swap3A_557, %swap3A_558], %gather3A_553 {strides = array<i32>} : memref<32x128xf32, #tpu.memory_space<vmem>>, vector<16xf32>,
            %add3A_560 = arith.constant 15 : i32
            %add3A_561 = vector.broadcast %add3A_560 : i32 to vector<16xi32>
            %add3A_562 = arith.addi %get3A_409, %add3A_561 : vector<16xi32>
            %gather3A_563 = tpu.vector_load_idx %arg10[%add3A_408, %add3A_562] : memref<256x128xf32, #tpu.memory_space<vmem>>[vector<16xi32>, vector<16xi32>], vector<16xf32>,
            %mul3A_564 = arith.constant 16 : i32
            %mul3A_565 = arith.muli %mul3A_564, %scan3A_402 : i32
            %swap3A_566 = arith.constant 15 : i32
            %swap3A_567 = arith.index_cast %swap3A_566 : i32 to index
            %swap3A_568 = arith.index_cast %mul3A_565 : i32 to index
            %swap3A_569 = tpu.vector_load %arg12[%swap3A_567, %swap3A_568] {strides = array<i32>} : memref<32x128xf32, #tpu.memory_space<vmem>>, vector<16xf32>,
            tpu.vector_store %arg12[%swap3A_567, %swap3A_568], %gather3A_563 {strides = array<i32>} : memref<32x128xf32, #tpu.memory_space<vmem>>, vector<16xf32>,
            %add3A_570 = arith.constant 16 : i32
            %add3A_571 = vector.broadcast %add3A_570 : i32 to vector<16xi32>
            %add3A_572 = arith.addi %get3A_409, %add3A_571 : vector<16xi32>
            %gather3A_573 = tpu.vector_load_idx %arg10[%add3A_408, %add3A_572] : memref<256x128xf32, #tpu.memory_space<vmem>>[vector<16xi32>, vector<16xi32>], vector<16xf32>,
            %mul3A_574 = arith.constant 16 : i32
            %mul3A_575 = arith.muli %mul3A_574, %scan3A_402 : i32
            %swap3A_576 = arith.constant 16 : i32
            %swap3A_577 = arith.index_cast %swap3A_576 : i32 to index
            %swap3A_578 = arith.index_cast %mul3A_575 : i32 to index
            %swap3A_579 = tpu.vector_load %arg12[%swap3A_577, %swap3A_578] {strides = array<i32>} : memref<32x128xf32, #tpu.memory_space<vmem>>, vector<16xf32>,
            tpu.vector_store %arg12[%swap3A_577, %swap3A_578], %gather3A_573 {strides = array<i32>} : memref<32x128xf32, #tpu.memory_space<vmem>>, vector<16xf32>,
            %add3A_580 = arith.constant 17 : i32
            %add3A_581 = vector.broadcast %add3A_580 : i32 to vector<16xi32>
            %add3A_582 = arith.addi %get3A_409, %add3A_581 : vector<16xi32>
            %gather3A_583 = tpu.vector_load_idx %arg10[%add3A_408, %add3A_582] : memref<256x128xf32, #tpu.memory_space<vmem>>[vector<16xi32>, vector<16xi32>], vector<16xf32>,
            %mul3A_584 = arith.constant 16 : i32
            %mul3A_585 = arith.muli %mul3A_584, %scan3A_402 : i32
            %swap3A_586 = arith.constant 17 : i32
            %swap3A_587 = arith.index_cast %swap3A_586 : i32 to index
            %swap3A_588 = arith.index_cast %mul3A_585 : i32 to index
            %swap3A_589 = tpu.vector_load %arg12[%swap3A_587, %swap3A_588] {strides = array<i32>} : memref<32x128xf32, #tpu.memory_space<vmem>>, vector<16xf32>,
            tpu.vector_store %arg12[%swap3A_587, %swap3A_588], %gather3A_583 {strides = array<i32>} : memref<32x128xf32, #tpu.memory_space<vmem>>, vector<16xf32>,
            %add3A_590 = arith.constant 18 : i32
            %add3A_591 = vector.broadcast %add3A_590 : i32 to vector<16xi32>
            %add3A_592 = arith.addi %get3A_409, %add3A_591 : vector<16xi32>
            %gather3A_593 = tpu.vector_load_idx %arg10[%add3A_408, %add3A_592] : memref<256x128xf32, #tpu.memory_space<vmem>>[vector<16xi32>, vector<16xi32>], vector<16xf32>,
            %mul3A_594 = arith.constant 16 : i32
            %mul3A_595 = arith.muli %mul3A_594, %scan3A_402 : i32
            %swap3A_596 = arith.constant 18 : i32
            %swap3A_597 = arith.index_cast %swap3A_596 : i32 to index
            %swap3A_598 = arith.index_cast %mul3A_595 : i32 to index
            %swap3A_599 = tpu.vector_load %arg12[%swap3A_597, %swap3A_598] {strides = array<i32>} : memref<32x128xf32, #tpu.memory_space<vmem>>, vector<16xf32>,
            tpu.vector_store %arg12[%swap3A_597, %swap3A_598], %gather3A_593 {strides = array<i32>} : memref<32x128xf32, #tpu.memory_space<vmem>>, vector<16xf32>,
            %add3A_600 = arith.constant 19 : i32
            %add3A_601 = vector.broadcast %add3A_600 : i32 to vector<16xi32>
            %add3A_602 = arith.addi %get3A_409, %add3A_601 : vector<16xi32>
            %gather3A_603 = tpu.vector_load_idx %arg10[%add3A_408, %add3A_602] : memref<256x128xf32, #tpu.memory_space<vmem>>[vector<16xi32>, vector<16xi32>], vector<16xf32>,
            %mul3A_604 = arith.constant 16 : i32
            %mul3A_605 = arith.muli %mul3A_604, %scan3A_402 : i32
            %swap3A_606 = arith.constant 19 : i32
            %swap3A_607 = arith.index_cast %swap3A_606 : i32 to index
            %swap3A_608 = arith.index_cast %mul3A_605 : i32 to index
            %swap3A_609 = tpu.vector_load %arg12[%swap3A_607, %swap3A_608] {strides = array<i32>} : memref<32x128xf32, #tpu.memory_space<vmem>>, vector<16xf32>,
            tpu.vector_store %arg12[%swap3A_607, %swap3A_608], %gather3A_603 {strides = array<i32>} : memref<32x128xf32, #tpu.memory_space<vmem>>, vector<16xf32>,
            %add3A_610 = arith.constant 20 : i32
            %add3A_611 = vector.broadcast %add3A_610 : i32 to vector<16xi32>
            %add3A_612 = arith.addi %get3A_409, %add3A_611 : vector<16xi32>
            %gather3A_613 = tpu.vector_load_idx %arg10[%add3A_408, %add3A_612] : memref<256x128xf32, #tpu.memory_space<vmem>>[vector<16xi32>, vector<16xi32>], vector<16xf32>,
            %mul3A_614 = arith.constant 16 : i32
            %mul3A_615 = arith.muli %mul3A_614, %scan3A_402 : i32
            %swap3A_616 = arith.constant 20 : i32
            %swap3A_617 = arith.index_cast %swap3A_616 : i32 to index
            %swap3A_618 = arith.index_cast %mul3A_615 : i32 to index
            %swap3A_619 = tpu.vector_load %arg12[%swap3A_617, %swap3A_618] {strides = array<i32>} : memref<32x128xf32, #tpu.memory_space<vmem>>, vector<16xf32>,
            tpu.vector_store %arg12[%swap3A_617, %swap3A_618], %gather3A_613 {strides = array<i32>} : memref<32x128xf32, #tpu.memory_space<vmem>>, vector<16xf32>,
            %add3A_620 = arith.constant 21 : i32
            %add3A_621 = vector.broadcast %add3A_620 : i32 to vector<16xi32>
            %add3A_622 = arith.addi %get3A_409, %add3A_621 : vector<16xi32>
            %gather3A_623 = tpu.vector_load_idx %arg10[%add3A_408, %add3A_622] : memref<256x128xf32, #tpu.memory_space<vmem>>[vector<16xi32>, vector<16xi32>], vector<16xf32>,
            %mul3A_624 = arith.constant 16 : i32
            %mul3A_625 = arith.muli %mul3A_624, %scan3A_402 : i32
            %swap3A_626 = arith.constant 21 : i32
            %swap3A_627 = arith.index_cast %swap3A_626 : i32 to index
            %swap3A_628 = arith.index_cast %mul3A_625 : i32 to index
            %swap3A_629 = tpu.vector_load %arg12[%swap3A_627, %swap3A_628] {strides = array<i32>} : memref<32x128xf32, #tpu.memory_space<vmem>>, vector<16xf32>,
            tpu.vector_store %arg12[%swap3A_627, %swap3A_628], %gather3A_623 {strides = array<i32>} : memref<32x128xf32, #tpu.memory_space<vmem>>, vector<16xf32>,
            %add3A_630 = arith.constant 22 : i32
            %add3A_631 = vector.broadcast %add3A_630 : i32 to vector<16xi32>
            %add3A_632 = arith.addi %get3A_409, %add3A_631 : vector<16xi32>
            %gather3A_633 = tpu.vector_load_idx %arg10[%add3A_408, %add3A_632] : memref<256x128xf32, #tpu.memory_space<vmem>>[vector<16xi32>, vector<16xi32>], vector<16xf32>,
            %mul3A_634 = arith.constant 16 : i32
            %mul3A_635 = arith.muli %mul3A_634, %scan3A_402 : i32
            %swap3A_636 = arith.constant 22 : i32
            %swap3A_637 = arith.index_cast %swap3A_636 : i32 to index
            %swap3A_638 = arith.index_cast %mul3A_635 : i32 to index
            %swap3A_639 = tpu.vector_load %arg12[%swap3A_637, %swap3A_638] {strides = array<i32>} : memref<32x128xf32, #tpu.memory_space<vmem>>, vector<16xf32>,
            tpu.vector_store %arg12[%swap3A_637, %swap3A_638], %gather3A_633 {strides = array<i32>} : memref<32x128xf32, #tpu.memory_space<vmem>>, vector<16xf32>,
            %add3A_640 = arith.constant 23 : i32
            %add3A_641 = vector.broadcast %add3A_640 : i32 to vector<16xi32>
            %add3A_642 = arith.addi %get3A_409, %add3A_641 : vector<16xi32>
            %gather3A_643 = tpu.vector_load_idx %arg10[%add3A_408, %add3A_642] : memref<256x128xf32, #tpu.memory_space<vmem>>[vector<16xi32>, vector<16xi32>], vector<16xf32>,
            %mul3A_644 = arith.constant 16 : i32
            %mul3A_645 = arith.muli %mul3A_644, %scan3A_402 : i32
            %swap3A_646 = arith.constant 23 : i32
            %swap3A_647 = arith.index_cast %swap3A_646 : i32 to index
            %swap3A_648 = arith.index_cast %mul3A_645 : i32 to index
            %swap3A_649 = tpu.vector_load %arg12[%swap3A_647, %swap3A_648] {strides = array<i32>} : memref<32x128xf32, #tpu.memory_space<vmem>>, vector<16xf32>,
            tpu.vector_store %arg12[%swap3A_647, %swap3A_648], %gather3A_643 {strides = array<i32>} : memref<32x128xf32, #tpu.memory_space<vmem>>, vector<16xf32>,
            %add3A_650 = arith.constant 24 : i32
            %add3A_651 = vector.broadcast %add3A_650 : i32 to vector<16xi32>
            %add3A_652 = arith.addi %get3A_409, %add3A_651 : vector<16xi32>
            %gather3A_653 = tpu.vector_load_idx %arg10[%add3A_408, %add3A_652] : memref<256x128xf32, #tpu.memory_space<vmem>>[vector<16xi32>, vector<16xi32>], vector<16xf32>,
            %mul3A_654 = arith.constant 16 : i32
            %mul3A_655 = arith.muli %mul3A_654, %scan3A_402 : i32
            %swap3A_656 = arith.constant 24 : i32
            %swap3A_657 = arith.index_cast %swap3A_656 : i32 to index
            %swap3A_658 = arith.index_cast %mul3A_655 : i32 to index
            %swap3A_659 = tpu.vector_load %arg12[%swap3A_657, %swap3A_658] {strides = array<i32>} : memref<32x128xf32, #tpu.memory_space<vmem>>, vector<16xf32>,
            tpu.vector_store %arg12[%swap3A_657, %swap3A_658], %gather3A_653 {strides = array<i32>} : memref<32x128xf32, #tpu.memory_space<vmem>>, vector<16xf32>,
            %add3A_660 = arith.constant 25 : i32
            %add3A_661 = vector.broadcast %add3A_660 : i32 to vector<16xi32>
            %add3A_662 = arith.addi %get3A_409, %add3A_661 : vector<16xi32>
            %gather3A_663 = tpu.vector_load_idx %arg10[%add3A_408, %add3A_662] : memref<256x128xf32, #tpu.memory_space<vmem>>[vector<16xi32>, vector<16xi32>], vector<16xf32>,
            %mul3A_664 = arith.constant 16 : i32
            %mul3A_665 = arith.muli %mul3A_664, %scan3A_402 : i32
            %swap3A_666 = arith.constant 25 : i32
            %swap3A_667 = arith.index_cast %swap3A_666 : i32 to index
            %swap3A_668 = arith.index_cast %mul3A_665 : i32 to index
            %swap3A_669 = tpu.vector_load %arg12[%swap3A_667, %swap3A_668] {strides = array<i32>} : memref<32x128xf32, #tpu.memory_space<vmem>>, vector<16xf32>,
            tpu.vector_store %arg12[%swap3A_667, %swap3A_668], %gather3A_663 {strides = array<i32>} : memref<32x128xf32, #tpu.memory_space<vmem>>, vector<16xf32>,
            %add3A_670 = arith.constant 26 : i32
            %add3A_671 = vector.broadcast %add3A_670 : i32 to vector<16xi32>
            %add3A_672 = arith.addi %get3A_409, %add3A_671 : vector<16xi32>
            %gather3A_673 = tpu.vector_load_idx %arg10[%add3A_408, %add3A_672] : memref<256x128xf32, #tpu.memory_space<vmem>>[vector<16xi32>, vector<16xi32>], vector<16xf32>,
            %mul3A_674 = arith.constant 16 : i32
            %mul3A_675 = arith.muli %mul3A_674, %scan3A_402 : i32
            %swap3A_676 = arith.constant 26 : i32
            %swap3A_677 = arith.index_cast %swap3A_676 : i32 to index
            %swap3A_678 = arith.index_cast %mul3A_675 : i32 to index
            %swap3A_679 = tpu.vector_load %arg12[%swap3A_677, %swap3A_678] {strides = array<i32>} : memref<32x128xf32, #tpu.memory_space<vmem>>, vector<16xf32>,
            tpu.vector_store %arg12[%swap3A_677, %swap3A_678], %gather3A_673 {strides = array<i32>} : memref<32x128xf32, #tpu.memory_space<vmem>>, vector<16xf32>,
            %add3A_680 = arith.constant 27 : i32
            %add3A_681 = vector.broadcast %add3A_680 : i32 to vector<16xi32>
            %add3A_682 = arith.addi %get3A_409, %add3A_681 : vector<16xi32>
            %gather3A_683 = tpu.vector_load_idx %arg10[%add3A_408, %add3A_682] : memref<256x128xf32, #tpu.memory_space<vmem>>[vector<16xi32>, vector<16xi32>], vector<16xf32>,
            %mul3A_684 = arith.constant 16 : i32
            %mul3A_685 = arith.muli %mul3A_684, %scan3A_402 : i32
            %swap3A_686 = arith.constant 27 : i32
            %swap3A_687 = arith.index_cast %swap3A_686 : i32 to index
            %swap3A_688 = arith.index_cast %mul3A_685 : i32 to index
            %swap3A_689 = tpu.vector_load %arg12[%swap3A_687, %swap3A_688] {strides = array<i32>} : memref<32x128xf32, #tpu.memory_space<vmem>>, vector<16xf32>,
            tpu.vector_store %arg12[%swap3A_687, %swap3A_688], %gather3A_683 {strides = array<i32>} : memref<32x128xf32, #tpu.memory_space<vmem>>, vector<16xf32>,
            %add3A_690 = arith.constant 28 : i32
            %add3A_691 = vector.broadcast %add3A_690 : i32 to vector<16xi32>
            %add3A_692 = arith.addi %get3A_409, %add3A_691 : vector<16xi32>
            %gather3A_693 = tpu.vector_load_idx %arg10[%add3A_408, %add3A_692] : memref<256x128xf32, #tpu.memory_space<vmem>>[vector<16xi32>, vector<16xi32>], vector<16xf32>,
            %mul3A_694 = arith.constant 16 : i32
            %mul3A_695 = arith.muli %mul3A_694, %scan3A_402 : i32
            %swap3A_696 = arith.constant 28 : i32
            %swap3A_697 = arith.index_cast %swap3A_696 : i32 to index
            %swap3A_698 = arith.index_cast %mul3A_695 : i32 to index
            %swap3A_699 = tpu.vector_load %arg12[%swap3A_697, %swap3A_698] {strides = array<i32>} : memref<32x128xf32, #tpu.memory_space<vmem>>, vector<16xf32>,
            tpu.vector_store %arg12[%swap3A_697, %swap3A_698], %gather3A_693 {strides = array<i32>} : memref<32x128xf32, #tpu.memory_space<vmem>>, vector<16xf32>,
            %add3A_700 = arith.constant 29 : i32
            %add3A_701 = vector.broadcast %add3A_700 : i32 to vector<16xi32>
            %add3A_702 = arith.addi %get3A_409, %add3A_701 : vector<16xi32>
            %gather3A_703 = tpu.vector_load_idx %arg10[%add3A_408, %add3A_702] : memref<256x128xf32, #tpu.memory_space<vmem>>[vector<16xi32>, vector<16xi32>], vector<16xf32>,
            %mul3A_704 = arith.constant 16 : i32
            %mul3A_705 = arith.muli %mul3A_704, %scan3A_402 : i32
            %swap3A_706 = arith.constant 29 : i32
            %swap3A_707 = arith.index_cast %swap3A_706 : i32 to index
            %swap3A_708 = arith.index_cast %mul3A_705 : i32 to index
            %swap3A_709 = tpu.vector_load %arg12[%swap3A_707, %swap3A_708] {strides = array<i32>} : memref<32x128xf32, #tpu.memory_space<vmem>>, vector<16xf32>,
            tpu.vector_store %arg12[%swap3A_707, %swap3A_708], %gather3A_703 {strides = array<i32>} : memref<32x128xf32, #tpu.memory_space<vmem>>, vector<16xf32>,
            %add3A_710 = arith.constant 30 : i32
            %add3A_711 = vector.broadcast %add3A_710 : i32 to vector<16xi32>
            %add3A_712 = arith.addi %get3A_409, %add3A_711 : vector<16xi32>
            %gather3A_713 = tpu.vector_load_idx %arg10[%add3A_408, %add3A_712] : memref<256x128xf32, #tpu.memory_space<vmem>>[vector<16xi32>, vector<16xi32>], vector<16xf32>,
            %mul3A_714 = arith.constant 16 : i32
            %mul3A_715 = arith.muli %mul3A_714, %scan3A_402 : i32
            %swap3A_716 = arith.constant 30 : i32
            %swap3A_717 = arith.index_cast %swap3A_716 : i32 to index
            %swap3A_718 = arith.index_cast %mul3A_715 : i32 to index
            %swap3A_719 = tpu.vector_load %arg12[%swap3A_717, %swap3A_718] {strides = array<i32>} : memref<32x128xf32, #tpu.memory_space<vmem>>, vector<16xf32>,
            tpu.vector_store %arg12[%swap3A_717, %swap3A_718], %gather3A_713 {strides = array<i32>} : memref<32x128xf32, #tpu.memory_space<vmem>>, vector<16xf32>,
            %add3A_720 = arith.constant 31 : i32
            %add3A_721 = vector.broadcast %add3A_720 : i32 to vector<16xi32>
            %add3A_722 = arith.addi %get3A_409, %add3A_721 : vector<16xi32>
            %gather3A_723 = tpu.vector_load_idx %arg10[%add3A_408, %add3A_722] : memref<256x128xf32, #tpu.memory_space<vmem>>[vector<16xi32>, vector<16xi32>], vector<16xf32>,
            %mul3A_724 = arith.constant 16 : i32
            %mul3A_725 = arith.muli %mul3A_724, %scan3A_402 : i32
            %swap3A_726 = arith.constant 31 : i32
            %swap3A_727 = arith.index_cast %swap3A_726 : i32 to index
            %swap3A_728 = arith.index_cast %mul3A_725 : i32 to index
            %swap3A_729 = tpu.vector_load %arg12[%swap3A_727, %swap3A_728] {strides = array<i32>} : memref<32x128xf32, #tpu.memory_space<vmem>>, vector<16xf32>,
            tpu.vector_store %arg12[%swap3A_727, %swap3A_728], %gather3A_723 {strides = array<i32>} : memref<32x128xf32, #tpu.memory_space<vmem>>, vector<16xf32>,
            %scan3A_730 = arith.constant 1 : i32
            %scan3A_731 = arith.addi %scan3A_402, %scan3A_730 : i32
            %mul3A_732 = arith.constant 16 : i32
            %mul3A_733 = arith.muli %mul3A_732, %scan3A_731 : i32
            %add3A_734 = arith.constant 0 : i32
            %add3A_735 = arith.addi %add3A_734, %mul3A_733 : i32
            %add3A_736 = vector.broadcast %add3A_735 : i32 to vector<16xi32>
            %add3A_737 = arith.addi %add3A_736, %iota3A : vector<16xi32>
            %get3A_738 = arith.index_cast %add3A_735 : i32 to index
            %get3A_739 = tpu.vector_load %arg8[%get3A_738] {strides = array<i32>} : memref<256xi32, #tpu.memory_space<vmem>>, vector<16xi32>,
            %add3A_740 = arith.constant 0 : i32
            %add3A_741 = vector.broadcast %add3A_740 : i32 to vector<16xi32>
            %add3A_742 = arith.addi %get3A_739, %add3A_741 : vector<16xi32>
            %gather3A_743 = tpu.vector_load_idx %arg10[%add3A_737, %add3A_742] : memref<256x128xf32, #tpu.memory_space<vmem>>[vector<16xi32>, vector<16xi32>], vector<16xf32>,
            %mul3A_744 = arith.constant 16 : i32
            %mul3A_745 = arith.muli %mul3A_744, %scan3A_731 : i32
            %swap3A_746 = arith.constant 0 : i32
            %swap3A_747 = arith.index_cast %swap3A_746 : i32 to index
            %swap3A_748 = arith.index_cast %mul3A_745 : i32 to index
            %swap3A_749 = tpu.vector_load %arg12[%swap3A_747, %swap3A_748] {strides = array<i32>} : memref<32x128xf32, #tpu.memory_space<vmem>>, vector<16xf32>,
            tpu.vector_store %arg12[%swap3A_747, %swap3A_748], %gather3A_743 {strides = array<i32>} : memref<32x128xf32, #tpu.memory_space<vmem>>, vector<16xf32>,
            %add3A_750 = arith.constant 1 : i32
            %add3A_751 = vector.broadcast %add3A_750 : i32 to vector<16xi32>
            %add3A_752 = arith.addi %get3A_739, %add3A_751 : vector<16xi32>
            %gather3A_753 = tpu.vector_load_idx %arg10[%add3A_737, %add3A_752] : memref<256x128xf32, #tpu.memory_space<vmem>>[vector<16xi32>, vector<16xi32>], vector<16xf32>,
            %mul3A_754 = arith.constant 16 : i32
            %mul3A_755 = arith.muli %mul3A_754, %scan3A_731 : i32
            %swap3A_756 = arith.constant 1 : i32
            %swap3A_757 = arith.index_cast %swap3A_756 : i32 to index
            %swap3A_758 = arith.index_cast %mul3A_755 : i32 to index
            %swap3A_759 = tpu.vector_load %arg12[%swap3A_757, %swap3A_758] {strides = array<i32>} : memref<32x128xf32, #tpu.memory_space<vmem>>, vector<16xf32>,
            tpu.vector_store %arg12[%swap3A_757, %swap3A_758], %gather3A_753 {strides = array<i32>} : memref<32x128xf32, #tpu.memory_space<vmem>>, vector<16xf32>,
            %add3A_760 = arith.constant 2 : i32
            %add3A_761 = vector.broadcast %add3A_760 : i32 to vector<16xi32>
            %add3A_762 = arith.addi %get3A_739, %add3A_761 : vector<16xi32>
            %gather3A_763 = tpu.vector_load_idx %arg10[%add3A_737, %add3A_762] : memref<256x128xf32, #tpu.memory_space<vmem>>[vector<16xi32>, vector<16xi32>], vector<16xf32>,
            %mul3A_764 = arith.constant 16 : i32
            %mul3A_765 = arith.muli %mul3A_764, %scan3A_731 : i32
            %swap3A_766 = arith.constant 2 : i32
            %swap3A_767 = arith.index_cast %swap3A_766 : i32 to index
            %swap3A_768 = arith.index_cast %mul3A_765 : i32 to index
            %swap3A_769 = tpu.vector_load %arg12[%swap3A_767, %swap3A_768] {strides = array<i32>} : memref<32x128xf32, #tpu.memory_space<vmem>>, vector<16xf32>,
            tpu.vector_store %arg12[%swap3A_767, %swap3A_768], %gather3A_763 {strides = array<i32>} : memref<32x128xf32, #tpu.memory_space<vmem>>, vector<16xf32>,
            %add3A_770 = arith.constant 3 : i32
            %add3A_771 = vector.broadcast %add3A_770 : i32 to vector<16xi32>
            %add3A_772 = arith.addi %get3A_739, %add3A_771 : vector<16xi32>
            %gather3A_773 = tpu.vector_load_idx %arg10[%add3A_737, %add3A_772] : memref<256x128xf32, #tpu.memory_space<vmem>>[vector<16xi32>, vector<16xi32>], vector<16xf32>,
            %mul3A_774 = arith.constant 16 : i32
            %mul3A_775 = arith.muli %mul3A_774, %scan3A_731 : i32
            %swap3A_776 = arith.constant 3 : i32
            %swap3A_777 = arith.index_cast %swap3A_776 : i32 to index
            %swap3A_778 = arith.index_cast %mul3A_775 : i32 to index
            %swap3A_779 = tpu.vector_load %arg12[%swap3A_777, %swap3A_778] {strides = array<i32>} : memref<32x128xf32, #tpu.memory_space<vmem>>, vector<16xf32>,
            tpu.vector_store %arg12[%swap3A_777, %swap3A_778], %gather3A_773 {strides = array<i32>} : memref<32x128xf32, #tpu.memory_space<vmem>>, vector<16xf32>,
            %add3A_780 = arith.constant 4 : i32
            %add3A_781 = vector.broadcast %add3A_780 : i32 to vector<16xi32>
            %add3A_782 = arith.addi %get3A_739, %add3A_781 : vector<16xi32>
            %gather3A_783 = tpu.vector_load_idx %arg10[%add3A_737, %add3A_782] : memref<256x128xf32, #tpu.memory_space<vmem>>[vector<16xi32>, vector<16xi32>], vector<16xf32>,
            %mul3A_784 = arith.constant 16 : i32
            %mul3A_785 = arith.muli %mul3A_784, %scan3A_731 : i32
            %swap3A_786 = arith.constant 4 : i32
            %swap3A_787 = arith.index_cast %swap3A_786 : i32 to index
            %swap3A_788 = arith.index_cast %mul3A_785 : i32 to index
            %swap3A_789 = tpu.vector_load %arg12[%swap3A_787, %swap3A_788] {strides = array<i32>} : memref<32x128xf32, #tpu.memory_space<vmem>>, vector<16xf32>,
            tpu.vector_store %arg12[%swap3A_787, %swap3A_788], %gather3A_783 {strides = array<i32>} : memref<32x128xf32, #tpu.memory_space<vmem>>, vector<16xf32>,
            %add3A_790 = arith.constant 5 : i32
            %add3A_791 = vector.broadcast %add3A_790 : i32 to vector<16xi32>
            %add3A_792 = arith.addi %get3A_739, %add3A_791 : vector<16xi32>
            %gather3A_793 = tpu.vector_load_idx %arg10[%add3A_737, %add3A_792] : memref<256x128xf32, #tpu.memory_space<vmem>>[vector<16xi32>, vector<16xi32>], vector<16xf32>,
            %mul3A_794 = arith.constant 16 : i32
            %mul3A_795 = arith.muli %mul3A_794, %scan3A_731 : i32
            %swap3A_796 = arith.constant 5 : i32
            %swap3A_797 = arith.index_cast %swap3A_796 : i32 to index
            %swap3A_798 = arith.index_cast %mul3A_795 : i32 to index
            %swap3A_799 = tpu.vector_load %arg12[%swap3A_797, %swap3A_798] {strides = array<i32>} : memref<32x128xf32, #tpu.memory_space<vmem>>, vector<16xf32>,
            tpu.vector_store %arg12[%swap3A_797, %swap3A_798], %gather3A_793 {strides = array<i32>} : memref<32x128xf32, #tpu.memory_space<vmem>>, vector<16xf32>,
            %add3A_800 = arith.constant 6 : i32
            %add3A_801 = vector.broadcast %add3A_800 : i32 to vector<16xi32>
            %add3A_802 = arith.addi %get3A_739, %add3A_801 : vector<16xi32>
            %gather3A_803 = tpu.vector_load_idx %arg10[%add3A_737, %add3A_802] : memref<256x128xf32, #tpu.memory_space<vmem>>[vector<16xi32>, vector<16xi32>], vector<16xf32>,
            %mul3A_804 = arith.constant 16 : i32
            %mul3A_805 = arith.muli %mul3A_804, %scan3A_731 : i32
            %swap3A_806 = arith.constant 6 : i32
            %swap3A_807 = arith.index_cast %swap3A_806 : i32 to index
            %swap3A_808 = arith.index_cast %mul3A_805 : i32 to index
            %swap3A_809 = tpu.vector_load %arg12[%swap3A_807, %swap3A_808] {strides = array<i32>} : memref<32x128xf32, #tpu.memory_space<vmem>>, vector<16xf32>,
            tpu.vector_store %arg12[%swap3A_807, %swap3A_808], %gather3A_803 {strides = array<i32>} : memref<32x128xf32, #tpu.memory_space<vmem>>, vector<16xf32>,
            %add3A_810 = arith.constant 7 : i32
            %add3A_811 = vector.broadcast %add3A_810 : i32 to vector<16xi32>
            %add3A_812 = arith.addi %get3A_739, %add3A_811 : vector<16xi32>
            %gather3A_813 = tpu.vector_load_idx %arg10[%add3A_737, %add3A_812] : memref<256x128xf32, #tpu.memory_space<vmem>>[vector<16xi32>, vector<16xi32>], vector<16xf32>,
            %mul3A_814 = arith.constant 16 : i32
            %mul3A_815 = arith.muli %mul3A_814, %scan3A_731 : i32
            %swap3A_816 = arith.constant 7 : i32
            %swap3A_817 = arith.index_cast %swap3A_816 : i32 to index
            %swap3A_818 = arith.index_cast %mul3A_815 : i32 to index
            %swap3A_819 = tpu.vector_load %arg12[%swap3A_817, %swap3A_818] {strides = array<i32>} : memref<32x128xf32, #tpu.memory_space<vmem>>, vector<16xf32>,
            tpu.vector_store %arg12[%swap3A_817, %swap3A_818], %gather3A_813 {strides = array<i32>} : memref<32x128xf32, #tpu.memory_space<vmem>>, vector<16xf32>,
            %add3A_820 = arith.constant 8 : i32
            %add3A_821 = vector.broadcast %add3A_820 : i32 to vector<16xi32>
            %add3A_822 = arith.addi %get3A_739, %add3A_821 : vector<16xi32>
            %gather3A_823 = tpu.vector_load_idx %arg10[%add3A_737, %add3A_822] : memref<256x128xf32, #tpu.memory_space<vmem>>[vector<16xi32>, vector<16xi32>], vector<16xf32>,
            %mul3A_824 = arith.constant 16 : i32
            %mul3A_825 = arith.muli %mul3A_824, %scan3A_731 : i32
            %swap3A_826 = arith.constant 8 : i32
            %swap3A_827 = arith.index_cast %swap3A_826 : i32 to index
            %swap3A_828 = arith.index_cast %mul3A_825 : i32 to index
            %swap3A_829 = tpu.vector_load %arg12[%swap3A_827, %swap3A_828] {strides = array<i32>} : memref<32x128xf32, #tpu.memory_space<vmem>>, vector<16xf32>,
            tpu.vector_store %arg12[%swap3A_827, %swap3A_828], %gather3A_823 {strides = array<i32>} : memref<32x128xf32, #tpu.memory_space<vmem>>, vector<16xf32>,
            %add3A_830 = arith.constant 9 : i32
            %add3A_831 = vector.broadcast %add3A_830 : i32 to vector<16xi32>
            %add3A_832 = arith.addi %get3A_739, %add3A_831 : vector<16xi32>
            %gather3A_833 = tpu.vector_load_idx %arg10[%add3A_737, %add3A_832] : memref<256x128xf32, #tpu.memory_space<vmem>>[vector<16xi32>, vector<16xi32>], vector<16xf32>,
            %mul3A_834 = arith.constant 16 : i32
            %mul3A_835 = arith.muli %mul3A_834, %scan3A_731 : i32
            %swap3A_836 = arith.constant 9 : i32
            %swap3A_837 = arith.index_cast %swap3A_836 : i32 to index
            %swap3A_838 = arith.index_cast %mul3A_835 : i32 to index
            %swap3A_839 = tpu.vector_load %arg12[%swap3A_837, %swap3A_838] {strides = array<i32>} : memref<32x128xf32, #tpu.memory_space<vmem>>, vector<16xf32>,
            tpu.vector_store %arg12[%swap3A_837, %swap3A_838], %gather3A_833 {strides = array<i32>} : memref<32x128xf32, #tpu.memory_space<vmem>>, vector<16xf32>,
            %add3A_840 = arith.constant 10 : i32
            %add3A_841 = vector.broadcast %add3A_840 : i32 to vector<16xi32>
            %add3A_842 = arith.addi %get3A_739, %add3A_841 : vector<16xi32>
            %gather3A_843 = tpu.vector_load_idx %arg10[%add3A_737, %add3A_842] : memref<256x128xf32, #tpu.memory_space<vmem>>[vector<16xi32>, vector<16xi32>], vector<16xf32>,
            %mul3A_844 = arith.constant 16 : i32
            %mul3A_845 = arith.muli %mul3A_844, %scan3A_731 : i32
            %swap3A_846 = arith.constant 10 : i32
            %swap3A_847 = arith.index_cast %swap3A_846 : i32 to index
            %swap3A_848 = arith.index_cast %mul3A_845 : i32 to index
            %swap3A_849 = tpu.vector_load %arg12[%swap3A_847, %swap3A_848] {strides = array<i32>} : memref<32x128xf32, #tpu.memory_space<vmem>>, vector<16xf32>,
            tpu.vector_store %arg12[%swap3A_847, %swap3A_848], %gather3A_843 {strides = array<i32>} : memref<32x128xf32, #tpu.memory_space<vmem>>, vector<16xf32>,
            %add3A_850 = arith.constant 11 : i32
            %add3A_851 = vector.broadcast %add3A_850 : i32 to vector<16xi32>
            %add3A_852 = arith.addi %get3A_739, %add3A_851 : vector<16xi32>
            %gather3A_853 = tpu.vector_load_idx %arg10[%add3A_737, %add3A_852] : memref<256x128xf32, #tpu.memory_space<vmem>>[vector<16xi32>, vector<16xi32>], vector<16xf32>,
            %mul3A_854 = arith.constant 16 : i32
            %mul3A_855 = arith.muli %mul3A_854, %scan3A_731 : i32
            %swap3A_856 = arith.constant 11 : i32
            %swap3A_857 = arith.index_cast %swap3A_856 : i32 to index
            %swap3A_858 = arith.index_cast %mul3A_855 : i32 to index
            %swap3A_859 = tpu.vector_load %arg12[%swap3A_857, %swap3A_858] {strides = array<i32>} : memref<32x128xf32, #tpu.memory_space<vmem>>, vector<16xf32>,
            tpu.vector_store %arg12[%swap3A_857, %swap3A_858], %gather3A_853 {strides = array<i32>} : memref<32x128xf32, #tpu.memory_space<vmem>>, vector<16xf32>,
            %add3A_860 = arith.constant 12 : i32
            %add3A_861 = vector.broadcast %add3A_860 : i32 to vector<16xi32>
            %add3A_862 = arith.addi %get3A_739, %add3A_861 : vector<16xi32>
            %gather3A_863 = tpu.vector_load_idx %arg10[%add3A_737, %add3A_862] : memref<256x128xf32, #tpu.memory_space<vmem>>[vector<16xi32>, vector<16xi32>], vector<16xf32>,
            %mul3A_864 = arith.constant 16 : i32
            %mul3A_865 = arith.muli %mul3A_864, %scan3A_731 : i32
            %swap3A_866 = arith.constant 12 : i32
            %swap3A_867 = arith.index_cast %swap3A_866 : i32 to index
            %swap3A_868 = arith.index_cast %mul3A_865 : i32 to index
            %swap3A_869 = tpu.vector_load %arg12[%swap3A_867, %swap3A_868] {strides = array<i32>} : memref<32x128xf32, #tpu.memory_space<vmem>>, vector<16xf32>,
            tpu.vector_store %arg12[%swap3A_867, %swap3A_868], %gather3A_863 {strides = array<i32>} : memref<32x128xf32, #tpu.memory_space<vmem>>, vector<16xf32>,
            %add3A_870 = arith.constant 13 : i32
            %add3A_871 = vector.broadcast %add3A_870 : i32 to vector<16xi32>
            %add3A_872 = arith.addi %get3A_739, %add3A_871 : vector<16xi32>
            %gather3A_873 = tpu.vector_load_idx %arg10[%add3A_737, %add3A_872] : memref<256x128xf32, #tpu.memory_space<vmem>>[vector<16xi32>, vector<16xi32>], vector<16xf32>,
            %mul3A_874 = arith.constant 16 : i32
            %mul3A_875 = arith.muli %mul3A_874, %scan3A_731 : i32
            %swap3A_876 = arith.constant 13 : i32
            %swap3A_877 = arith.index_cast %swap3A_876 : i32 to index
            %swap3A_878 = arith.index_cast %mul3A_875 : i32 to index
            %swap3A_879 = tpu.vector_load %arg12[%swap3A_877, %swap3A_878] {strides = array<i32>} : memref<32x128xf32, #tpu.memory_space<vmem>>, vector<16xf32>,
            tpu.vector_store %arg12[%swap3A_877, %swap3A_878], %gather3A_873 {strides = array<i32>} : memref<32x128xf32, #tpu.memory_space<vmem>>, vector<16xf32>,
            %add3A_880 = arith.constant 14 : i32
            %add3A_881 = vector.broadcast %add3A_880 : i32 to vector<16xi32>
            %add3A_882 = arith.addi %get3A_739, %add3A_881 : vector<16xi32>
            %gather3A_883 = tpu.vector_load_idx %arg10[%add3A_737, %add3A_882] : memref<256x128xf32, #tpu.memory_space<vmem>>[vector<16xi32>, vector<16xi32>], vector<16xf32>,
            %mul3A_884 = arith.constant 16 : i32
            %mul3A_885 = arith.muli %mul3A_884, %scan3A_731 : i32
            %swap3A_886 = arith.constant 14 : i32
            %swap3A_887 = arith.index_cast %swap3A_886 : i32 to index
            %swap3A_888 = arith.index_cast %mul3A_885 : i32 to index
            %swap3A_889 = tpu.vector_load %arg12[%swap3A_887, %swap3A_888] {strides = array<i32>} : memref<32x128xf32, #tpu.memory_space<vmem>>, vector<16xf32>,
            tpu.vector_store %arg12[%swap3A_887, %swap3A_888], %gather3A_883 {strides = array<i32>} : memref<32x128xf32, #tpu.memory_space<vmem>>, vector<16xf32>,
            %add3A_890 = arith.constant 15 : i32
            %add3A_891 = vector.broadcast %add3A_890 : i32 to vector<16xi32>
            %add3A_892 = arith.addi %get3A_739, %add3A_891 : vector<16xi32>
            %gather3A_893 = tpu.vector_load_idx %arg10[%add3A_737, %add3A_892] : memref<256x128xf32, #tpu.memory_space<vmem>>[vector<16xi32>, vector<16xi32>], vector<16xf32>,
            %mul3A_894 = arith.constant 16 : i32
            %mul3A_895 = arith.muli %mul3A_894, %scan3A_731 : i32
            %swap3A_896 = arith.constant 15 : i32
            %swap3A_897 = arith.index_cast %swap3A_896 : i32 to index
            %swap3A_898 = arith.index_cast %mul3A_895 : i32 to index
            %swap3A_899 = tpu.vector_load %arg12[%swap3A_897, %swap3A_898] {strides = array<i32>} : memref<32x128xf32, #tpu.memory_space<vmem>>, vector<16xf32>,
            tpu.vector_store %arg12[%swap3A_897, %swap3A_898], %gather3A_893 {strides = array<i32>} : memref<32x128xf32, #tpu.memory_space<vmem>>, vector<16xf32>,
            %add3A_900 = arith.constant 16 : i32
            %add3A_901 = vector.broadcast %add3A_900 : i32 to vector<16xi32>
            %add3A_902 = arith.addi %get3A_739, %add3A_901 : vector<16xi32>
            %gather3A_903 = tpu.vector_load_idx %arg10[%add3A_737, %add3A_902] : memref<256x128xf32, #tpu.memory_space<vmem>>[vector<16xi32>, vector<16xi32>], vector<16xf32>,
            %mul3A_904 = arith.constant 16 : i32
            %mul3A_905 = arith.muli %mul3A_904, %scan3A_731 : i32
            %swap3A_906 = arith.constant 16 : i32
            %swap3A_907 = arith.index_cast %swap3A_906 : i32 to index
            %swap3A_908 = arith.index_cast %mul3A_905 : i32 to index
            %swap3A_909 = tpu.vector_load %arg12[%swap3A_907, %swap3A_908] {strides = array<i32>} : memref<32x128xf32, #tpu.memory_space<vmem>>, vector<16xf32>,
            tpu.vector_store %arg12[%swap3A_907, %swap3A_908], %gather3A_903 {strides = array<i32>} : memref<32x128xf32, #tpu.memory_space<vmem>>, vector<16xf32>,
            %add3A_910 = arith.constant 17 : i32
            %add3A_911 = vector.broadcast %add3A_910 : i32 to vector<16xi32>
            %add3A_912 = arith.addi %get3A_739, %add3A_911 : vector<16xi32>
            %gather3A_913 = tpu.vector_load_idx %arg10[%add3A_737, %add3A_912] : memref<256x128xf32, #tpu.memory_space<vmem>>[vector<16xi32>, vector<16xi32>], vector<16xf32>,
            %mul3A_914 = arith.constant 16 : i32
            %mul3A_915 = arith.muli %mul3A_914, %scan3A_731 : i32
            %swap3A_916 = arith.constant 17 : i32
            %swap3A_917 = arith.index_cast %swap3A_916 : i32 to index
            %swap3A_918 = arith.index_cast %mul3A_915 : i32 to index
            %swap3A_919 = tpu.vector_load %arg12[%swap3A_917, %swap3A_918] {strides = array<i32>} : memref<32x128xf32, #tpu.memory_space<vmem>>, vector<16xf32>,
            tpu.vector_store %arg12[%swap3A_917, %swap3A_918], %gather3A_913 {strides = array<i32>} : memref<32x128xf32, #tpu.memory_space<vmem>>, vector<16xf32>,
            %add3A_920 = arith.constant 18 : i32
            %add3A_921 = vector.broadcast %add3A_920 : i32 to vector<16xi32>
            %add3A_922 = arith.addi %get3A_739, %add3A_921 : vector<16xi32>
            %gather3A_923 = tpu.vector_load_idx %arg10[%add3A_737, %add3A_922] : memref<256x128xf32, #tpu.memory_space<vmem>>[vector<16xi32>, vector<16xi32>], vector<16xf32>,
            %mul3A_924 = arith.constant 16 : i32
            %mul3A_925 = arith.muli %mul3A_924, %scan3A_731 : i32
            %swap3A_926 = arith.constant 18 : i32
            %swap3A_927 = arith.index_cast %swap3A_926 : i32 to index
            %swap3A_928 = arith.index_cast %mul3A_925 : i32 to index
            %swap3A_929 = tpu.vector_load %arg12[%swap3A_927, %swap3A_928] {strides = array<i32>} : memref<32x128xf32, #tpu.memory_space<vmem>>, vector<16xf32>,
            tpu.vector_store %arg12[%swap3A_927, %swap3A_928], %gather3A_923 {strides = array<i32>} : memref<32x128xf32, #tpu.memory_space<vmem>>, vector<16xf32>,
            %add3A_930 = arith.constant 19 : i32
            %add3A_931 = vector.broadcast %add3A_930 : i32 to vector<16xi32>
            %add3A_932 = arith.addi %get3A_739, %add3A_931 : vector<16xi32>
            %gather3A_933 = tpu.vector_load_idx %arg10[%add3A_737, %add3A_932] : memref<256x128xf32, #tpu.memory_space<vmem>>[vector<16xi32>, vector<16xi32>], vector<16xf32>,
            %mul3A_934 = arith.constant 16 : i32
            %mul3A_935 = arith.muli %mul3A_934, %scan3A_731 : i32
            %swap3A_936 = arith.constant 19 : i32
            %swap3A_937 = arith.index_cast %swap3A_936 : i32 to index
            %swap3A_938 = arith.index_cast %mul3A_935 : i32 to index
            %swap3A_939 = tpu.vector_load %arg12[%swap3A_937, %swap3A_938] {strides = array<i32>} : memref<32x128xf32, #tpu.memory_space<vmem>>, vector<16xf32>,
            tpu.vector_store %arg12[%swap3A_937, %swap3A_938], %gather3A_933 {strides = array<i32>} : memref<32x128xf32, #tpu.memory_space<vmem>>, vector<16xf32>,
            %add3A_940 = arith.constant 20 : i32
            %add3A_941 = vector.broadcast %add3A_940 : i32 to vector<16xi32>
            %add3A_942 = arith.addi %get3A_739, %add3A_941 : vector<16xi32>
            %gather3A_943 = tpu.vector_load_idx %arg10[%add3A_737, %add3A_942] : memref<256x128xf32, #tpu.memory_space<vmem>>[vector<16xi32>, vector<16xi32>], vector<16xf32>,
            %mul3A_944 = arith.constant 16 : i32
            %mul3A_945 = arith.muli %mul3A_944, %scan3A_731 : i32
            %swap3A_946 = arith.constant 20 : i32
            %swap3A_947 = arith.index_cast %swap3A_946 : i32 to index
            %swap3A_948 = arith.index_cast %mul3A_945 : i32 to index
            %swap3A_949 = tpu.vector_load %arg12[%swap3A_947, %swap3A_948] {strides = array<i32>} : memref<32x128xf32, #tpu.memory_space<vmem>>, vector<16xf32>,
            tpu.vector_store %arg12[%swap3A_947, %swap3A_948], %gather3A_943 {strides = array<i32>} : memref<32x128xf32, #tpu.memory_space<vmem>>, vector<16xf32>,
            %add3A_950 = arith.constant 21 : i32
            %add3A_951 = vector.broadcast %add3A_950 : i32 to vector<16xi32>
            %add3A_952 = arith.addi %get3A_739, %add3A_951 : vector<16xi32>
            %gather3A_953 = tpu.vector_load_idx %arg10[%add3A_737, %add3A_952] : memref<256x128xf32, #tpu.memory_space<vmem>>[vector<16xi32>, vector<16xi32>], vector<16xf32>,
            %mul3A_954 = arith.constant 16 : i32
            %mul3A_955 = arith.muli %mul3A_954, %scan3A_731 : i32
            %swap3A_956 = arith.constant 21 : i32
            %swap3A_957 = arith.index_cast %swap3A_956 : i32 to index
            %swap3A_958 = arith.index_cast %mul3A_955 : i32 to index
            %swap3A_959 = tpu.vector_load %arg12[%swap3A_957, %swap3A_958] {strides = array<i32>} : memref<32x128xf32, #tpu.memory_space<vmem>>, vector<16xf32>,
            tpu.vector_store %arg12[%swap3A_957, %swap3A_958], %gather3A_953 {strides = array<i32>} : memref<32x128xf32, #tpu.memory_space<vmem>>, vector<16xf32>,
            %add3A_960 = arith.constant 22 : i32
            %add3A_961 = vector.broadcast %add3A_960 : i32 to vector<16xi32>
            %add3A_962 = arith.addi %get3A_739, %add3A_961 : vector<16xi32>
            %gather3A_963 = tpu.vector_load_idx %arg10[%add3A_737, %add3A_962] : memref<256x128xf32, #tpu.memory_space<vmem>>[vector<16xi32>, vector<16xi32>], vector<16xf32>,
            %mul3A_964 = arith.constant 16 : i32
            %mul3A_965 = arith.muli %mul3A_964, %scan3A_731 : i32
            %swap3A_966 = arith.constant 22 : i32
            %swap3A_967 = arith.index_cast %swap3A_966 : i32 to index
            %swap3A_968 = arith.index_cast %mul3A_965 : i32 to index
            %swap3A_969 = tpu.vector_load %arg12[%swap3A_967, %swap3A_968] {strides = array<i32>} : memref<32x128xf32, #tpu.memory_space<vmem>>, vector<16xf32>,
            tpu.vector_store %arg12[%swap3A_967, %swap3A_968], %gather3A_963 {strides = array<i32>} : memref<32x128xf32, #tpu.memory_space<vmem>>, vector<16xf32>,
            %add3A_970 = arith.constant 23 : i32
            %add3A_971 = vector.broadcast %add3A_970 : i32 to vector<16xi32>
            %add3A_972 = arith.addi %get3A_739, %add3A_971 : vector<16xi32>
            %gather3A_973 = tpu.vector_load_idx %arg10[%add3A_737, %add3A_972] : memref<256x128xf32, #tpu.memory_space<vmem>>[vector<16xi32>, vector<16xi32>], vector<16xf32>,
            %mul3A_974 = arith.constant 16 : i32
            %mul3A_975 = arith.muli %mul3A_974, %scan3A_731 : i32
            %swap3A_976 = arith.constant 23 : i32
            %swap3A_977 = arith.index_cast %swap3A_976 : i32 to index
            %swap3A_978 = arith.index_cast %mul3A_975 : i32 to index
            %swap3A_979 = tpu.vector_load %arg12[%swap3A_977, %swap3A_978] {strides = array<i32>} : memref<32x128xf32, #tpu.memory_space<vmem>>, vector<16xf32>,
            tpu.vector_store %arg12[%swap3A_977, %swap3A_978], %gather3A_973 {strides = array<i32>} : memref<32x128xf32, #tpu.memory_space<vmem>>, vector<16xf32>,
            %add3A_980 = arith.constant 24 : i32
            %add3A_981 = vector.broadcast %add3A_980 : i32 to vector<16xi32>
            %add3A_982 = arith.addi %get3A_739, %add3A_981 : vector<16xi32>
            %gather3A_983 = tpu.vector_load_idx %arg10[%add3A_737, %add3A_982] : memref<256x128xf32, #tpu.memory_space<vmem>>[vector<16xi32>, vector<16xi32>], vector<16xf32>,
            %mul3A_984 = arith.constant 16 : i32
            %mul3A_985 = arith.muli %mul3A_984, %scan3A_731 : i32
            %swap3A_986 = arith.constant 24 : i32
            %swap3A_987 = arith.index_cast %swap3A_986 : i32 to index
            %swap3A_988 = arith.index_cast %mul3A_985 : i32 to index
            %swap3A_989 = tpu.vector_load %arg12[%swap3A_987, %swap3A_988] {strides = array<i32>} : memref<32x128xf32, #tpu.memory_space<vmem>>, vector<16xf32>,
            tpu.vector_store %arg12[%swap3A_987, %swap3A_988], %gather3A_983 {strides = array<i32>} : memref<32x128xf32, #tpu.memory_space<vmem>>, vector<16xf32>,
            %add3A_990 = arith.constant 25 : i32
            %add3A_991 = vector.broadcast %add3A_990 : i32 to vector<16xi32>
            %add3A_992 = arith.addi %get3A_739, %add3A_991 : vector<16xi32>
            %gather3A_993 = tpu.vector_load_idx %arg10[%add3A_737, %add3A_992] : memref<256x128xf32, #tpu.memory_space<vmem>>[vector<16xi32>, vector<16xi32>], vector<16xf32>,
            %mul3A_994 = arith.constant 16 : i32
            %mul3A_995 = arith.muli %mul3A_994, %scan3A_731 : i32
            %swap3A_996 = arith.constant 25 : i32
            %swap3A_997 = arith.index_cast %swap3A_996 : i32 to index
            %swap3A_998 = arith.index_cast %mul3A_995 : i32 to index
            %swap3A_999 = tpu.vector_load %arg12[%swap3A_997, %swap3A_998] {strides = array<i32>} : memref<32x128xf32, #tpu.memory_space<vmem>>, vector<16xf32>,
            tpu.vector_store %arg12[%swap3A_997, %swap3A_998], %gather3A_993 {strides = array<i32>} : memref<32x128xf32, #tpu.memory_space<vmem>>, vector<16xf32>,
            %add3A_1000 = arith.constant 26 : i32
            %add3A_1001 = vector.broadcast %add3A_1000 : i32 to vector<16xi32>
            %add3A_1002 = arith.addi %get3A_739, %add3A_1001 : vector<16xi32>
            %gather3A_1003 = tpu.vector_load_idx %arg10[%add3A_737, %add3A_1002] : memref<256x128xf32, #tpu.memory_space<vmem>>[vector<16xi32>, vector<16xi32>], vector<16xf32>,
            %mul3A_1004 = arith.constant 16 : i32
            %mul3A_1005 = arith.muli %mul3A_1004, %scan3A_731 : i32
            %swap3A_1006 = arith.constant 26 : i32
            %swap3A_1007 = arith.index_cast %swap3A_1006 : i32 to index
            %swap3A_1008 = arith.index_cast %mul3A_1005 : i32 to index
            %swap3A_1009 = tpu.vector_load %arg12[%swap3A_1007, %swap3A_1008] {strides = array<i32>} : memref<32x128xf32, #tpu.memory_space<vmem>>, vector<16xf32>,
            tpu.vector_store %arg12[%swap3A_1007, %swap3A_1008], %gather3A_1003 {strides = array<i32>} : memref<32x128xf32, #tpu.memory_space<vmem>>, vector<16xf32>,
            %add3A_1010 = arith.constant 27 : i32
            %add3A_1011 = vector.broadcast %add3A_1010 : i32 to vector<16xi32>
            %add3A_1012 = arith.addi %get3A_739, %add3A_1011 : vector<16xi32>
            %gather3A_1013 = tpu.vector_load_idx %arg10[%add3A_737, %add3A_1012] : memref<256x128xf32, #tpu.memory_space<vmem>>[vector<16xi32>, vector<16xi32>], vector<16xf32>,
            %mul3A_1014 = arith.constant 16 : i32
            %mul3A_1015 = arith.muli %mul3A_1014, %scan3A_731 : i32
            %swap3A_1016 = arith.constant 27 : i32
            %swap3A_1017 = arith.index_cast %swap3A_1016 : i32 to index
            %swap3A_1018 = arith.index_cast %mul3A_1015 : i32 to index
            %swap3A_1019 = tpu.vector_load %arg12[%swap3A_1017, %swap3A_1018] {strides = array<i32>} : memref<32x128xf32, #tpu.memory_space<vmem>>, vector<16xf32>,
            tpu.vector_store %arg12[%swap3A_1017, %swap3A_1018], %gather3A_1013 {strides = array<i32>} : memref<32x128xf32, #tpu.memory_space<vmem>>, vector<16xf32>,
            %add3A_1020 = arith.constant 28 : i32
            %add3A_1021 = vector.broadcast %add3A_1020 : i32 to vector<16xi32>
            %add3A_1022 = arith.addi %get3A_739, %add3A_1021 : vector<16xi32>
            %gather3A_1023 = tpu.vector_load_idx %arg10[%add3A_737, %add3A_1022] : memref<256x128xf32, #tpu.memory_space<vmem>>[vector<16xi32>, vector<16xi32>], vector<16xf32>,
            %mul3A_1024 = arith.constant 16 : i32
            %mul3A_1025 = arith.muli %mul3A_1024, %scan3A_731 : i32
            %swap3A_1026 = arith.constant 28 : i32
            %swap3A_1027 = arith.index_cast %swap3A_1026 : i32 to index
            %swap3A_1028 = arith.index_cast %mul3A_1025 : i32 to index
            %swap3A_1029 = tpu.vector_load %arg12[%swap3A_1027, %swap3A_1028] {strides = array<i32>} : memref<32x128xf32, #tpu.memory_space<vmem>>, vector<16xf32>,
            tpu.vector_store %arg12[%swap3A_1027, %swap3A_1028], %gather3A_1023 {strides = array<i32>} : memref<32x128xf32, #tpu.memory_space<vmem>>, vector<16xf32>,
            %add3A_1030 = arith.constant 29 : i32
            %add3A_1031 = vector.broadcast %add3A_1030 : i32 to vector<16xi32>
            %add3A_1032 = arith.addi %get3A_739, %add3A_1031 : vector<16xi32>
            %gather3A_1033 = tpu.vector_load_idx %arg10[%add3A_737, %add3A_1032] : memref<256x128xf32, #tpu.memory_space<vmem>>[vector<16xi32>, vector<16xi32>], vector<16xf32>,
            %mul3A_1034 = arith.constant 16 : i32
            %mul3A_1035 = arith.muli %mul3A_1034, %scan3A_731 : i32
            %swap3A_1036 = arith.constant 29 : i32
            %swap3A_1037 = arith.index_cast %swap3A_1036 : i32 to index
            %swap3A_1038 = arith.index_cast %mul3A_1035 : i32 to index
            %swap3A_1039 = tpu.vector_load %arg12[%swap3A_1037, %swap3A_1038] {strides = array<i32>} : memref<32x128xf32, #tpu.memory_space<vmem>>, vector<16xf32>,
            tpu.vector_store %arg12[%swap3A_1037, %swap3A_1038], %gather3A_1033 {strides = array<i32>} : memref<32x128xf32, #tpu.memory_space<vmem>>, vector<16xf32>,
            %add3A_1040 = arith.constant 30 : i32
            %add3A_1041 = vector.broadcast %add3A_1040 : i32 to vector<16xi32>
            %add3A_1042 = arith.addi %get3A_739, %add3A_1041 : vector<16xi32>
            %gather3A_1043 = tpu.vector_load_idx %arg10[%add3A_737, %add3A_1042] : memref<256x128xf32, #tpu.memory_space<vmem>>[vector<16xi32>, vector<16xi32>], vector<16xf32>,
            %mul3A_1044 = arith.constant 16 : i32
            %mul3A_1045 = arith.muli %mul3A_1044, %scan3A_731 : i32
            %swap3A_1046 = arith.constant 30 : i32
            %swap3A_1047 = arith.index_cast %swap3A_1046 : i32 to index
            %swap3A_1048 = arith.index_cast %mul3A_1045 : i32 to index
            %swap3A_1049 = tpu.vector_load %arg12[%swap3A_1047, %swap3A_1048] {strides = array<i32>} : memref<32x128xf32, #tpu.memory_space<vmem>>, vector<16xf32>,
            tpu.vector_store %arg12[%swap3A_1047, %swap3A_1048], %gather3A_1043 {strides = array<i32>} : memref<32x128xf32, #tpu.memory_space<vmem>>, vector<16xf32>,
            %add3A_1050 = arith.constant 31 : i32
            %add3A_1051 = vector.broadcast %add3A_1050 : i32 to vector<16xi32>
            %add3A_1052 = arith.addi %get3A_739, %add3A_1051 : vector<16xi32>
            %gather3A_1053 = tpu.vector_load_idx %arg10[%add3A_737, %add3A_1052] : memref<256x128xf32, #tpu.memory_space<vmem>>[vector<16xi32>, vector<16xi32>], vector<16xf32>,
            %mul3A_1054 = arith.constant 16 : i32
            %mul3A_1055 = arith.muli %mul3A_1054, %scan3A_731 : i32
            %swap3A_1056 = arith.constant 31 : i32
            %swap3A_1057 = arith.index_cast %swap3A_1056 : i32 to index
            %swap3A_1058 = arith.index_cast %mul3A_1055 : i32 to index
            %swap3A_1059 = tpu.vector_load %arg12[%swap3A_1057, %swap3A_1058] {strides = array<i32>} : memref<32x128xf32, #tpu.memory_space<vmem>>, vector<16xf32>,
            tpu.vector_store %arg12[%swap3A_1057, %swap3A_1058], %gather3A_1053 {strides = array<i32>} : memref<32x128xf32, #tpu.memory_space<vmem>>, vector<16xf32>,
          }
          %scan3A_381 = arith.constant 8 : i32
          %dma_start3A_382 = arith.constant 0 : i32
          %dma_start3A_383 = tpu.memref_slice %arg4[%mul3A_366, %dma_start3A_382, %multiple_of3A] : memref<50x32x16384xf32, #tpu.memory_space<hbm>> -> memref<1x32x128xf32, #tpu.memory_space<hbm>>
          %dma_start3A_384 = tpu.memref_squeeze %dma_start3A_383 : memref<1x32x128xf32, #tpu.memory_space<hbm>> -> memref<32x128xf32, #tpu.memory_space<hbm>>
          %dma_start3A_385 = arith.constant 0 : i32
          %dma_start3A_386 = tpu.memref_slice %arg4[%mul3A_366, %dma_start3A_385, %multiple_of3A] : memref<50x32x16384xf32, #tpu.memory_space<hbm>> -> memref<1x32x128xf32, #tpu.memory_space<hbm>>
          %dma_start3A_387 = tpu.memref_squeeze %dma_start3A_386 : memref<1x32x128xf32, #tpu.memory_space<hbm>> -> memref<32x128xf32, #tpu.memory_space<hbm>>
          tpu.enqueue_dma source(%arg12 : memref<32x128xf32, #tpu.memory_space<vmem>>) target(%dma_start3A_387 : memref<32x128xf32, #tpu.memory_space<hbm>>) target_semaphore(%arg15 : memref<!tpu.dma_semaphore, #tpu.memory_space<semaphore_mem>>)
          %scan3A_388 = arith.constant 0 : i32
          %scan3A_389 = arith.constant 0 : i32
          %scan3A_390 = arith.constant 8 : i32
          %scan3A_391 = arith.addi %scan3A_389, %scan3A_390 : i32
          %scan3A_392 = arith.constant 2 : i32
          scf.for %scan3A_402 = %scan3A_389 to %scan3A_391 step %scan3A_392  : i32 {
            %mul3A_403 = arith.constant 16 : i32
            %mul3A_404 = arith.muli %mul3A_403, %scan3A_402 : i32
            %add3A_405 = arith.constant 128 : i32
            %add3A_406 = arith.addi %add3A_405, %mul3A_404 : i32
            %add3A_407 = vector.broadcast %add3A_406 : i32 to vector<16xi32>
            %add3A_408 = arith.addi %add3A_407, %iota3A : vector<16xi32>
            %get3A = arith.index_cast %add3A_406 : i32 to index
            %get3A_409 = tpu.vector_load %arg8[%get3A] {strides = array<i32>} : memref<256xi32, #tpu.memory_space<vmem>>, vector<16xi32>,
            %add3A_410 = arith.constant 0 : i32
            %add3A_411 = vector.broadcast %add3A_410 : i32 to vector<16xi32>
            %add3A_412 = arith.addi %get3A_409, %add3A_411 : vector<16xi32>
            %gather3A_413 = tpu.vector_load_idx %arg10[%add3A_408, %add3A_412] : memref<256x128xf32, #tpu.memory_space<vmem>>[vector<16xi32>, vector<16xi32>], vector<16xf32>,
            %mul3A_414 = arith.constant 16 : i32
            %mul3A_415 = arith.muli %mul3A_414, %scan3A_402 : i32
            %swap3A_416 = arith.constant 0 : i32
            %swap3A_417 = arith.index_cast %swap3A_416 : i32 to index
            %swap3A_418 = arith.index_cast %mul3A_415 : i32 to index
            %swap3A_419 = tpu.vector_load %arg13[%swap3A_417, %swap3A_418] {strides = array<i32>} : memref<32x128xf32, #tpu.memory_space<vmem>>, vector<16xf32>,
            tpu.vector_store %arg13[%swap3A_417, %swap3A_418], %gather3A_413 {strides = array<i32>} : memref<32x128xf32, #tpu.memory_space<vmem>>, vector<16xf32>,
            %add3A_420 = arith.constant 1 : i32
            %add3A_421 = vector.broadcast %add3A_420 : i32 to vector<16xi32>
            %add3A_422 = arith.addi %get3A_409, %add3A_421 : vector<16xi32>
            %gather3A_423 = tpu.vector_load_idx %arg10[%add3A_408, %add3A_422] : memref<256x128xf32, #tpu.memory_space<vmem>>[vector<16xi32>, vector<16xi32>], vector<16xf32>,
            %mul3A_424 = arith.constant 16 : i32
            %mul3A_425 = arith.muli %mul3A_424, %scan3A_402 : i32
            %swap3A_426 = arith.constant 1 : i32
            %swap3A_427 = arith.index_cast %swap3A_426 : i32 to index
            %swap3A_428 = arith.index_cast %mul3A_425 : i32 to index
            %swap3A_429 = tpu.vector_load %arg13[%swap3A_427, %swap3A_428] {strides = array<i32>} : memref<32x128xf32, #tpu.memory_space<vmem>>, vector<16xf32>,
            tpu.vector_store %arg13[%swap3A_427, %swap3A_428], %gather3A_423 {strides = array<i32>} : memref<32x128xf32, #tpu.memory_space<vmem>>, vector<16xf32>,
            %add3A_430 = arith.constant 2 : i32
            %add3A_431 = vector.broadcast %add3A_430 : i32 to vector<16xi32>
            %add3A_432 = arith.addi %get3A_409, %add3A_431 : vector<16xi32>
            %gather3A_433 = tpu.vector_load_idx %arg10[%add3A_408, %add3A_432] : memref<256x128xf32, #tpu.memory_space<vmem>>[vector<16xi32>, vector<16xi32>], vector<16xf32>,
            %mul3A_434 = arith.constant 16 : i32
            %mul3A_435 = arith.muli %mul3A_434, %scan3A_402 : i32
            %swap3A_436 = arith.constant 2 : i32
            %swap3A_437 = arith.index_cast %swap3A_436 : i32 to index
            %swap3A_438 = arith.index_cast %mul3A_435 : i32 to index
            %swap3A_439 = tpu.vector_load %arg13[%swap3A_437, %swap3A_438] {strides = array<i32>} : memref<32x128xf32, #tpu.memory_space<vmem>>, vector<16xf32>,
            tpu.vector_store %arg13[%swap3A_437, %swap3A_438], %gather3A_433 {strides = array<i32>} : memref<32x128xf32, #tpu.memory_space<vmem>>, vector<16xf32>,
            %add3A_440 = arith.constant 3 : i32
            %add3A_441 = vector.broadcast %add3A_440 : i32 to vector<16xi32>
            %add3A_442 = arith.addi %get3A_409, %add3A_441 : vector<16xi32>
            %gather3A_443 = tpu.vector_load_idx %arg10[%add3A_408, %add3A_442] : memref<256x128xf32, #tpu.memory_space<vmem>>[vector<16xi32>, vector<16xi32>], vector<16xf32>,
            %mul3A_444 = arith.constant 16 : i32
            %mul3A_445 = arith.muli %mul3A_444, %scan3A_402 : i32
            %swap3A_446 = arith.constant 3 : i32
            %swap3A_447 = arith.index_cast %swap3A_446 : i32 to index
            %swap3A_448 = arith.index_cast %mul3A_445 : i32 to index
            %swap3A_449 = tpu.vector_load %arg13[%swap3A_447, %swap3A_448] {strides = array<i32>} : memref<32x128xf32, #tpu.memory_space<vmem>>, vector<16xf32>,
            tpu.vector_store %arg13[%swap3A_447, %swap3A_448], %gather3A_443 {strides = array<i32>} : memref<32x128xf32, #tpu.memory_space<vmem>>, vector<16xf32>,
            %add3A_450 = arith.constant 4 : i32
            %add3A_451 = vector.broadcast %add3A_450 : i32 to vector<16xi32>
            %add3A_452 = arith.addi %get3A_409, %add3A_451 : vector<16xi32>
            %gather3A_453 = tpu.vector_load_idx %arg10[%add3A_408, %add3A_452] : memref<256x128xf32, #tpu.memory_space<vmem>>[vector<16xi32>, vector<16xi32>], vector<16xf32>,
            %mul3A_454 = arith.constant 16 : i32
            %mul3A_455 = arith.muli %mul3A_454, %scan3A_402 : i32
            %swap3A_456 = arith.constant 4 : i32
            %swap3A_457 = arith.index_cast %swap3A_456 : i32 to index
            %swap3A_458 = arith.index_cast %mul3A_455 : i32 to index
            %swap3A_459 = tpu.vector_load %arg13[%swap3A_457, %swap3A_458] {strides = array<i32>} : memref<32x128xf32, #tpu.memory_space<vmem>>, vector<16xf32>,
            tpu.vector_store %arg13[%swap3A_457, %swap3A_458], %gather3A_453 {strides = array<i32>} : memref<32x128xf32, #tpu.memory_space<vmem>>, vector<16xf32>,
            %add3A_460 = arith.constant 5 : i32
            %add3A_461 = vector.broadcast %add3A_460 : i32 to vector<16xi32>
            %add3A_462 = arith.addi %get3A_409, %add3A_461 : vector<16xi32>
            %gather3A_463 = tpu.vector_load_idx %arg10[%add3A_408, %add3A_462] : memref<256x128xf32, #tpu.memory_space<vmem>>[vector<16xi32>, vector<16xi32>], vector<16xf32>,
            %mul3A_464 = arith.constant 16 : i32
            %mul3A_465 = arith.muli %mul3A_464, %scan3A_402 : i32
            %swap3A_466 = arith.constant 5 : i32
            %swap3A_467 = arith.index_cast %swap3A_466 : i32 to index
            %swap3A_468 = arith.index_cast %mul3A_465 : i32 to index
            %swap3A_469 = tpu.vector_load %arg13[%swap3A_467, %swap3A_468] {strides = array<i32>} : memref<32x128xf32, #tpu.memory_space<vmem>>, vector<16xf32>,
            tpu.vector_store %arg13[%swap3A_467, %swap3A_468], %gather3A_463 {strides = array<i32>} : memref<32x128xf32, #tpu.memory_space<vmem>>, vector<16xf32>,
            %add3A_470 = arith.constant 6 : i32
            %add3A_471 = vector.broadcast %add3A_470 : i32 to vector<16xi32>
            %add3A_472 = arith.addi %get3A_409, %add3A_471 : vector<16xi32>
            %gather3A_473 = tpu.vector_load_idx %arg10[%add3A_408, %add3A_472] : memref<256x128xf32, #tpu.memory_space<vmem>>[vector<16xi32>, vector<16xi32>], vector<16xf32>,
            %mul3A_474 = arith.constant 16 : i32
            %mul3A_475 = arith.muli %mul3A_474, %scan3A_402 : i32
            %swap3A_476 = arith.constant 6 : i32
            %swap3A_477 = arith.index_cast %swap3A_476 : i32 to index
            %swap3A_478 = arith.index_cast %mul3A_475 : i32 to index
            %swap3A_479 = tpu.vector_load %arg13[%swap3A_477, %swap3A_478] {strides = array<i32>} : memref<32x128xf32, #tpu.memory_space<vmem>>, vector<16xf32>,
            tpu.vector_store %arg13[%swap3A_477, %swap3A_478], %gather3A_473 {strides = array<i32>} : memref<32x128xf32, #tpu.memory_space<vmem>>, vector<16xf32>,
            %add3A_480 = arith.constant 7 : i32
            %add3A_481 = vector.broadcast %add3A_480 : i32 to vector<16xi32>
            %add3A_482 = arith.addi %get3A_409, %add3A_481 : vector<16xi32>
            %gather3A_483 = tpu.vector_load_idx %arg10[%add3A_408, %add3A_482] : memref<256x128xf32, #tpu.memory_space<vmem>>[vector<16xi32>, vector<16xi32>], vector<16xf32>,
            %mul3A_484 = arith.constant 16 : i32
            %mul3A_485 = arith.muli %mul3A_484, %scan3A_402 : i32
            %swap3A_486 = arith.constant 7 : i32
            %swap3A_487 = arith.index_cast %swap3A_486 : i32 to index
            %swap3A_488 = arith.index_cast %mul3A_485 : i32 to index
            %swap3A_489 = tpu.vector_load %arg13[%swap3A_487, %swap3A_488] {strides = array<i32>} : memref<32x128xf32, #tpu.memory_space<vmem>>, vector<16xf32>,
            tpu.vector_store %arg13[%swap3A_487, %swap3A_488], %gather3A_483 {strides = array<i32>} : memref<32x128xf32, #tpu.memory_space<vmem>>, vector<16xf32>,
            %add3A_490 = arith.constant 8 : i32
            %add3A_491 = vector.broadcast %add3A_490 : i32 to vector<16xi32>
            %add3A_492 = arith.addi %get3A_409, %add3A_491 : vector<16xi32>
            %gather3A_493 = tpu.vector_load_idx %arg10[%add3A_408, %add3A_492] : memref<256x128xf32, #tpu.memory_space<vmem>>[vector<16xi32>, vector<16xi32>], vector<16xf32>,
            %mul3A_494 = arith.constant 16 : i32
            %mul3A_495 = arith.muli %mul3A_494, %scan3A_402 : i32
            %swap3A_496 = arith.constant 8 : i32
            %swap3A_497 = arith.index_cast %swap3A_496 : i32 to index
            %swap3A_498 = arith.index_cast %mul3A_495 : i32 to index
            %swap3A_499 = tpu.vector_load %arg13[%swap3A_497, %swap3A_498] {strides = array<i32>} : memref<32x128xf32, #tpu.memory_space<vmem>>, vector<16xf32>,
            tpu.vector_store %arg13[%swap3A_497, %swap3A_498], %gather3A_493 {strides = array<i32>} : memref<32x128xf32, #tpu.memory_space<vmem>>, vector<16xf32>,
            %add3A_500 = arith.constant 9 : i32
            %add3A_501 = vector.broadcast %add3A_500 : i32 to vector<16xi32>
            %add3A_502 = arith.addi %get3A_409, %add3A_501 : vector<16xi32>
            %gather3A_503 = tpu.vector_load_idx %arg10[%add3A_408, %add3A_502] : memref<256x128xf32, #tpu.memory_space<vmem>>[vector<16xi32>, vector<16xi32>], vector<16xf32>,
            %mul3A_504 = arith.constant 16 : i32
            %mul3A_505 = arith.muli %mul3A_504, %scan3A_402 : i32
            %swap3A_506 = arith.constant 9 : i32
            %swap3A_507 = arith.index_cast %swap3A_506 : i32 to index
            %swap3A_508 = arith.index_cast %mul3A_505 : i32 to index
            %swap3A_509 = tpu.vector_load %arg13[%swap3A_507, %swap3A_508] {strides = array<i32>} : memref<32x128xf32, #tpu.memory_space<vmem>>, vector<16xf32>,
            tpu.vector_store %arg13[%swap3A_507, %swap3A_508], %gather3A_503 {strides = array<i32>} : memref<32x128xf32, #tpu.memory_space<vmem>>, vector<16xf32>,
            %add3A_510 = arith.constant 10 : i32
            %add3A_511 = vector.broadcast %add3A_510 : i32 to vector<16xi32>
            %add3A_512 = arith.addi %get3A_409, %add3A_511 : vector<16xi32>
            %gather3A_513 = tpu.vector_load_idx %arg10[%add3A_408, %add3A_512] : memref<256x128xf32, #tpu.memory_space<vmem>>[vector<16xi32>, vector<16xi32>], vector<16xf32>,
            %mul3A_514 = arith.constant 16 : i32
            %mul3A_515 = arith.muli %mul3A_514, %scan3A_402 : i32
            %swap3A_516 = arith.constant 10 : i32
            %swap3A_517 = arith.index_cast %swap3A_516 : i32 to index
            %swap3A_518 = arith.index_cast %mul3A_515 : i32 to index
            %swap3A_519 = tpu.vector_load %arg13[%swap3A_517, %swap3A_518] {strides = array<i32>} : memref<32x128xf32, #tpu.memory_space<vmem>>, vector<16xf32>,
            tpu.vector_store %arg13[%swap3A_517, %swap3A_518], %gather3A_513 {strides = array<i32>} : memref<32x128xf32, #tpu.memory_space<vmem>>, vector<16xf32>,
            %add3A_520 = arith.constant 11 : i32
            %add3A_521 = vector.broadcast %add3A_520 : i32 to vector<16xi32>
            %add3A_522 = arith.addi %get3A_409, %add3A_521 : vector<16xi32>
            %gather3A_523 = tpu.vector_load_idx %arg10[%add3A_408, %add3A_522] : memref<256x128xf32, #tpu.memory_space<vmem>>[vector<16xi32>, vector<16xi32>], vector<16xf32>,
            %mul3A_524 = arith.constant 16 : i32
            %mul3A_525 = arith.muli %mul3A_524, %scan3A_402 : i32
            %swap3A_526 = arith.constant 11 : i32
            %swap3A_527 = arith.index_cast %swap3A_526 : i32 to index
            %swap3A_528 = arith.index_cast %mul3A_525 : i32 to index
            %swap3A_529 = tpu.vector_load %arg13[%swap3A_527, %swap3A_528] {strides = array<i32>} : memref<32x128xf32, #tpu.memory_space<vmem>>, vector<16xf32>,
            tpu.vector_store %arg13[%swap3A_527, %swap3A_528], %gather3A_523 {strides = array<i32>} : memref<32x128xf32, #tpu.memory_space<vmem>>, vector<16xf32>,
            %add3A_530 = arith.constant 12 : i32
            %add3A_531 = vector.broadcast %add3A_530 : i32 to vector<16xi32>
            %add3A_532 = arith.addi %get3A_409, %add3A_531 : vector<16xi32>
            %gather3A_533 = tpu.vector_load_idx %arg10[%add3A_408, %add3A_532] : memref<256x128xf32, #tpu.memory_space<vmem>>[vector<16xi32>, vector<16xi32>], vector<16xf32>,
            %mul3A_534 = arith.constant 16 : i32
            %mul3A_535 = arith.muli %mul3A_534, %scan3A_402 : i32
            %swap3A_536 = arith.constant 12 : i32
            %swap3A_537 = arith.index_cast %swap3A_536 : i32 to index
            %swap3A_538 = arith.index_cast %mul3A_535 : i32 to index
            %swap3A_539 = tpu.vector_load %arg13[%swap3A_537, %swap3A_538] {strides = array<i32>} : memref<32x128xf32, #tpu.memory_space<vmem>>, vector<16xf32>,
            tpu.vector_store %arg13[%swap3A_537, %swap3A_538], %gather3A_533 {strides = array<i32>} : memref<32x128xf32, #tpu.memory_space<vmem>>, vector<16xf32>,
            %add3A_540 = arith.constant 13 : i32
            %add3A_541 = vector.broadcast %add3A_540 : i32 to vector<16xi32>
            %add3A_542 = arith.addi %get3A_409, %add3A_541 : vector<16xi32>
            %gather3A_543 = tpu.vector_load_idx %arg10[%add3A_408, %add3A_542] : memref<256x128xf32, #tpu.memory_space<vmem>>[vector<16xi32>, vector<16xi32>], vector<16xf32>,
            %mul3A_544 = arith.constant 16 : i32
            %mul3A_545 = arith.muli %mul3A_544, %scan3A_402 : i32
            %swap3A_546 = arith.constant 13 : i32
            %swap3A_547 = arith.index_cast %swap3A_546 : i32 to index
            %swap3A_548 = arith.index_cast %mul3A_545 : i32 to index
            %swap3A_549 = tpu.vector_load %arg13[%swap3A_547, %swap3A_548] {strides = array<i32>} : memref<32x128xf32, #tpu.memory_space<vmem>>, vector<16xf32>,
            tpu.vector_store %arg13[%swap3A_547, %swap3A_548], %gather3A_543 {strides = array<i32>} : memref<32x128xf32, #tpu.memory_space<vmem>>, vector<16xf32>,
            %add3A_550 = arith.constant 14 : i32
            %add3A_551 = vector.broadcast %add3A_550 : i32 to vector<16xi32>
            %add3A_552 = arith.addi %get3A_409, %add3A_551 : vector<16xi32>
            %gather3A_553 = tpu.vector_load_idx %arg10[%add3A_408, %add3A_552] : memref<256x128xf32, #tpu.memory_space<vmem>>[vector<16xi32>, vector<16xi32>], vector<16xf32>,
            %mul3A_554 = arith.constant 16 : i32
            %mul3A_555 = arith.muli %mul3A_554, %scan3A_402 : i32
            %swap3A_556 = arith.constant 14 : i32
            %swap3A_557 = arith.index_cast %swap3A_556 : i32 to index
            %swap3A_558 = arith.index_cast %mul3A_555 : i32 to index
            %swap3A_559 = tpu.vector_load %arg13[%swap3A_557, %swap3A_558] {strides = array<i32>} : memref<32x128xf32, #tpu.memory_space<vmem>>, vector<16xf32>,
            tpu.vector_store %arg13[%swap3A_557, %swap3A_558], %gather3A_553 {strides = array<i32>} : memref<32x128xf32, #tpu.memory_space<vmem>>, vector<16xf32>,
            %add3A_560 = arith.constant 15 : i32
            %add3A_561 = vector.broadcast %add3A_560 : i32 to vector<16xi32>
            %add3A_562 = arith.addi %get3A_409, %add3A_561 : vector<16xi32>
            %gather3A_563 = tpu.vector_load_idx %arg10[%add3A_408, %add3A_562] : memref<256x128xf32, #tpu.memory_space<vmem>>[vector<16xi32>, vector<16xi32>], vector<16xf32>,
            %mul3A_564 = arith.constant 16 : i32
            %mul3A_565 = arith.muli %mul3A_564, %scan3A_402 : i32
            %swap3A_566 = arith.constant 15 : i32
            %swap3A_567 = arith.index_cast %swap3A_566 : i32 to index
            %swap3A_568 = arith.index_cast %mul3A_565 : i32 to index
            %swap3A_569 = tpu.vector_load %arg13[%swap3A_567, %swap3A_568] {strides = array<i32>} : memref<32x128xf32, #tpu.memory_space<vmem>>, vector<16xf32>,
            tpu.vector_store %arg13[%swap3A_567, %swap3A_568], %gather3A_563 {strides = array<i32>} : memref<32x128xf32, #tpu.memory_space<vmem>>, vector<16xf32>,
            %add3A_570 = arith.constant 16 : i32
            %add3A_571 = vector.broadcast %add3A_570 : i32 to vector<16xi32>
            %add3A_572 = arith.addi %get3A_409, %add3A_571 : vector<16xi32>
            %gather3A_573 = tpu.vector_load_idx %arg10[%add3A_408, %add3A_572] : memref<256x128xf32, #tpu.memory_space<vmem>>[vector<16xi32>, vector<16xi32>], vector<16xf32>,
            %mul3A_574 = arith.constant 16 : i32
            %mul3A_575 = arith.muli %mul3A_574, %scan3A_402 : i32
            %swap3A_576 = arith.constant 16 : i32
            %swap3A_577 = arith.index_cast %swap3A_576 : i32 to index
            %swap3A_578 = arith.index_cast %mul3A_575 : i32 to index
            %swap3A_579 = tpu.vector_load %arg13[%swap3A_577, %swap3A_578] {strides = array<i32>} : memref<32x128xf32, #tpu.memory_space<vmem>>, vector<16xf32>,
            tpu.vector_store %arg13[%swap3A_577, %swap3A_578], %gather3A_573 {strides = array<i32>} : memref<32x128xf32, #tpu.memory_space<vmem>>, vector<16xf32>,
            %add3A_580 = arith.constant 17 : i32
            %add3A_581 = vector.broadcast %add3A_580 : i32 to vector<16xi32>
            %add3A_582 = arith.addi %get3A_409, %add3A_581 : vector<16xi32>
            %gather3A_583 = tpu.vector_load_idx %arg10[%add3A_408, %add3A_582] : memref<256x128xf32, #tpu.memory_space<vmem>>[vector<16xi32>, vector<16xi32>], vector<16xf32>,
            %mul3A_584 = arith.constant 16 : i32
            %mul3A_585 = arith.muli %mul3A_584, %scan3A_402 : i32
            %swap3A_586 = arith.constant 17 : i32
            %swap3A_587 = arith.index_cast %swap3A_586 : i32 to index
            %swap3A_588 = arith.index_cast %mul3A_585 : i32 to index
            %swap3A_589 = tpu.vector_load %arg13[%swap3A_587, %swap3A_588] {strides = array<i32>} : memref<32x128xf32, #tpu.memory_space<vmem>>, vector<16xf32>,
            tpu.vector_store %arg13[%swap3A_587, %swap3A_588], %gather3A_583 {strides = array<i32>} : memref<32x128xf32, #tpu.memory_space<vmem>>, vector<16xf32>,
            %add3A_590 = arith.constant 18 : i32
            %add3A_591 = vector.broadcast %add3A_590 : i32 to vector<16xi32>
            %add3A_592 = arith.addi %get3A_409, %add3A_591 : vector<16xi32>
            %gather3A_593 = tpu.vector_load_idx %arg10[%add3A_408, %add3A_592] : memref<256x128xf32, #tpu.memory_space<vmem>>[vector<16xi32>, vector<16xi32>], vector<16xf32>,
            %mul3A_594 = arith.constant 16 : i32
            %mul3A_595 = arith.muli %mul3A_594, %scan3A_402 : i32
            %swap3A_596 = arith.constant 18 : i32
            %swap3A_597 = arith.index_cast %swap3A_596 : i32 to index
            %swap3A_598 = arith.index_cast %mul3A_595 : i32 to index
            %swap3A_599 = tpu.vector_load %arg13[%swap3A_597, %swap3A_598] {strides = array<i32>} : memref<32x128xf32, #tpu.memory_space<vmem>>, vector<16xf32>,
            tpu.vector_store %arg13[%swap3A_597, %swap3A_598], %gather3A_593 {strides = array<i32>} : memref<32x128xf32, #tpu.memory_space<vmem>>, vector<16xf32>,
            %add3A_600 = arith.constant 19 : i32
            %add3A_601 = vector.broadcast %add3A_600 : i32 to vector<16xi32>
            %add3A_602 = arith.addi %get3A_409, %add3A_601 : vector<16xi32>
            %gather3A_603 = tpu.vector_load_idx %arg10[%add3A_408, %add3A_602] : memref<256x128xf32, #tpu.memory_space<vmem>>[vector<16xi32>, vector<16xi32>], vector<16xf32>,
            %mul3A_604 = arith.constant 16 : i32
            %mul3A_605 = arith.muli %mul3A_604, %scan3A_402 : i32
            %swap3A_606 = arith.constant 19 : i32
            %swap3A_607 = arith.index_cast %swap3A_606 : i32 to index
            %swap3A_608 = arith.index_cast %mul3A_605 : i32 to index
            %swap3A_609 = tpu.vector_load %arg13[%swap3A_607, %swap3A_608] {strides = array<i32>} : memref<32x128xf32, #tpu.memory_space<vmem>>, vector<16xf32>,
            tpu.vector_store %arg13[%swap3A_607, %swap3A_608], %gather3A_603 {strides = array<i32>} : memref<32x128xf32, #tpu.memory_space<vmem>>, vector<16xf32>,
            %add3A_610 = arith.constant 20 : i32
            %add3A_611 = vector.broadcast %add3A_610 : i32 to vector<16xi32>
            %add3A_612 = arith.addi %get3A_409, %add3A_611 : vector<16xi32>
            %gather3A_613 = tpu.vector_load_idx %arg10[%add3A_408, %add3A_612] : memref<256x128xf32, #tpu.memory_space<vmem>>[vector<16xi32>, vector<16xi32>], vector<16xf32>,
            %mul3A_614 = arith.constant 16 : i32
            %mul3A_615 = arith.muli %mul3A_614, %scan3A_402 : i32
            %swap3A_616 = arith.constant 20 : i32
            %swap3A_617 = arith.index_cast %swap3A_616 : i32 to index
            %swap3A_618 = arith.index_cast %mul3A_615 : i32 to index
            %swap3A_619 = tpu.vector_load %arg13[%swap3A_617, %swap3A_618] {strides = array<i32>} : memref<32x128xf32, #tpu.memory_space<vmem>>, vector<16xf32>,
            tpu.vector_store %arg13[%swap3A_617, %swap3A_618], %gather3A_613 {strides = array<i32>} : memref<32x128xf32, #tpu.memory_space<vmem>>, vector<16xf32>,
            %add3A_620 = arith.constant 21 : i32
            %add3A_621 = vector.broadcast %add3A_620 : i32 to vector<16xi32>
            %add3A_622 = arith.addi %get3A_409, %add3A_621 : vector<16xi32>
            %gather3A_623 = tpu.vector_load_idx %arg10[%add3A_408, %add3A_622] : memref<256x128xf32, #tpu.memory_space<vmem>>[vector<16xi32>, vector<16xi32>], vector<16xf32>,
            %mul3A_624 = arith.constant 16 : i32
            %mul3A_625 = arith.muli %mul3A_624, %scan3A_402 : i32
            %swap3A_626 = arith.constant 21 : i32
            %swap3A_627 = arith.index_cast %swap3A_626 : i32 to index
            %swap3A_628 = arith.index_cast %mul3A_625 : i32 to index
            %swap3A_629 = tpu.vector_load %arg13[%swap3A_627, %swap3A_628] {strides = array<i32>} : memref<32x128xf32, #tpu.memory_space<vmem>>, vector<16xf32>,
            tpu.vector_store %arg13[%swap3A_627, %swap3A_628], %gather3A_623 {strides = array<i32>} : memref<32x128xf32, #tpu.memory_space<vmem>>, vector<16xf32>,
            %add3A_630 = arith.constant 22 : i32
            %add3A_631 = vector.broadcast %add3A_630 : i32 to vector<16xi32>
            %add3A_632 = arith.addi %get3A_409, %add3A_631 : vector<16xi32>
            %gather3A_633 = tpu.vector_load_idx %arg10[%add3A_408, %add3A_632] : memref<256x128xf32, #tpu.memory_space<vmem>>[vector<16xi32>, vector<16xi32>], vector<16xf32>,
            %mul3A_634 = arith.constant 16 : i32
            %mul3A_635 = arith.muli %mul3A_634, %scan3A_402 : i32
            %swap3A_636 = arith.constant 22 : i32
            %swap3A_637 = arith.index_cast %swap3A_636 : i32 to index
            %swap3A_638 = arith.index_cast %mul3A_635 : i32 to index
            %swap3A_639 = tpu.vector_load %arg13[%swap3A_637, %swap3A_638] {strides = array<i32>} : memref<32x128xf32, #tpu.memory_space<vmem>>, vector<16xf32>,
            tpu.vector_store %arg13[%swap3A_637, %swap3A_638], %gather3A_633 {strides = array<i32>} : memref<32x128xf32, #tpu.memory_space<vmem>>, vector<16xf32>,
            %add3A_640 = arith.constant 23 : i32
            %add3A_641 = vector.broadcast %add3A_640 : i32 to vector<16xi32>
            %add3A_642 = arith.addi %get3A_409, %add3A_641 : vector<16xi32>
            %gather3A_643 = tpu.vector_load_idx %arg10[%add3A_408, %add3A_642] : memref<256x128xf32, #tpu.memory_space<vmem>>[vector<16xi32>, vector<16xi32>], vector<16xf32>,
            %mul3A_644 = arith.constant 16 : i32
            %mul3A_645 = arith.muli %mul3A_644, %scan3A_402 : i32
            %swap3A_646 = arith.constant 23 : i32
            %swap3A_647 = arith.index_cast %swap3A_646 : i32 to index
            %swap3A_648 = arith.index_cast %mul3A_645 : i32 to index
            %swap3A_649 = tpu.vector_load %arg13[%swap3A_647, %swap3A_648] {strides = array<i32>} : memref<32x128xf32, #tpu.memory_space<vmem>>, vector<16xf32>,
            tpu.vector_store %arg13[%swap3A_647, %swap3A_648], %gather3A_643 {strides = array<i32>} : memref<32x128xf32, #tpu.memory_space<vmem>>, vector<16xf32>,
            %add3A_650 = arith.constant 24 : i32
            %add3A_651 = vector.broadcast %add3A_650 : i32 to vector<16xi32>
            %add3A_652 = arith.addi %get3A_409, %add3A_651 : vector<16xi32>
            %gather3A_653 = tpu.vector_load_idx %arg10[%add3A_408, %add3A_652] : memref<256x128xf32, #tpu.memory_space<vmem>>[vector<16xi32>, vector<16xi32>], vector<16xf32>,
            %mul3A_654 = arith.constant 16 : i32
            %mul3A_655 = arith.muli %mul3A_654, %scan3A_402 : i32
            %swap3A_656 = arith.constant 24 : i32
            %swap3A_657 = arith.index_cast %swap3A_656 : i32 to index
            %swap3A_658 = arith.index_cast %mul3A_655 : i32 to index
            %swap3A_659 = tpu.vector_load %arg13[%swap3A_657, %swap3A_658] {strides = array<i32>} : memref<32x128xf32, #tpu.memory_space<vmem>>, vector<16xf32>,
            tpu.vector_store %arg13[%swap3A_657, %swap3A_658], %gather3A_653 {strides = array<i32>} : memref<32x128xf32, #tpu.memory_space<vmem>>, vector<16xf32>,
            %add3A_660 = arith.constant 25 : i32
            %add3A_661 = vector.broadcast %add3A_660 : i32 to vector<16xi32>
            %add3A_662 = arith.addi %get3A_409, %add3A_661 : vector<16xi32>
            %gather3A_663 = tpu.vector_load_idx %arg10[%add3A_408, %add3A_662] : memref<256x128xf32, #tpu.memory_space<vmem>>[vector<16xi32>, vector<16xi32>], vector<16xf32>,
            %mul3A_664 = arith.constant 16 : i32
            %mul3A_665 = arith.muli %mul3A_664, %scan3A_402 : i32
            %swap3A_666 = arith.constant 25 : i32
            %swap3A_667 = arith.index_cast %swap3A_666 : i32 to index
            %swap3A_668 = arith.index_cast %mul3A_665 : i32 to index
            %swap3A_669 = tpu.vector_load %arg13[%swap3A_667, %swap3A_668] {strides = array<i32>} : memref<32x128xf32, #tpu.memory_space<vmem>>, vector<16xf32>,
            tpu.vector_store %arg13[%swap3A_667, %swap3A_668], %gather3A_663 {strides = array<i32>} : memref<32x128xf32, #tpu.memory_space<vmem>>, vector<16xf32>,
            %add3A_670 = arith.constant 26 : i32
            %add3A_671 = vector.broadcast %add3A_670 : i32 to vector<16xi32>
            %add3A_672 = arith.addi %get3A_409, %add3A_671 : vector<16xi32>
            %gather3A_673 = tpu.vector_load_idx %arg10[%add3A_408, %add3A_672] : memref<256x128xf32, #tpu.memory_space<vmem>>[vector<16xi32>, vector<16xi32>], vector<16xf32>,
            %mul3A_674 = arith.constant 16 : i32
            %mul3A_675 = arith.muli %mul3A_674, %scan3A_402 : i32
            %swap3A_676 = arith.constant 26 : i32
            %swap3A_677 = arith.index_cast %swap3A_676 : i32 to index
            %swap3A_678 = arith.index_cast %mul3A_675 : i32 to index
            %swap3A_679 = tpu.vector_load %arg13[%swap3A_677, %swap3A_678] {strides = array<i32>} : memref<32x128xf32, #tpu.memory_space<vmem>>, vector<16xf32>,
            tpu.vector_store %arg13[%swap3A_677, %swap3A_678], %gather3A_673 {strides = array<i32>} : memref<32x128xf32, #tpu.memory_space<vmem>>, vector<16xf32>,
            %add3A_680 = arith.constant 27 : i32
            %add3A_681 = vector.broadcast %add3A_680 : i32 to vector<16xi32>
            %add3A_682 = arith.addi %get3A_409, %add3A_681 : vector<16xi32>
            %gather3A_683 = tpu.vector_load_idx %arg10[%add3A_408, %add3A_682] : memref<256x128xf32, #tpu.memory_space<vmem>>[vector<16xi32>, vector<16xi32>], vector<16xf32>,
            %mul3A_684 = arith.constant 16 : i32
            %mul3A_685 = arith.muli %mul3A_684, %scan3A_402 : i32
            %swap3A_686 = arith.constant 27 : i32
            %swap3A_687 = arith.index_cast %swap3A_686 : i32 to index
            %swap3A_688 = arith.index_cast %mul3A_685 : i32 to index
            %swap3A_689 = tpu.vector_load %arg13[%swap3A_687, %swap3A_688] {strides = array<i32>} : memref<32x128xf32, #tpu.memory_space<vmem>>, vector<16xf32>,
            tpu.vector_store %arg13[%swap3A_687, %swap3A_688], %gather3A_683 {strides = array<i32>} : memref<32x128xf32, #tpu.memory_space<vmem>>, vector<16xf32>,
            %add3A_690 = arith.constant 28 : i32
            %add3A_691 = vector.broadcast %add3A_690 : i32 to vector<16xi32>
            %add3A_692 = arith.addi %get3A_409, %add3A_691 : vector<16xi32>
            %gather3A_693 = tpu.vector_load_idx %arg10[%add3A_408, %add3A_692] : memref<256x128xf32, #tpu.memory_space<vmem>>[vector<16xi32>, vector<16xi32>], vector<16xf32>,
            %mul3A_694 = arith.constant 16 : i32
            %mul3A_695 = arith.muli %mul3A_694, %scan3A_402 : i32
            %swap3A_696 = arith.constant 28 : i32
            %swap3A_697 = arith.index_cast %swap3A_696 : i32 to index
            %swap3A_698 = arith.index_cast %mul3A_695 : i32 to index
            %swap3A_699 = tpu.vector_load %arg13[%swap3A_697, %swap3A_698] {strides = array<i32>} : memref<32x128xf32, #tpu.memory_space<vmem>>, vector<16xf32>,
            tpu.vector_store %arg13[%swap3A_697, %swap3A_698], %gather3A_693 {strides = array<i32>} : memref<32x128xf32, #tpu.memory_space<vmem>>, vector<16xf32>,
            %add3A_700 = arith.constant 29 : i32
            %add3A_701 = vector.broadcast %add3A_700 : i32 to vector<16xi32>
            %add3A_702 = arith.addi %get3A_409, %add3A_701 : vector<16xi32>
            %gather3A_703 = tpu.vector_load_idx %arg10[%add3A_408, %add3A_702] : memref<256x128xf32, #tpu.memory_space<vmem>>[vector<16xi32>, vector<16xi32>], vector<16xf32>,
            %mul3A_704 = arith.constant 16 : i32
            %mul3A_705 = arith.muli %mul3A_704, %scan3A_402 : i32
            %swap3A_706 = arith.constant 29 : i32
            %swap3A_707 = arith.index_cast %swap3A_706 : i32 to index
            %swap3A_708 = arith.index_cast %mul3A_705 : i32 to index
            %swap3A_709 = tpu.vector_load %arg13[%swap3A_707, %swap3A_708] {strides = array<i32>} : memref<32x128xf32, #tpu.memory_space<vmem>>, vector<16xf32>,
            tpu.vector_store %arg13[%swap3A_707, %swap3A_708], %gather3A_703 {strides = array<i32>} : memref<32x128xf32, #tpu.memory_space<vmem>>, vector<16xf32>,
            %add3A_710 = arith.constant 30 : i32
            %add3A_711 = vector.broadcast %add3A_710 : i32 to vector<16xi32>
            %add3A_712 = arith.addi %get3A_409, %add3A_711 : vector<16xi32>
            %gather3A_713 = tpu.vector_load_idx %arg10[%add3A_408, %add3A_712] : memref<256x128xf32, #tpu.memory_space<vmem>>[vector<16xi32>, vector<16xi32>], vector<16xf32>,
            %mul3A_714 = arith.constant 16 : i32
            %mul3A_715 = arith.muli %mul3A_714, %scan3A_402 : i32
            %swap3A_716 = arith.constant 30 : i32
            %swap3A_717 = arith.index_cast %swap3A_716 : i32 to index
            %swap3A_718 = arith.index_cast %mul3A_715 : i32 to index
            %swap3A_719 = tpu.vector_load %arg13[%swap3A_717, %swap3A_718] {strides = array<i32>} : memref<32x128xf32, #tpu.memory_space<vmem>>, vector<16xf32>,
            tpu.vector_store %arg13[%swap3A_717, %swap3A_718], %gather3A_713 {strides = array<i32>} : memref<32x128xf32, #tpu.memory_space<vmem>>, vector<16xf32>,
            %add3A_720 = arith.constant 31 : i32
            %add3A_721 = vector.broadcast %add3A_720 : i32 to vector<16xi32>
            %add3A_722 = arith.addi %get3A_409, %add3A_721 : vector<16xi32>
            %gather3A_723 = tpu.vector_load_idx %arg10[%add3A_408, %add3A_722] : memref<256x128xf32, #tpu.memory_space<vmem>>[vector<16xi32>, vector<16xi32>], vector<16xf32>,
            %mul3A_724 = arith.constant 16 : i32
            %mul3A_725 = arith.muli %mul3A_724, %scan3A_402 : i32
            %swap3A_726 = arith.constant 31 : i32
            %swap3A_727 = arith.index_cast %swap3A_726 : i32 to index
            %swap3A_728 = arith.index_cast %mul3A_725 : i32 to index
            %swap3A_729 = tpu.vector_load %arg13[%swap3A_727, %swap3A_728] {strides = array<i32>} : memref<32x128xf32, #tpu.memory_space<vmem>>, vector<16xf32>,
            tpu.vector_store %arg13[%swap3A_727, %swap3A_728], %gather3A_723 {strides = array<i32>} : memref<32x128xf32, #tpu.memory_space<vmem>>, vector<16xf32>,
            %scan3A_730 = arith.constant 1 : i32
            %scan3A_731 = arith.addi %scan3A_402, %scan3A_730 : i32
            %mul3A_732 = arith.constant 16 : i32
            %mul3A_733 = arith.muli %mul3A_732, %scan3A_731 : i32
            %add3A_734 = arith.constant 128 : i32
            %add3A_735 = arith.addi %add3A_734, %mul3A_733 : i32
            %add3A_736 = vector.broadcast %add3A_735 : i32 to vector<16xi32>
            %add3A_737 = arith.addi %add3A_736, %iota3A : vector<16xi32>
            %get3A_738 = arith.index_cast %add3A_735 : i32 to index
            %get3A_739 = tpu.vector_load %arg8[%get3A_738] {strides = array<i32>} : memref<256xi32, #tpu.memory_space<vmem>>, vector<16xi32>,
            %add3A_740 = arith.constant 0 : i32
            %add3A_741 = vector.broadcast %add3A_740 : i32 to vector<16xi32>
            %add3A_742 = arith.addi %get3A_739, %add3A_741 : vector<16xi32>
            %gather3A_743 = tpu.vector_load_idx %arg10[%add3A_737, %add3A_742] : memref<256x128xf32, #tpu.memory_space<vmem>>[vector<16xi32>, vector<16xi32>], vector<16xf32>,
            %mul3A_744 = arith.constant 16 : i32
            %mul3A_745 = arith.muli %mul3A_744, %scan3A_731 : i32
            %swap3A_746 = arith.constant 0 : i32
            %swap3A_747 = arith.index_cast %swap3A_746 : i32 to index
            %swap3A_748 = arith.index_cast %mul3A_745 : i32 to index
            %swap3A_749 = tpu.vector_load %arg13[%swap3A_747, %swap3A_748] {strides = array<i32>} : memref<32x128xf32, #tpu.memory_space<vmem>>, vector<16xf32>,
            tpu.vector_store %arg13[%swap3A_747, %swap3A_748], %gather3A_743 {strides = array<i32>} : memref<32x128xf32, #tpu.memory_space<vmem>>, vector<16xf32>,
            %add3A_750 = arith.constant 1 : i32
            %add3A_751 = vector.broadcast %add3A_750 : i32 to vector<16xi32>
            %add3A_752 = arith.addi %get3A_739, %add3A_751 : vector<16xi32>
            %gather3A_753 = tpu.vector_load_idx %arg10[%add3A_737, %add3A_752] : memref<256x128xf32, #tpu.memory_space<vmem>>[vector<16xi32>, vector<16xi32>], vector<16xf32>,
            %mul3A_754 = arith.constant 16 : i32
            %mul3A_755 = arith.muli %mul3A_754, %scan3A_731 : i32
            %swap3A_756 = arith.constant 1 : i32
            %swap3A_757 = arith.index_cast %swap3A_756 : i32 to index
            %swap3A_758 = arith.index_cast %mul3A_755 : i32 to index
            %swap3A_759 = tpu.vector_load %arg13[%swap3A_757, %swap3A_758] {strides = array<i32>} : memref<32x128xf32, #tpu.memory_space<vmem>>, vector<16xf32>,
            tpu.vector_store %arg13[%swap3A_757, %swap3A_758], %gather3A_753 {strides = array<i32>} : memref<32x128xf32, #tpu.memory_space<vmem>>, vector<16xf32>,
            %add3A_760 = arith.constant 2 : i32
            %add3A_761 = vector.broadcast %add3A_760 : i32 to vector<16xi32>
            %add3A_762 = arith.addi %get3A_739, %add3A_761 : vector<16xi32>
            %gather3A_763 = tpu.vector_load_idx %arg10[%add3A_737, %add3A_762] : memref<256x128xf32, #tpu.memory_space<vmem>>[vector<16xi32>, vector<16xi32>], vector<16xf32>,
            %mul3A_764 = arith.constant 16 : i32
            %mul3A_765 = arith.muli %mul3A_764, %scan3A_731 : i32
            %swap3A_766 = arith.constant 2 : i32
            %swap3A_767 = arith.index_cast %swap3A_766 : i32 to index
            %swap3A_768 = arith.index_cast %mul3A_765 : i32 to index
            %swap3A_769 = tpu.vector_load %arg13[%swap3A_767, %swap3A_768] {strides = array<i32>} : memref<32x128xf32, #tpu.memory_space<vmem>>, vector<16xf32>,
            tpu.vector_store %arg13[%swap3A_767, %swap3A_768], %gather3A_763 {strides = array<i32>} : memref<32x128xf32, #tpu.memory_space<vmem>>, vector<16xf32>,
            %add3A_770 = arith.constant 3 : i32
            %add3A_771 = vector.broadcast %add3A_770 : i32 to vector<16xi32>
            %add3A_772 = arith.addi %get3A_739, %add3A_771 : vector<16xi32>
            %gather3A_773 = tpu.vector_load_idx %arg10[%add3A_737, %add3A_772] : memref<256x128xf32, #tpu.memory_space<vmem>>[vector<16xi32>, vector<16xi32>], vector<16xf32>,
            %mul3A_774 = arith.constant 16 : i32
            %mul3A_775 = arith.muli %mul3A_774, %scan3A_731 : i32
            %swap3A_776 = arith.constant 3 : i32
            %swap3A_777 = arith.index_cast %swap3A_776 : i32 to index
            %swap3A_778 = arith.index_cast %mul3A_775 : i32 to index
            %swap3A_779 = tpu.vector_load %arg13[%swap3A_777, %swap3A_778] {strides = array<i32>} : memref<32x128xf32, #tpu.memory_space<vmem>>, vector<16xf32>,
            tpu.vector_store %arg13[%swap3A_777, %swap3A_778], %gather3A_773 {strides = array<i32>} : memref<32x128xf32, #tpu.memory_space<vmem>>, vector<16xf32>,
            %add3A_780 = arith.constant 4 : i32
            %add3A_781 = vector.broadcast %add3A_780 : i32 to vector<16xi32>
            %add3A_782 = arith.addi %get3A_739, %add3A_781 : vector<16xi32>
            %gather3A_783 = tpu.vector_load_idx %arg10[%add3A_737, %add3A_782] : memref<256x128xf32, #tpu.memory_space<vmem>>[vector<16xi32>, vector<16xi32>], vector<16xf32>,
            %mul3A_784 = arith.constant 16 : i32
            %mul3A_785 = arith.muli %mul3A_784, %scan3A_731 : i32
            %swap3A_786 = arith.constant 4 : i32
            %swap3A_787 = arith.index_cast %swap3A_786 : i32 to index
            %swap3A_788 = arith.index_cast %mul3A_785 : i32 to index
            %swap3A_789 = tpu.vector_load %arg13[%swap3A_787, %swap3A_788] {strides = array<i32>} : memref<32x128xf32, #tpu.memory_space<vmem>>, vector<16xf32>,
            tpu.vector_store %arg13[%swap3A_787, %swap3A_788], %gather3A_783 {strides = array<i32>} : memref<32x128xf32, #tpu.memory_space<vmem>>, vector<16xf32>,
            %add3A_790 = arith.constant 5 : i32
            %add3A_791 = vector.broadcast %add3A_790 : i32 to vector<16xi32>
            %add3A_792 = arith.addi %get3A_739, %add3A_791 : vector<16xi32>
            %gather3A_793 = tpu.vector_load_idx %arg10[%add3A_737, %add3A_792] : memref<256x128xf32, #tpu.memory_space<vmem>>[vector<16xi32>, vector<16xi32>], vector<16xf32>,
            %mul3A_794 = arith.constant 16 : i32
            %mul3A_795 = arith.muli %mul3A_794, %scan3A_731 : i32
            %swap3A_796 = arith.constant 5 : i32
            %swap3A_797 = arith.index_cast %swap3A_796 : i32 to index
            %swap3A_798 = arith.index_cast %mul3A_795 : i32 to index
            %swap3A_799 = tpu.vector_load %arg13[%swap3A_797, %swap3A_798] {strides = array<i32>} : memref<32x128xf32, #tpu.memory_space<vmem>>, vector<16xf32>,
            tpu.vector_store %arg13[%swap3A_797, %swap3A_798], %gather3A_793 {strides = array<i32>} : memref<32x128xf32, #tpu.memory_space<vmem>>, vector<16xf32>,
            %add3A_800 = arith.constant 6 : i32
            %add3A_801 = vector.broadcast %add3A_800 : i32 to vector<16xi32>
            %add3A_802 = arith.addi %get3A_739, %add3A_801 : vector<16xi32>
            %gather3A_803 = tpu.vector_load_idx %arg10[%add3A_737, %add3A_802] : memref<256x128xf32, #tpu.memory_space<vmem>>[vector<16xi32>, vector<16xi32>], vector<16xf32>,
            %mul3A_804 = arith.constant 16 : i32
            %mul3A_805 = arith.muli %mul3A_804, %scan3A_731 : i32
            %swap3A_806 = arith.constant 6 : i32
            %swap3A_807 = arith.index_cast %swap3A_806 : i32 to index
            %swap3A_808 = arith.index_cast %mul3A_805 : i32 to index
            %swap3A_809 = tpu.vector_load %arg13[%swap3A_807, %swap3A_808] {strides = array<i32>} : memref<32x128xf32, #tpu.memory_space<vmem>>, vector<16xf32>,
            tpu.vector_store %arg13[%swap3A_807, %swap3A_808], %gather3A_803 {strides = array<i32>} : memref<32x128xf32, #tpu.memory_space<vmem>>, vector<16xf32>,
            %add3A_810 = arith.constant 7 : i32
            %add3A_811 = vector.broadcast %add3A_810 : i32 to vector<16xi32>
            %add3A_812 = arith.addi %get3A_739, %add3A_811 : vector<16xi32>
            %gather3A_813 = tpu.vector_load_idx %arg10[%add3A_737, %add3A_812] : memref<256x128xf32, #tpu.memory_space<vmem>>[vector<16xi32>, vector<16xi32>], vector<16xf32>,
            %mul3A_814 = arith.constant 16 : i32
            %mul3A_815 = arith.muli %mul3A_814, %scan3A_731 : i32
            %swap3A_816 = arith.constant 7 : i32
            %swap3A_817 = arith.index_cast %swap3A_816 : i32 to index
            %swap3A_818 = arith.index_cast %mul3A_815 : i32 to index
            %swap3A_819 = tpu.vector_load %arg13[%swap3A_817, %swap3A_818] {strides = array<i32>} : memref<32x128xf32, #tpu.memory_space<vmem>>, vector<16xf32>,
            tpu.vector_store %arg13[%swap3A_817, %swap3A_818], %gather3A_813 {strides = array<i32>} : memref<32x128xf32, #tpu.memory_space<vmem>>, vector<16xf32>,
            %add3A_820 = arith.constant 8 : i32
            %add3A_821 = vector.broadcast %add3A_820 : i32 to vector<16xi32>
            %add3A_822 = arith.addi %get3A_739, %add3A_821 : vector<16xi32>
            %gather3A_823 = tpu.vector_load_idx %arg10[%add3A_737, %add3A_822] : memref<256x128xf32, #tpu.memory_space<vmem>>[vector<16xi32>, vector<16xi32>], vector<16xf32>,
            %mul3A_824 = arith.constant 16 : i32
            %mul3A_825 = arith.muli %mul3A_824, %scan3A_731 : i32
            %swap3A_826 = arith.constant 8 : i32
            %swap3A_827 = arith.index_cast %swap3A_826 : i32 to index
            %swap3A_828 = arith.index_cast %mul3A_825 : i32 to index
            %swap3A_829 = tpu.vector_load %arg13[%swap3A_827, %swap3A_828] {strides = array<i32>} : memref<32x128xf32, #tpu.memory_space<vmem>>, vector<16xf32>,
            tpu.vector_store %arg13[%swap3A_827, %swap3A_828], %gather3A_823 {strides = array<i32>} : memref<32x128xf32, #tpu.memory_space<vmem>>, vector<16xf32>,
            %add3A_830 = arith.constant 9 : i32
            %add3A_831 = vector.broadcast %add3A_830 : i32 to vector<16xi32>
            %add3A_832 = arith.addi %get3A_739, %add3A_831 : vector<16xi32>
            %gather3A_833 = tpu.vector_load_idx %arg10[%add3A_737, %add3A_832] : memref<256x128xf32, #tpu.memory_space<vmem>>[vector<16xi32>, vector<16xi32>], vector<16xf32>,
            %mul3A_834 = arith.constant 16 : i32
            %mul3A_835 = arith.muli %mul3A_834, %scan3A_731 : i32
            %swap3A_836 = arith.constant 9 : i32
            %swap3A_837 = arith.index_cast %swap3A_836 : i32 to index
            %swap3A_838 = arith.index_cast %mul3A_835 : i32 to index
            %swap3A_839 = tpu.vector_load %arg13[%swap3A_837, %swap3A_838] {strides = array<i32>} : memref<32x128xf32, #tpu.memory_space<vmem>>, vector<16xf32>,
            tpu.vector_store %arg13[%swap3A_837, %swap3A_838], %gather3A_833 {strides = array<i32>} : memref<32x128xf32, #tpu.memory_space<vmem>>, vector<16xf32>,
            %add3A_840 = arith.constant 10 : i32
            %add3A_841 = vector.broadcast %add3A_840 : i32 to vector<16xi32>
            %add3A_842 = arith.addi %get3A_739, %add3A_841 : vector<16xi32>
            %gather3A_843 = tpu.vector_load_idx %arg10[%add3A_737, %add3A_842] : memref<256x128xf32, #tpu.memory_space<vmem>>[vector<16xi32>, vector<16xi32>], vector<16xf32>,
            %mul3A_844 = arith.constant 16 : i32
            %mul3A_845 = arith.muli %mul3A_844, %scan3A_731 : i32
            %swap3A_846 = arith.constant 10 : i32
            %swap3A_847 = arith.index_cast %swap3A_846 : i32 to index
            %swap3A_848 = arith.index_cast %mul3A_845 : i32 to index
            %swap3A_849 = tpu.vector_load %arg13[%swap3A_847, %swap3A_848] {strides = array<i32>} : memref<32x128xf32, #tpu.memory_space<vmem>>, vector<16xf32>,
            tpu.vector_store %arg13[%swap3A_847, %swap3A_848], %gather3A_843 {strides = array<i32>} : memref<32x128xf32, #tpu.memory_space<vmem>>, vector<16xf32>,
            %add3A_850 = arith.constant 11 : i32
            %add3A_851 = vector.broadcast %add3A_850 : i32 to vector<16xi32>
            %add3A_852 = arith.addi %get3A_739, %add3A_851 : vector<16xi32>
            %gather3A_853 = tpu.vector_load_idx %arg10[%add3A_737, %add3A_852] : memref<256x128xf32, #tpu.memory_space<vmem>>[vector<16xi32>, vector<16xi32>], vector<16xf32>,
            %mul3A_854 = arith.constant 16 : i32
            %mul3A_855 = arith.muli %mul3A_854, %scan3A_731 : i32
            %swap3A_856 = arith.constant 11 : i32
            %swap3A_857 = arith.index_cast %swap3A_856 : i32 to index
            %swap3A_858 = arith.index_cast %mul3A_855 : i32 to index
            %swap3A_859 = tpu.vector_load %arg13[%swap3A_857, %swap3A_858] {strides = array<i32>} : memref<32x128xf32, #tpu.memory_space<vmem>>, vector<16xf32>,
            tpu.vector_store %arg13[%swap3A_857, %swap3A_858], %gather3A_853 {strides = array<i32>} : memref<32x128xf32, #tpu.memory_space<vmem>>, vector<16xf32>,
            %add3A_860 = arith.constant 12 : i32
            %add3A_861 = vector.broadcast %add3A_860 : i32 to vector<16xi32>
            %add3A_862 = arith.addi %get3A_739, %add3A_861 : vector<16xi32>
            %gather3A_863 = tpu.vector_load_idx %arg10[%add3A_737, %add3A_862] : memref<256x128xf32, #tpu.memory_space<vmem>>[vector<16xi32>, vector<16xi32>], vector<16xf32>,
            %mul3A_864 = arith.constant 16 : i32
            %mul3A_865 = arith.muli %mul3A_864, %scan3A_731 : i32
            %swap3A_866 = arith.constant 12 : i32
            %swap3A_867 = arith.index_cast %swap3A_866 : i32 to index
            %swap3A_868 = arith.index_cast %mul3A_865 : i32 to index
            %swap3A_869 = tpu.vector_load %arg13[%swap3A_867, %swap3A_868] {strides = array<i32>} : memref<32x128xf32, #tpu.memory_space<vmem>>, vector<16xf32>,
            tpu.vector_store %arg13[%swap3A_867, %swap3A_868], %gather3A_863 {strides = array<i32>} : memref<32x128xf32, #tpu.memory_space<vmem>>, vector<16xf32>,
            %add3A_870 = arith.constant 13 : i32
            %add3A_871 = vector.broadcast %add3A_870 : i32 to vector<16xi32>
            %add3A_872 = arith.addi %get3A_739, %add3A_871 : vector<16xi32>
            %gather3A_873 = tpu.vector_load_idx %arg10[%add3A_737, %add3A_872] : memref<256x128xf32, #tpu.memory_space<vmem>>[vector<16xi32>, vector<16xi32>], vector<16xf32>,
            %mul3A_874 = arith.constant 16 : i32
            %mul3A_875 = arith.muli %mul3A_874, %scan3A_731 : i32
            %swap3A_876 = arith.constant 13 : i32
            %swap3A_877 = arith.index_cast %swap3A_876 : i32 to index
            %swap3A_878 = arith.index_cast %mul3A_875 : i32 to index
            %swap3A_879 = tpu.vector_load %arg13[%swap3A_877, %swap3A_878] {strides = array<i32>} : memref<32x128xf32, #tpu.memory_space<vmem>>, vector<16xf32>,
            tpu.vector_store %arg13[%swap3A_877, %swap3A_878], %gather3A_873 {strides = array<i32>} : memref<32x128xf32, #tpu.memory_space<vmem>>, vector<16xf32>,
            %add3A_880 = arith.constant 14 : i32
            %add3A_881 = vector.broadcast %add3A_880 : i32 to vector<16xi32>
            %add3A_882 = arith.addi %get3A_739, %add3A_881 : vector<16xi32>
            %gather3A_883 = tpu.vector_load_idx %arg10[%add3A_737, %add3A_882] : memref<256x128xf32, #tpu.memory_space<vmem>>[vector<16xi32>, vector<16xi32>], vector<16xf32>,
            %mul3A_884 = arith.constant 16 : i32
            %mul3A_885 = arith.muli %mul3A_884, %scan3A_731 : i32
            %swap3A_886 = arith.constant 14 : i32
            %swap3A_887 = arith.index_cast %swap3A_886 : i32 to index
            %swap3A_888 = arith.index_cast %mul3A_885 : i32 to index
            %swap3A_889 = tpu.vector_load %arg13[%swap3A_887, %swap3A_888] {strides = array<i32>} : memref<32x128xf32, #tpu.memory_space<vmem>>, vector<16xf32>,
            tpu.vector_store %arg13[%swap3A_887, %swap3A_888], %gather3A_883 {strides = array<i32>} : memref<32x128xf32, #tpu.memory_space<vmem>>, vector<16xf32>,
            %add3A_890 = arith.constant 15 : i32
            %add3A_891 = vector.broadcast %add3A_890 : i32 to vector<16xi32>
            %add3A_892 = arith.addi %get3A_739, %add3A_891 : vector<16xi32>
            %gather3A_893 = tpu.vector_load_idx %arg10[%add3A_737, %add3A_892] : memref<256x128xf32, #tpu.memory_space<vmem>>[vector<16xi32>, vector<16xi32>], vector<16xf32>,
            %mul3A_894 = arith.constant 16 : i32
            %mul3A_895 = arith.muli %mul3A_894, %scan3A_731 : i32
            %swap3A_896 = arith.constant 15 : i32
            %swap3A_897 = arith.index_cast %swap3A_896 : i32 to index
            %swap3A_898 = arith.index_cast %mul3A_895 : i32 to index
            %swap3A_899 = tpu.vector_load %arg13[%swap3A_897, %swap3A_898] {strides = array<i32>} : memref<32x128xf32, #tpu.memory_space<vmem>>, vector<16xf32>,
            tpu.vector_store %arg13[%swap3A_897, %swap3A_898], %gather3A_893 {strides = array<i32>} : memref<32x128xf32, #tpu.memory_space<vmem>>, vector<16xf32>,
            %add3A_900 = arith.constant 16 : i32
            %add3A_901 = vector.broadcast %add3A_900 : i32 to vector<16xi32>
            %add3A_902 = arith.addi %get3A_739, %add3A_901 : vector<16xi32>
            %gather3A_903 = tpu.vector_load_idx %arg10[%add3A_737, %add3A_902] : memref<256x128xf32, #tpu.memory_space<vmem>>[vector<16xi32>, vector<16xi32>], vector<16xf32>,
            %mul3A_904 = arith.constant 16 : i32
            %mul3A_905 = arith.muli %mul3A_904, %scan3A_731 : i32
            %swap3A_906 = arith.constant 16 : i32
            %swap3A_907 = arith.index_cast %swap3A_906 : i32 to index
            %swap3A_908 = arith.index_cast %mul3A_905 : i32 to index
            %swap3A_909 = tpu.vector_load %arg13[%swap3A_907, %swap3A_908] {strides = array<i32>} : memref<32x128xf32, #tpu.memory_space<vmem>>, vector<16xf32>,
            tpu.vector_store %arg13[%swap3A_907, %swap3A_908], %gather3A_903 {strides = array<i32>} : memref<32x128xf32, #tpu.memory_space<vmem>>, vector<16xf32>,
            %add3A_910 = arith.constant 17 : i32
            %add3A_911 = vector.broadcast %add3A_910 : i32 to vector<16xi32>
            %add3A_912 = arith.addi %get3A_739, %add3A_911 : vector<16xi32>
            %gather3A_913 = tpu.vector_load_idx %arg10[%add3A_737, %add3A_912] : memref<256x128xf32, #tpu.memory_space<vmem>>[vector<16xi32>, vector<16xi32>], vector<16xf32>,
            %mul3A_914 = arith.constant 16 : i32
            %mul3A_915 = arith.muli %mul3A_914, %scan3A_731 : i32
            %swap3A_916 = arith.constant 17 : i32
            %swap3A_917 = arith.index_cast %swap3A_916 : i32 to index
            %swap3A_918 = arith.index_cast %mul3A_915 : i32 to index
            %swap3A_919 = tpu.vector_load %arg13[%swap3A_917, %swap3A_918] {strides = array<i32>} : memref<32x128xf32, #tpu.memory_space<vmem>>, vector<16xf32>,
            tpu.vector_store %arg13[%swap3A_917, %swap3A_918], %gather3A_913 {strides = array<i32>} : memref<32x128xf32, #tpu.memory_space<vmem>>, vector<16xf32>,
            %add3A_920 = arith.constant 18 : i32
            %add3A_921 = vector.broadcast %add3A_920 : i32 to vector<16xi32>
            %add3A_922 = arith.addi %get3A_739, %add3A_921 : vector<16xi32>
            %gather3A_923 = tpu.vector_load_idx %arg10[%add3A_737, %add3A_922] : memref<256x128xf32, #tpu.memory_space<vmem>>[vector<16xi32>, vector<16xi32>], vector<16xf32>,
            %mul3A_924 = arith.constant 16 : i32
            %mul3A_925 = arith.muli %mul3A_924, %scan3A_731 : i32
            %swap3A_926 = arith.constant 18 : i32
            %swap3A_927 = arith.index_cast %swap3A_926 : i32 to index
            %swap3A_928 = arith.index_cast %mul3A_925 : i32 to index
            %swap3A_929 = tpu.vector_load %arg13[%swap3A_927, %swap3A_928] {strides = array<i32>} : memref<32x128xf32, #tpu.memory_space<vmem>>, vector<16xf32>,
            tpu.vector_store %arg13[%swap3A_927, %swap3A_928], %gather3A_923 {strides = array<i32>} : memref<32x128xf32, #tpu.memory_space<vmem>>, vector<16xf32>,
            %add3A_930 = arith.constant 19 : i32
            %add3A_931 = vector.broadcast %add3A_930 : i32 to vector<16xi32>
            %add3A_932 = arith.addi %get3A_739, %add3A_931 : vector<16xi32>
            %gather3A_933 = tpu.vector_load_idx %arg10[%add3A_737, %add3A_932] : memref<256x128xf32, #tpu.memory_space<vmem>>[vector<16xi32>, vector<16xi32>], vector<16xf32>,
            %mul3A_934 = arith.constant 16 : i32
            %mul3A_935 = arith.muli %mul3A_934, %scan3A_731 : i32
            %swap3A_936 = arith.constant 19 : i32
            %swap3A_937 = arith.index_cast %swap3A_936 : i32 to index
            %swap3A_938 = arith.index_cast %mul3A_935 : i32 to index
            %swap3A_939 = tpu.vector_load %arg13[%swap3A_937, %swap3A_938] {strides = array<i32>} : memref<32x128xf32, #tpu.memory_space<vmem>>, vector<16xf32>,
            tpu.vector_store %arg13[%swap3A_937, %swap3A_938], %gather3A_933 {strides = array<i32>} : memref<32x128xf32, #tpu.memory_space<vmem>>, vector<16xf32>,
            %add3A_940 = arith.constant 20 : i32
            %add3A_941 = vector.broadcast %add3A_940 : i32 to vector<16xi32>
            %add3A_942 = arith.addi %get3A_739, %add3A_941 : vector<16xi32>
            %gather3A_943 = tpu.vector_load_idx %arg10[%add3A_737, %add3A_942] : memref<256x128xf32, #tpu.memory_space<vmem>>[vector<16xi32>, vector<16xi32>], vector<16xf32>,
            %mul3A_944 = arith.constant 16 : i32
            %mul3A_945 = arith.muli %mul3A_944, %scan3A_731 : i32
            %swap3A_946 = arith.constant 20 : i32
            %swap3A_947 = arith.index_cast %swap3A_946 : i32 to index
            %swap3A_948 = arith.index_cast %mul3A_945 : i32 to index
            %swap3A_949 = tpu.vector_load %arg13[%swap3A_947, %swap3A_948] {strides = array<i32>} : memref<32x128xf32, #tpu.memory_space<vmem>>, vector<16xf32>,
            tpu.vector_store %arg13[%swap3A_947, %swap3A_948], %gather3A_943 {strides = array<i32>} : memref<32x128xf32, #tpu.memory_space<vmem>>, vector<16xf32>,
            %add3A_950 = arith.constant 21 : i32
            %add3A_951 = vector.broadcast %add3A_950 : i32 to vector<16xi32>
            %add3A_952 = arith.addi %get3A_739, %add3A_951 : vector<16xi32>
            %gather3A_953 = tpu.vector_load_idx %arg10[%add3A_737, %add3A_952] : memref<256x128xf32, #tpu.memory_space<vmem>>[vector<16xi32>, vector<16xi32>], vector<16xf32>,
            %mul3A_954 = arith.constant 16 : i32
            %mul3A_955 = arith.muli %mul3A_954, %scan3A_731 : i32
            %swap3A_956 = arith.constant 21 : i32
            %swap3A_957 = arith.index_cast %swap3A_956 : i32 to index
            %swap3A_958 = arith.index_cast %mul3A_955 : i32 to index
            %swap3A_959 = tpu.vector_load %arg13[%swap3A_957, %swap3A_958] {strides = array<i32>} : memref<32x128xf32, #tpu.memory_space<vmem>>, vector<16xf32>,
            tpu.vector_store %arg13[%swap3A_957, %swap3A_958], %gather3A_953 {strides = array<i32>} : memref<32x128xf32, #tpu.memory_space<vmem>>, vector<16xf32>,
            %add3A_960 = arith.constant 22 : i32
            %add3A_961 = vector.broadcast %add3A_960 : i32 to vector<16xi32>
            %add3A_962 = arith.addi %get3A_739, %add3A_961 : vector<16xi32>
            %gather3A_963 = tpu.vector_load_idx %arg10[%add3A_737, %add3A_962] : memref<256x128xf32, #tpu.memory_space<vmem>>[vector<16xi32>, vector<16xi32>], vector<16xf32>,
            %mul3A_964 = arith.constant 16 : i32
            %mul3A_965 = arith.muli %mul3A_964, %scan3A_731 : i32
            %swap3A_966 = arith.constant 22 : i32
            %swap3A_967 = arith.index_cast %swap3A_966 : i32 to index
            %swap3A_968 = arith.index_cast %mul3A_965 : i32 to index
            %swap3A_969 = tpu.vector_load %arg13[%swap3A_967, %swap3A_968] {strides = array<i32>} : memref<32x128xf32, #tpu.memory_space<vmem>>, vector<16xf32>,
            tpu.vector_store %arg13[%swap3A_967, %swap3A_968], %gather3A_963 {strides = array<i32>} : memref<32x128xf32, #tpu.memory_space<vmem>>, vector<16xf32>,
            %add3A_970 = arith.constant 23 : i32
            %add3A_971 = vector.broadcast %add3A_970 : i32 to vector<16xi32>
            %add3A_972 = arith.addi %get3A_739, %add3A_971 : vector<16xi32>
            %gather3A_973 = tpu.vector_load_idx %arg10[%add3A_737, %add3A_972] : memref<256x128xf32, #tpu.memory_space<vmem>>[vector<16xi32>, vector<16xi32>], vector<16xf32>,
            %mul3A_974 = arith.constant 16 : i32
            %mul3A_975 = arith.muli %mul3A_974, %scan3A_731 : i32
            %swap3A_976 = arith.constant 23 : i32
            %swap3A_977 = arith.index_cast %swap3A_976 : i32 to index
            %swap3A_978 = arith.index_cast %mul3A_975 : i32 to index
            %swap3A_979 = tpu.vector_load %arg13[%swap3A_977, %swap3A_978] {strides = array<i32>} : memref<32x128xf32, #tpu.memory_space<vmem>>, vector<16xf32>,
            tpu.vector_store %arg13[%swap3A_977, %swap3A_978], %gather3A_973 {strides = array<i32>} : memref<32x128xf32, #tpu.memory_space<vmem>>, vector<16xf32>,
            %add3A_980 = arith.constant 24 : i32
            %add3A_981 = vector.broadcast %add3A_980 : i32 to vector<16xi32>
            %add3A_982 = arith.addi %get3A_739, %add3A_981 : vector<16xi32>
            %gather3A_983 = tpu.vector_load_idx %arg10[%add3A_737, %add3A_982] : memref<256x128xf32, #tpu.memory_space<vmem>>[vector<16xi32>, vector<16xi32>], vector<16xf32>,
            %mul3A_984 = arith.constant 16 : i32
            %mul3A_985 = arith.muli %mul3A_984, %scan3A_731 : i32
            %swap3A_986 = arith.constant 24 : i32
            %swap3A_987 = arith.index_cast %swap3A_986 : i32 to index
            %swap3A_988 = arith.index_cast %mul3A_985 : i32 to index
            %swap3A_989 = tpu.vector_load %arg13[%swap3A_987, %swap3A_988] {strides = array<i32>} : memref<32x128xf32, #tpu.memory_space<vmem>>, vector<16xf32>,
            tpu.vector_store %arg13[%swap3A_987, %swap3A_988], %gather3A_983 {strides = array<i32>} : memref<32x128xf32, #tpu.memory_space<vmem>>, vector<16xf32>,
            %add3A_990 = arith.constant 25 : i32
            %add3A_991 = vector.broadcast %add3A_990 : i32 to vector<16xi32>
            %add3A_992 = arith.addi %get3A_739, %add3A_991 : vector<16xi32>
            %gather3A_993 = tpu.vector_load_idx %arg10[%add3A_737, %add3A_992] : memref<256x128xf32, #tpu.memory_space<vmem>>[vector<16xi32>, vector<16xi32>], vector<16xf32>,
            %mul3A_994 = arith.constant 16 : i32
            %mul3A_995 = arith.muli %mul3A_994, %scan3A_731 : i32
            %swap3A_996 = arith.constant 25 : i32
            %swap3A_997 = arith.index_cast %swap3A_996 : i32 to index
            %swap3A_998 = arith.index_cast %mul3A_995 : i32 to index
            %swap3A_999 = tpu.vector_load %arg13[%swap3A_997, %swap3A_998] {strides = array<i32>} : memref<32x128xf32, #tpu.memory_space<vmem>>, vector<16xf32>,
            tpu.vector_store %arg13[%swap3A_997, %swap3A_998], %gather3A_993 {strides = array<i32>} : memref<32x128xf32, #tpu.memory_space<vmem>>, vector<16xf32>,
            %add3A_1000 = arith.constant 26 : i32
            %add3A_1001 = vector.broadcast %add3A_1000 : i32 to vector<16xi32>
            %add3A_1002 = arith.addi %get3A_739, %add3A_1001 : vector<16xi32>
            %gather3A_1003 = tpu.vector_load_idx %arg10[%add3A_737, %add3A_1002] : memref<256x128xf32, #tpu.memory_space<vmem>>[vector<16xi32>, vector<16xi32>], vector<16xf32>,
            %mul3A_1004 = arith.constant 16 : i32
            %mul3A_1005 = arith.muli %mul3A_1004, %scan3A_731 : i32
            %swap3A_1006 = arith.constant 26 : i32
            %swap3A_1007 = arith.index_cast %swap3A_1006 : i32 to index
            %swap3A_1008 = arith.index_cast %mul3A_1005 : i32 to index
            %swap3A_1009 = tpu.vector_load %arg13[%swap3A_1007, %swap3A_1008] {strides = array<i32>} : memref<32x128xf32, #tpu.memory_space<vmem>>, vector<16xf32>,
            tpu.vector_store %arg13[%swap3A_1007, %swap3A_1008], %gather3A_1003 {strides = array<i32>} : memref<32x128xf32, #tpu.memory_space<vmem>>, vector<16xf32>,
            %add3A_1010 = arith.constant 27 : i32
            %add3A_1011 = vector.broadcast %add3A_1010 : i32 to vector<16xi32>
            %add3A_1012 = arith.addi %get3A_739, %add3A_1011 : vector<16xi32>
            %gather3A_1013 = tpu.vector_load_idx %arg10[%add3A_737, %add3A_1012] : memref<256x128xf32, #tpu.memory_space<vmem>>[vector<16xi32>, vector<16xi32>], vector<16xf32>,
            %mul3A_1014 = arith.constant 16 : i32
            %mul3A_1015 = arith.muli %mul3A_1014, %scan3A_731 : i32
            %swap3A_1016 = arith.constant 27 : i32
            %swap3A_1017 = arith.index_cast %swap3A_1016 : i32 to index
            %swap3A_1018 = arith.index_cast %mul3A_1015 : i32 to index
            %swap3A_1019 = tpu.vector_load %arg13[%swap3A_1017, %swap3A_1018] {strides = array<i32>} : memref<32x128xf32, #tpu.memory_space<vmem>>, vector<16xf32>,
            tpu.vector_store %arg13[%swap3A_1017, %swap3A_1018], %gather3A_1013 {strides = array<i32>} : memref<32x128xf32, #tpu.memory_space<vmem>>, vector<16xf32>,
            %add3A_1020 = arith.constant 28 : i32
            %add3A_1021 = vector.broadcast %add3A_1020 : i32 to vector<16xi32>
            %add3A_1022 = arith.addi %get3A_739, %add3A_1021 : vector<16xi32>
            %gather3A_1023 = tpu.vector_load_idx %arg10[%add3A_737, %add3A_1022] : memref<256x128xf32, #tpu.memory_space<vmem>>[vector<16xi32>, vector<16xi32>], vector<16xf32>,
            %mul3A_1024 = arith.constant 16 : i32
            %mul3A_1025 = arith.muli %mul3A_1024, %scan3A_731 : i32
            %swap3A_1026 = arith.constant 28 : i32
            %swap3A_1027 = arith.index_cast %swap3A_1026 : i32 to index
            %swap3A_1028 = arith.index_cast %mul3A_1025 : i32 to index
            %swap3A_1029 = tpu.vector_load %arg13[%swap3A_1027, %swap3A_1028] {strides = array<i32>} : memref<32x128xf32, #tpu.memory_space<vmem>>, vector<16xf32>,
            tpu.vector_store %arg13[%swap3A_1027, %swap3A_1028], %gather3A_1023 {strides = array<i32>} : memref<32x128xf32, #tpu.memory_space<vmem>>, vector<16xf32>,
            %add3A_1030 = arith.constant 29 : i32
            %add3A_1031 = vector.broadcast %add3A_1030 : i32 to vector<16xi32>
            %add3A_1032 = arith.addi %get3A_739, %add3A_1031 : vector<16xi32>
            %gather3A_1033 = tpu.vector_load_idx %arg10[%add3A_737, %add3A_1032] : memref<256x128xf32, #tpu.memory_space<vmem>>[vector<16xi32>, vector<16xi32>], vector<16xf32>,
            %mul3A_1034 = arith.constant 16 : i32
            %mul3A_1035 = arith.muli %mul3A_1034, %scan3A_731 : i32
            %swap3A_1036 = arith.constant 29 : i32
            %swap3A_1037 = arith.index_cast %swap3A_1036 : i32 to index
            %swap3A_1038 = arith.index_cast %mul3A_1035 : i32 to index
            %swap3A_1039 = tpu.vector_load %arg13[%swap3A_1037, %swap3A_1038] {strides = array<i32>} : memref<32x128xf32, #tpu.memory_space<vmem>>, vector<16xf32>,
            tpu.vector_store %arg13[%swap3A_1037, %swap3A_1038], %gather3A_1033 {strides = array<i32>} : memref<32x128xf32, #tpu.memory_space<vmem>>, vector<16xf32>,
            %add3A_1040 = arith.constant 30 : i32
            %add3A_1041 = vector.broadcast %add3A_1040 : i32 to vector<16xi32>
            %add3A_1042 = arith.addi %get3A_739, %add3A_1041 : vector<16xi32>
            %gather3A_1043 = tpu.vector_load_idx %arg10[%add3A_737, %add3A_1042] : memref<256x128xf32, #tpu.memory_space<vmem>>[vector<16xi32>, vector<16xi32>], vector<16xf32>,
            %mul3A_1044 = arith.constant 16 : i32
            %mul3A_1045 = arith.muli %mul3A_1044, %scan3A_731 : i32
            %swap3A_1046 = arith.constant 30 : i32
            %swap3A_1047 = arith.index_cast %swap3A_1046 : i32 to index
            %swap3A_1048 = arith.index_cast %mul3A_1045 : i32 to index
            %swap3A_1049 = tpu.vector_load %arg13[%swap3A_1047, %swap3A_1048] {strides = array<i32>} : memref<32x128xf32, #tpu.memory_space<vmem>>, vector<16xf32>,
            tpu.vector_store %arg13[%swap3A_1047, %swap3A_1048], %gather3A_1043 {strides = array<i32>} : memref<32x128xf32, #tpu.memory_space<vmem>>, vector<16xf32>,
            %add3A_1050 = arith.constant 31 : i32
            %add3A_1051 = vector.broadcast %add3A_1050 : i32 to vector<16xi32>
            %add3A_1052 = arith.addi %get3A_739, %add3A_1051 : vector<16xi32>
            %gather3A_1053 = tpu.vector_load_idx %arg10[%add3A_737, %add3A_1052] : memref<256x128xf32, #tpu.memory_space<vmem>>[vector<16xi32>, vector<16xi32>], vector<16xf32>,
            %mul3A_1054 = arith.constant 16 : i32
            %mul3A_1055 = arith.muli %mul3A_1054, %scan3A_731 : i32
            %swap3A_1056 = arith.constant 31 : i32
            %swap3A_1057 = arith.index_cast %swap3A_1056 : i32 to index
            %swap3A_1058 = arith.index_cast %mul3A_1055 : i32 to index
            %swap3A_1059 = tpu.vector_load %arg13[%swap3A_1057, %swap3A_1058] {strides = array<i32>} : memref<32x128xf32, #tpu.memory_space<vmem>>, vector<16xf32>,
            tpu.vector_store %arg13[%swap3A_1057, %swap3A_1058], %gather3A_1053 {strides = array<i32>} : memref<32x128xf32, #tpu.memory_space<vmem>>, vector<16xf32>,
          }
          %scan3A_393 = arith.constant 8 : i32
          %add3A_394 = arith.constant 1 : i32
          %add3A_395 = arith.addi %mul3A_366, %add3A_394 : i32
          %dma_start3A_396 = arith.constant 0 : i32
          %dma_start3A_397 = tpu.memref_slice %arg4[%add3A_395, %dma_start3A_396, %multiple_of3A] : memref<50x32x16384xf32, #tpu.memory_space<hbm>> -> memref<1x32x128xf32, #tpu.memory_space<hbm>>
          %dma_start3A_398 = tpu.memref_squeeze %dma_start3A_397 : memref<1x32x128xf32, #tpu.memory_space<hbm>> -> memref<32x128xf32, #tpu.memory_space<hbm>>
          %dma_start3A_399 = arith.constant 0 : i32
          %dma_start3A_400 = tpu.memref_slice %arg4[%add3A_395, %dma_start3A_399, %multiple_of3A] : memref<50x32x16384xf32, #tpu.memory_space<hbm>> -> memref<1x32x128xf32, #tpu.memory_space<hbm>>
          %dma_start3A_401 = tpu.memref_squeeze %dma_start3A_400 : memref<1x32x128xf32, #tpu.memory_space<hbm>> -> memref<32x128xf32, #tpu.memory_space<hbm>>
          tpu.enqueue_dma source(%arg13 : memref<32x128xf32, #tpu.memory_space<vmem>>) target(%dma_start3A_401 : memref<32x128xf32, #tpu.memory_space<hbm>>) target_semaphore(%arg15 : memref<!tpu.dma_semaphore, #tpu.memory_space<semaphore_mem>>)
        } else {
        }
        %eq3A_371 = arith.constant 1 : i32
        %eq3A_372 = arith.cmpi eq, %rem3A_352, %eq3A_371 : i32
        %convert_element_type3A_373 = arith.extui %eq3A_372 : i1 to i32
        %cond3A_374 = arith.constant 0 : i32
        %cond3A_375 = arith.cmpi ne, %convert_element_type3A_373, %cond3A_374 : i32
        scf.if %cond3A_375 {
          %scan3A_376 = arith.constant 0 : i32
          %scan3A_377 = arith.constant 0 : i32
          %scan3A_378 = arith.constant 8 : i32
          %scan3A_379 = arith.addi %scan3A_377, %scan3A_378 : i32
          %scan3A_380 = arith.constant 2 : i32
          scf.for %scan3A_402 = %scan3A_377 to %scan3A_379 step %scan3A_380  : i32 {
            %mul3A_403 = arith.constant 16 : i32
            %mul3A_404 = arith.muli %mul3A_403, %scan3A_402 : i32
            %add3A_405 = arith.constant 0 : i32
            %add3A_406 = arith.addi %add3A_405, %mul3A_404 : i32
            %add3A_407 = vector.broadcast %add3A_406 : i32 to vector<16xi32>
            %add3A_408 = arith.addi %add3A_407, %iota3A : vector<16xi32>
            %get3A = arith.index_cast %add3A_406 : i32 to index
            %get3A_409 = tpu.vector_load %arg9[%get3A] {strides = array<i32>} : memref<256xi32, #tpu.memory_space<vmem>>, vector<16xi32>,
            %add3A_410 = arith.constant 0 : i32
            %add3A_411 = vector.broadcast %add3A_410 : i32 to vector<16xi32>
            %add3A_412 = arith.addi %get3A_409, %add3A_411 : vector<16xi32>
            %gather3A_413 = tpu.vector_load_idx %arg11[%add3A_408, %add3A_412] : memref<256x128xf32, #tpu.memory_space<vmem>>[vector<16xi32>, vector<16xi32>], vector<16xf32>,
            %mul3A_414 = arith.constant 16 : i32
            %mul3A_415 = arith.muli %mul3A_414, %scan3A_402 : i32
            %swap3A_416 = arith.constant 0 : i32
            %swap3A_417 = arith.index_cast %swap3A_416 : i32 to index
            %swap3A_418 = arith.index_cast %mul3A_415 : i32 to index
            %swap3A_419 = tpu.vector_load %arg12[%swap3A_417, %swap3A_418] {strides = array<i32>} : memref<32x128xf32, #tpu.memory_space<vmem>>, vector<16xf32>,
            tpu.vector_store %arg12[%swap3A_417, %swap3A_418], %gather3A_413 {strides = array<i32>} : memref<32x128xf32, #tpu.memory_space<vmem>>, vector<16xf32>,
            %add3A_420 = arith.constant 1 : i32
            %add3A_421 = vector.broadcast %add3A_420 : i32 to vector<16xi32>
            %add3A_422 = arith.addi %get3A_409, %add3A_421 : vector<16xi32>
            %gather3A_423 = tpu.vector_load_idx %arg11[%add3A_408, %add3A_422] : memref<256x128xf32, #tpu.memory_space<vmem>>[vector<16xi32>, vector<16xi32>], vector<16xf32>,
            %mul3A_424 = arith.constant 16 : i32
            %mul3A_425 = arith.muli %mul3A_424, %scan3A_402 : i32
            %swap3A_426 = arith.constant 1 : i32
            %swap3A_427 = arith.index_cast %swap3A_426 : i32 to index
            %swap3A_428 = arith.index_cast %mul3A_425 : i32 to index
            %swap3A_429 = tpu.vector_load %arg12[%swap3A_427, %swap3A_428] {strides = array<i32>} : memref<32x128xf32, #tpu.memory_space<vmem>>, vector<16xf32>,
            tpu.vector_store %arg12[%swap3A_427, %swap3A_428], %gather3A_423 {strides = array<i32>} : memref<32x128xf32, #tpu.memory_space<vmem>>, vector<16xf32>,
            %add3A_430 = arith.constant 2 : i32
            %add3A_431 = vector.broadcast %add3A_430 : i32 to vector<16xi32>
            %add3A_432 = arith.addi %get3A_409, %add3A_431 : vector<16xi32>
            %gather3A_433 = tpu.vector_load_idx %arg11[%add3A_408, %add3A_432] : memref<256x128xf32, #tpu.memory_space<vmem>>[vector<16xi32>, vector<16xi32>], vector<16xf32>,
            %mul3A_434 = arith.constant 16 : i32
            %mul3A_435 = arith.muli %mul3A_434, %scan3A_402 : i32
            %swap3A_436 = arith.constant 2 : i32
            %swap3A_437 = arith.index_cast %swap3A_436 : i32 to index
            %swap3A_438 = arith.index_cast %mul3A_435 : i32 to index
            %swap3A_439 = tpu.vector_load %arg12[%swap3A_437, %swap3A_438] {strides = array<i32>} : memref<32x128xf32, #tpu.memory_space<vmem>>, vector<16xf32>,
            tpu.vector_store %arg12[%swap3A_437, %swap3A_438], %gather3A_433 {strides = array<i32>} : memref<32x128xf32, #tpu.memory_space<vmem>>, vector<16xf32>,
            %add3A_440 = arith.constant 3 : i32
            %add3A_441 = vector.broadcast %add3A_440 : i32 to vector<16xi32>
            %add3A_442 = arith.addi %get3A_409, %add3A_441 : vector<16xi32>
            %gather3A_443 = tpu.vector_load_idx %arg11[%add3A_408, %add3A_442] : memref<256x128xf32, #tpu.memory_space<vmem>>[vector<16xi32>, vector<16xi32>], vector<16xf32>,
            %mul3A_444 = arith.constant 16 : i32
            %mul3A_445 = arith.muli %mul3A_444, %scan3A_402 : i32
            %swap3A_446 = arith.constant 3 : i32
            %swap3A_447 = arith.index_cast %swap3A_446 : i32 to index
            %swap3A_448 = arith.index_cast %mul3A_445 : i32 to index
            %swap3A_449 = tpu.vector_load %arg12[%swap3A_447, %swap3A_448] {strides = array<i32>} : memref<32x128xf32, #tpu.memory_space<vmem>>, vector<16xf32>,
            tpu.vector_store %arg12[%swap3A_447, %swap3A_448], %gather3A_443 {strides = array<i32>} : memref<32x128xf32, #tpu.memory_space<vmem>>, vector<16xf32>,
            %add3A_450 = arith.constant 4 : i32
            %add3A_451 = vector.broadcast %add3A_450 : i32 to vector<16xi32>
            %add3A_452 = arith.addi %get3A_409, %add3A_451 : vector<16xi32>
            %gather3A_453 = tpu.vector_load_idx %arg11[%add3A_408, %add3A_452] : memref<256x128xf32, #tpu.memory_space<vmem>>[vector<16xi32>, vector<16xi32>], vector<16xf32>,
            %mul3A_454 = arith.constant 16 : i32
            %mul3A_455 = arith.muli %mul3A_454, %scan3A_402 : i32
            %swap3A_456 = arith.constant 4 : i32
            %swap3A_457 = arith.index_cast %swap3A_456 : i32 to index
            %swap3A_458 = arith.index_cast %mul3A_455 : i32 to index
            %swap3A_459 = tpu.vector_load %arg12[%swap3A_457, %swap3A_458] {strides = array<i32>} : memref<32x128xf32, #tpu.memory_space<vmem>>, vector<16xf32>,
            tpu.vector_store %arg12[%swap3A_457, %swap3A_458], %gather3A_453 {strides = array<i32>} : memref<32x128xf32, #tpu.memory_space<vmem>>, vector<16xf32>,
            %add3A_460 = arith.constant 5 : i32
            %add3A_461 = vector.broadcast %add3A_460 : i32 to vector<16xi32>
            %add3A_462 = arith.addi %get3A_409, %add3A_461 : vector<16xi32>
            %gather3A_463 = tpu.vector_load_idx %arg11[%add3A_408, %add3A_462] : memref<256x128xf32, #tpu.memory_space<vmem>>[vector<16xi32>, vector<16xi32>], vector<16xf32>,
            %mul3A_464 = arith.constant 16 : i32
            %mul3A_465 = arith.muli %mul3A_464, %scan3A_402 : i32
            %swap3A_466 = arith.constant 5 : i32
            %swap3A_467 = arith.index_cast %swap3A_466 : i32 to index
            %swap3A_468 = arith.index_cast %mul3A_465 : i32 to index
            %swap3A_469 = tpu.vector_load %arg12[%swap3A_467, %swap3A_468] {strides = array<i32>} : memref<32x128xf32, #tpu.memory_space<vmem>>, vector<16xf32>,
            tpu.vector_store %arg12[%swap3A_467, %swap3A_468], %gather3A_463 {strides = array<i32>} : memref<32x128xf32, #tpu.memory_space<vmem>>, vector<16xf32>,
            %add3A_470 = arith.constant 6 : i32
            %add3A_471 = vector.broadcast %add3A_470 : i32 to vector<16xi32>
            %add3A_472 = arith.addi %get3A_409, %add3A_471 : vector<16xi32>
            %gather3A_473 = tpu.vector_load_idx %arg11[%add3A_408, %add3A_472] : memref<256x128xf32, #tpu.memory_space<vmem>>[vector<16xi32>, vector<16xi32>], vector<16xf32>,
            %mul3A_474 = arith.constant 16 : i32
            %mul3A_475 = arith.muli %mul3A_474, %scan3A_402 : i32
            %swap3A_476 = arith.constant 6 : i32
            %swap3A_477 = arith.index_cast %swap3A_476 : i32 to index
            %swap3A_478 = arith.index_cast %mul3A_475 : i32 to index
            %swap3A_479 = tpu.vector_load %arg12[%swap3A_477, %swap3A_478] {strides = array<i32>} : memref<32x128xf32, #tpu.memory_space<vmem>>, vector<16xf32>,
            tpu.vector_store %arg12[%swap3A_477, %swap3A_478], %gather3A_473 {strides = array<i32>} : memref<32x128xf32, #tpu.memory_space<vmem>>, vector<16xf32>,
            %add3A_480 = arith.constant 7 : i32
            %add3A_481 = vector.broadcast %add3A_480 : i32 to vector<16xi32>
            %add3A_482 = arith.addi %get3A_409, %add3A_481 : vector<16xi32>
            %gather3A_483 = tpu.vector_load_idx %arg11[%add3A_408, %add3A_482] : memref<256x128xf32, #tpu.memory_space<vmem>>[vector<16xi32>, vector<16xi32>], vector<16xf32>,
            %mul3A_484 = arith.constant 16 : i32
            %mul3A_485 = arith.muli %mul3A_484, %scan3A_402 : i32
            %swap3A_486 = arith.constant 7 : i32
            %swap3A_487 = arith.index_cast %swap3A_486 : i32 to index
            %swap3A_488 = arith.index_cast %mul3A_485 : i32 to index
            %swap3A_489 = tpu.vector_load %arg12[%swap3A_487, %swap3A_488] {strides = array<i32>} : memref<32x128xf32, #tpu.memory_space<vmem>>, vector<16xf32>,
            tpu.vector_store %arg12[%swap3A_487, %swap3A_488], %gather3A_483 {strides = array<i32>} : memref<32x128xf32, #tpu.memory_space<vmem>>, vector<16xf32>,
            %add3A_490 = arith.constant 8 : i32
            %add3A_491 = vector.broadcast %add3A_490 : i32 to vector<16xi32>
            %add3A_492 = arith.addi %get3A_409, %add3A_491 : vector<16xi32>
            %gather3A_493 = tpu.vector_load_idx %arg11[%add3A_408, %add3A_492] : memref<256x128xf32, #tpu.memory_space<vmem>>[vector<16xi32>, vector<16xi32>], vector<16xf32>,
            %mul3A_494 = arith.constant 16 : i32
            %mul3A_495 = arith.muli %mul3A_494, %scan3A_402 : i32
            %swap3A_496 = arith.constant 8 : i32
            %swap3A_497 = arith.index_cast %swap3A_496 : i32 to index
            %swap3A_498 = arith.index_cast %mul3A_495 : i32 to index
            %swap3A_499 = tpu.vector_load %arg12[%swap3A_497, %swap3A_498] {strides = array<i32>} : memref<32x128xf32, #tpu.memory_space<vmem>>, vector<16xf32>,
            tpu.vector_store %arg12[%swap3A_497, %swap3A_498], %gather3A_493 {strides = array<i32>} : memref<32x128xf32, #tpu.memory_space<vmem>>, vector<16xf32>,
            %add3A_500 = arith.constant 9 : i32
            %add3A_501 = vector.broadcast %add3A_500 : i32 to vector<16xi32>
            %add3A_502 = arith.addi %get3A_409, %add3A_501 : vector<16xi32>
            %gather3A_503 = tpu.vector_load_idx %arg11[%add3A_408, %add3A_502] : memref<256x128xf32, #tpu.memory_space<vmem>>[vector<16xi32>, vector<16xi32>], vector<16xf32>,
            %mul3A_504 = arith.constant 16 : i32
            %mul3A_505 = arith.muli %mul3A_504, %scan3A_402 : i32
            %swap3A_506 = arith.constant 9 : i32
            %swap3A_507 = arith.index_cast %swap3A_506 : i32 to index
            %swap3A_508 = arith.index_cast %mul3A_505 : i32 to index
            %swap3A_509 = tpu.vector_load %arg12[%swap3A_507, %swap3A_508] {strides = array<i32>} : memref<32x128xf32, #tpu.memory_space<vmem>>, vector<16xf32>,
            tpu.vector_store %arg12[%swap3A_507, %swap3A_508], %gather3A_503 {strides = array<i32>} : memref<32x128xf32, #tpu.memory_space<vmem>>, vector<16xf32>,
            %add3A_510 = arith.constant 10 : i32
            %add3A_511 = vector.broadcast %add3A_510 : i32 to vector<16xi32>
            %add3A_512 = arith.addi %get3A_409, %add3A_511 : vector<16xi32>
            %gather3A_513 = tpu.vector_load_idx %arg11[%add3A_408, %add3A_512] : memref<256x128xf32, #tpu.memory_space<vmem>>[vector<16xi32>, vector<16xi32>], vector<16xf32>,
            %mul3A_514 = arith.constant 16 : i32
            %mul3A_515 = arith.muli %mul3A_514, %scan3A_402 : i32
            %swap3A_516 = arith.constant 10 : i32
            %swap3A_517 = arith.index_cast %swap3A_516 : i32 to index
            %swap3A_518 = arith.index_cast %mul3A_515 : i32 to index
            %swap3A_519 = tpu.vector_load %arg12[%swap3A_517, %swap3A_518] {strides = array<i32>} : memref<32x128xf32, #tpu.memory_space<vmem>>, vector<16xf32>,
            tpu.vector_store %arg12[%swap3A_517, %swap3A_518], %gather3A_513 {strides = array<i32>} : memref<32x128xf32, #tpu.memory_space<vmem>>, vector<16xf32>,
            %add3A_520 = arith.constant 11 : i32
            %add3A_521 = vector.broadcast %add3A_520 : i32 to vector<16xi32>
            %add3A_522 = arith.addi %get3A_409, %add3A_521 : vector<16xi32>
            %gather3A_523 = tpu.vector_load_idx %arg11[%add3A_408, %add3A_522] : memref<256x128xf32, #tpu.memory_space<vmem>>[vector<16xi32>, vector<16xi32>], vector<16xf32>,
            %mul3A_524 = arith.constant 16 : i32
            %mul3A_525 = arith.muli %mul3A_524, %scan3A_402 : i32
            %swap3A_526 = arith.constant 11 : i32
            %swap3A_527 = arith.index_cast %swap3A_526 : i32 to index
            %swap3A_528 = arith.index_cast %mul3A_525 : i32 to index
            %swap3A_529 = tpu.vector_load %arg12[%swap3A_527, %swap3A_528] {strides = array<i32>} : memref<32x128xf32, #tpu.memory_space<vmem>>, vector<16xf32>,
            tpu.vector_store %arg12[%swap3A_527, %swap3A_528], %gather3A_523 {strides = array<i32>} : memref<32x128xf32, #tpu.memory_space<vmem>>, vector<16xf32>,
            %add3A_530 = arith.constant 12 : i32
            %add3A_531 = vector.broadcast %add3A_530 : i32 to vector<16xi32>
            %add3A_532 = arith.addi %get3A_409, %add3A_531 : vector<16xi32>
            %gather3A_533 = tpu.vector_load_idx %arg11[%add3A_408, %add3A_532] : memref<256x128xf32, #tpu.memory_space<vmem>>[vector<16xi32>, vector<16xi32>], vector<16xf32>,
            %mul3A_534 = arith.constant 16 : i32
            %mul3A_535 = arith.muli %mul3A_534, %scan3A_402 : i32
            %swap3A_536 = arith.constant 12 : i32
            %swap3A_537 = arith.index_cast %swap3A_536 : i32 to index
            %swap3A_538 = arith.index_cast %mul3A_535 : i32 to index
            %swap3A_539 = tpu.vector_load %arg12[%swap3A_537, %swap3A_538] {strides = array<i32>} : memref<32x128xf32, #tpu.memory_space<vmem>>, vector<16xf32>,
            tpu.vector_store %arg12[%swap3A_537, %swap3A_538], %gather3A_533 {strides = array<i32>} : memref<32x128xf32, #tpu.memory_space<vmem>>, vector<16xf32>,
            %add3A_540 = arith.constant 13 : i32
            %add3A_541 = vector.broadcast %add3A_540 : i32 to vector<16xi32>
            %add3A_542 = arith.addi %get3A_409, %add3A_541 : vector<16xi32>
            %gather3A_543 = tpu.vector_load_idx %arg11[%add3A_408, %add3A_542] : memref<256x128xf32, #tpu.memory_space<vmem>>[vector<16xi32>, vector<16xi32>], vector<16xf32>,
            %mul3A_544 = arith.constant 16 : i32
            %mul3A_545 = arith.muli %mul3A_544, %scan3A_402 : i32
            %swap3A_546 = arith.constant 13 : i32
            %swap3A_547 = arith.index_cast %swap3A_546 : i32 to index
            %swap3A_548 = arith.index_cast %mul3A_545 : i32 to index
            %swap3A_549 = tpu.vector_load %arg12[%swap3A_547, %swap3A_548] {strides = array<i32>} : memref<32x128xf32, #tpu.memory_space<vmem>>, vector<16xf32>,
            tpu.vector_store %arg12[%swap3A_547, %swap3A_548], %gather3A_543 {strides = array<i32>} : memref<32x128xf32, #tpu.memory_space<vmem>>, vector<16xf32>,
            %add3A_550 = arith.constant 14 : i32
            %add3A_551 = vector.broadcast %add3A_550 : i32 to vector<16xi32>
            %add3A_552 = arith.addi %get3A_409, %add3A_551 : vector<16xi32>
            %gather3A_553 = tpu.vector_load_idx %arg11[%add3A_408, %add3A_552] : memref<256x128xf32, #tpu.memory_space<vmem>>[vector<16xi32>, vector<16xi32>], vector<16xf32>,
            %mul3A_554 = arith.constant 16 : i32
            %mul3A_555 = arith.muli %mul3A_554, %scan3A_402 : i32
            %swap3A_556 = arith.constant 14 : i32
            %swap3A_557 = arith.index_cast %swap3A_556 : i32 to index
            %swap3A_558 = arith.index_cast %mul3A_555 : i32 to index
            %swap3A_559 = tpu.vector_load %arg12[%swap3A_557, %swap3A_558] {strides = array<i32>} : memref<32x128xf32, #tpu.memory_space<vmem>>, vector<16xf32>,
            tpu.vector_store %arg12[%swap3A_557, %swap3A_558], %gather3A_553 {strides = array<i32>} : memref<32x128xf32, #tpu.memory_space<vmem>>, vector<16xf32>,
            %add3A_560 = arith.constant 15 : i32
            %add3A_561 = vector.broadcast %add3A_560 : i32 to vector<16xi32>
            %add3A_562 = arith.addi %get3A_409, %add3A_561 : vector<16xi32>
            %gather3A_563 = tpu.vector_load_idx %arg11[%add3A_408, %add3A_562] : memref<256x128xf32, #tpu.memory_space<vmem>>[vector<16xi32>, vector<16xi32>], vector<16xf32>,
            %mul3A_564 = arith.constant 16 : i32
            %mul3A_565 = arith.muli %mul3A_564, %scan3A_402 : i32
            %swap3A_566 = arith.constant 15 : i32
            %swap3A_567 = arith.index_cast %swap3A_566 : i32 to index
            %swap3A_568 = arith.index_cast %mul3A_565 : i32 to index
            %swap3A_569 = tpu.vector_load %arg12[%swap3A_567, %swap3A_568] {strides = array<i32>} : memref<32x128xf32, #tpu.memory_space<vmem>>, vector<16xf32>,
            tpu.vector_store %arg12[%swap3A_567, %swap3A_568], %gather3A_563 {strides = array<i32>} : memref<32x128xf32, #tpu.memory_space<vmem>>, vector<16xf32>,
            %add3A_570 = arith.constant 16 : i32
            %add3A_571 = vector.broadcast %add3A_570 : i32 to vector<16xi32>
            %add3A_572 = arith.addi %get3A_409, %add3A_571 : vector<16xi32>
            %gather3A_573 = tpu.vector_load_idx %arg11[%add3A_408, %add3A_572] : memref<256x128xf32, #tpu.memory_space<vmem>>[vector<16xi32>, vector<16xi32>], vector<16xf32>,
            %mul3A_574 = arith.constant 16 : i32
            %mul3A_575 = arith.muli %mul3A_574, %scan3A_402 : i32
            %swap3A_576 = arith.constant 16 : i32
            %swap3A_577 = arith.index_cast %swap3A_576 : i32 to index
            %swap3A_578 = arith.index_cast %mul3A_575 : i32 to index
            %swap3A_579 = tpu.vector_load %arg12[%swap3A_577, %swap3A_578] {strides = array<i32>} : memref<32x128xf32, #tpu.memory_space<vmem>>, vector<16xf32>,
            tpu.vector_store %arg12[%swap3A_577, %swap3A_578], %gather3A_573 {strides = array<i32>} : memref<32x128xf32, #tpu.memory_space<vmem>>, vector<16xf32>,
            %add3A_580 = arith.constant 17 : i32
            %add3A_581 = vector.broadcast %add3A_580 : i32 to vector<16xi32>
            %add3A_582 = arith.addi %get3A_409, %add3A_581 : vector<16xi32>
            %gather3A_583 = tpu.vector_load_idx %arg11[%add3A_408, %add3A_582] : memref<256x128xf32, #tpu.memory_space<vmem>>[vector<16xi32>, vector<16xi32>], vector<16xf32>,
            %mul3A_584 = arith.constant 16 : i32
            %mul3A_585 = arith.muli %mul3A_584, %scan3A_402 : i32
            %swap3A_586 = arith.constant 17 : i32
            %swap3A_587 = arith.index_cast %swap3A_586 : i32 to index
            %swap3A_588 = arith.index_cast %mul3A_585 : i32 to index
            %swap3A_589 = tpu.vector_load %arg12[%swap3A_587, %swap3A_588] {strides = array<i32>} : memref<32x128xf32, #tpu.memory_space<vmem>>, vector<16xf32>,
            tpu.vector_store %arg12[%swap3A_587, %swap3A_588], %gather3A_583 {strides = array<i32>} : memref<32x128xf32, #tpu.memory_space<vmem>>, vector<16xf32>,
            %add3A_590 = arith.constant 18 : i32
            %add3A_591 = vector.broadcast %add3A_590 : i32 to vector<16xi32>
            %add3A_592 = arith.addi %get3A_409, %add3A_591 : vector<16xi32>
            %gather3A_593 = tpu.vector_load_idx %arg11[%add3A_408, %add3A_592] : memref<256x128xf32, #tpu.memory_space<vmem>>[vector<16xi32>, vector<16xi32>], vector<16xf32>,
            %mul3A_594 = arith.constant 16 : i32
            %mul3A_595 = arith.muli %mul3A_594, %scan3A_402 : i32
            %swap3A_596 = arith.constant 18 : i32
            %swap3A_597 = arith.index_cast %swap3A_596 : i32 to index
            %swap3A_598 = arith.index_cast %mul3A_595 : i32 to index
            %swap3A_599 = tpu.vector_load %arg12[%swap3A_597, %swap3A_598] {strides = array<i32>} : memref<32x128xf32, #tpu.memory_space<vmem>>, vector<16xf32>,
            tpu.vector_store %arg12[%swap3A_597, %swap3A_598], %gather3A_593 {strides = array<i32>} : memref<32x128xf32, #tpu.memory_space<vmem>>, vector<16xf32>,
            %add3A_600 = arith.constant 19 : i32
            %add3A_601 = vector.broadcast %add3A_600 : i32 to vector<16xi32>
            %add3A_602 = arith.addi %get3A_409, %add3A_601 : vector<16xi32>
            %gather3A_603 = tpu.vector_load_idx %arg11[%add3A_408, %add3A_602] : memref<256x128xf32, #tpu.memory_space<vmem>>[vector<16xi32>, vector<16xi32>], vector<16xf32>,
            %mul3A_604 = arith.constant 16 : i32
            %mul3A_605 = arith.muli %mul3A_604, %scan3A_402 : i32
            %swap3A_606 = arith.constant 19 : i32
            %swap3A_607 = arith.index_cast %swap3A_606 : i32 to index
            %swap3A_608 = arith.index_cast %mul3A_605 : i32 to index
            %swap3A_609 = tpu.vector_load %arg12[%swap3A_607, %swap3A_608] {strides = array<i32>} : memref<32x128xf32, #tpu.memory_space<vmem>>, vector<16xf32>,
            tpu.vector_store %arg12[%swap3A_607, %swap3A_608], %gather3A_603 {strides = array<i32>} : memref<32x128xf32, #tpu.memory_space<vmem>>, vector<16xf32>,
            %add3A_610 = arith.constant 20 : i32
            %add3A_611 = vector.broadcast %add3A_610 : i32 to vector<16xi32>
            %add3A_612 = arith.addi %get3A_409, %add3A_611 : vector<16xi32>
            %gather3A_613 = tpu.vector_load_idx %arg11[%add3A_408, %add3A_612] : memref<256x128xf32, #tpu.memory_space<vmem>>[vector<16xi32>, vector<16xi32>], vector<16xf32>,
            %mul3A_614 = arith.constant 16 : i32
            %mul3A_615 = arith.muli %mul3A_614, %scan3A_402 : i32
            %swap3A_616 = arith.constant 20 : i32
            %swap3A_617 = arith.index_cast %swap3A_616 : i32 to index
            %swap3A_618 = arith.index_cast %mul3A_615 : i32 to index
            %swap3A_619 = tpu.vector_load %arg12[%swap3A_617, %swap3A_618] {strides = array<i32>} : memref<32x128xf32, #tpu.memory_space<vmem>>, vector<16xf32>,
            tpu.vector_store %arg12[%swap3A_617, %swap3A_618], %gather3A_613 {strides = array<i32>} : memref<32x128xf32, #tpu.memory_space<vmem>>, vector<16xf32>,
            %add3A_620 = arith.constant 21 : i32
            %add3A_621 = vector.broadcast %add3A_620 : i32 to vector<16xi32>
            %add3A_622 = arith.addi %get3A_409, %add3A_621 : vector<16xi32>
            %gather3A_623 = tpu.vector_load_idx %arg11[%add3A_408, %add3A_622] : memref<256x128xf32, #tpu.memory_space<vmem>>[vector<16xi32>, vector<16xi32>], vector<16xf32>,
            %mul3A_624 = arith.constant 16 : i32
            %mul3A_625 = arith.muli %mul3A_624, %scan3A_402 : i32
            %swap3A_626 = arith.constant 21 : i32
            %swap3A_627 = arith.index_cast %swap3A_626 : i32 to index
            %swap3A_628 = arith.index_cast %mul3A_625 : i32 to index
            %swap3A_629 = tpu.vector_load %arg12[%swap3A_627, %swap3A_628] {strides = array<i32>} : memref<32x128xf32, #tpu.memory_space<vmem>>, vector<16xf32>,
            tpu.vector_store %arg12[%swap3A_627, %swap3A_628], %gather3A_623 {strides = array<i32>} : memref<32x128xf32, #tpu.memory_space<vmem>>, vector<16xf32>,
            %add3A_630 = arith.constant 22 : i32
            %add3A_631 = vector.broadcast %add3A_630 : i32 to vector<16xi32>
            %add3A_632 = arith.addi %get3A_409, %add3A_631 : vector<16xi32>
            %gather3A_633 = tpu.vector_load_idx %arg11[%add3A_408, %add3A_632] : memref<256x128xf32, #tpu.memory_space<vmem>>[vector<16xi32>, vector<16xi32>], vector<16xf32>,
            %mul3A_634 = arith.constant 16 : i32
            %mul3A_635 = arith.muli %mul3A_634, %scan3A_402 : i32
            %swap3A_636 = arith.constant 22 : i32
            %swap3A_637 = arith.index_cast %swap3A_636 : i32 to index
            %swap3A_638 = arith.index_cast %mul3A_635 : i32 to index
            %swap3A_639 = tpu.vector_load %arg12[%swap3A_637, %swap3A_638] {strides = array<i32>} : memref<32x128xf32, #tpu.memory_space<vmem>>, vector<16xf32>,
            tpu.vector_store %arg12[%swap3A_637, %swap3A_638], %gather3A_633 {strides = array<i32>} : memref<32x128xf32, #tpu.memory_space<vmem>>, vector<16xf32>,
            %add3A_640 = arith.constant 23 : i32
            %add3A_641 = vector.broadcast %add3A_640 : i32 to vector<16xi32>
            %add3A_642 = arith.addi %get3A_409, %add3A_641 : vector<16xi32>
            %gather3A_643 = tpu.vector_load_idx %arg11[%add3A_408, %add3A_642] : memref<256x128xf32, #tpu.memory_space<vmem>>[vector<16xi32>, vector<16xi32>], vector<16xf32>,
            %mul3A_644 = arith.constant 16 : i32
            %mul3A_645 = arith.muli %mul3A_644, %scan3A_402 : i32
            %swap3A_646 = arith.constant 23 : i32
            %swap3A_647 = arith.index_cast %swap3A_646 : i32 to index
            %swap3A_648 = arith.index_cast %mul3A_645 : i32 to index
            %swap3A_649 = tpu.vector_load %arg12[%swap3A_647, %swap3A_648] {strides = array<i32>} : memref<32x128xf32, #tpu.memory_space<vmem>>, vector<16xf32>,
            tpu.vector_store %arg12[%swap3A_647, %swap3A_648], %gather3A_643 {strides = array<i32>} : memref<32x128xf32, #tpu.memory_space<vmem>>, vector<16xf32>,
            %add3A_650 = arith.constant 24 : i32
            %add3A_651 = vector.broadcast %add3A_650 : i32 to vector<16xi32>
            %add3A_652 = arith.addi %get3A_409, %add3A_651 : vector<16xi32>
            %gather3A_653 = tpu.vector_load_idx %arg11[%add3A_408, %add3A_652] : memref<256x128xf32, #tpu.memory_space<vmem>>[vector<16xi32>, vector<16xi32>], vector<16xf32>,
            %mul3A_654 = arith.constant 16 : i32
            %mul3A_655 = arith.muli %mul3A_654, %scan3A_402 : i32
            %swap3A_656 = arith.constant 24 : i32
            %swap3A_657 = arith.index_cast %swap3A_656 : i32 to index
            %swap3A_658 = arith.index_cast %mul3A_655 : i32 to index
            %swap3A_659 = tpu.vector_load %arg12[%swap3A_657, %swap3A_658] {strides = array<i32>} : memref<32x128xf32, #tpu.memory_space<vmem>>, vector<16xf32>,
            tpu.vector_store %arg12[%swap3A_657, %swap3A_658], %gather3A_653 {strides = array<i32>} : memref<32x128xf32, #tpu.memory_space<vmem>>, vector<16xf32>,
            %add3A_660 = arith.constant 25 : i32
            %add3A_661 = vector.broadcast %add3A_660 : i32 to vector<16xi32>
            %add3A_662 = arith.addi %get3A_409, %add3A_661 : vector<16xi32>
            %gather3A_663 = tpu.vector_load_idx %arg11[%add3A_408, %add3A_662] : memref<256x128xf32, #tpu.memory_space<vmem>>[vector<16xi32>, vector<16xi32>], vector<16xf32>,
            %mul3A_664 = arith.constant 16 : i32
            %mul3A_665 = arith.muli %mul3A_664, %scan3A_402 : i32
            %swap3A_666 = arith.constant 25 : i32
            %swap3A_667 = arith.index_cast %swap3A_666 : i32 to index
            %swap3A_668 = arith.index_cast %mul3A_665 : i32 to index
            %swap3A_669 = tpu.vector_load %arg12[%swap3A_667, %swap3A_668] {strides = array<i32>} : memref<32x128xf32, #tpu.memory_space<vmem>>, vector<16xf32>,
            tpu.vector_store %arg12[%swap3A_667, %swap3A_668], %gather3A_663 {strides = array<i32>} : memref<32x128xf32, #tpu.memory_space<vmem>>, vector<16xf32>,
            %add3A_670 = arith.constant 26 : i32
            %add3A_671 = vector.broadcast %add3A_670 : i32 to vector<16xi32>
            %add3A_672 = arith.addi %get3A_409, %add3A_671 : vector<16xi32>
            %gather3A_673 = tpu.vector_load_idx %arg11[%add3A_408, %add3A_672] : memref<256x128xf32, #tpu.memory_space<vmem>>[vector<16xi32>, vector<16xi32>], vector<16xf32>,
            %mul3A_674 = arith.constant 16 : i32
            %mul3A_675 = arith.muli %mul3A_674, %scan3A_402 : i32
            %swap3A_676 = arith.constant 26 : i32
            %swap3A_677 = arith.index_cast %swap3A_676 : i32 to index
            %swap3A_678 = arith.index_cast %mul3A_675 : i32 to index
            %swap3A_679 = tpu.vector_load %arg12[%swap3A_677, %swap3A_678] {strides = array<i32>} : memref<32x128xf32, #tpu.memory_space<vmem>>, vector<16xf32>,
            tpu.vector_store %arg12[%swap3A_677, %swap3A_678], %gather3A_673 {strides = array<i32>} : memref<32x128xf32, #tpu.memory_space<vmem>>, vector<16xf32>,
            %add3A_680 = arith.constant 27 : i32
            %add3A_681 = vector.broadcast %add3A_680 : i32 to vector<16xi32>
            %add3A_682 = arith.addi %get3A_409, %add3A_681 : vector<16xi32>
            %gather3A_683 = tpu.vector_load_idx %arg11[%add3A_408, %add3A_682] : memref<256x128xf32, #tpu.memory_space<vmem>>[vector<16xi32>, vector<16xi32>], vector<16xf32>,
            %mul3A_684 = arith.constant 16 : i32
            %mul3A_685 = arith.muli %mul3A_684, %scan3A_402 : i32
            %swap3A_686 = arith.constant 27 : i32
            %swap3A_687 = arith.index_cast %swap3A_686 : i32 to index
            %swap3A_688 = arith.index_cast %mul3A_685 : i32 to index
            %swap3A_689 = tpu.vector_load %arg12[%swap3A_687, %swap3A_688] {strides = array<i32>} : memref<32x128xf32, #tpu.memory_space<vmem>>, vector<16xf32>,
            tpu.vector_store %arg12[%swap3A_687, %swap3A_688], %gather3A_683 {strides = array<i32>} : memref<32x128xf32, #tpu.memory_space<vmem>>, vector<16xf32>,
            %add3A_690 = arith.constant 28 : i32
            %add3A_691 = vector.broadcast %add3A_690 : i32 to vector<16xi32>
            %add3A_692 = arith.addi %get3A_409, %add3A_691 : vector<16xi32>
            %gather3A_693 = tpu.vector_load_idx %arg11[%add3A_408, %add3A_692] : memref<256x128xf32, #tpu.memory_space<vmem>>[vector<16xi32>, vector<16xi32>], vector<16xf32>,
            %mul3A_694 = arith.constant 16 : i32
            %mul3A_695 = arith.muli %mul3A_694, %scan3A_402 : i32
            %swap3A_696 = arith.constant 28 : i32
            %swap3A_697 = arith.index_cast %swap3A_696 : i32 to index
            %swap3A_698 = arith.index_cast %mul3A_695 : i32 to index
            %swap3A_699 = tpu.vector_load %arg12[%swap3A_697, %swap3A_698] {strides = array<i32>} : memref<32x128xf32, #tpu.memory_space<vmem>>, vector<16xf32>,
            tpu.vector_store %arg12[%swap3A_697, %swap3A_698], %gather3A_693 {strides = array<i32>} : memref<32x128xf32, #tpu.memory_space<vmem>>, vector<16xf32>,
            %add3A_700 = arith.constant 29 : i32
            %add3A_701 = vector.broadcast %add3A_700 : i32 to vector<16xi32>
            %add3A_702 = arith.addi %get3A_409, %add3A_701 : vector<16xi32>
            %gather3A_703 = tpu.vector_load_idx %arg11[%add3A_408, %add3A_702] : memref<256x128xf32, #tpu.memory_space<vmem>>[vector<16xi32>, vector<16xi32>], vector<16xf32>,
            %mul3A_704 = arith.constant 16 : i32
            %mul3A_705 = arith.muli %mul3A_704, %scan3A_402 : i32
            %swap3A_706 = arith.constant 29 : i32
            %swap3A_707 = arith.index_cast %swap3A_706 : i32 to index
            %swap3A_708 = arith.index_cast %mul3A_705 : i32 to index
            %swap3A_709 = tpu.vector_load %arg12[%swap3A_707, %swap3A_708] {strides = array<i32>} : memref<32x128xf32, #tpu.memory_space<vmem>>, vector<16xf32>,
            tpu.vector_store %arg12[%swap3A_707, %swap3A_708], %gather3A_703 {strides = array<i32>} : memref<32x128xf32, #tpu.memory_space<vmem>>, vector<16xf32>,
            %add3A_710 = arith.constant 30 : i32
            %add3A_711 = vector.broadcast %add3A_710 : i32 to vector<16xi32>
            %add3A_712 = arith.addi %get3A_409, %add3A_711 : vector<16xi32>
            %gather3A_713 = tpu.vector_load_idx %arg11[%add3A_408, %add3A_712] : memref<256x128xf32, #tpu.memory_space<vmem>>[vector<16xi32>, vector<16xi32>], vector<16xf32>,
            %mul3A_714 = arith.constant 16 : i32
            %mul3A_715 = arith.muli %mul3A_714, %scan3A_402 : i32
            %swap3A_716 = arith.constant 30 : i32
            %swap3A_717 = arith.index_cast %swap3A_716 : i32 to index
            %swap3A_718 = arith.index_cast %mul3A_715 : i32 to index
            %swap3A_719 = tpu.vector_load %arg12[%swap3A_717, %swap3A_718] {strides = array<i32>} : memref<32x128xf32, #tpu.memory_space<vmem>>, vector<16xf32>,
            tpu.vector_store %arg12[%swap3A_717, %swap3A_718], %gather3A_713 {strides = array<i32>} : memref<32x128xf32, #tpu.memory_space<vmem>>, vector<16xf32>,
            %add3A_720 = arith.constant 31 : i32
            %add3A_721 = vector.broadcast %add3A_720 : i32 to vector<16xi32>
            %add3A_722 = arith.addi %get3A_409, %add3A_721 : vector<16xi32>
            %gather3A_723 = tpu.vector_load_idx %arg11[%add3A_408, %add3A_722] : memref<256x128xf32, #tpu.memory_space<vmem>>[vector<16xi32>, vector<16xi32>], vector<16xf32>,
            %mul3A_724 = arith.constant 16 : i32
            %mul3A_725 = arith.muli %mul3A_724, %scan3A_402 : i32
            %swap3A_726 = arith.constant 31 : i32
            %swap3A_727 = arith.index_cast %swap3A_726 : i32 to index
            %swap3A_728 = arith.index_cast %mul3A_725 : i32 to index
            %swap3A_729 = tpu.vector_load %arg12[%swap3A_727, %swap3A_728] {strides = array<i32>} : memref<32x128xf32, #tpu.memory_space<vmem>>, vector<16xf32>,
            tpu.vector_store %arg12[%swap3A_727, %swap3A_728], %gather3A_723 {strides = array<i32>} : memref<32x128xf32, #tpu.memory_space<vmem>>, vector<16xf32>,
            %scan3A_730 = arith.constant 1 : i32
            %scan3A_731 = arith.addi %scan3A_402, %scan3A_730 : i32
            %mul3A_732 = arith.constant 16 : i32
            %mul3A_733 = arith.muli %mul3A_732, %scan3A_731 : i32
            %add3A_734 = arith.constant 0 : i32
            %add3A_735 = arith.addi %add3A_734, %mul3A_733 : i32
            %add3A_736 = vector.broadcast %add3A_735 : i32 to vector<16xi32>
            %add3A_737 = arith.addi %add3A_736, %iota3A : vector<16xi32>
            %get3A_738 = arith.index_cast %add3A_735 : i32 to index
            %get3A_739 = tpu.vector_load %arg9[%get3A_738] {strides = array<i32>} : memref<256xi32, #tpu.memory_space<vmem>>, vector<16xi32>,
            %add3A_740 = arith.constant 0 : i32
            %add3A_741 = vector.broadcast %add3A_740 : i32 to vector<16xi32>
            %add3A_742 = arith.addi %get3A_739, %add3A_741 : vector<16xi32>
            %gather3A_743 = tpu.vector_load_idx %arg11[%add3A_737, %add3A_742] : memref<256x128xf32, #tpu.memory_space<vmem>>[vector<16xi32>, vector<16xi32>], vector<16xf32>,
            %mul3A_744 = arith.constant 16 : i32
            %mul3A_745 = arith.muli %mul3A_744, %scan3A_731 : i32
            %swap3A_746 = arith.constant 0 : i32
            %swap3A_747 = arith.index_cast %swap3A_746 : i32 to index
            %swap3A_748 = arith.index_cast %mul3A_745 : i32 to index
            %swap3A_749 = tpu.vector_load %arg12[%swap3A_747, %swap3A_748] {strides = array<i32>} : memref<32x128xf32, #tpu.memory_space<vmem>>, vector<16xf32>,
            tpu.vector_store %arg12[%swap3A_747, %swap3A_748], %gather3A_743 {strides = array<i32>} : memref<32x128xf32, #tpu.memory_space<vmem>>, vector<16xf32>,
            %add3A_750 = arith.constant 1 : i32
            %add3A_751 = vector.broadcast %add3A_750 : i32 to vector<16xi32>
            %add3A_752 = arith.addi %get3A_739, %add3A_751 : vector<16xi32>
            %gather3A_753 = tpu.vector_load_idx %arg11[%add3A_737, %add3A_752] : memref<256x128xf32, #tpu.memory_space<vmem>>[vector<16xi32>, vector<16xi32>], vector<16xf32>,
            %mul3A_754 = arith.constant 16 : i32
            %mul3A_755 = arith.muli %mul3A_754, %scan3A_731 : i32
            %swap3A_756 = arith.constant 1 : i32
            %swap3A_757 = arith.index_cast %swap3A_756 : i32 to index
            %swap3A_758 = arith.index_cast %mul3A_755 : i32 to index
            %swap3A_759 = tpu.vector_load %arg12[%swap3A_757, %swap3A_758] {strides = array<i32>} : memref<32x128xf32, #tpu.memory_space<vmem>>, vector<16xf32>,
            tpu.vector_store %arg12[%swap3A_757, %swap3A_758], %gather3A_753 {strides = array<i32>} : memref<32x128xf32, #tpu.memory_space<vmem>>, vector<16xf32>,
            %add3A_760 = arith.constant 2 : i32
            %add3A_761 = vector.broadcast %add3A_760 : i32 to vector<16xi32>
            %add3A_762 = arith.addi %get3A_739, %add3A_761 : vector<16xi32>
            %gather3A_763 = tpu.vector_load_idx %arg11[%add3A_737, %add3A_762] : memref<256x128xf32, #tpu.memory_space<vmem>>[vector<16xi32>, vector<16xi32>], vector<16xf32>,
            %mul3A_764 = arith.constant 16 : i32
            %mul3A_765 = arith.muli %mul3A_764, %scan3A_731 : i32
            %swap3A_766 = arith.constant 2 : i32
            %swap3A_767 = arith.index_cast %swap3A_766 : i32 to index
            %swap3A_768 = arith.index_cast %mul3A_765 : i32 to index
            %swap3A_769 = tpu.vector_load %arg12[%swap3A_767, %swap3A_768] {strides = array<i32>} : memref<32x128xf32, #tpu.memory_space<vmem>>, vector<16xf32>,
            tpu.vector_store %arg12[%swap3A_767, %swap3A_768], %gather3A_763 {strides = array<i32>} : memref<32x128xf32, #tpu.memory_space<vmem>>, vector<16xf32>,
            %add3A_770 = arith.constant 3 : i32
            %add3A_771 = vector.broadcast %add3A_770 : i32 to vector<16xi32>
            %add3A_772 = arith.addi %get3A_739, %add3A_771 : vector<16xi32>
            %gather3A_773 = tpu.vector_load_idx %arg11[%add3A_737, %add3A_772] : memref<256x128xf32, #tpu.memory_space<vmem>>[vector<16xi32>, vector<16xi32>], vector<16xf32>,
            %mul3A_774 = arith.constant 16 : i32
            %mul3A_775 = arith.muli %mul3A_774, %scan3A_731 : i32
            %swap3A_776 = arith.constant 3 : i32
            %swap3A_777 = arith.index_cast %swap3A_776 : i32 to index
            %swap3A_778 = arith.index_cast %mul3A_775 : i32 to index
            %swap3A_779 = tpu.vector_load %arg12[%swap3A_777, %swap3A_778] {strides = array<i32>} : memref<32x128xf32, #tpu.memory_space<vmem>>, vector<16xf32>,
            tpu.vector_store %arg12[%swap3A_777, %swap3A_778], %gather3A_773 {strides = array<i32>} : memref<32x128xf32, #tpu.memory_space<vmem>>, vector<16xf32>,
            %add3A_780 = arith.constant 4 : i32
            %add3A_781 = vector.broadcast %add3A_780 : i32 to vector<16xi32>
            %add3A_782 = arith.addi %get3A_739, %add3A_781 : vector<16xi32>
            %gather3A_783 = tpu.vector_load_idx %arg11[%add3A_737, %add3A_782] : memref<256x128xf32, #tpu.memory_space<vmem>>[vector<16xi32>, vector<16xi32>], vector<16xf32>,
            %mul3A_784 = arith.constant 16 : i32
            %mul3A_785 = arith.muli %mul3A_784, %scan3A_731 : i32
            %swap3A_786 = arith.constant 4 : i32
            %swap3A_787 = arith.index_cast %swap3A_786 : i32 to index
            %swap3A_788 = arith.index_cast %mul3A_785 : i32 to index
            %swap3A_789 = tpu.vector_load %arg12[%swap3A_787, %swap3A_788] {strides = array<i32>} : memref<32x128xf32, #tpu.memory_space<vmem>>, vector<16xf32>,
            tpu.vector_store %arg12[%swap3A_787, %swap3A_788], %gather3A_783 {strides = array<i32>} : memref<32x128xf32, #tpu.memory_space<vmem>>, vector<16xf32>,
            %add3A_790 = arith.constant 5 : i32
            %add3A_791 = vector.broadcast %add3A_790 : i32 to vector<16xi32>
            %add3A_792 = arith.addi %get3A_739, %add3A_791 : vector<16xi32>
            %gather3A_793 = tpu.vector_load_idx %arg11[%add3A_737, %add3A_792] : memref<256x128xf32, #tpu.memory_space<vmem>>[vector<16xi32>, vector<16xi32>], vector<16xf32>,
            %mul3A_794 = arith.constant 16 : i32
            %mul3A_795 = arith.muli %mul3A_794, %scan3A_731 : i32
            %swap3A_796 = arith.constant 5 : i32
            %swap3A_797 = arith.index_cast %swap3A_796 : i32 to index
            %swap3A_798 = arith.index_cast %mul3A_795 : i32 to index
            %swap3A_799 = tpu.vector_load %arg12[%swap3A_797, %swap3A_798] {strides = array<i32>} : memref<32x128xf32, #tpu.memory_space<vmem>>, vector<16xf32>,
            tpu.vector_store %arg12[%swap3A_797, %swap3A_798], %gather3A_793 {strides = array<i32>} : memref<32x128xf32, #tpu.memory_space<vmem>>, vector<16xf32>,
            %add3A_800 = arith.constant 6 : i32
            %add3A_801 = vector.broadcast %add3A_800 : i32 to vector<16xi32>
            %add3A_802 = arith.addi %get3A_739, %add3A_801 : vector<16xi32>
            %gather3A_803 = tpu.vector_load_idx %arg11[%add3A_737, %add3A_802] : memref<256x128xf32, #tpu.memory_space<vmem>>[vector<16xi32>, vector<16xi32>], vector<16xf32>,
            %mul3A_804 = arith.constant 16 : i32
            %mul3A_805 = arith.muli %mul3A_804, %scan3A_731 : i32
            %swap3A_806 = arith.constant 6 : i32
            %swap3A_807 = arith.index_cast %swap3A_806 : i32 to index
            %swap3A_808 = arith.index_cast %mul3A_805 : i32 to index
            %swap3A_809 = tpu.vector_load %arg12[%swap3A_807, %swap3A_808] {strides = array<i32>} : memref<32x128xf32, #tpu.memory_space<vmem>>, vector<16xf32>,
            tpu.vector_store %arg12[%swap3A_807, %swap3A_808], %gather3A_803 {strides = array<i32>} : memref<32x128xf32, #tpu.memory_space<vmem>>, vector<16xf32>,
            %add3A_810 = arith.constant 7 : i32
            %add3A_811 = vector.broadcast %add3A_810 : i32 to vector<16xi32>
            %add3A_812 = arith.addi %get3A_739, %add3A_811 : vector<16xi32>
            %gather3A_813 = tpu.vector_load_idx %arg11[%add3A_737, %add3A_812] : memref<256x128xf32, #tpu.memory_space<vmem>>[vector<16xi32>, vector<16xi32>], vector<16xf32>,
            %mul3A_814 = arith.constant 16 : i32
            %mul3A_815 = arith.muli %mul3A_814, %scan3A_731 : i32
            %swap3A_816 = arith.constant 7 : i32
            %swap3A_817 = arith.index_cast %swap3A_816 : i32 to index
            %swap3A_818 = arith.index_cast %mul3A_815 : i32 to index
            %swap3A_819 = tpu.vector_load %arg12[%swap3A_817, %swap3A_818] {strides = array<i32>} : memref<32x128xf32, #tpu.memory_space<vmem>>, vector<16xf32>,
            tpu.vector_store %arg12[%swap3A_817, %swap3A_818], %gather3A_813 {strides = array<i32>} : memref<32x128xf32, #tpu.memory_space<vmem>>, vector<16xf32>,
            %add3A_820 = arith.constant 8 : i32
            %add3A_821 = vector.broadcast %add3A_820 : i32 to vector<16xi32>
            %add3A_822 = arith.addi %get3A_739, %add3A_821 : vector<16xi32>
            %gather3A_823 = tpu.vector_load_idx %arg11[%add3A_737, %add3A_822] : memref<256x128xf32, #tpu.memory_space<vmem>>[vector<16xi32>, vector<16xi32>], vector<16xf32>,
            %mul3A_824 = arith.constant 16 : i32
            %mul3A_825 = arith.muli %mul3A_824, %scan3A_731 : i32
            %swap3A_826 = arith.constant 8 : i32
            %swap3A_827 = arith.index_cast %swap3A_826 : i32 to index
            %swap3A_828 = arith.index_cast %mul3A_825 : i32 to index
            %swap3A_829 = tpu.vector_load %arg12[%swap3A_827, %swap3A_828] {strides = array<i32>} : memref<32x128xf32, #tpu.memory_space<vmem>>, vector<16xf32>,
            tpu.vector_store %arg12[%swap3A_827, %swap3A_828], %gather3A_823 {strides = array<i32>} : memref<32x128xf32, #tpu.memory_space<vmem>>, vector<16xf32>,
            %add3A_830 = arith.constant 9 : i32
            %add3A_831 = vector.broadcast %add3A_830 : i32 to vector<16xi32>
            %add3A_832 = arith.addi %get3A_739, %add3A_831 : vector<16xi32>
            %gather3A_833 = tpu.vector_load_idx %arg11[%add3A_737, %add3A_832] : memref<256x128xf32, #tpu.memory_space<vmem>>[vector<16xi32>, vector<16xi32>], vector<16xf32>,
            %mul3A_834 = arith.constant 16 : i32
            %mul3A_835 = arith.muli %mul3A_834, %scan3A_731 : i32
            %swap3A_836 = arith.constant 9 : i32
            %swap3A_837 = arith.index_cast %swap3A_836 : i32 to index
            %swap3A_838 = arith.index_cast %mul3A_835 : i32 to index
            %swap3A_839 = tpu.vector_load %arg12[%swap3A_837, %swap3A_838] {strides = array<i32>} : memref<32x128xf32, #tpu.memory_space<vmem>>, vector<16xf32>,
            tpu.vector_store %arg12[%swap3A_837, %swap3A_838], %gather3A_833 {strides = array<i32>} : memref<32x128xf32, #tpu.memory_space<vmem>>, vector<16xf32>,
            %add3A_840 = arith.constant 10 : i32
            %add3A_841 = vector.broadcast %add3A_840 : i32 to vector<16xi32>
            %add3A_842 = arith.addi %get3A_739, %add3A_841 : vector<16xi32>
            %gather3A_843 = tpu.vector_load_idx %arg11[%add3A_737, %add3A_842] : memref<256x128xf32, #tpu.memory_space<vmem>>[vector<16xi32>, vector<16xi32>], vector<16xf32>,
            %mul3A_844 = arith.constant 16 : i32
            %mul3A_845 = arith.muli %mul3A_844, %scan3A_731 : i32
            %swap3A_846 = arith.constant 10 : i32
            %swap3A_847 = arith.index_cast %swap3A_846 : i32 to index
            %swap3A_848 = arith.index_cast %mul3A_845 : i32 to index
            %swap3A_849 = tpu.vector_load %arg12[%swap3A_847, %swap3A_848] {strides = array<i32>} : memref<32x128xf32, #tpu.memory_space<vmem>>, vector<16xf32>,
            tpu.vector_store %arg12[%swap3A_847, %swap3A_848], %gather3A_843 {strides = array<i32>} : memref<32x128xf32, #tpu.memory_space<vmem>>, vector<16xf32>,
            %add3A_850 = arith.constant 11 : i32
            %add3A_851 = vector.broadcast %add3A_850 : i32 to vector<16xi32>
            %add3A_852 = arith.addi %get3A_739, %add3A_851 : vector<16xi32>
            %gather3A_853 = tpu.vector_load_idx %arg11[%add3A_737, %add3A_852] : memref<256x128xf32, #tpu.memory_space<vmem>>[vector<16xi32>, vector<16xi32>], vector<16xf32>,
            %mul3A_854 = arith.constant 16 : i32
            %mul3A_855 = arith.muli %mul3A_854, %scan3A_731 : i32
            %swap3A_856 = arith.constant 11 : i32
            %swap3A_857 = arith.index_cast %swap3A_856 : i32 to index
            %swap3A_858 = arith.index_cast %mul3A_855 : i32 to index
            %swap3A_859 = tpu.vector_load %arg12[%swap3A_857, %swap3A_858] {strides = array<i32>} : memref<32x128xf32, #tpu.memory_space<vmem>>, vector<16xf32>,
            tpu.vector_store %arg12[%swap3A_857, %swap3A_858], %gather3A_853 {strides = array<i32>} : memref<32x128xf32, #tpu.memory_space<vmem>>, vector<16xf32>,
            %add3A_860 = arith.constant 12 : i32
            %add3A_861 = vector.broadcast %add3A_860 : i32 to vector<16xi32>
            %add3A_862 = arith.addi %get3A_739, %add3A_861 : vector<16xi32>
            %gather3A_863 = tpu.vector_load_idx %arg11[%add3A_737, %add3A_862] : memref<256x128xf32, #tpu.memory_space<vmem>>[vector<16xi32>, vector<16xi32>], vector<16xf32>,
            %mul3A_864 = arith.constant 16 : i32
            %mul3A_865 = arith.muli %mul3A_864, %scan3A_731 : i32
            %swap3A_866 = arith.constant 12 : i32
            %swap3A_867 = arith.index_cast %swap3A_866 : i32 to index
            %swap3A_868 = arith.index_cast %mul3A_865 : i32 to index
            %swap3A_869 = tpu.vector_load %arg12[%swap3A_867, %swap3A_868] {strides = array<i32>} : memref<32x128xf32, #tpu.memory_space<vmem>>, vector<16xf32>,
            tpu.vector_store %arg12[%swap3A_867, %swap3A_868], %gather3A_863 {strides = array<i32>} : memref<32x128xf32, #tpu.memory_space<vmem>>, vector<16xf32>,
            %add3A_870 = arith.constant 13 : i32
            %add3A_871 = vector.broadcast %add3A_870 : i32 to vector<16xi32>
            %add3A_872 = arith.addi %get3A_739, %add3A_871 : vector<16xi32>
            %gather3A_873 = tpu.vector_load_idx %arg11[%add3A_737, %add3A_872] : memref<256x128xf32, #tpu.memory_space<vmem>>[vector<16xi32>, vector<16xi32>], vector<16xf32>,
            %mul3A_874 = arith.constant 16 : i32
            %mul3A_875 = arith.muli %mul3A_874, %scan3A_731 : i32
            %swap3A_876 = arith.constant 13 : i32
            %swap3A_877 = arith.index_cast %swap3A_876 : i32 to index
            %swap3A_878 = arith.index_cast %mul3A_875 : i32 to index
            %swap3A_879 = tpu.vector_load %arg12[%swap3A_877, %swap3A_878] {strides = array<i32>} : memref<32x128xf32, #tpu.memory_space<vmem>>, vector<16xf32>,
            tpu.vector_store %arg12[%swap3A_877, %swap3A_878], %gather3A_873 {strides = array<i32>} : memref<32x128xf32, #tpu.memory_space<vmem>>, vector<16xf32>,
            %add3A_880 = arith.constant 14 : i32
            %add3A_881 = vector.broadcast %add3A_880 : i32 to vector<16xi32>
            %add3A_882 = arith.addi %get3A_739, %add3A_881 : vector<16xi32>
            %gather3A_883 = tpu.vector_load_idx %arg11[%add3A_737, %add3A_882] : memref<256x128xf32, #tpu.memory_space<vmem>>[vector<16xi32>, vector<16xi32>], vector<16xf32>,
            %mul3A_884 = arith.constant 16 : i32
            %mul3A_885 = arith.muli %mul3A_884, %scan3A_731 : i32
            %swap3A_886 = arith.constant 14 : i32
            %swap3A_887 = arith.index_cast %swap3A_886 : i32 to index
            %swap3A_888 = arith.index_cast %mul3A_885 : i32 to index
            %swap3A_889 = tpu.vector_load %arg12[%swap3A_887, %swap3A_888] {strides = array<i32>} : memref<32x128xf32, #tpu.memory_space<vmem>>, vector<16xf32>,
            tpu.vector_store %arg12[%swap3A_887, %swap3A_888], %gather3A_883 {strides = array<i32>} : memref<32x128xf32, #tpu.memory_space<vmem>>, vector<16xf32>,
            %add3A_890 = arith.constant 15 : i32
            %add3A_891 = vector.broadcast %add3A_890 : i32 to vector<16xi32>
            %add3A_892 = arith.addi %get3A_739, %add3A_891 : vector<16xi32>
            %gather3A_893 = tpu.vector_load_idx %arg11[%add3A_737, %add3A_892] : memref<256x128xf32, #tpu.memory_space<vmem>>[vector<16xi32>, vector<16xi32>], vector<16xf32>,
            %mul3A_894 = arith.constant 16 : i32
            %mul3A_895 = arith.muli %mul3A_894, %scan3A_731 : i32
            %swap3A_896 = arith.constant 15 : i32
            %swap3A_897 = arith.index_cast %swap3A_896 : i32 to index
            %swap3A_898 = arith.index_cast %mul3A_895 : i32 to index
            %swap3A_899 = tpu.vector_load %arg12[%swap3A_897, %swap3A_898] {strides = array<i32>} : memref<32x128xf32, #tpu.memory_space<vmem>>, vector<16xf32>,
            tpu.vector_store %arg12[%swap3A_897, %swap3A_898], %gather3A_893 {strides = array<i32>} : memref<32x128xf32, #tpu.memory_space<vmem>>, vector<16xf32>,
            %add3A_900 = arith.constant 16 : i32
            %add3A_901 = vector.broadcast %add3A_900 : i32 to vector<16xi32>
            %add3A_902 = arith.addi %get3A_739, %add3A_901 : vector<16xi32>
            %gather3A_903 = tpu.vector_load_idx %arg11[%add3A_737, %add3A_902] : memref<256x128xf32, #tpu.memory_space<vmem>>[vector<16xi32>, vector<16xi32>], vector<16xf32>,
            %mul3A_904 = arith.constant 16 : i32
            %mul3A_905 = arith.muli %mul3A_904, %scan3A_731 : i32
            %swap3A_906 = arith.constant 16 : i32
            %swap3A_907 = arith.index_cast %swap3A_906 : i32 to index
            %swap3A_908 = arith.index_cast %mul3A_905 : i32 to index
            %swap3A_909 = tpu.vector_load %arg12[%swap3A_907, %swap3A_908] {strides = array<i32>} : memref<32x128xf32, #tpu.memory_space<vmem>>, vector<16xf32>,
            tpu.vector_store %arg12[%swap3A_907, %swap3A_908], %gather3A_903 {strides = array<i32>} : memref<32x128xf32, #tpu.memory_space<vmem>>, vector<16xf32>,
            %add3A_910 = arith.constant 17 : i32
            %add3A_911 = vector.broadcast %add3A_910 : i32 to vector<16xi32>
            %add3A_912 = arith.addi %get3A_739, %add3A_911 : vector<16xi32>
            %gather3A_913 = tpu.vector_load_idx %arg11[%add3A_737, %add3A_912] : memref<256x128xf32, #tpu.memory_space<vmem>>[vector<16xi32>, vector<16xi32>], vector<16xf32>,
            %mul3A_914 = arith.constant 16 : i32
            %mul3A_915 = arith.muli %mul3A_914, %scan3A_731 : i32
            %swap3A_916 = arith.constant 17 : i32
            %swap3A_917 = arith.index_cast %swap3A_916 : i32 to index
            %swap3A_918 = arith.index_cast %mul3A_915 : i32 to index
            %swap3A_919 = tpu.vector_load %arg12[%swap3A_917, %swap3A_918] {strides = array<i32>} : memref<32x128xf32, #tpu.memory_space<vmem>>, vector<16xf32>,
            tpu.vector_store %arg12[%swap3A_917, %swap3A_918], %gather3A_913 {strides = array<i32>} : memref<32x128xf32, #tpu.memory_space<vmem>>, vector<16xf32>,
            %add3A_920 = arith.constant 18 : i32
            %add3A_921 = vector.broadcast %add3A_920 : i32 to vector<16xi32>
            %add3A_922 = arith.addi %get3A_739, %add3A_921 : vector<16xi32>
            %gather3A_923 = tpu.vector_load_idx %arg11[%add3A_737, %add3A_922] : memref<256x128xf32, #tpu.memory_space<vmem>>[vector<16xi32>, vector<16xi32>], vector<16xf32>,
            %mul3A_924 = arith.constant 16 : i32
            %mul3A_925 = arith.muli %mul3A_924, %scan3A_731 : i32
            %swap3A_926 = arith.constant 18 : i32
            %swap3A_927 = arith.index_cast %swap3A_926 : i32 to index
            %swap3A_928 = arith.index_cast %mul3A_925 : i32 to index
            %swap3A_929 = tpu.vector_load %arg12[%swap3A_927, %swap3A_928] {strides = array<i32>} : memref<32x128xf32, #tpu.memory_space<vmem>>, vector<16xf32>,
            tpu.vector_store %arg12[%swap3A_927, %swap3A_928], %gather3A_923 {strides = array<i32>} : memref<32x128xf32, #tpu.memory_space<vmem>>, vector<16xf32>,
            %add3A_930 = arith.constant 19 : i32
            %add3A_931 = vector.broadcast %add3A_930 : i32 to vector<16xi32>
            %add3A_932 = arith.addi %get3A_739, %add3A_931 : vector<16xi32>
            %gather3A_933 = tpu.vector_load_idx %arg11[%add3A_737, %add3A_932] : memref<256x128xf32, #tpu.memory_space<vmem>>[vector<16xi32>, vector<16xi32>], vector<16xf32>,
            %mul3A_934 = arith.constant 16 : i32
            %mul3A_935 = arith.muli %mul3A_934, %scan3A_731 : i32
            %swap3A_936 = arith.constant 19 : i32
            %swap3A_937 = arith.index_cast %swap3A_936 : i32 to index
            %swap3A_938 = arith.index_cast %mul3A_935 : i32 to index
            %swap3A_939 = tpu.vector_load %arg12[%swap3A_937, %swap3A_938] {strides = array<i32>} : memref<32x128xf32, #tpu.memory_space<vmem>>, vector<16xf32>,
            tpu.vector_store %arg12[%swap3A_937, %swap3A_938], %gather3A_933 {strides = array<i32>} : memref<32x128xf32, #tpu.memory_space<vmem>>, vector<16xf32>,
            %add3A_940 = arith.constant 20 : i32
            %add3A_941 = vector.broadcast %add3A_940 : i32 to vector<16xi32>
            %add3A_942 = arith.addi %get3A_739, %add3A_941 : vector<16xi32>
            %gather3A_943 = tpu.vector_load_idx %arg11[%add3A_737, %add3A_942] : memref<256x128xf32, #tpu.memory_space<vmem>>[vector<16xi32>, vector<16xi32>], vector<16xf32>,
            %mul3A_944 = arith.constant 16 : i32
            %mul3A_945 = arith.muli %mul3A_944, %scan3A_731 : i32
            %swap3A_946 = arith.constant 20 : i32
            %swap3A_947 = arith.index_cast %swap3A_946 : i32 to index
            %swap3A_948 = arith.index_cast %mul3A_945 : i32 to index
            %swap3A_949 = tpu.vector_load %arg12[%swap3A_947, %swap3A_948] {strides = array<i32>} : memref<32x128xf32, #tpu.memory_space<vmem>>, vector<16xf32>,
            tpu.vector_store %arg12[%swap3A_947, %swap3A_948], %gather3A_943 {strides = array<i32>} : memref<32x128xf32, #tpu.memory_space<vmem>>, vector<16xf32>,
            %add3A_950 = arith.constant 21 : i32
            %add3A_951 = vector.broadcast %add3A_950 : i32 to vector<16xi32>
            %add3A_952 = arith.addi %get3A_739, %add3A_951 : vector<16xi32>
            %gather3A_953 = tpu.vector_load_idx %arg11[%add3A_737, %add3A_952] : memref<256x128xf32, #tpu.memory_space<vmem>>[vector<16xi32>, vector<16xi32>], vector<16xf32>,
            %mul3A_954 = arith.constant 16 : i32
            %mul3A_955 = arith.muli %mul3A_954, %scan3A_731 : i32
            %swap3A_956 = arith.constant 21 : i32
            %swap3A_957 = arith.index_cast %swap3A_956 : i32 to index
            %swap3A_958 = arith.index_cast %mul3A_955 : i32 to index
            %swap3A_959 = tpu.vector_load %arg12[%swap3A_957, %swap3A_958] {strides = array<i32>} : memref<32x128xf32, #tpu.memory_space<vmem>>, vector<16xf32>,
            tpu.vector_store %arg12[%swap3A_957, %swap3A_958], %gather3A_953 {strides = array<i32>} : memref<32x128xf32, #tpu.memory_space<vmem>>, vector<16xf32>,
            %add3A_960 = arith.constant 22 : i32
            %add3A_961 = vector.broadcast %add3A_960 : i32 to vector<16xi32>
            %add3A_962 = arith.addi %get3A_739, %add3A_961 : vector<16xi32>
            %gather3A_963 = tpu.vector_load_idx %arg11[%add3A_737, %add3A_962] : memref<256x128xf32, #tpu.memory_space<vmem>>[vector<16xi32>, vector<16xi32>], vector<16xf32>,
            %mul3A_964 = arith.constant 16 : i32
            %mul3A_965 = arith.muli %mul3A_964, %scan3A_731 : i32
            %swap3A_966 = arith.constant 22 : i32
            %swap3A_967 = arith.index_cast %swap3A_966 : i32 to index
            %swap3A_968 = arith.index_cast %mul3A_965 : i32 to index
            %swap3A_969 = tpu.vector_load %arg12[%swap3A_967, %swap3A_968] {strides = array<i32>} : memref<32x128xf32, #tpu.memory_space<vmem>>, vector<16xf32>,
            tpu.vector_store %arg12[%swap3A_967, %swap3A_968], %gather3A_963 {strides = array<i32>} : memref<32x128xf32, #tpu.memory_space<vmem>>, vector<16xf32>,
            %add3A_970 = arith.constant 23 : i32
            %add3A_971 = vector.broadcast %add3A_970 : i32 to vector<16xi32>
            %add3A_972 = arith.addi %get3A_739, %add3A_971 : vector<16xi32>
            %gather3A_973 = tpu.vector_load_idx %arg11[%add3A_737, %add3A_972] : memref<256x128xf32, #tpu.memory_space<vmem>>[vector<16xi32>, vector<16xi32>], vector<16xf32>,
            %mul3A_974 = arith.constant 16 : i32
            %mul3A_975 = arith.muli %mul3A_974, %scan3A_731 : i32
            %swap3A_976 = arith.constant 23 : i32
            %swap3A_977 = arith.index_cast %swap3A_976 : i32 to index
            %swap3A_978 = arith.index_cast %mul3A_975 : i32 to index
            %swap3A_979 = tpu.vector_load %arg12[%swap3A_977, %swap3A_978] {strides = array<i32>} : memref<32x128xf32, #tpu.memory_space<vmem>>, vector<16xf32>,
            tpu.vector_store %arg12[%swap3A_977, %swap3A_978], %gather3A_973 {strides = array<i32>} : memref<32x128xf32, #tpu.memory_space<vmem>>, vector<16xf32>,
            %add3A_980 = arith.constant 24 : i32
            %add3A_981 = vector.broadcast %add3A_980 : i32 to vector<16xi32>
            %add3A_982 = arith.addi %get3A_739, %add3A_981 : vector<16xi32>
            %gather3A_983 = tpu.vector_load_idx %arg11[%add3A_737, %add3A_982] : memref<256x128xf32, #tpu.memory_space<vmem>>[vector<16xi32>, vector<16xi32>], vector<16xf32>,
            %mul3A_984 = arith.constant 16 : i32
            %mul3A_985 = arith.muli %mul3A_984, %scan3A_731 : i32
            %swap3A_986 = arith.constant 24 : i32
            %swap3A_987 = arith.index_cast %swap3A_986 : i32 to index
            %swap3A_988 = arith.index_cast %mul3A_985 : i32 to index
            %swap3A_989 = tpu.vector_load %arg12[%swap3A_987, %swap3A_988] {strides = array<i32>} : memref<32x128xf32, #tpu.memory_space<vmem>>, vector<16xf32>,
            tpu.vector_store %arg12[%swap3A_987, %swap3A_988], %gather3A_983 {strides = array<i32>} : memref<32x128xf32, #tpu.memory_space<vmem>>, vector<16xf32>,
            %add3A_990 = arith.constant 25 : i32
            %add3A_991 = vector.broadcast %add3A_990 : i32 to vector<16xi32>
            %add3A_992 = arith.addi %get3A_739, %add3A_991 : vector<16xi32>
            %gather3A_993 = tpu.vector_load_idx %arg11[%add3A_737, %add3A_992] : memref<256x128xf32, #tpu.memory_space<vmem>>[vector<16xi32>, vector<16xi32>], vector<16xf32>,
            %mul3A_994 = arith.constant 16 : i32
            %mul3A_995 = arith.muli %mul3A_994, %scan3A_731 : i32
            %swap3A_996 = arith.constant 25 : i32
            %swap3A_997 = arith.index_cast %swap3A_996 : i32 to index
            %swap3A_998 = arith.index_cast %mul3A_995 : i32 to index
            %swap3A_999 = tpu.vector_load %arg12[%swap3A_997, %swap3A_998] {strides = array<i32>} : memref<32x128xf32, #tpu.memory_space<vmem>>, vector<16xf32>,
            tpu.vector_store %arg12[%swap3A_997, %swap3A_998], %gather3A_993 {strides = array<i32>} : memref<32x128xf32, #tpu.memory_space<vmem>>, vector<16xf32>,
            %add3A_1000 = arith.constant 26 : i32
            %add3A_1001 = vector.broadcast %add3A_1000 : i32 to vector<16xi32>
            %add3A_1002 = arith.addi %get3A_739, %add3A_1001 : vector<16xi32>
            %gather3A_1003 = tpu.vector_load_idx %arg11[%add3A_737, %add3A_1002] : memref<256x128xf32, #tpu.memory_space<vmem>>[vector<16xi32>, vector<16xi32>], vector<16xf32>,
            %mul3A_1004 = arith.constant 16 : i32
            %mul3A_1005 = arith.muli %mul3A_1004, %scan3A_731 : i32
            %swap3A_1006 = arith.constant 26 : i32
            %swap3A_1007 = arith.index_cast %swap3A_1006 : i32 to index
            %swap3A_1008 = arith.index_cast %mul3A_1005 : i32 to index
            %swap3A_1009 = tpu.vector_load %arg12[%swap3A_1007, %swap3A_1008] {strides = array<i32>} : memref<32x128xf32, #tpu.memory_space<vmem>>, vector<16xf32>,
            tpu.vector_store %arg12[%swap3A_1007, %swap3A_1008], %gather3A_1003 {strides = array<i32>} : memref<32x128xf32, #tpu.memory_space<vmem>>, vector<16xf32>,
            %add3A_1010 = arith.constant 27 : i32
            %add3A_1011 = vector.broadcast %add3A_1010 : i32 to vector<16xi32>
            %add3A_1012 = arith.addi %get3A_739, %add3A_1011 : vector<16xi32>
            %gather3A_1013 = tpu.vector_load_idx %arg11[%add3A_737, %add3A_1012] : memref<256x128xf32, #tpu.memory_space<vmem>>[vector<16xi32>, vector<16xi32>], vector<16xf32>,
            %mul3A_1014 = arith.constant 16 : i32
            %mul3A_1015 = arith.muli %mul3A_1014, %scan3A_731 : i32
            %swap3A_1016 = arith.constant 27 : i32
            %swap3A_1017 = arith.index_cast %swap3A_1016 : i32 to index
            %swap3A_1018 = arith.index_cast %mul3A_1015 : i32 to index
            %swap3A_1019 = tpu.vector_load %arg12[%swap3A_1017, %swap3A_1018] {strides = array<i32>} : memref<32x128xf32, #tpu.memory_space<vmem>>, vector<16xf32>,
            tpu.vector_store %arg12[%swap3A_1017, %swap3A_1018], %gather3A_1013 {strides = array<i32>} : memref<32x128xf32, #tpu.memory_space<vmem>>, vector<16xf32>,
            %add3A_1020 = arith.constant 28 : i32
            %add3A_1021 = vector.broadcast %add3A_1020 : i32 to vector<16xi32>
            %add3A_1022 = arith.addi %get3A_739, %add3A_1021 : vector<16xi32>
            %gather3A_1023 = tpu.vector_load_idx %arg11[%add3A_737, %add3A_1022] : memref<256x128xf32, #tpu.memory_space<vmem>>[vector<16xi32>, vector<16xi32>], vector<16xf32>,
            %mul3A_1024 = arith.constant 16 : i32
            %mul3A_1025 = arith.muli %mul3A_1024, %scan3A_731 : i32
            %swap3A_1026 = arith.constant 28 : i32
            %swap3A_1027 = arith.index_cast %swap3A_1026 : i32 to index
            %swap3A_1028 = arith.index_cast %mul3A_1025 : i32 to index
            %swap3A_1029 = tpu.vector_load %arg12[%swap3A_1027, %swap3A_1028] {strides = array<i32>} : memref<32x128xf32, #tpu.memory_space<vmem>>, vector<16xf32>,
            tpu.vector_store %arg12[%swap3A_1027, %swap3A_1028], %gather3A_1023 {strides = array<i32>} : memref<32x128xf32, #tpu.memory_space<vmem>>, vector<16xf32>,
            %add3A_1030 = arith.constant 29 : i32
            %add3A_1031 = vector.broadcast %add3A_1030 : i32 to vector<16xi32>
            %add3A_1032 = arith.addi %get3A_739, %add3A_1031 : vector<16xi32>
            %gather3A_1033 = tpu.vector_load_idx %arg11[%add3A_737, %add3A_1032] : memref<256x128xf32, #tpu.memory_space<vmem>>[vector<16xi32>, vector<16xi32>], vector<16xf32>,
            %mul3A_1034 = arith.constant 16 : i32
            %mul3A_1035 = arith.muli %mul3A_1034, %scan3A_731 : i32
            %swap3A_1036 = arith.constant 29 : i32
            %swap3A_1037 = arith.index_cast %swap3A_1036 : i32 to index
            %swap3A_1038 = arith.index_cast %mul3A_1035 : i32 to index
            %swap3A_1039 = tpu.vector_load %arg12[%swap3A_1037, %swap3A_1038] {strides = array<i32>} : memref<32x128xf32, #tpu.memory_space<vmem>>, vector<16xf32>,
            tpu.vector_store %arg12[%swap3A_1037, %swap3A_1038], %gather3A_1033 {strides = array<i32>} : memref<32x128xf32, #tpu.memory_space<vmem>>, vector<16xf32>,
            %add3A_1040 = arith.constant 30 : i32
            %add3A_1041 = vector.broadcast %add3A_1040 : i32 to vector<16xi32>
            %add3A_1042 = arith.addi %get3A_739, %add3A_1041 : vector<16xi32>
            %gather3A_1043 = tpu.vector_load_idx %arg11[%add3A_737, %add3A_1042] : memref<256x128xf32, #tpu.memory_space<vmem>>[vector<16xi32>, vector<16xi32>], vector<16xf32>,
            %mul3A_1044 = arith.constant 16 : i32
            %mul3A_1045 = arith.muli %mul3A_1044, %scan3A_731 : i32
            %swap3A_1046 = arith.constant 30 : i32
            %swap3A_1047 = arith.index_cast %swap3A_1046 : i32 to index
            %swap3A_1048 = arith.index_cast %mul3A_1045 : i32 to index
            %swap3A_1049 = tpu.vector_load %arg12[%swap3A_1047, %swap3A_1048] {strides = array<i32>} : memref<32x128xf32, #tpu.memory_space<vmem>>, vector<16xf32>,
            tpu.vector_store %arg12[%swap3A_1047, %swap3A_1048], %gather3A_1043 {strides = array<i32>} : memref<32x128xf32, #tpu.memory_space<vmem>>, vector<16xf32>,
            %add3A_1050 = arith.constant 31 : i32
            %add3A_1051 = vector.broadcast %add3A_1050 : i32 to vector<16xi32>
            %add3A_1052 = arith.addi %get3A_739, %add3A_1051 : vector<16xi32>
            %gather3A_1053 = tpu.vector_load_idx %arg11[%add3A_737, %add3A_1052] : memref<256x128xf32, #tpu.memory_space<vmem>>[vector<16xi32>, vector<16xi32>], vector<16xf32>,
            %mul3A_1054 = arith.constant 16 : i32
            %mul3A_1055 = arith.muli %mul3A_1054, %scan3A_731 : i32
            %swap3A_1056 = arith.constant 31 : i32
            %swap3A_1057 = arith.index_cast %swap3A_1056 : i32 to index
            %swap3A_1058 = arith.index_cast %mul3A_1055 : i32 to index
            %swap3A_1059 = tpu.vector_load %arg12[%swap3A_1057, %swap3A_1058] {strides = array<i32>} : memref<32x128xf32, #tpu.memory_space<vmem>>, vector<16xf32>,
            tpu.vector_store %arg12[%swap3A_1057, %swap3A_1058], %gather3A_1053 {strides = array<i32>} : memref<32x128xf32, #tpu.memory_space<vmem>>, vector<16xf32>,
          }
          %scan3A_381 = arith.constant 8 : i32
          %dma_start3A_382 = arith.constant 0 : i32
          %dma_start3A_383 = tpu.memref_slice %arg4[%mul3A_366, %dma_start3A_382, %multiple_of3A] : memref<50x32x16384xf32, #tpu.memory_space<hbm>> -> memref<1x32x128xf32, #tpu.memory_space<hbm>>
          %dma_start3A_384 = tpu.memref_squeeze %dma_start3A_383 : memref<1x32x128xf32, #tpu.memory_space<hbm>> -> memref<32x128xf32, #tpu.memory_space<hbm>>
          %dma_start3A_385 = arith.constant 0 : i32
          %dma_start3A_386 = tpu.memref_slice %arg4[%mul3A_366, %dma_start3A_385, %multiple_of3A] : memref<50x32x16384xf32, #tpu.memory_space<hbm>> -> memref<1x32x128xf32, #tpu.memory_space<hbm>>
          %dma_start3A_387 = tpu.memref_squeeze %dma_start3A_386 : memref<1x32x128xf32, #tpu.memory_space<hbm>> -> memref<32x128xf32, #tpu.memory_space<hbm>>
          tpu.enqueue_dma source(%arg12 : memref<32x128xf32, #tpu.memory_space<vmem>>) target(%dma_start3A_387 : memref<32x128xf32, #tpu.memory_space<hbm>>) target_semaphore(%arg15 : memref<!tpu.dma_semaphore, #tpu.memory_space<semaphore_mem>>)
          %scan3A_388 = arith.constant 0 : i32
          %scan3A_389 = arith.constant 0 : i32
          %scan3A_390 = arith.constant 8 : i32
          %scan3A_391 = arith.addi %scan3A_389, %scan3A_390 : i32
          %scan3A_392 = arith.constant 2 : i32
          scf.for %scan3A_402 = %scan3A_389 to %scan3A_391 step %scan3A_392  : i32 {
            %mul3A_403 = arith.constant 16 : i32
            %mul3A_404 = arith.muli %mul3A_403, %scan3A_402 : i32
            %add3A_405 = arith.constant 128 : i32
            %add3A_406 = arith.addi %add3A_405, %mul3A_404 : i32
            %add3A_407 = vector.broadcast %add3A_406 : i32 to vector<16xi32>
            %add3A_408 = arith.addi %add3A_407, %iota3A : vector<16xi32>
            %get3A = arith.index_cast %add3A_406 : i32 to index
            %get3A_409 = tpu.vector_load %arg9[%get3A] {strides = array<i32>} : memref<256xi32, #tpu.memory_space<vmem>>, vector<16xi32>,
            %add3A_410 = arith.constant 0 : i32
            %add3A_411 = vector.broadcast %add3A_410 : i32 to vector<16xi32>
            %add3A_412 = arith.addi %get3A_409, %add3A_411 : vector<16xi32>
            %gather3A_413 = tpu.vector_load_idx %arg11[%add3A_408, %add3A_412] : memref<256x128xf32, #tpu.memory_space<vmem>>[vector<16xi32>, vector<16xi32>], vector<16xf32>,
            %mul3A_414 = arith.constant 16 : i32
            %mul3A_415 = arith.muli %mul3A_414, %scan3A_402 : i32
            %swap3A_416 = arith.constant 0 : i32
            %swap3A_417 = arith.index_cast %swap3A_416 : i32 to index
            %swap3A_418 = arith.index_cast %mul3A_415 : i32 to index
            %swap3A_419 = tpu.vector_load %arg13[%swap3A_417, %swap3A_418] {strides = array<i32>} : memref<32x128xf32, #tpu.memory_space<vmem>>, vector<16xf32>,
            tpu.vector_store %arg13[%swap3A_417, %swap3A_418], %gather3A_413 {strides = array<i32>} : memref<32x128xf32, #tpu.memory_space<vmem>>, vector<16xf32>,
            %add3A_420 = arith.constant 1 : i32
            %add3A_421 = vector.broadcast %add3A_420 : i32 to vector<16xi32>
            %add3A_422 = arith.addi %get3A_409, %add3A_421 : vector<16xi32>
            %gather3A_423 = tpu.vector_load_idx %arg11[%add3A_408, %add3A_422] : memref<256x128xf32, #tpu.memory_space<vmem>>[vector<16xi32>, vector<16xi32>], vector<16xf32>,
            %mul3A_424 = arith.constant 16 : i32
            %mul3A_425 = arith.muli %mul3A_424, %scan3A_402 : i32
            %swap3A_426 = arith.constant 1 : i32
            %swap3A_427 = arith.index_cast %swap3A_426 : i32 to index
            %swap3A_428 = arith.index_cast %mul3A_425 : i32 to index
            %swap3A_429 = tpu.vector_load %arg13[%swap3A_427, %swap3A_428] {strides = array<i32>} : memref<32x128xf32, #tpu.memory_space<vmem>>, vector<16xf32>,
            tpu.vector_store %arg13[%swap3A_427, %swap3A_428], %gather3A_423 {strides = array<i32>} : memref<32x128xf32, #tpu.memory_space<vmem>>, vector<16xf32>,
            %add3A_430 = arith.constant 2 : i32
            %add3A_431 = vector.broadcast %add3A_430 : i32 to vector<16xi32>
            %add3A_432 = arith.addi %get3A_409, %add3A_431 : vector<16xi32>
            %gather3A_433 = tpu.vector_load_idx %arg11[%add3A_408, %add3A_432] : memref<256x128xf32, #tpu.memory_space<vmem>>[vector<16xi32>, vector<16xi32>], vector<16xf32>,
            %mul3A_434 = arith.constant 16 : i32
            %mul3A_435 = arith.muli %mul3A_434, %scan3A_402 : i32
            %swap3A_436 = arith.constant 2 : i32
            %swap3A_437 = arith.index_cast %swap3A_436 : i32 to index
            %swap3A_438 = arith.index_cast %mul3A_435 : i32 to index
            %swap3A_439 = tpu.vector_load %arg13[%swap3A_437, %swap3A_438] {strides = array<i32>} : memref<32x128xf32, #tpu.memory_space<vmem>>, vector<16xf32>,
            tpu.vector_store %arg13[%swap3A_437, %swap3A_438], %gather3A_433 {strides = array<i32>} : memref<32x128xf32, #tpu.memory_space<vmem>>, vector<16xf32>,
            %add3A_440 = arith.constant 3 : i32
            %add3A_441 = vector.broadcast %add3A_440 : i32 to vector<16xi32>
            %add3A_442 = arith.addi %get3A_409, %add3A_441 : vector<16xi32>
            %gather3A_443 = tpu.vector_load_idx %arg11[%add3A_408, %add3A_442] : memref<256x128xf32, #tpu.memory_space<vmem>>[vector<16xi32>, vector<16xi32>], vector<16xf32>,
            %mul3A_444 = arith.constant 16 : i32
            %mul3A_445 = arith.muli %mul3A_444, %scan3A_402 : i32
            %swap3A_446 = arith.constant 3 : i32
            %swap3A_447 = arith.index_cast %swap3A_446 : i32 to index
            %swap3A_448 = arith.index_cast %mul3A_445 : i32 to index
            %swap3A_449 = tpu.vector_load %arg13[%swap3A_447, %swap3A_448] {strides = array<i32>} : memref<32x128xf32, #tpu.memory_space<vmem>>, vector<16xf32>,
            tpu.vector_store %arg13[%swap3A_447, %swap3A_448], %gather3A_443 {strides = array<i32>} : memref<32x128xf32, #tpu.memory_space<vmem>>, vector<16xf32>,
            %add3A_450 = arith.constant 4 : i32
            %add3A_451 = vector.broadcast %add3A_450 : i32 to vector<16xi32>
            %add3A_452 = arith.addi %get3A_409, %add3A_451 : vector<16xi32>
            %gather3A_453 = tpu.vector_load_idx %arg11[%add3A_408, %add3A_452] : memref<256x128xf32, #tpu.memory_space<vmem>>[vector<16xi32>, vector<16xi32>], vector<16xf32>,
            %mul3A_454 = arith.constant 16 : i32
            %mul3A_455 = arith.muli %mul3A_454, %scan3A_402 : i32
            %swap3A_456 = arith.constant 4 : i32
            %swap3A_457 = arith.index_cast %swap3A_456 : i32 to index
            %swap3A_458 = arith.index_cast %mul3A_455 : i32 to index
            %swap3A_459 = tpu.vector_load %arg13[%swap3A_457, %swap3A_458] {strides = array<i32>} : memref<32x128xf32, #tpu.memory_space<vmem>>, vector<16xf32>,
            tpu.vector_store %arg13[%swap3A_457, %swap3A_458], %gather3A_453 {strides = array<i32>} : memref<32x128xf32, #tpu.memory_space<vmem>>, vector<16xf32>,
            %add3A_460 = arith.constant 5 : i32
            %add3A_461 = vector.broadcast %add3A_460 : i32 to vector<16xi32>
            %add3A_462 = arith.addi %get3A_409, %add3A_461 : vector<16xi32>
            %gather3A_463 = tpu.vector_load_idx %arg11[%add3A_408, %add3A_462] : memref<256x128xf32, #tpu.memory_space<vmem>>[vector<16xi32>, vector<16xi32>], vector<16xf32>,
            %mul3A_464 = arith.constant 16 : i32
            %mul3A_465 = arith.muli %mul3A_464, %scan3A_402 : i32
            %swap3A_466 = arith.constant 5 : i32
            %swap3A_467 = arith.index_cast %swap3A_466 : i32 to index
            %swap3A_468 = arith.index_cast %mul3A_465 : i32 to index
            %swap3A_469 = tpu.vector_load %arg13[%swap3A_467, %swap3A_468] {strides = array<i32>} : memref<32x128xf32, #tpu.memory_space<vmem>>, vector<16xf32>,
            tpu.vector_store %arg13[%swap3A_467, %swap3A_468], %gather3A_463 {strides = array<i32>} : memref<32x128xf32, #tpu.memory_space<vmem>>, vector<16xf32>,
            %add3A_470 = arith.constant 6 : i32
            %add3A_471 = vector.broadcast %add3A_470 : i32 to vector<16xi32>
            %add3A_472 = arith.addi %get3A_409, %add3A_471 : vector<16xi32>
            %gather3A_473 = tpu.vector_load_idx %arg11[%add3A_408, %add3A_472] : memref<256x128xf32, #tpu.memory_space<vmem>>[vector<16xi32>, vector<16xi32>], vector<16xf32>,
            %mul3A_474 = arith.constant 16 : i32
            %mul3A_475 = arith.muli %mul3A_474, %scan3A_402 : i32
            %swap3A_476 = arith.constant 6 : i32
            %swap3A_477 = arith.index_cast %swap3A_476 : i32 to index
            %swap3A_478 = arith.index_cast %mul3A_475 : i32 to index
            %swap3A_479 = tpu.vector_load %arg13[%swap3A_477, %swap3A_478] {strides = array<i32>} : memref<32x128xf32, #tpu.memory_space<vmem>>, vector<16xf32>,
            tpu.vector_store %arg13[%swap3A_477, %swap3A_478], %gather3A_473 {strides = array<i32>} : memref<32x128xf32, #tpu.memory_space<vmem>>, vector<16xf32>,
            %add3A_480 = arith.constant 7 : i32
            %add3A_481 = vector.broadcast %add3A_480 : i32 to vector<16xi32>
            %add3A_482 = arith.addi %get3A_409, %add3A_481 : vector<16xi32>
            %gather3A_483 = tpu.vector_load_idx %arg11[%add3A_408, %add3A_482] : memref<256x128xf32, #tpu.memory_space<vmem>>[vector<16xi32>, vector<16xi32>], vector<16xf32>,
            %mul3A_484 = arith.constant 16 : i32
            %mul3A_485 = arith.muli %mul3A_484, %scan3A_402 : i32
            %swap3A_486 = arith.constant 7 : i32
            %swap3A_487 = arith.index_cast %swap3A_486 : i32 to index
            %swap3A_488 = arith.index_cast %mul3A_485 : i32 to index
            %swap3A_489 = tpu.vector_load %arg13[%swap3A_487, %swap3A_488] {strides = array<i32>} : memref<32x128xf32, #tpu.memory_space<vmem>>, vector<16xf32>,
            tpu.vector_store %arg13[%swap3A_487, %swap3A_488], %gather3A_483 {strides = array<i32>} : memref<32x128xf32, #tpu.memory_space<vmem>>, vector<16xf32>,
            %add3A_490 = arith.constant 8 : i32
            %add3A_491 = vector.broadcast %add3A_490 : i32 to vector<16xi32>
            %add3A_492 = arith.addi %get3A_409, %add3A_491 : vector<16xi32>
            %gather3A_493 = tpu.vector_load_idx %arg11[%add3A_408, %add3A_492] : memref<256x128xf32, #tpu.memory_space<vmem>>[vector<16xi32>, vector<16xi32>], vector<16xf32>,
            %mul3A_494 = arith.constant 16 : i32
            %mul3A_495 = arith.muli %mul3A_494, %scan3A_402 : i32
            %swap3A_496 = arith.constant 8 : i32
            %swap3A_497 = arith.index_cast %swap3A_496 : i32 to index
            %swap3A_498 = arith.index_cast %mul3A_495 : i32 to index
            %swap3A_499 = tpu.vector_load %arg13[%swap3A_497, %swap3A_498] {strides = array<i32>} : memref<32x128xf32, #tpu.memory_space<vmem>>, vector<16xf32>,
            tpu.vector_store %arg13[%swap3A_497, %swap3A_498], %gather3A_493 {strides = array<i32>} : memref<32x128xf32, #tpu.memory_space<vmem>>, vector<16xf32>,
            %add3A_500 = arith.constant 9 : i32
            %add3A_501 = vector.broadcast %add3A_500 : i32 to vector<16xi32>
            %add3A_502 = arith.addi %get3A_409, %add3A_501 : vector<16xi32>
            %gather3A_503 = tpu.vector_load_idx %arg11[%add3A_408, %add3A_502] : memref<256x128xf32, #tpu.memory_space<vmem>>[vector<16xi32>, vector<16xi32>], vector<16xf32>,
            %mul3A_504 = arith.constant 16 : i32
            %mul3A_505 = arith.muli %mul3A_504, %scan3A_402 : i32
            %swap3A_506 = arith.constant 9 : i32
            %swap3A_507 = arith.index_cast %swap3A_506 : i32 to index
            %swap3A_508 = arith.index_cast %mul3A_505 : i32 to index
            %swap3A_509 = tpu.vector_load %arg13[%swap3A_507, %swap3A_508] {strides = array<i32>} : memref<32x128xf32, #tpu.memory_space<vmem>>, vector<16xf32>,
            tpu.vector_store %arg13[%swap3A_507, %swap3A_508], %gather3A_503 {strides = array<i32>} : memref<32x128xf32, #tpu.memory_space<vmem>>, vector<16xf32>,
            %add3A_510 = arith.constant 10 : i32
            %add3A_511 = vector.broadcast %add3A_510 : i32 to vector<16xi32>
            %add3A_512 = arith.addi %get3A_409, %add3A_511 : vector<16xi32>
            %gather3A_513 = tpu.vector_load_idx %arg11[%add3A_408, %add3A_512] : memref<256x128xf32, #tpu.memory_space<vmem>>[vector<16xi32>, vector<16xi32>], vector<16xf32>,
            %mul3A_514 = arith.constant 16 : i32
            %mul3A_515 = arith.muli %mul3A_514, %scan3A_402 : i32
            %swap3A_516 = arith.constant 10 : i32
            %swap3A_517 = arith.index_cast %swap3A_516 : i32 to index
            %swap3A_518 = arith.index_cast %mul3A_515 : i32 to index
            %swap3A_519 = tpu.vector_load %arg13[%swap3A_517, %swap3A_518] {strides = array<i32>} : memref<32x128xf32, #tpu.memory_space<vmem>>, vector<16xf32>,
            tpu.vector_store %arg13[%swap3A_517, %swap3A_518], %gather3A_513 {strides = array<i32>} : memref<32x128xf32, #tpu.memory_space<vmem>>, vector<16xf32>,
            %add3A_520 = arith.constant 11 : i32
            %add3A_521 = vector.broadcast %add3A_520 : i32 to vector<16xi32>
            %add3A_522 = arith.addi %get3A_409, %add3A_521 : vector<16xi32>
            %gather3A_523 = tpu.vector_load_idx %arg11[%add3A_408, %add3A_522] : memref<256x128xf32, #tpu.memory_space<vmem>>[vector<16xi32>, vector<16xi32>], vector<16xf32>,
            %mul3A_524 = arith.constant 16 : i32
            %mul3A_525 = arith.muli %mul3A_524, %scan3A_402 : i32
            %swap3A_526 = arith.constant 11 : i32
            %swap3A_527 = arith.index_cast %swap3A_526 : i32 to index
            %swap3A_528 = arith.index_cast %mul3A_525 : i32 to index
            %swap3A_529 = tpu.vector_load %arg13[%swap3A_527, %swap3A_528] {strides = array<i32>} : memref<32x128xf32, #tpu.memory_space<vmem>>, vector<16xf32>,
            tpu.vector_store %arg13[%swap3A_527, %swap3A_528], %gather3A_523 {strides = array<i32>} : memref<32x128xf32, #tpu.memory_space<vmem>>, vector<16xf32>,
            %add3A_530 = arith.constant 12 : i32
            %add3A_531 = vector.broadcast %add3A_530 : i32 to vector<16xi32>
            %add3A_532 = arith.addi %get3A_409, %add3A_531 : vector<16xi32>
            %gather3A_533 = tpu.vector_load_idx %arg11[%add3A_408, %add3A_532] : memref<256x128xf32, #tpu.memory_space<vmem>>[vector<16xi32>, vector<16xi32>], vector<16xf32>,
            %mul3A_534 = arith.constant 16 : i32
            %mul3A_535 = arith.muli %mul3A_534, %scan3A_402 : i32
            %swap3A_536 = arith.constant 12 : i32
            %swap3A_537 = arith.index_cast %swap3A_536 : i32 to index
            %swap3A_538 = arith.index_cast %mul3A_535 : i32 to index
            %swap3A_539 = tpu.vector_load %arg13[%swap3A_537, %swap3A_538] {strides = array<i32>} : memref<32x128xf32, #tpu.memory_space<vmem>>, vector<16xf32>,
            tpu.vector_store %arg13[%swap3A_537, %swap3A_538], %gather3A_533 {strides = array<i32>} : memref<32x128xf32, #tpu.memory_space<vmem>>, vector<16xf32>,
            %add3A_540 = arith.constant 13 : i32
            %add3A_541 = vector.broadcast %add3A_540 : i32 to vector<16xi32>
            %add3A_542 = arith.addi %get3A_409, %add3A_541 : vector<16xi32>
            %gather3A_543 = tpu.vector_load_idx %arg11[%add3A_408, %add3A_542] : memref<256x128xf32, #tpu.memory_space<vmem>>[vector<16xi32>, vector<16xi32>], vector<16xf32>,
            %mul3A_544 = arith.constant 16 : i32
            %mul3A_545 = arith.muli %mul3A_544, %scan3A_402 : i32
            %swap3A_546 = arith.constant 13 : i32
            %swap3A_547 = arith.index_cast %swap3A_546 : i32 to index
            %swap3A_548 = arith.index_cast %mul3A_545 : i32 to index
            %swap3A_549 = tpu.vector_load %arg13[%swap3A_547, %swap3A_548] {strides = array<i32>} : memref<32x128xf32, #tpu.memory_space<vmem>>, vector<16xf32>,
            tpu.vector_store %arg13[%swap3A_547, %swap3A_548], %gather3A_543 {strides = array<i32>} : memref<32x128xf32, #tpu.memory_space<vmem>>, vector<16xf32>,
            %add3A_550 = arith.constant 14 : i32
            %add3A_551 = vector.broadcast %add3A_550 : i32 to vector<16xi32>
            %add3A_552 = arith.addi %get3A_409, %add3A_551 : vector<16xi32>
            %gather3A_553 = tpu.vector_load_idx %arg11[%add3A_408, %add3A_552] : memref<256x128xf32, #tpu.memory_space<vmem>>[vector<16xi32>, vector<16xi32>], vector<16xf32>,
            %mul3A_554 = arith.constant 16 : i32
            %mul3A_555 = arith.muli %mul3A_554, %scan3A_402 : i32
            %swap3A_556 = arith.constant 14 : i32
            %swap3A_557 = arith.index_cast %swap3A_556 : i32 to index
            %swap3A_558 = arith.index_cast %mul3A_555 : i32 to index
            %swap3A_559 = tpu.vector_load %arg13[%swap3A_557, %swap3A_558] {strides = array<i32>} : memref<32x128xf32, #tpu.memory_space<vmem>>, vector<16xf32>,
            tpu.vector_store %arg13[%swap3A_557, %swap3A_558], %gather3A_553 {strides = array<i32>} : memref<32x128xf32, #tpu.memory_space<vmem>>, vector<16xf32>,
            %add3A_560 = arith.constant 15 : i32
            %add3A_561 = vector.broadcast %add3A_560 : i32 to vector<16xi32>
            %add3A_562 = arith.addi %get3A_409, %add3A_561 : vector<16xi32>
            %gather3A_563 = tpu.vector_load_idx %arg11[%add3A_408, %add3A_562] : memref<256x128xf32, #tpu.memory_space<vmem>>[vector<16xi32>, vector<16xi32>], vector<16xf32>,
            %mul3A_564 = arith.constant 16 : i32
            %mul3A_565 = arith.muli %mul3A_564, %scan3A_402 : i32
            %swap3A_566 = arith.constant 15 : i32
            %swap3A_567 = arith.index_cast %swap3A_566 : i32 to index
            %swap3A_568 = arith.index_cast %mul3A_565 : i32 to index
            %swap3A_569 = tpu.vector_load %arg13[%swap3A_567, %swap3A_568] {strides = array<i32>} : memref<32x128xf32, #tpu.memory_space<vmem>>, vector<16xf32>,
            tpu.vector_store %arg13[%swap3A_567, %swap3A_568], %gather3A_563 {strides = array<i32>} : memref<32x128xf32, #tpu.memory_space<vmem>>, vector<16xf32>,
            %add3A_570 = arith.constant 16 : i32
            %add3A_571 = vector.broadcast %add3A_570 : i32 to vector<16xi32>
            %add3A_572 = arith.addi %get3A_409, %add3A_571 : vector<16xi32>
            %gather3A_573 = tpu.vector_load_idx %arg11[%add3A_408, %add3A_572] : memref<256x128xf32, #tpu.memory_space<vmem>>[vector<16xi32>, vector<16xi32>], vector<16xf32>,
            %mul3A_574 = arith.constant 16 : i32
            %mul3A_575 = arith.muli %mul3A_574, %scan3A_402 : i32
            %swap3A_576 = arith.constant 16 : i32
            %swap3A_577 = arith.index_cast %swap3A_576 : i32 to index
            %swap3A_578 = arith.index_cast %mul3A_575 : i32 to index
            %swap3A_579 = tpu.vector_load %arg13[%swap3A_577, %swap3A_578] {strides = array<i32>} : memref<32x128xf32, #tpu.memory_space<vmem>>, vector<16xf32>,
            tpu.vector_store %arg13[%swap3A_577, %swap3A_578], %gather3A_573 {strides = array<i32>} : memref<32x128xf32, #tpu.memory_space<vmem>>, vector<16xf32>,
            %add3A_580 = arith.constant 17 : i32
            %add3A_581 = vector.broadcast %add3A_580 : i32 to vector<16xi32>
            %add3A_582 = arith.addi %get3A_409, %add3A_581 : vector<16xi32>
            %gather3A_583 = tpu.vector_load_idx %arg11[%add3A_408, %add3A_582] : memref<256x128xf32, #tpu.memory_space<vmem>>[vector<16xi32>, vector<16xi32>], vector<16xf32>,
            %mul3A_584 = arith.constant 16 : i32
            %mul3A_585 = arith.muli %mul3A_584, %scan3A_402 : i32
            %swap3A_586 = arith.constant 17 : i32
            %swap3A_587 = arith.index_cast %swap3A_586 : i32 to index
            %swap3A_588 = arith.index_cast %mul3A_585 : i32 to index
            %swap3A_589 = tpu.vector_load %arg13[%swap3A_587, %swap3A_588] {strides = array<i32>} : memref<32x128xf32, #tpu.memory_space<vmem>>, vector<16xf32>,
            tpu.vector_store %arg13[%swap3A_587, %swap3A_588], %gather3A_583 {strides = array<i32>} : memref<32x128xf32, #tpu.memory_space<vmem>>, vector<16xf32>,
            %add3A_590 = arith.constant 18 : i32
            %add3A_591 = vector.broadcast %add3A_590 : i32 to vector<16xi32>
            %add3A_592 = arith.addi %get3A_409, %add3A_591 : vector<16xi32>
            %gather3A_593 = tpu.vector_load_idx %arg11[%add3A_408, %add3A_592] : memref<256x128xf32, #tpu.memory_space<vmem>>[vector<16xi32>, vector<16xi32>], vector<16xf32>,
            %mul3A_594 = arith.constant 16 : i32
            %mul3A_595 = arith.muli %mul3A_594, %scan3A_402 : i32
            %swap3A_596 = arith.constant 18 : i32
            %swap3A_597 = arith.index_cast %swap3A_596 : i32 to index
            %swap3A_598 = arith.index_cast %mul3A_595 : i32 to index
            %swap3A_599 = tpu.vector_load %arg13[%swap3A_597, %swap3A_598] {strides = array<i32>} : memref<32x128xf32, #tpu.memory_space<vmem>>, vector<16xf32>,
            tpu.vector_store %arg13[%swap3A_597, %swap3A_598], %gather3A_593 {strides = array<i32>} : memref<32x128xf32, #tpu.memory_space<vmem>>, vector<16xf32>,
            %add3A_600 = arith.constant 19 : i32
            %add3A_601 = vector.broadcast %add3A_600 : i32 to vector<16xi32>
            %add3A_602 = arith.addi %get3A_409, %add3A_601 : vector<16xi32>
            %gather3A_603 = tpu.vector_load_idx %arg11[%add3A_408, %add3A_602] : memref<256x128xf32, #tpu.memory_space<vmem>>[vector<16xi32>, vector<16xi32>], vector<16xf32>,
            %mul3A_604 = arith.constant 16 : i32
            %mul3A_605 = arith.muli %mul3A_604, %scan3A_402 : i32
            %swap3A_606 = arith.constant 19 : i32
            %swap3A_607 = arith.index_cast %swap3A_606 : i32 to index
            %swap3A_608 = arith.index_cast %mul3A_605 : i32 to index
            %swap3A_609 = tpu.vector_load %arg13[%swap3A_607, %swap3A_608] {strides = array<i32>} : memref<32x128xf32, #tpu.memory_space<vmem>>, vector<16xf32>,
            tpu.vector_store %arg13[%swap3A_607, %swap3A_608], %gather3A_603 {strides = array<i32>} : memref<32x128xf32, #tpu.memory_space<vmem>>, vector<16xf32>,
            %add3A_610 = arith.constant 20 : i32
            %add3A_611 = vector.broadcast %add3A_610 : i32 to vector<16xi32>
            %add3A_612 = arith.addi %get3A_409, %add3A_611 : vector<16xi32>
            %gather3A_613 = tpu.vector_load_idx %arg11[%add3A_408, %add3A_612] : memref<256x128xf32, #tpu.memory_space<vmem>>[vector<16xi32>, vector<16xi32>], vector<16xf32>,
            %mul3A_614 = arith.constant 16 : i32
            %mul3A_615 = arith.muli %mul3A_614, %scan3A_402 : i32
            %swap3A_616 = arith.constant 20 : i32
            %swap3A_617 = arith.index_cast %swap3A_616 : i32 to index
            %swap3A_618 = arith.index_cast %mul3A_615 : i32 to index
            %swap3A_619 = tpu.vector_load %arg13[%swap3A_617, %swap3A_618] {strides = array<i32>} : memref<32x128xf32, #tpu.memory_space<vmem>>, vector<16xf32>,
            tpu.vector_store %arg13[%swap3A_617, %swap3A_618], %gather3A_613 {strides = array<i32>} : memref<32x128xf32, #tpu.memory_space<vmem>>, vector<16xf32>,
            %add3A_620 = arith.constant 21 : i32
            %add3A_621 = vector.broadcast %add3A_620 : i32 to vector<16xi32>
            %add3A_622 = arith.addi %get3A_409, %add3A_621 : vector<16xi32>
            %gather3A_623 = tpu.vector_load_idx %arg11[%add3A_408, %add3A_622] : memref<256x128xf32, #tpu.memory_space<vmem>>[vector<16xi32>, vector<16xi32>], vector<16xf32>,
            %mul3A_624 = arith.constant 16 : i32
            %mul3A_625 = arith.muli %mul3A_624, %scan3A_402 : i32
            %swap3A_626 = arith.constant 21 : i32
            %swap3A_627 = arith.index_cast %swap3A_626 : i32 to index
            %swap3A_628 = arith.index_cast %mul3A_625 : i32 to index
            %swap3A_629 = tpu.vector_load %arg13[%swap3A_627, %swap3A_628] {strides = array<i32>} : memref<32x128xf32, #tpu.memory_space<vmem>>, vector<16xf32>,
            tpu.vector_store %arg13[%swap3A_627, %swap3A_628], %gather3A_623 {strides = array<i32>} : memref<32x128xf32, #tpu.memory_space<vmem>>, vector<16xf32>,
            %add3A_630 = arith.constant 22 : i32
            %add3A_631 = vector.broadcast %add3A_630 : i32 to vector<16xi32>
            %add3A_632 = arith.addi %get3A_409, %add3A_631 : vector<16xi32>
            %gather3A_633 = tpu.vector_load_idx %arg11[%add3A_408, %add3A_632] : memref<256x128xf32, #tpu.memory_space<vmem>>[vector<16xi32>, vector<16xi32>], vector<16xf32>,
            %mul3A_634 = arith.constant 16 : i32
            %mul3A_635 = arith.muli %mul3A_634, %scan3A_402 : i32
            %swap3A_636 = arith.constant 22 : i32
            %swap3A_637 = arith.index_cast %swap3A_636 : i32 to index
            %swap3A_638 = arith.index_cast %mul3A_635 : i32 to index
            %swap3A_639 = tpu.vector_load %arg13[%swap3A_637, %swap3A_638] {strides = array<i32>} : memref<32x128xf32, #tpu.memory_space<vmem>>, vector<16xf32>,
            tpu.vector_store %arg13[%swap3A_637, %swap3A_638], %gather3A_633 {strides = array<i32>} : memref<32x128xf32, #tpu.memory_space<vmem>>, vector<16xf32>,
            %add3A_640 = arith.constant 23 : i32
            %add3A_641 = vector.broadcast %add3A_640 : i32 to vector<16xi32>
            %add3A_642 = arith.addi %get3A_409, %add3A_641 : vector<16xi32>
            %gather3A_643 = tpu.vector_load_idx %arg11[%add3A_408, %add3A_642] : memref<256x128xf32, #tpu.memory_space<vmem>>[vector<16xi32>, vector<16xi32>], vector<16xf32>,
            %mul3A_644 = arith.constant 16 : i32
            %mul3A_645 = arith.muli %mul3A_644, %scan3A_402 : i32
            %swap3A_646 = arith.constant 23 : i32
            %swap3A_647 = arith.index_cast %swap3A_646 : i32 to index
            %swap3A_648 = arith.index_cast %mul3A_645 : i32 to index
            %swap3A_649 = tpu.vector_load %arg13[%swap3A_647, %swap3A_648] {strides = array<i32>} : memref<32x128xf32, #tpu.memory_space<vmem>>, vector<16xf32>,
            tpu.vector_store %arg13[%swap3A_647, %swap3A_648], %gather3A_643 {strides = array<i32>} : memref<32x128xf32, #tpu.memory_space<vmem>>, vector<16xf32>,
            %add3A_650 = arith.constant 24 : i32
            %add3A_651 = vector.broadcast %add3A_650 : i32 to vector<16xi32>
            %add3A_652 = arith.addi %get3A_409, %add3A_651 : vector<16xi32>
            %gather3A_653 = tpu.vector_load_idx %arg11[%add3A_408, %add3A_652] : memref<256x128xf32, #tpu.memory_space<vmem>>[vector<16xi32>, vector<16xi32>], vector<16xf32>,
            %mul3A_654 = arith.constant 16 : i32
            %mul3A_655 = arith.muli %mul3A_654, %scan3A_402 : i32
            %swap3A_656 = arith.constant 24 : i32
            %swap3A_657 = arith.index_cast %swap3A_656 : i32 to index
            %swap3A_658 = arith.index_cast %mul3A_655 : i32 to index
            %swap3A_659 = tpu.vector_load %arg13[%swap3A_657, %swap3A_658] {strides = array<i32>} : memref<32x128xf32, #tpu.memory_space<vmem>>, vector<16xf32>,
            tpu.vector_store %arg13[%swap3A_657, %swap3A_658], %gather3A_653 {strides = array<i32>} : memref<32x128xf32, #tpu.memory_space<vmem>>, vector<16xf32>,
            %add3A_660 = arith.constant 25 : i32
            %add3A_661 = vector.broadcast %add3A_660 : i32 to vector<16xi32>
            %add3A_662 = arith.addi %get3A_409, %add3A_661 : vector<16xi32>
            %gather3A_663 = tpu.vector_load_idx %arg11[%add3A_408, %add3A_662] : memref<256x128xf32, #tpu.memory_space<vmem>>[vector<16xi32>, vector<16xi32>], vector<16xf32>,
            %mul3A_664 = arith.constant 16 : i32
            %mul3A_665 = arith.muli %mul3A_664, %scan3A_402 : i32
            %swap3A_666 = arith.constant 25 : i32
            %swap3A_667 = arith.index_cast %swap3A_666 : i32 to index
            %swap3A_668 = arith.index_cast %mul3A_665 : i32 to index
            %swap3A_669 = tpu.vector_load %arg13[%swap3A_667, %swap3A_668] {strides = array<i32>} : memref<32x128xf32, #tpu.memory_space<vmem>>, vector<16xf32>,
            tpu.vector_store %arg13[%swap3A_667, %swap3A_668], %gather3A_663 {strides = array<i32>} : memref<32x128xf32, #tpu.memory_space<vmem>>, vector<16xf32>,
            %add3A_670 = arith.constant 26 : i32
            %add3A_671 = vector.broadcast %add3A_670 : i32 to vector<16xi32>
            %add3A_672 = arith.addi %get3A_409, %add3A_671 : vector<16xi32>
            %gather3A_673 = tpu.vector_load_idx %arg11[%add3A_408, %add3A_672] : memref<256x128xf32, #tpu.memory_space<vmem>>[vector<16xi32>, vector<16xi32>], vector<16xf32>,
            %mul3A_674 = arith.constant 16 : i32
            %mul3A_675 = arith.muli %mul3A_674, %scan3A_402 : i32
            %swap3A_676 = arith.constant 26 : i32
            %swap3A_677 = arith.index_cast %swap3A_676 : i32 to index
            %swap3A_678 = arith.index_cast %mul3A_675 : i32 to index
            %swap3A_679 = tpu.vector_load %arg13[%swap3A_677, %swap3A_678] {strides = array<i32>} : memref<32x128xf32, #tpu.memory_space<vmem>>, vector<16xf32>,
            tpu.vector_store %arg13[%swap3A_677, %swap3A_678], %gather3A_673 {strides = array<i32>} : memref<32x128xf32, #tpu.memory_space<vmem>>, vector<16xf32>,
            %add3A_680 = arith.constant 27 : i32
            %add3A_681 = vector.broadcast %add3A_680 : i32 to vector<16xi32>
            %add3A_682 = arith.addi %get3A_409, %add3A_681 : vector<16xi32>
            %gather3A_683 = tpu.vector_load_idx %arg11[%add3A_408, %add3A_682] : memref<256x128xf32, #tpu.memory_space<vmem>>[vector<16xi32>, vector<16xi32>], vector<16xf32>,
            %mul3A_684 = arith.constant 16 : i32
            %mul3A_685 = arith.muli %mul3A_684, %scan3A_402 : i32
            %swap3A_686 = arith.constant 27 : i32
            %swap3A_687 = arith.index_cast %swap3A_686 : i32 to index
            %swap3A_688 = arith.index_cast %mul3A_685 : i32 to index
            %swap3A_689 = tpu.vector_load %arg13[%swap3A_687, %swap3A_688] {strides = array<i32>} : memref<32x128xf32, #tpu.memory_space<vmem>>, vector<16xf32>,
            tpu.vector_store %arg13[%swap3A_687, %swap3A_688], %gather3A_683 {strides = array<i32>} : memref<32x128xf32, #tpu.memory_space<vmem>>, vector<16xf32>,
            %add3A_690 = arith.constant 28 : i32
            %add3A_691 = vector.broadcast %add3A_690 : i32 to vector<16xi32>
            %add3A_692 = arith.addi %get3A_409, %add3A_691 : vector<16xi32>
            %gather3A_693 = tpu.vector_load_idx %arg11[%add3A_408, %add3A_692] : memref<256x128xf32, #tpu.memory_space<vmem>>[vector<16xi32>, vector<16xi32>], vector<16xf32>,
            %mul3A_694 = arith.constant 16 : i32
            %mul3A_695 = arith.muli %mul3A_694, %scan3A_402 : i32
            %swap3A_696 = arith.constant 28 : i32
            %swap3A_697 = arith.index_cast %swap3A_696 : i32 to index
            %swap3A_698 = arith.index_cast %mul3A_695 : i32 to index
            %swap3A_699 = tpu.vector_load %arg13[%swap3A_697, %swap3A_698] {strides = array<i32>} : memref<32x128xf32, #tpu.memory_space<vmem>>, vector<16xf32>,
            tpu.vector_store %arg13[%swap3A_697, %swap3A_698], %gather3A_693 {strides = array<i32>} : memref<32x128xf32, #tpu.memory_space<vmem>>, vector<16xf32>,
            %add3A_700 = arith.constant 29 : i32
            %add3A_701 = vector.broadcast %add3A_700 : i32 to vector<16xi32>
            %add3A_702 = arith.addi %get3A_409, %add3A_701 : vector<16xi32>
            %gather3A_703 = tpu.vector_load_idx %arg11[%add3A_408, %add3A_702] : memref<256x128xf32, #tpu.memory_space<vmem>>[vector<16xi32>, vector<16xi32>], vector<16xf32>,
            %mul3A_704 = arith.constant 16 : i32
            %mul3A_705 = arith.muli %mul3A_704, %scan3A_402 : i32
            %swap3A_706 = arith.constant 29 : i32
            %swap3A_707 = arith.index_cast %swap3A_706 : i32 to index
            %swap3A_708 = arith.index_cast %mul3A_705 : i32 to index
            %swap3A_709 = tpu.vector_load %arg13[%swap3A_707, %swap3A_708] {strides = array<i32>} : memref<32x128xf32, #tpu.memory_space<vmem>>, vector<16xf32>,
            tpu.vector_store %arg13[%swap3A_707, %swap3A_708], %gather3A_703 {strides = array<i32>} : memref<32x128xf32, #tpu.memory_space<vmem>>, vector<16xf32>,
            %add3A_710 = arith.constant 30 : i32
            %add3A_711 = vector.broadcast %add3A_710 : i32 to vector<16xi32>
            %add3A_712 = arith.addi %get3A_409, %add3A_711 : vector<16xi32>
            %gather3A_713 = tpu.vector_load_idx %arg11[%add3A_408, %add3A_712] : memref<256x128xf32, #tpu.memory_space<vmem>>[vector<16xi32>, vector<16xi32>], vector<16xf32>,
            %mul3A_714 = arith.constant 16 : i32
            %mul3A_715 = arith.muli %mul3A_714, %scan3A_402 : i32
            %swap3A_716 = arith.constant 30 : i32
            %swap3A_717 = arith.index_cast %swap3A_716 : i32 to index
            %swap3A_718 = arith.index_cast %mul3A_715 : i32 to index
            %swap3A_719 = tpu.vector_load %arg13[%swap3A_717, %swap3A_718] {strides = array<i32>} : memref<32x128xf32, #tpu.memory_space<vmem>>, vector<16xf32>,
            tpu.vector_store %arg13[%swap3A_717, %swap3A_718], %gather3A_713 {strides = array<i32>} : memref<32x128xf32, #tpu.memory_space<vmem>>, vector<16xf32>,
            %add3A_720 = arith.constant 31 : i32
            %add3A_721 = vector.broadcast %add3A_720 : i32 to vector<16xi32>
            %add3A_722 = arith.addi %get3A_409, %add3A_721 : vector<16xi32>
            %gather3A_723 = tpu.vector_load_idx %arg11[%add3A_408, %add3A_722] : memref<256x128xf32, #tpu.memory_space<vmem>>[vector<16xi32>, vector<16xi32>], vector<16xf32>,
            %mul3A_724 = arith.constant 16 : i32
            %mul3A_725 = arith.muli %mul3A_724, %scan3A_402 : i32
            %swap3A_726 = arith.constant 31 : i32
            %swap3A_727 = arith.index_cast %swap3A_726 : i32 to index
            %swap3A_728 = arith.index_cast %mul3A_725 : i32 to index
            %swap3A_729 = tpu.vector_load %arg13[%swap3A_727, %swap3A_728] {strides = array<i32>} : memref<32x128xf32, #tpu.memory_space<vmem>>, vector<16xf32>,
            tpu.vector_store %arg13[%swap3A_727, %swap3A_728], %gather3A_723 {strides = array<i32>} : memref<32x128xf32, #tpu.memory_space<vmem>>, vector<16xf32>,
            %scan3A_730 = arith.constant 1 : i32
            %scan3A_731 = arith.addi %scan3A_402, %scan3A_730 : i32
            %mul3A_732 = arith.constant 16 : i32
            %mul3A_733 = arith.muli %mul3A_732, %scan3A_731 : i32
            %add3A_734 = arith.constant 128 : i32
            %add3A_735 = arith.addi %add3A_734, %mul3A_733 : i32
            %add3A_736 = vector.broadcast %add3A_735 : i32 to vector<16xi32>
            %add3A_737 = arith.addi %add3A_736, %iota3A : vector<16xi32>
            %get3A_738 = arith.index_cast %add3A_735 : i32 to index
            %get3A_739 = tpu.vector_load %arg9[%get3A_738] {strides = array<i32>} : memref<256xi32, #tpu.memory_space<vmem>>, vector<16xi32>,
            %add3A_740 = arith.constant 0 : i32
            %add3A_741 = vector.broadcast %add3A_740 : i32 to vector<16xi32>
            %add3A_742 = arith.addi %get3A_739, %add3A_741 : vector<16xi32>
            %gather3A_743 = tpu.vector_load_idx %arg11[%add3A_737, %add3A_742] : memref<256x128xf32, #tpu.memory_space<vmem>>[vector<16xi32>, vector<16xi32>], vector<16xf32>,
            %mul3A_744 = arith.constant 16 : i32
            %mul3A_745 = arith.muli %mul3A_744, %scan3A_731 : i32
            %swap3A_746 = arith.constant 0 : i32
            %swap3A_747 = arith.index_cast %swap3A_746 : i32 to index
            %swap3A_748 = arith.index_cast %mul3A_745 : i32 to index
            %swap3A_749 = tpu.vector_load %arg13[%swap3A_747, %swap3A_748] {strides = array<i32>} : memref<32x128xf32, #tpu.memory_space<vmem>>, vector<16xf32>,
            tpu.vector_store %arg13[%swap3A_747, %swap3A_748], %gather3A_743 {strides = array<i32>} : memref<32x128xf32, #tpu.memory_space<vmem>>, vector<16xf32>,
            %add3A_750 = arith.constant 1 : i32
            %add3A_751 = vector.broadcast %add3A_750 : i32 to vector<16xi32>
            %add3A_752 = arith.addi %get3A_739, %add3A_751 : vector<16xi32>
            %gather3A_753 = tpu.vector_load_idx %arg11[%add3A_737, %add3A_752] : memref<256x128xf32, #tpu.memory_space<vmem>>[vector<16xi32>, vector<16xi32>], vector<16xf32>,
            %mul3A_754 = arith.constant 16 : i32
            %mul3A_755 = arith.muli %mul3A_754, %scan3A_731 : i32
            %swap3A_756 = arith.constant 1 : i32
            %swap3A_757 = arith.index_cast %swap3A_756 : i32 to index
            %swap3A_758 = arith.index_cast %mul3A_755 : i32 to index
            %swap3A_759 = tpu.vector_load %arg13[%swap3A_757, %swap3A_758] {strides = array<i32>} : memref<32x128xf32, #tpu.memory_space<vmem>>, vector<16xf32>,
            tpu.vector_store %arg13[%swap3A_757, %swap3A_758], %gather3A_753 {strides = array<i32>} : memref<32x128xf32, #tpu.memory_space<vmem>>, vector<16xf32>,
            %add3A_760 = arith.constant 2 : i32
            %add3A_761 = vector.broadcast %add3A_760 : i32 to vector<16xi32>
            %add3A_762 = arith.addi %get3A_739, %add3A_761 : vector<16xi32>
            %gather3A_763 = tpu.vector_load_idx %arg11[%add3A_737, %add3A_762] : memref<256x128xf32, #tpu.memory_space<vmem>>[vector<16xi32>, vector<16xi32>], vector<16xf32>,
            %mul3A_764 = arith.constant 16 : i32
            %mul3A_765 = arith.muli %mul3A_764, %scan3A_731 : i32
            %swap3A_766 = arith.constant 2 : i32
            %swap3A_767 = arith.index_cast %swap3A_766 : i32 to index
            %swap3A_768 = arith.index_cast %mul3A_765 : i32 to index
            %swap3A_769 = tpu.vector_load %arg13[%swap3A_767, %swap3A_768] {strides = array<i32>} : memref<32x128xf32, #tpu.memory_space<vmem>>, vector<16xf32>,
            tpu.vector_store %arg13[%swap3A_767, %swap3A_768], %gather3A_763 {strides = array<i32>} : memref<32x128xf32, #tpu.memory_space<vmem>>, vector<16xf32>,
            %add3A_770 = arith.constant 3 : i32
            %add3A_771 = vector.broadcast %add3A_770 : i32 to vector<16xi32>
            %add3A_772 = arith.addi %get3A_739, %add3A_771 : vector<16xi32>
            %gather3A_773 = tpu.vector_load_idx %arg11[%add3A_737, %add3A_772] : memref<256x128xf32, #tpu.memory_space<vmem>>[vector<16xi32>, vector<16xi32>], vector<16xf32>,
            %mul3A_774 = arith.constant 16 : i32
            %mul3A_775 = arith.muli %mul3A_774, %scan3A_731 : i32
            %swap3A_776 = arith.constant 3 : i32
            %swap3A_777 = arith.index_cast %swap3A_776 : i32 to index
            %swap3A_778 = arith.index_cast %mul3A_775 : i32 to index
            %swap3A_779 = tpu.vector_load %arg13[%swap3A_777, %swap3A_778] {strides = array<i32>} : memref<32x128xf32, #tpu.memory_space<vmem>>, vector<16xf32>,
            tpu.vector_store %arg13[%swap3A_777, %swap3A_778], %gather3A_773 {strides = array<i32>} : memref<32x128xf32, #tpu.memory_space<vmem>>, vector<16xf32>,
            %add3A_780 = arith.constant 4 : i32
            %add3A_781 = vector.broadcast %add3A_780 : i32 to vector<16xi32>
            %add3A_782 = arith.addi %get3A_739, %add3A_781 : vector<16xi32>
            %gather3A_783 = tpu.vector_load_idx %arg11[%add3A_737, %add3A_782] : memref<256x128xf32, #tpu.memory_space<vmem>>[vector<16xi32>, vector<16xi32>], vector<16xf32>,
            %mul3A_784 = arith.constant 16 : i32
            %mul3A_785 = arith.muli %mul3A_784, %scan3A_731 : i32
            %swap3A_786 = arith.constant 4 : i32
            %swap3A_787 = arith.index_cast %swap3A_786 : i32 to index
            %swap3A_788 = arith.index_cast %mul3A_785 : i32 to index
            %swap3A_789 = tpu.vector_load %arg13[%swap3A_787, %swap3A_788] {strides = array<i32>} : memref<32x128xf32, #tpu.memory_space<vmem>>, vector<16xf32>,
            tpu.vector_store %arg13[%swap3A_787, %swap3A_788], %gather3A_783 {strides = array<i32>} : memref<32x128xf32, #tpu.memory_space<vmem>>, vector<16xf32>,
            %add3A_790 = arith.constant 5 : i32
            %add3A_791 = vector.broadcast %add3A_790 : i32 to vector<16xi32>
            %add3A_792 = arith.addi %get3A_739, %add3A_791 : vector<16xi32>
            %gather3A_793 = tpu.vector_load_idx %arg11[%add3A_737, %add3A_792] : memref<256x128xf32, #tpu.memory_space<vmem>>[vector<16xi32>, vector<16xi32>], vector<16xf32>,
            %mul3A_794 = arith.constant 16 : i32
            %mul3A_795 = arith.muli %mul3A_794, %scan3A_731 : i32
            %swap3A_796 = arith.constant 5 : i32
            %swap3A_797 = arith.index_cast %swap3A_796 : i32 to index
            %swap3A_798 = arith.index_cast %mul3A_795 : i32 to index
            %swap3A_799 = tpu.vector_load %arg13[%swap3A_797, %swap3A_798] {strides = array<i32>} : memref<32x128xf32, #tpu.memory_space<vmem>>, vector<16xf32>,
            tpu.vector_store %arg13[%swap3A_797, %swap3A_798], %gather3A_793 {strides = array<i32>} : memref<32x128xf32, #tpu.memory_space<vmem>>, vector<16xf32>,
            %add3A_800 = arith.constant 6 : i32
            %add3A_801 = vector.broadcast %add3A_800 : i32 to vector<16xi32>
            %add3A_802 = arith.addi %get3A_739, %add3A_801 : vector<16xi32>
            %gather3A_803 = tpu.vector_load_idx %arg11[%add3A_737, %add3A_802] : memref<256x128xf32, #tpu.memory_space<vmem>>[vector<16xi32>, vector<16xi32>], vector<16xf32>,
            %mul3A_804 = arith.constant 16 : i32
            %mul3A_805 = arith.muli %mul3A_804, %scan3A_731 : i32
            %swap3A_806 = arith.constant 6 : i32
            %swap3A_807 = arith.index_cast %swap3A_806 : i32 to index
            %swap3A_808 = arith.index_cast %mul3A_805 : i32 to index
            %swap3A_809 = tpu.vector_load %arg13[%swap3A_807, %swap3A_808] {strides = array<i32>} : memref<32x128xf32, #tpu.memory_space<vmem>>, vector<16xf32>,
            tpu.vector_store %arg13[%swap3A_807, %swap3A_808], %gather3A_803 {strides = array<i32>} : memref<32x128xf32, #tpu.memory_space<vmem>>, vector<16xf32>,
            %add3A_810 = arith.constant 7 : i32
            %add3A_811 = vector.broadcast %add3A_810 : i32 to vector<16xi32>
            %add3A_812 = arith.addi %get3A_739, %add3A_811 : vector<16xi32>
            %gather3A_813 = tpu.vector_load_idx %arg11[%add3A_737, %add3A_812] : memref<256x128xf32, #tpu.memory_space<vmem>>[vector<16xi32>, vector<16xi32>], vector<16xf32>,
            %mul3A_814 = arith.constant 16 : i32
            %mul3A_815 = arith.muli %mul3A_814, %scan3A_731 : i32
            %swap3A_816 = arith.constant 7 : i32
            %swap3A_817 = arith.index_cast %swap3A_816 : i32 to index
            %swap3A_818 = arith.index_cast %mul3A_815 : i32 to index
            %swap3A_819 = tpu.vector_load %arg13[%swap3A_817, %swap3A_818] {strides = array<i32>} : memref<32x128xf32, #tpu.memory_space<vmem>>, vector<16xf32>,
            tpu.vector_store %arg13[%swap3A_817, %swap3A_818], %gather3A_813 {strides = array<i32>} : memref<32x128xf32, #tpu.memory_space<vmem>>, vector<16xf32>,
            %add3A_820 = arith.constant 8 : i32
            %add3A_821 = vector.broadcast %add3A_820 : i32 to vector<16xi32>
            %add3A_822 = arith.addi %get3A_739, %add3A_821 : vector<16xi32>
            %gather3A_823 = tpu.vector_load_idx %arg11[%add3A_737, %add3A_822] : memref<256x128xf32, #tpu.memory_space<vmem>>[vector<16xi32>, vector<16xi32>], vector<16xf32>,
            %mul3A_824 = arith.constant 16 : i32
            %mul3A_825 = arith.muli %mul3A_824, %scan3A_731 : i32
            %swap3A_826 = arith.constant 8 : i32
            %swap3A_827 = arith.index_cast %swap3A_826 : i32 to index
            %swap3A_828 = arith.index_cast %mul3A_825 : i32 to index
            %swap3A_829 = tpu.vector_load %arg13[%swap3A_827, %swap3A_828] {strides = array<i32>} : memref<32x128xf32, #tpu.memory_space<vmem>>, vector<16xf32>,
            tpu.vector_store %arg13[%swap3A_827, %swap3A_828], %gather3A_823 {strides = array<i32>} : memref<32x128xf32, #tpu.memory_space<vmem>>, vector<16xf32>,
            %add3A_830 = arith.constant 9 : i32
            %add3A_831 = vector.broadcast %add3A_830 : i32 to vector<16xi32>
            %add3A_832 = arith.addi %get3A_739, %add3A_831 : vector<16xi32>
            %gather3A_833 = tpu.vector_load_idx %arg11[%add3A_737, %add3A_832] : memref<256x128xf32, #tpu.memory_space<vmem>>[vector<16xi32>, vector<16xi32>], vector<16xf32>,
            %mul3A_834 = arith.constant 16 : i32
            %mul3A_835 = arith.muli %mul3A_834, %scan3A_731 : i32
            %swap3A_836 = arith.constant 9 : i32
            %swap3A_837 = arith.index_cast %swap3A_836 : i32 to index
            %swap3A_838 = arith.index_cast %mul3A_835 : i32 to index
            %swap3A_839 = tpu.vector_load %arg13[%swap3A_837, %swap3A_838] {strides = array<i32>} : memref<32x128xf32, #tpu.memory_space<vmem>>, vector<16xf32>,
            tpu.vector_store %arg13[%swap3A_837, %swap3A_838], %gather3A_833 {strides = array<i32>} : memref<32x128xf32, #tpu.memory_space<vmem>>, vector<16xf32>,
            %add3A_840 = arith.constant 10 : i32
            %add3A_841 = vector.broadcast %add3A_840 : i32 to vector<16xi32>
            %add3A_842 = arith.addi %get3A_739, %add3A_841 : vector<16xi32>
            %gather3A_843 = tpu.vector_load_idx %arg11[%add3A_737, %add3A_842] : memref<256x128xf32, #tpu.memory_space<vmem>>[vector<16xi32>, vector<16xi32>], vector<16xf32>,
            %mul3A_844 = arith.constant 16 : i32
            %mul3A_845 = arith.muli %mul3A_844, %scan3A_731 : i32
            %swap3A_846 = arith.constant 10 : i32
            %swap3A_847 = arith.index_cast %swap3A_846 : i32 to index
            %swap3A_848 = arith.index_cast %mul3A_845 : i32 to index
            %swap3A_849 = tpu.vector_load %arg13[%swap3A_847, %swap3A_848] {strides = array<i32>} : memref<32x128xf32, #tpu.memory_space<vmem>>, vector<16xf32>,
            tpu.vector_store %arg13[%swap3A_847, %swap3A_848], %gather3A_843 {strides = array<i32>} : memref<32x128xf32, #tpu.memory_space<vmem>>, vector<16xf32>,
            %add3A_850 = arith.constant 11 : i32
            %add3A_851 = vector.broadcast %add3A_850 : i32 to vector<16xi32>
            %add3A_852 = arith.addi %get3A_739, %add3A_851 : vector<16xi32>
            %gather3A_853 = tpu.vector_load_idx %arg11[%add3A_737, %add3A_852] : memref<256x128xf32, #tpu.memory_space<vmem>>[vector<16xi32>, vector<16xi32>], vector<16xf32>,
            %mul3A_854 = arith.constant 16 : i32
            %mul3A_855 = arith.muli %mul3A_854, %scan3A_731 : i32
            %swap3A_856 = arith.constant 11 : i32
            %swap3A_857 = arith.index_cast %swap3A_856 : i32 to index
            %swap3A_858 = arith.index_cast %mul3A_855 : i32 to index
            %swap3A_859 = tpu.vector_load %arg13[%swap3A_857, %swap3A_858] {strides = array<i32>} : memref<32x128xf32, #tpu.memory_space<vmem>>, vector<16xf32>,
            tpu.vector_store %arg13[%swap3A_857, %swap3A_858], %gather3A_853 {strides = array<i32>} : memref<32x128xf32, #tpu.memory_space<vmem>>, vector<16xf32>,
            %add3A_860 = arith.constant 12 : i32
            %add3A_861 = vector.broadcast %add3A_860 : i32 to vector<16xi32>
            %add3A_862 = arith.addi %get3A_739, %add3A_861 : vector<16xi32>
            %gather3A_863 = tpu.vector_load_idx %arg11[%add3A_737, %add3A_862] : memref<256x128xf32, #tpu.memory_space<vmem>>[vector<16xi32>, vector<16xi32>], vector<16xf32>,
            %mul3A_864 = arith.constant 16 : i32
            %mul3A_865 = arith.muli %mul3A_864, %scan3A_731 : i32
            %swap3A_866 = arith.constant 12 : i32
            %swap3A_867 = arith.index_cast %swap3A_866 : i32 to index
            %swap3A_868 = arith.index_cast %mul3A_865 : i32 to index
            %swap3A_869 = tpu.vector_load %arg13[%swap3A_867, %swap3A_868] {strides = array<i32>} : memref<32x128xf32, #tpu.memory_space<vmem>>, vector<16xf32>,
            tpu.vector_store %arg13[%swap3A_867, %swap3A_868], %gather3A_863 {strides = array<i32>} : memref<32x128xf32, #tpu.memory_space<vmem>>, vector<16xf32>,
            %add3A_870 = arith.constant 13 : i32
            %add3A_871 = vector.broadcast %add3A_870 : i32 to vector<16xi32>
            %add3A_872 = arith.addi %get3A_739, %add3A_871 : vector<16xi32>
            %gather3A_873 = tpu.vector_load_idx %arg11[%add3A_737, %add3A_872] : memref<256x128xf32, #tpu.memory_space<vmem>>[vector<16xi32>, vector<16xi32>], vector<16xf32>,
            %mul3A_874 = arith.constant 16 : i32
            %mul3A_875 = arith.muli %mul3A_874, %scan3A_731 : i32
            %swap3A_876 = arith.constant 13 : i32
            %swap3A_877 = arith.index_cast %swap3A_876 : i32 to index
            %swap3A_878 = arith.index_cast %mul3A_875 : i32 to index
            %swap3A_879 = tpu.vector_load %arg13[%swap3A_877, %swap3A_878] {strides = array<i32>} : memref<32x128xf32, #tpu.memory_space<vmem>>, vector<16xf32>,
            tpu.vector_store %arg13[%swap3A_877, %swap3A_878], %gather3A_873 {strides = array<i32>} : memref<32x128xf32, #tpu.memory_space<vmem>>, vector<16xf32>,
            %add3A_880 = arith.constant 14 : i32
            %add3A_881 = vector.broadcast %add3A_880 : i32 to vector<16xi32>
            %add3A_882 = arith.addi %get3A_739, %add3A_881 : vector<16xi32>
            %gather3A_883 = tpu.vector_load_idx %arg11[%add3A_737, %add3A_882] : memref<256x128xf32, #tpu.memory_space<vmem>>[vector<16xi32>, vector<16xi32>], vector<16xf32>,
            %mul3A_884 = arith.constant 16 : i32
            %mul3A_885 = arith.muli %mul3A_884, %scan3A_731 : i32
            %swap3A_886 = arith.constant 14 : i32
            %swap3A_887 = arith.index_cast %swap3A_886 : i32 to index
            %swap3A_888 = arith.index_cast %mul3A_885 : i32 to index
            %swap3A_889 = tpu.vector_load %arg13[%swap3A_887, %swap3A_888] {strides = array<i32>} : memref<32x128xf32, #tpu.memory_space<vmem>>, vector<16xf32>,
            tpu.vector_store %arg13[%swap3A_887, %swap3A_888], %gather3A_883 {strides = array<i32>} : memref<32x128xf32, #tpu.memory_space<vmem>>, vector<16xf32>,
            %add3A_890 = arith.constant 15 : i32
            %add3A_891 = vector.broadcast %add3A_890 : i32 to vector<16xi32>
            %add3A_892 = arith.addi %get3A_739, %add3A_891 : vector<16xi32>
            %gather3A_893 = tpu.vector_load_idx %arg11[%add3A_737, %add3A_892] : memref<256x128xf32, #tpu.memory_space<vmem>>[vector<16xi32>, vector<16xi32>], vector<16xf32>,
            %mul3A_894 = arith.constant 16 : i32
            %mul3A_895 = arith.muli %mul3A_894, %scan3A_731 : i32
            %swap3A_896 = arith.constant 15 : i32
            %swap3A_897 = arith.index_cast %swap3A_896 : i32 to index
            %swap3A_898 = arith.index_cast %mul3A_895 : i32 to index
            %swap3A_899 = tpu.vector_load %arg13[%swap3A_897, %swap3A_898] {strides = array<i32>} : memref<32x128xf32, #tpu.memory_space<vmem>>, vector<16xf32>,
            tpu.vector_store %arg13[%swap3A_897, %swap3A_898], %gather3A_893 {strides = array<i32>} : memref<32x128xf32, #tpu.memory_space<vmem>>, vector<16xf32>,
            %add3A_900 = arith.constant 16 : i32
            %add3A_901 = vector.broadcast %add3A_900 : i32 to vector<16xi32>
            %add3A_902 = arith.addi %get3A_739, %add3A_901 : vector<16xi32>
            %gather3A_903 = tpu.vector_load_idx %arg11[%add3A_737, %add3A_902] : memref<256x128xf32, #tpu.memory_space<vmem>>[vector<16xi32>, vector<16xi32>], vector<16xf32>,
            %mul3A_904 = arith.constant 16 : i32
            %mul3A_905 = arith.muli %mul3A_904, %scan3A_731 : i32
            %swap3A_906 = arith.constant 16 : i32
            %swap3A_907 = arith.index_cast %swap3A_906 : i32 to index
            %swap3A_908 = arith.index_cast %mul3A_905 : i32 to index
            %swap3A_909 = tpu.vector_load %arg13[%swap3A_907, %swap3A_908] {strides = array<i32>} : memref<32x128xf32, #tpu.memory_space<vmem>>, vector<16xf32>,
            tpu.vector_store %arg13[%swap3A_907, %swap3A_908], %gather3A_903 {strides = array<i32>} : memref<32x128xf32, #tpu.memory_space<vmem>>, vector<16xf32>,
            %add3A_910 = arith.constant 17 : i32
            %add3A_911 = vector.broadcast %add3A_910 : i32 to vector<16xi32>
            %add3A_912 = arith.addi %get3A_739, %add3A_911 : vector<16xi32>
            %gather3A_913 = tpu.vector_load_idx %arg11[%add3A_737, %add3A_912] : memref<256x128xf32, #tpu.memory_space<vmem>>[vector<16xi32>, vector<16xi32>], vector<16xf32>,
            %mul3A_914 = arith.constant 16 : i32
            %mul3A_915 = arith.muli %mul3A_914, %scan3A_731 : i32
            %swap3A_916 = arith.constant 17 : i32
            %swap3A_917 = arith.index_cast %swap3A_916 : i32 to index
            %swap3A_918 = arith.index_cast %mul3A_915 : i32 to index
            %swap3A_919 = tpu.vector_load %arg13[%swap3A_917, %swap3A_918] {strides = array<i32>} : memref<32x128xf32, #tpu.memory_space<vmem>>, vector<16xf32>,
            tpu.vector_store %arg13[%swap3A_917, %swap3A_918], %gather3A_913 {strides = array<i32>} : memref<32x128xf32, #tpu.memory_space<vmem>>, vector<16xf32>,
            %add3A_920 = arith.constant 18 : i32
            %add3A_921 = vector.broadcast %add3A_920 : i32 to vector<16xi32>
            %add3A_922 = arith.addi %get3A_739, %add3A_921 : vector<16xi32>
            %gather3A_923 = tpu.vector_load_idx %arg11[%add3A_737, %add3A_922] : memref<256x128xf32, #tpu.memory_space<vmem>>[vector<16xi32>, vector<16xi32>], vector<16xf32>,
            %mul3A_924 = arith.constant 16 : i32
            %mul3A_925 = arith.muli %mul3A_924, %scan3A_731 : i32
            %swap3A_926 = arith.constant 18 : i32
            %swap3A_927 = arith.index_cast %swap3A_926 : i32 to index
            %swap3A_928 = arith.index_cast %mul3A_925 : i32 to index
            %swap3A_929 = tpu.vector_load %arg13[%swap3A_927, %swap3A_928] {strides = array<i32>} : memref<32x128xf32, #tpu.memory_space<vmem>>, vector<16xf32>,
            tpu.vector_store %arg13[%swap3A_927, %swap3A_928], %gather3A_923 {strides = array<i32>} : memref<32x128xf32, #tpu.memory_space<vmem>>, vector<16xf32>,
            %add3A_930 = arith.constant 19 : i32
            %add3A_931 = vector.broadcast %add3A_930 : i32 to vector<16xi32>
            %add3A_932 = arith.addi %get3A_739, %add3A_931 : vector<16xi32>
            %gather3A_933 = tpu.vector_load_idx %arg11[%add3A_737, %add3A_932] : memref<256x128xf32, #tpu.memory_space<vmem>>[vector<16xi32>, vector<16xi32>], vector<16xf32>,
            %mul3A_934 = arith.constant 16 : i32
            %mul3A_935 = arith.muli %mul3A_934, %scan3A_731 : i32
            %swap3A_936 = arith.constant 19 : i32
            %swap3A_937 = arith.index_cast %swap3A_936 : i32 to index
            %swap3A_938 = arith.index_cast %mul3A_935 : i32 to index
            %swap3A_939 = tpu.vector_load %arg13[%swap3A_937, %swap3A_938] {strides = array<i32>} : memref<32x128xf32, #tpu.memory_space<vmem>>, vector<16xf32>,
            tpu.vector_store %arg13[%swap3A_937, %swap3A_938], %gather3A_933 {strides = array<i32>} : memref<32x128xf32, #tpu.memory_space<vmem>>, vector<16xf32>,
            %add3A_940 = arith.constant 20 : i32
            %add3A_941 = vector.broadcast %add3A_940 : i32 to vector<16xi32>
            %add3A_942 = arith.addi %get3A_739, %add3A_941 : vector<16xi32>
            %gather3A_943 = tpu.vector_load_idx %arg11[%add3A_737, %add3A_942] : memref<256x128xf32, #tpu.memory_space<vmem>>[vector<16xi32>, vector<16xi32>], vector<16xf32>,
            %mul3A_944 = arith.constant 16 : i32
            %mul3A_945 = arith.muli %mul3A_944, %scan3A_731 : i32
            %swap3A_946 = arith.constant 20 : i32
            %swap3A_947 = arith.index_cast %swap3A_946 : i32 to index
            %swap3A_948 = arith.index_cast %mul3A_945 : i32 to index
            %swap3A_949 = tpu.vector_load %arg13[%swap3A_947, %swap3A_948] {strides = array<i32>} : memref<32x128xf32, #tpu.memory_space<vmem>>, vector<16xf32>,
            tpu.vector_store %arg13[%swap3A_947, %swap3A_948], %gather3A_943 {strides = array<i32>} : memref<32x128xf32, #tpu.memory_space<vmem>>, vector<16xf32>,
            %add3A_950 = arith.constant 21 : i32
            %add3A_951 = vector.broadcast %add3A_950 : i32 to vector<16xi32>
            %add3A_952 = arith.addi %get3A_739, %add3A_951 : vector<16xi32>
            %gather3A_953 = tpu.vector_load_idx %arg11[%add3A_737, %add3A_952] : memref<256x128xf32, #tpu.memory_space<vmem>>[vector<16xi32>, vector<16xi32>], vector<16xf32>,
            %mul3A_954 = arith.constant 16 : i32
            %mul3A_955 = arith.muli %mul3A_954, %scan3A_731 : i32
            %swap3A_956 = arith.constant 21 : i32
            %swap3A_957 = arith.index_cast %swap3A_956 : i32 to index
            %swap3A_958 = arith.index_cast %mul3A_955 : i32 to index
            %swap3A_959 = tpu.vector_load %arg13[%swap3A_957, %swap3A_958] {strides = array<i32>} : memref<32x128xf32, #tpu.memory_space<vmem>>, vector<16xf32>,
            tpu.vector_store %arg13[%swap3A_957, %swap3A_958], %gather3A_953 {strides = array<i32>} : memref<32x128xf32, #tpu.memory_space<vmem>>, vector<16xf32>,
            %add3A_960 = arith.constant 22 : i32
            %add3A_961 = vector.broadcast %add3A_960 : i32 to vector<16xi32>
            %add3A_962 = arith.addi %get3A_739, %add3A_961 : vector<16xi32>
            %gather3A_963 = tpu.vector_load_idx %arg11[%add3A_737, %add3A_962] : memref<256x128xf32, #tpu.memory_space<vmem>>[vector<16xi32>, vector<16xi32>], vector<16xf32>,
            %mul3A_964 = arith.constant 16 : i32
            %mul3A_965 = arith.muli %mul3A_964, %scan3A_731 : i32
            %swap3A_966 = arith.constant 22 : i32
            %swap3A_967 = arith.index_cast %swap3A_966 : i32 to index
            %swap3A_968 = arith.index_cast %mul3A_965 : i32 to index
            %swap3A_969 = tpu.vector_load %arg13[%swap3A_967, %swap3A_968] {strides = array<i32>} : memref<32x128xf32, #tpu.memory_space<vmem>>, vector<16xf32>,
            tpu.vector_store %arg13[%swap3A_967, %swap3A_968], %gather3A_963 {strides = array<i32>} : memref<32x128xf32, #tpu.memory_space<vmem>>, vector<16xf32>,
            %add3A_970 = arith.constant 23 : i32
            %add3A_971 = vector.broadcast %add3A_970 : i32 to vector<16xi32>
            %add3A_972 = arith.addi %get3A_739, %add3A_971 : vector<16xi32>
            %gather3A_973 = tpu.vector_load_idx %arg11[%add3A_737, %add3A_972] : memref<256x128xf32, #tpu.memory_space<vmem>>[vector<16xi32>, vector<16xi32>], vector<16xf32>,
            %mul3A_974 = arith.constant 16 : i32
            %mul3A_975 = arith.muli %mul3A_974, %scan3A_731 : i32
            %swap3A_976 = arith.constant 23 : i32
            %swap3A_977 = arith.index_cast %swap3A_976 : i32 to index
            %swap3A_978 = arith.index_cast %mul3A_975 : i32 to index
            %swap3A_979 = tpu.vector_load %arg13[%swap3A_977, %swap3A_978] {strides = array<i32>} : memref<32x128xf32, #tpu.memory_space<vmem>>, vector<16xf32>,
            tpu.vector_store %arg13[%swap3A_977, %swap3A_978], %gather3A_973 {strides = array<i32>} : memref<32x128xf32, #tpu.memory_space<vmem>>, vector<16xf32>,
            %add3A_980 = arith.constant 24 : i32
            %add3A_981 = vector.broadcast %add3A_980 : i32 to vector<16xi32>
            %add3A_982 = arith.addi %get3A_739, %add3A_981 : vector<16xi32>
            %gather3A_983 = tpu.vector_load_idx %arg11[%add3A_737, %add3A_982] : memref<256x128xf32, #tpu.memory_space<vmem>>[vector<16xi32>, vector<16xi32>], vector<16xf32>,
            %mul3A_984 = arith.constant 16 : i32
            %mul3A_985 = arith.muli %mul3A_984, %scan3A_731 : i32
            %swap3A_986 = arith.constant 24 : i32
            %swap3A_987 = arith.index_cast %swap3A_986 : i32 to index
            %swap3A_988 = arith.index_cast %mul3A_985 : i32 to index
            %swap3A_989 = tpu.vector_load %arg13[%swap3A_987, %swap3A_988] {strides = array<i32>} : memref<32x128xf32, #tpu.memory_space<vmem>>, vector<16xf32>,
            tpu.vector_store %arg13[%swap3A_987, %swap3A_988], %gather3A_983 {strides = array<i32>} : memref<32x128xf32, #tpu.memory_space<vmem>>, vector<16xf32>,
            %add3A_990 = arith.constant 25 : i32
            %add3A_991 = vector.broadcast %add3A_990 : i32 to vector<16xi32>
            %add3A_992 = arith.addi %get3A_739, %add3A_991 : vector<16xi32>
            %gather3A_993 = tpu.vector_load_idx %arg11[%add3A_737, %add3A_992] : memref<256x128xf32, #tpu.memory_space<vmem>>[vector<16xi32>, vector<16xi32>], vector<16xf32>,
            %mul3A_994 = arith.constant 16 : i32
            %mul3A_995 = arith.muli %mul3A_994, %scan3A_731 : i32
            %swap3A_996 = arith.constant 25 : i32
            %swap3A_997 = arith.index_cast %swap3A_996 : i32 to index
            %swap3A_998 = arith.index_cast %mul3A_995 : i32 to index
            %swap3A_999 = tpu.vector_load %arg13[%swap3A_997, %swap3A_998] {strides = array<i32>} : memref<32x128xf32, #tpu.memory_space<vmem>>, vector<16xf32>,
            tpu.vector_store %arg13[%swap3A_997, %swap3A_998], %gather3A_993 {strides = array<i32>} : memref<32x128xf32, #tpu.memory_space<vmem>>, vector<16xf32>,
            %add3A_1000 = arith.constant 26 : i32
            %add3A_1001 = vector.broadcast %add3A_1000 : i32 to vector<16xi32>
            %add3A_1002 = arith.addi %get3A_739, %add3A_1001 : vector<16xi32>
            %gather3A_1003 = tpu.vector_load_idx %arg11[%add3A_737, %add3A_1002] : memref<256x128xf32, #tpu.memory_space<vmem>>[vector<16xi32>, vector<16xi32>], vector<16xf32>,
            %mul3A_1004 = arith.constant 16 : i32
            %mul3A_1005 = arith.muli %mul3A_1004, %scan3A_731 : i32
            %swap3A_1006 = arith.constant 26 : i32
            %swap3A_1007 = arith.index_cast %swap3A_1006 : i32 to index
            %swap3A_1008 = arith.index_cast %mul3A_1005 : i32 to index
            %swap3A_1009 = tpu.vector_load %arg13[%swap3A_1007, %swap3A_1008] {strides = array<i32>} : memref<32x128xf32, #tpu.memory_space<vmem>>, vector<16xf32>,
            tpu.vector_store %arg13[%swap3A_1007, %swap3A_1008], %gather3A_1003 {strides = array<i32>} : memref<32x128xf32, #tpu.memory_space<vmem>>, vector<16xf32>,
            %add3A_1010 = arith.constant 27 : i32
            %add3A_1011 = vector.broadcast %add3A_1010 : i32 to vector<16xi32>
            %add3A_1012 = arith.addi %get3A_739, %add3A_1011 : vector<16xi32>
            %gather3A_1013 = tpu.vector_load_idx %arg11[%add3A_737, %add3A_1012] : memref<256x128xf32, #tpu.memory_space<vmem>>[vector<16xi32>, vector<16xi32>], vector<16xf32>,
            %mul3A_1014 = arith.constant 16 : i32
            %mul3A_1015 = arith.muli %mul3A_1014, %scan3A_731 : i32
            %swap3A_1016 = arith.constant 27 : i32
            %swap3A_1017 = arith.index_cast %swap3A_1016 : i32 to index
            %swap3A_1018 = arith.index_cast %mul3A_1015 : i32 to index
            %swap3A_1019 = tpu.vector_load %arg13[%swap3A_1017, %swap3A_1018] {strides = array<i32>} : memref<32x128xf32, #tpu.memory_space<vmem>>, vector<16xf32>,
            tpu.vector_store %arg13[%swap3A_1017, %swap3A_1018], %gather3A_1013 {strides = array<i32>} : memref<32x128xf32, #tpu.memory_space<vmem>>, vector<16xf32>,
            %add3A_1020 = arith.constant 28 : i32
            %add3A_1021 = vector.broadcast %add3A_1020 : i32 to vector<16xi32>
            %add3A_1022 = arith.addi %get3A_739, %add3A_1021 : vector<16xi32>
            %gather3A_1023 = tpu.vector_load_idx %arg11[%add3A_737, %add3A_1022] : memref<256x128xf32, #tpu.memory_space<vmem>>[vector<16xi32>, vector<16xi32>], vector<16xf32>,
            %mul3A_1024 = arith.constant 16 : i32
            %mul3A_1025 = arith.muli %mul3A_1024, %scan3A_731 : i32
            %swap3A_1026 = arith.constant 28 : i32
            %swap3A_1027 = arith.index_cast %swap3A_1026 : i32 to index
            %swap3A_1028 = arith.index_cast %mul3A_1025 : i32 to index
            %swap3A_1029 = tpu.vector_load %arg13[%swap3A_1027, %swap3A_1028] {strides = array<i32>} : memref<32x128xf32, #tpu.memory_space<vmem>>, vector<16xf32>,
            tpu.vector_store %arg13[%swap3A_1027, %swap3A_1028], %gather3A_1023 {strides = array<i32>} : memref<32x128xf32, #tpu.memory_space<vmem>>, vector<16xf32>,
            %add3A_1030 = arith.constant 29 : i32
            %add3A_1031 = vector.broadcast %add3A_1030 : i32 to vector<16xi32>
            %add3A_1032 = arith.addi %get3A_739, %add3A_1031 : vector<16xi32>
            %gather3A_1033 = tpu.vector_load_idx %arg11[%add3A_737, %add3A_1032] : memref<256x128xf32, #tpu.memory_space<vmem>>[vector<16xi32>, vector<16xi32>], vector<16xf32>,
            %mul3A_1034 = arith.constant 16 : i32
            %mul3A_1035 = arith.muli %mul3A_1034, %scan3A_731 : i32
            %swap3A_1036 = arith.constant 29 : i32
            %swap3A_1037 = arith.index_cast %swap3A_1036 : i32 to index
            %swap3A_1038 = arith.index_cast %mul3A_1035 : i32 to index
            %swap3A_1039 = tpu.vector_load %arg13[%swap3A_1037, %swap3A_1038] {strides = array<i32>} : memref<32x128xf32, #tpu.memory_space<vmem>>, vector<16xf32>,
            tpu.vector_store %arg13[%swap3A_1037, %swap3A_1038], %gather3A_1033 {strides = array<i32>} : memref<32x128xf32, #tpu.memory_space<vmem>>, vector<16xf32>,
            %add3A_1040 = arith.constant 30 : i32
            %add3A_1041 = vector.broadcast %add3A_1040 : i32 to vector<16xi32>
            %add3A_1042 = arith.addi %get3A_739, %add3A_1041 : vector<16xi32>
            %gather3A_1043 = tpu.vector_load_idx %arg11[%add3A_737, %add3A_1042] : memref<256x128xf32, #tpu.memory_space<vmem>>[vector<16xi32>, vector<16xi32>], vector<16xf32>,
            %mul3A_1044 = arith.constant 16 : i32
            %mul3A_1045 = arith.muli %mul3A_1044, %scan3A_731 : i32
            %swap3A_1046 = arith.constant 30 : i32
            %swap3A_1047 = arith.index_cast %swap3A_1046 : i32 to index
            %swap3A_1048 = arith.index_cast %mul3A_1045 : i32 to index
            %swap3A_1049 = tpu.vector_load %arg13[%swap3A_1047, %swap3A_1048] {strides = array<i32>} : memref<32x128xf32, #tpu.memory_space<vmem>>, vector<16xf32>,
            tpu.vector_store %arg13[%swap3A_1047, %swap3A_1048], %gather3A_1043 {strides = array<i32>} : memref<32x128xf32, #tpu.memory_space<vmem>>, vector<16xf32>,
            %add3A_1050 = arith.constant 31 : i32
            %add3A_1051 = vector.broadcast %add3A_1050 : i32 to vector<16xi32>
            %add3A_1052 = arith.addi %get3A_739, %add3A_1051 : vector<16xi32>
            %gather3A_1053 = tpu.vector_load_idx %arg11[%add3A_737, %add3A_1052] : memref<256x128xf32, #tpu.memory_space<vmem>>[vector<16xi32>, vector<16xi32>], vector<16xf32>,
            %mul3A_1054 = arith.constant 16 : i32
            %mul3A_1055 = arith.muli %mul3A_1054, %scan3A_731 : i32
            %swap3A_1056 = arith.constant 31 : i32
            %swap3A_1057 = arith.index_cast %swap3A_1056 : i32 to index
            %swap3A_1058 = arith.index_cast %mul3A_1055 : i32 to index
            %swap3A_1059 = tpu.vector_load %arg13[%swap3A_1057, %swap3A_1058] {strides = array<i32>} : memref<32x128xf32, #tpu.memory_space<vmem>>, vector<16xf32>,
            tpu.vector_store %arg13[%swap3A_1057, %swap3A_1058], %gather3A_1053 {strides = array<i32>} : memref<32x128xf32, #tpu.memory_space<vmem>>, vector<16xf32>,
          }
          %scan3A_393 = arith.constant 8 : i32
          %add3A_394 = arith.constant 1 : i32
          %add3A_395 = arith.addi %mul3A_366, %add3A_394 : i32
          %dma_start3A_396 = arith.constant 0 : i32
          %dma_start3A_397 = tpu.memref_slice %arg4[%add3A_395, %dma_start3A_396, %multiple_of3A] : memref<50x32x16384xf32, #tpu.memory_space<hbm>> -> memref<1x32x128xf32, #tpu.memory_space<hbm>>
          %dma_start3A_398 = tpu.memref_squeeze %dma_start3A_397 : memref<1x32x128xf32, #tpu.memory_space<hbm>> -> memref<32x128xf32, #tpu.memory_space<hbm>>
          %dma_start3A_399 = arith.constant 0 : i32
          %dma_start3A_400 = tpu.memref_slice %arg4[%add3A_395, %dma_start3A_399, %multiple_of3A] : memref<50x32x16384xf32, #tpu.memory_space<hbm>> -> memref<1x32x128xf32, #tpu.memory_space<hbm>>
          %dma_start3A_401 = tpu.memref_squeeze %dma_start3A_400 : memref<1x32x128xf32, #tpu.memory_space<hbm>> -> memref<32x128xf32, #tpu.memory_space<hbm>>
          tpu.enqueue_dma source(%arg13 : memref<32x128xf32, #tpu.memory_space<vmem>>) target(%dma_start3A_401 : memref<32x128xf32, #tpu.memory_space<hbm>>) target_semaphore(%arg15 : memref<!tpu.dma_semaphore, #tpu.memory_space<semaphore_mem>>)
        } else {
        }
      }
      %scan3A_337 = arith.constant 25 : i32
      %dma_wait3A = arith.constant 0 : i32
      %dma_wait3A_338 = arith.constant 0 : i32
      %dma_wait3A_339 = tpu.memref_slice %arg4[%dma_wait3A, %dma_wait3A_338, %multiple_of3A] : memref<50x32x16384xf32, #tpu.memory_space<hbm>> -> memref<1x32x128xf32, #tpu.memory_space<hbm>>
      %dma_wait3A_340 = tpu.memref_squeeze %dma_wait3A_339 : memref<1x32x128xf32, #tpu.memory_space<hbm>> -> memref<32x128xf32, #tpu.memory_space<hbm>>
      %dma_wait3A_341 = arith.constant 0 : i32
      %dma_wait3A_342 = tpu.memref_slice %arg4[%dma_wait3A, %dma_wait3A_341, %multiple_of3A] : memref<50x32x16384xf32, #tpu.memory_space<hbm>> -> memref<1x32x128xf32, #tpu.memory_space<hbm>>
      %dma_wait3A_343 = tpu.memref_squeeze %dma_wait3A_342 : memref<1x32x128xf32, #tpu.memory_space<hbm>> -> memref<32x128xf32, #tpu.memory_space<hbm>>
      tpu.wait_dma2 semaphore(%arg15 : memref<!tpu.dma_semaphore, #tpu.memory_space<semaphore_mem>>) src(%arg12 : memref<32x128xf32, #tpu.memory_space<vmem>>) dst(%dma_wait3A_343 : memref<32x128xf32, #tpu.memory_space<hbm>>)
      %dma_wait3A_344 = arith.constant 0 : i32
      %dma_wait3A_345 = arith.constant 0 : i32
      %dma_wait3A_346 = tpu.memref_slice %arg4[%dma_wait3A_344, %dma_wait3A_345, %multiple_of3A] : memref<50x32x16384xf32, #tpu.memory_space<hbm>> -> memref<1x32x128xf32, #tpu.memory_space<hbm>>
      %dma_wait3A_347 = tpu.memref_squeeze %dma_wait3A_346 : memref<1x32x128xf32, #tpu.memory_space<hbm>> -> memref<32x128xf32, #tpu.memory_space<hbm>>
      %dma_wait3A_348 = arith.constant 0 : i32
      %dma_wait3A_349 = tpu.memref_slice %arg4[%dma_wait3A_344, %dma_wait3A_348, %multiple_of3A] : memref<50x32x16384xf32, #tpu.memory_space<hbm>> -> memref<1x32x128xf32, #tpu.memory_space<hbm>>
      %dma_wait3A_350 = tpu.memref_squeeze %dma_wait3A_349 : memref<1x32x128xf32, #tpu.memory_space<hbm>> -> memref<32x128xf32, #tpu.memory_space<hbm>>
      tpu.wait_dma2 semaphore(%arg15 : memref<!tpu.dma_semaphore, #tpu.memory_space<semaphore_mem>>) src(%arg13 : memref<32x128xf32, #tpu.memory_space<vmem>>) dst(%dma_wait3A_350 : memref<32x128xf32, #tpu.memory_space<hbm>>)
    }
    %scan3A_5 = arith.constant 4 : i32
    return
  }
}

</mosaic_0001>

<sc_bundles>
// kernel: _gather.3.cloned.1.call-start
scs
__scs_entry_jumppad:
0x0: {  	(pc) =	sbr.rel $0x88, $3  }
0x1: {  	(tag) =	ssettag $0x0;
	lr =	simm.s32 $0x1  }
0x2: {  	[smem:$0x3F9F] =	sst lr;
	_ =	strace $0xD0000000  }
0x3: {  	_ = 	snop  }
0x4: {  	_ = 	snop  }
0x5: {  	_ = 	snop  }
0x6: {  	_ = 	snop  }
0x7: {  	_ = 	snop  }
__scs_overlays_trampoline_lowered:
0x8: {  	[smem:$0x3FAE] =	sst s0  }
0x9: {  	[smem:$0x3FAF] =	sst s1  }
0xa: {  	[smem:$0x3FB0] =	sst s2  }
0xb: {  	[smem:$0x3FB1] =	sst s3  }
0xc: {  	[smem:$0x3FB2] =	sst s4  }
0xd: {  	[smem:$0x3FB3] =	sst s5  }
0xe: {  	[smem:$0x3FB4] =	sst s6  }
0xf: {  	[smem:$0x3FB5] =	sst s7  }
0x10: {  	[smem:$0x3FB6] =	sst s8  }
0x11: {  	[smem:$0x3FB7] =	sst s9;
	s0 =	simm.s32 @!p0 $0x0  }
0x12: {  	s1 =	sld [smem:$0x3F9D];
	s0 =	simm.s32 @p0 $0x1  }
0x13: {  	[smem:$0x3FB8] =	sst s0;
	s0 =	simm.s32 @!p1 $0x0  }
0x14: {  	s2 =	sld [smem:$0x3F9C];
	s0 =	simm.s32 @p1 $0x1  }
0x15: {  	[smem:$0x3FB9] =	sst s0;
	s0 =	simm.s32 @!p2 $0x0  }
0x16: {  	s3 =	sld [smem:$0x3FDB];
	s0 =	simm.s32 @p2 $0x1  }
0x17: {  	s4 =	simm.s32 $0x1BF5;
	[smem:$0x3FBB] =	sst s0  }
0x18: {  	s0 =	sld [smem:$0x3F9E];
	_ =	swait.ge [sflag:s4], $0x0  }
0x19: {  	s7 =	sld [smem:$0x3F9F]  }
0x1a: {  	s8 =	sadd.s32 $0xFFFFE003, lr  }
0x1b: {  	s9 =	sadd.s32 $0xFFFFFEF7, lr;
	s5 =	simm.s32 $0xFFFFFFFF;
	p2 =	slt.u32 s8, $0xFFFFF086  }
0x1c: {  	p1 =	slt.u32 s9, $0xF7A;
	s5 =	simm.s32 @!p2 $0x0  }
0x1d: {  	s5 =	simm.s32 @p1 $0x1;
	p0 =	seq.s32 s7, s2  }
0x1e: {  	s7 =	smul.u32 @!p0 $0xF7A, s2;
	p2 =	seq.s32 @!p0 s5, $0x0  }
0x1f: {  	s9 =	smul.u32 $0xF7A, s1;
	s8 =	simm.s32 @!p0 $0x1BF5;
	p2 =	por !p2, p0  }
0x20: {  	[sflag:s8] =	ssyncset.s32 @!p0 $0xFFFFF086;
	s6 =	sadd.s32 @!p0 s3, s7;
	s7 =	simm.s32 @!p0 $0x108  }
0x21: {  	s3 =	sadd.s32 s3, s9;
	s6 =	sadd.s32 @!p0 $0x88, s6;
	s7 =	simm.s32 @p2 $0x1082  }
0x22: {  	[simem:s7], [sflag:s8] =	dma.local @!p0 [hbm:s6], $0xF7A  }
0x23: {  	s9 =	sor.u32 $0xD0000000, s2;
	s6 =	simm.s32 $0x108;
	_ =	swait.ge @!p0 [sflag:s8], $0x0  }
0x24: {  	s3 =	sadd.s32 $0x88, s3;
	s6 =	simm.s32 @!p1 $0x1082;
	[sflag:s4] =	ssyncset.s32 $0xFFFFF086  }
0x25: {  	[simem:s6], [sflag:s4] =	dma.local [hbm:s3], $0xF7A  }
0x26: {  	[smem:$0x3F9F] =	sst s1;
	(tag) =	ssettag s2;
	_ =	strace s9  }
0x27: {  	s1 =	sld [smem:$0x3FAF]  }
0x28: {  	s2 =	sld [smem:$0x3FB0]  }
0x29: {  	s4 =	sld [smem:$0x3FB2]  }
0x2a: {  	p0 =	seq.s32 s5, $0x0;
	s5 =	sld [smem:$0x3FB3]  }
0x2b: {  	s6 =	sld [smem:$0x3FB4]  }
0x2c: {  	s7 =	sld [smem:$0x3FB5]  }
0x2d: {  	s3 =	simm.s32 $0x108;
	s8 =	sld [smem:$0x3FB6]  }
0x2e: {  	s3 =	simm.s32 @!p0 $0x1082;
	s9 =	sld [smem:$0x3FB7]  }
0x2f: {  	lr =	sadd.s32 s0, s3;
	s0 =	sld [smem:$0x3FAE]  }
0x30: {  	s3 =	sld [smem:$0x3FB1]  }
0x31: {  	[smem:$0x3FBA] =	sst s10  }
0x32: {  	s10 =	sld [smem:$0x3FB8];
	_ =	sdelay $0x3  }
0x33: {  	p0 =	seq.s32 s10, $0x1;
	s10 =	sld [smem:$0x3FBA];
	_ =	sdelay $0x3  }
0x34: {  	[smem:$0x3FBA] =	sst s10  }
0x35: {  	s10 =	sld [smem:$0x3FB9];
	_ =	sdelay $0x3  }
0x36: {  	p1 =	seq.s32 s10, $0x1;
	s10 =	sld [smem:$0x3FBA];
	_ =	sdelay $0x3  }
0x37: {  	[smem:$0x3FBA] =	sst s10  }
0x38: {  	s10 =	sld [smem:$0x3FBB]  }
0x39: {  	_ = 	snop;
	(pc) =	sbr.ind lr, $3  }
0x3a: {  	_ = 	snop  }
0x3b: {  	_ = 	snop  }
0x3c: {  	p2 =	seq.s32 s10, $0x1;
	s10 =	sld [smem:$0x3FBA]  }
0x3d: {  	_ =	shalt  }
0x3e: {  	_ =	shalt  }
0x3f: {  	_ =	shalt  }
0x40: {  	_ =	shalt  }
0x41: {  	_ =	shalt  }
0x42: {  	_ =	shalt  }
0x43: {  	_ =	shalt  }
0x44: {  	_ =	shalt  }
0x45: {  	_ =	shalt  }
0x46: {  	_ =	shalt  }
0x47: {  	_ =	shalt  }
0x48: {  	_ =	shalt  }
0x49: {  	_ =	shalt  }
0x4a: {  	_ =	shalt  }
0x4b: {  	_ =	shalt  }
0x4c: {  	_ =	shalt  }
0x4d: {  	_ =	shalt  }
0x4e: {  	_ =	shalt  }
0x4f: {  	_ =	shalt  }
0x50: {  	_ =	shalt  }
0x51: {  	_ =	shalt  }
0x52: {  	_ =	shalt  }
0x53: {  	_ =	shalt  }
0x54: {  	_ =	shalt  }
0x55: {  	_ =	shalt  }
0x56: {  	_ =	shalt  }
0x57: {  	_ =	shalt  }
0x58: {  	_ =	shalt  }
0x59: {  	_ =	shalt  }
0x5a: {  	_ =	shalt  }
0x5b: {  	_ =	shalt  }
0x5c: {  	_ =	shalt  }
0x5d: {  	_ =	shalt  }
0x5e: {  	_ =	shalt  }
0x5f: {  	_ =	shalt  }
0x60: {  	_ =	shalt  }
0x61: {  	_ =	shalt  }
0x62: {  	_ =	shalt  }
0x63: {  	_ =	shalt  }
0x64: {  	_ =	shalt  }
0x65: {  	_ =	shalt  }
0x66: {  	_ =	shalt  }
0x67: {  	_ =	shalt  }
0x68: {  	_ =	shalt  }
0x69: {  	_ =	shalt  }
0x6a: {  	_ =	shalt  }
0x6b: {  	_ =	shalt  }
0x6c: {  	_ =	shalt  }
0x6d: {  	_ =	shalt  }
0x6e: {  	_ =	shalt  }
0x6f: {  	_ =	shalt  }
0x70: {  	_ =	shalt  }
0x71: {  	_ =	shalt  }
0x72: {  	_ =	shalt  }
0x73: {  	_ =	shalt  }
0x74: {  	_ =	shalt  }
0x75: {  	_ =	shalt  }
0x76: {  	_ =	shalt  }
0x77: {  	_ =	shalt  }
0x78: {  	_ =	shalt  }
0x79: {  	_ =	shalt  }
0x7a: {  	_ =	shalt  }
0x7b: {  	_ =	shalt  }
0x7c: {  	_ =	shalt  }
0x7d: {  	_ =	shalt  }
0x7e: {  	_ =	shalt  }
0x7f: {  	_ =	shalt  }
0x80: {  	_ =	shalt  }
0x81: {  	_ =	shalt  }
0x82: {  	_ =	shalt  }
0x83: {  	_ =	shalt  }
0x84: {  	_ =	shalt  }
0x85: {  	_ =	shalt  }
0x86: {  	_ =	shalt  }
0x87: {  	_ =	shalt  }
.Lfunc_end0:
.L_simem_size_0:
called_computation_lowered:
.L_overlay_start_0:
0x88: {  	s2 =	sld [smem:$0x3FD9]  }
0x89: {  	s3 =	sld [smem:$0x3FFE];
	_ =	sdelay $0x1  }
0x8a: {  	s1 =	srdreg.scid  }
0x8b: {  	s0 =	sand.u32 $0x1, s1  }
0x8c: {  	s18 =	sshll.u32 s0, $0xA;
	s2 =	sadd.s32 s3, s2  }
0x8d: {  	s2 =	sadd.s32 s2, s18  }
0x8e: {  	[smem:$0x3FC6] =	sst s2  }
0x8f: {  	_ = 	snop  }
0x90: {  	s2 =	sld [smem:$0x3FC9]  }
0x91: {  	s19 =	sld [smem:$0x3FC8]  }
0x92: {  	s4 =	sld [smem:$0x3FD0];
	(tm) =	ssettm $0x1  }
0x93: {  	s5 =	sld [smem:$0x3FFB];
	_ =	sdelay $0x3  }
0x94: {  	_ =	strace s5  }
0x95: {  	s5 =	sld [smem:$0x3FFC];
	_ =	sdelay $0x3  }
0x96: {  	_ =	strace s5  }
0x97: {  	s5 =	sld [smem:$0x3FFD];
	_ =	sdelay $0x3  }
0x98: {  	_ =	strace s5  }
0x99: {  	_ =	strace $0x8FFFFFFF  }
0x9a: {  	s20 =	sld [smem:$0x3FDB];
	_ =	sdelay $0x1  }
0x9b: {  	s6 =	simm.s32 $_scs_section_size  }
0x9c: {  	s7 =	simm.s32 $_size__tile_overlayer_lowered;
	s8 =	simm.s32 $_tile_overlayer_lowered  }
0x9d: {  	s23 =	simm.s32 $0x1BFF;
	s22 =	sshll.u32 s8, $0x1;
	s5 =	sadd.s32 s6, s20  }
0x9e: {  	s9 =	simm.s32 $0x0;
	s21 =	sshll.u32 s7, $0x1;
	s7 =	sadd.s32 s22, s5  }
0x9f: {  	[timem:s9], [sflag:s23] =	dma.local [hbm:s7], s21  }
0xa0: {  	_ =	swait.ge [sflag:s23], s21  }
0xa1: {  	s6 =	ssub.s32 $0x0, s21;
	[sflag:s23] =	ssyncset.done $0x0  }
0xa2: {  	[sflag:s23] =	ssyncadd.s32 s6;
	_ =	sdelay $0x1  }
0xa3: {  	s24 =	simm.s32 $0x1B8B  }
0xa4: {  	_ =	swait.ge [sflag:s24], $0x1  }
0xa5: {  	[sflag:s24] =	ssyncset.done $0x0  }
0xa6: {  	s25 =	simm.s32 $0x1B8E;
	[sflag:s24] =	ssyncadd.s32 $0xFFFFFFFF  }
0xa7: {  	s26 =	simm.s32 $execute0_lowered;
	[smem:$0x3FD2] =	sst s25  }
0xa8: {  	s6 =	sshll.u32 s26, $0x1;
	_ =	strace $0x80000046;
	[dreg:$0x1] =	wrdreg $0xFFFFFFFF  }
0xa9: {  	s28 =	simm.s32 $_size_execute0_lowered;
	s5 =	sadd.s32 s5, s6;
	[dreg:$0x0] =	wrdreg $0x0  }
0xaa: {  	s6 =	sshll.u32 s28, $0x1;
	[dreg:$0x2] =	wrdreg s5  }
0xab: {  	[dreg:$0x3] =	wrdreg s6  }
0xac: {  	[dreg:$0x4] =	wrdreg $0xC0  }
0xad: {  	_ =	task [dreg:s9], $0x5FFFF  }
0xae: {  	[dreg:$0x1] =	wrdreg $0xFFFFFFFF  }
0xaf: {  	[dreg:$0x0] =	wrdreg $0x60  }
0xb0: {  	[dreg:$0x2] =	wrdreg s2  }
0xb1: {  	[dreg:$0x3] =	wrdreg s19  }
0xb2: {  	[dreg:$0x4] =	wrdreg s4  }
0xb3: {  	[dreg:$0x5] =	wrdreg $0x9  }
0xb4: {  	_ =	task.clear_ibuf [dreg:s9], $0x6FFFF;
	_ =	strace $0x90000046  }
0xb5: {  	s29 =	simm.s32 $0x9;
	_ =	strace $0x80000048  }
0xb6: {  	_ =	swait.ge [sflag:s29], $0x1  }
0xb7: {  	[sflag:s29] =	ssyncadd.s32 $0xFFFFFFFF  }
0xb8: {  	_ =	strace $0x90000048  }
0xb9: {  	_ =	sfence  }
0xba: {  	s30 =	sld [smem:$0x0];
	_ =	sdelay $0x2  }
0xbb: {  	s31 =	sshll.u32 s1, $0xD;
	s1 =	sshrl.u32 s1, $0x2  }
0xbc: {  	s3 =	sand.u32 $0x4000, s31;
	s1 =	sadd.s32 s1, s30  }
0xbd: {  	s0 =	sor.u32 s3, s0;
	s1 =	sshll.u32 s1, $0x11  }
0xbe: {  	s0 =	sor.u32 s1, s0  }
0xbf: {  	s0 =	sadd.s32 $0x8F2B, s0  }
0xc0: {  	[sflag:s0] =	ssyncadd.remote.s32 $0x1  }
0xc1: {  	_ =	sfence.sel $0xFFFF  }
0xc2: {  	[dreg:$0x0] =	wrdreg $0xFFFFFFFF;
	(pc) =	sbr.abs _section_cstart, $3  }
0xc3: {  	[dreg:$0x1] =	wrdreg $0xFFFFFFFF  }
0xc4: {  	_ =	task.clear_ibuf [dreg:s9], $0x2FFFF;
	_ =	strace $0x9FFFFFFF  }
0xc5: {  	(tm) =	ssettm $0x7FFFFFFF  }
tec
execute0_lowered:
.L_overlay_start_1:
0x0: {  	(tag) =	ssettag $0x1  }
0x1: {  	s1 =	rddreg [dreg:$0x0]  }
0x2: {  	s2 =	rddreg [dreg:$0x1]  }
0x3: {  	s3 =	rddreg [dreg:$0x2];
	s5 =	srdreg.scid  }
0x4: {  	s0 =	rddreg [dreg:$0x3];
	s4 =	simm.s32 $0x0;
	s9 =	simm.s32 $0x100  }
0x5: {  	v16 =	vlaneseq.u32;
	s10 =	simm.s32 $0x1900;
	s11 =	simm.s32 $0x1D00;
	s12 =	simm.s32 $0x1  }
0x6: {  	s13 =	simm.s32 $0x9D00;
	s14 =	simm.s32 $0x400;
	s15 =	simm.s32 $0x20000;
	v0 =	vmul.u32 $0x32, v16  }
0x7: {  	s16 =	simm.s32 $0x11D00;
	s17 =	simm.s32 $0x12D00;
	s18 =	simm.s32 $0x2;
	v16 =	vmul.u32 $0x80, v16  }
.Ltmp0:
0x8: {  	s19 =	simm.s32 $0x1A00;
	s6 =	sand.u32 $0x1, s5;
	v1 =	vadd.s32 $0x320, v0;
	v2 =	vadd.s32 $0x640, v0;
	v3 =	vadd.s32 $0x960, v0;
	(pc) =	sbr.rel .LBB2_1-.Ltmp0, $4  }
0x9: {  	s20 =	simm.s32 $0x0;
	[smem:$0x7FF] =	sst s4;
	s7 =	ssub.s32 $0x2, s6;
	v4 =	vadd.s32 $0xC80, v0;
	v5 =	vadd.s32 $0xFA0, v0;
	v6 =	vadd.s32 $0x12C0, v0  }
0xa: {  	s5 =	stileid.u32;
	_ =	strace $0x80000047;
	s8 =	sshrl.u32 s7, $0x1;
	v7 =	vadd.s32 $0x15E0, v0;
	v8 =	vor.u32 $0x1, v0;
	v9 =	vadd.s32 $0x321, v0  }
0xb: {  	s31 =	sshll.u32 s5, $0x3;
	s6 =	sshll.u32 s6, $0x2;
	v10 =	vadd.s32 $0x641, v0;
	v11 =	vadd.s32 $0x961, v0;
	v12 =	vadd.s32 $0xC81, v0;
	s7 =	ssub.s32 s7, s8  }
0xc: {  	s6 =	sor.u32 s6, s31;
	v13 =	vadd.s32 $0xFA1, v0;
	v14 =	vadd.s32 $0x12C1, v0;
	v15 =	vadd.s32 $0x15E1, v0;
	s8 =	simm.s32 $0x3;
	s7 =	smax.u32 s7, $0x1  }
.LBB2_18:
0xd: {  	s20 =	sadd.s32 $0x1, s20  }
0xe: {  	p0 =	sne.s32 s20, s7  }
.Ltmp1:
0xf: {  	_ = 	snop;
	(pc) =	sbr.rel @!p0 .LBB2_19-.Ltmp1, $1  }
0x10: {  	_ =	sdelay $0x3  }
.LBB2_1:
.Ltmp2:
0x11: {  	(pc) =	sbr.rel .LBB2_2-.Ltmp2, $2  }
0x12: {  	_ =	sdelay $0x2  }
0x13: {  	s21 =	simm.s32 $0x0  }
.LBB2_17:
0x14: {  	s21 =	sadd.s32 $0x1, s21  }
0x15: {  	_ =	swait.ge [sflag:s18], $0x1000;
	p0 =	sne.s32 s21, $0x4  }
.Ltmp3:
0x16: {  	[sflag:s18] =	ssyncset.done $0x0;
	(pc) =	sbr.rel @!p0 .LBB2_18-.Ltmp3, $4  }
0x17: {  	[sflag:s18] =	ssyncadd.s32 $0xFFFFF000  }
0x18: {  	_ =	swait.ge [sflag:s18], $0x1000  }
0x19: {  	[sflag:s18] =	ssyncset.done $0x0  }
0x1a: {  	[sflag:s18] =	ssyncadd.s32 $0xFFFFF000  }
.LBB2_2:
0x1b: {  	s23 =	sadd.s32 s6, s21  }
0x1c: {  	s22 =	smul.u32 $0x320, s23;
	_ =	sdelay $0x1  }
0x1d: {  	s24 =	sadd.s32 s1, s22;
	s22 =	simm.s32 $0x0  }
0x1e: {  	[tilespmem:s22], [sflag:$0x3] =	stream.linear.gather [hbm4b:s24+s22], $0x1900, $0x38;
	[tilespmem:$0x13D00] =	vst v63  }
0x1f: {  	_ =	swait.ge [sflag:s8], $0x1900  }
0x20: {  	[sflag:s8] =	ssyncset.done $0x0  }
0x21: {  	[sflag:s8] =	ssyncadd.s32 $0xFFFFE700  }
0x22: {  	v17 =	vld.idx.msk [tilespmem:v0+s22+$0x0], $0xffff;
	_ =	sdelay $0x4  }
0x23: {  	v18 =	vshra.s32 v17, $0x2;
	v17 =	vshll.u32 v17, $0x5  }
0x24: {  	[tilespmem:$0x1900] =	vst v18;
	v17 =	vand.u32 $0x60, v17  }
0x25: {  	[tilespmem:$0x1B00] =	vst v17  }
0x26: {  	v17 =	vld.idx.msk [tilespmem:v1+s22+$0x0], $0xffff;
	_ =	sdelay $0x4  }
0x27: {  	v18 =	vshra.s32 v17, $0x2;
	v17 =	vshll.u32 v17, $0x5  }
0x28: {  	[tilespmem:$0x1910] =	vst v18;
	v17 =	vand.u32 $0x60, v17  }
0x29: {  	[tilespmem:$0x1B10] =	vst v17  }
0x2a: {  	v17 =	vld.idx.msk [tilespmem:v2+s22+$0x0], $0xffff;
	_ =	sdelay $0x4  }
0x2b: {  	v18 =	vshra.s32 v17, $0x2;
	v17 =	vshll.u32 v17, $0x5  }
0x2c: {  	[tilespmem:$0x1920] =	vst v18;
	v17 =	vand.u32 $0x60, v17  }
0x2d: {  	[tilespmem:$0x1B20] =	vst v17  }
0x2e: {  	v17 =	vld.idx.msk [tilespmem:v3+s22+$0x0], $0xffff;
	_ =	sdelay $0x4  }
0x2f: {  	v18 =	vshra.s32 v17, $0x2;
	v17 =	vshll.u32 v17, $0x5  }
0x30: {  	[tilespmem:$0x1930] =	vst v18;
	v17 =	vand.u32 $0x60, v17  }
0x31: {  	[tilespmem:$0x1B30] =	vst v17  }
0x32: {  	v17 =	vld.idx.msk [tilespmem:v4+s22+$0x0], $0xffff;
	_ =	sdelay $0x4  }
0x33: {  	v18 =	vshra.s32 v17, $0x2;
	v17 =	vshll.u32 v17, $0x5  }
0x34: {  	[tilespmem:$0x1940] =	vst v18;
	v17 =	vand.u32 $0x60, v17  }
0x35: {  	[tilespmem:$0x1B40] =	vst v17  }
0x36: {  	v17 =	vld.idx.msk [tilespmem:v5+s22+$0x0], $0xffff;
	_ =	sdelay $0x4  }
0x37: {  	v18 =	vshra.s32 v17, $0x2;
	v17 =	vshll.u32 v17, $0x5  }
0x38: {  	[tilespmem:$0x1950] =	vst v18;
	v17 =	vand.u32 $0x60, v17  }
0x39: {  	[tilespmem:$0x1B50] =	vst v17  }
0x3a: {  	v17 =	vld.idx.msk [tilespmem:v6+s22+$0x0], $0xffff;
	_ =	sdelay $0x4  }
0x3b: {  	v18 =	vshra.s32 v17, $0x2;
	v17 =	vshll.u32 v17, $0x5  }
0x3c: {  	[tilespmem:$0x1960] =	vst v18;
	v17 =	vand.u32 $0x60, v17  }
0x3d: {  	[tilespmem:$0x1B60] =	vst v17  }
0x3e: {  	v17 =	vld.idx.msk [tilespmem:v7+s22+$0x0], $0xffff;
	_ =	sdelay $0x4  }
0x3f: {  	v18 =	vshra.s32 v17, $0x2;
	v17 =	vshll.u32 v17, $0x5  }
0x40: {  	[tilespmem:$0x1970] =	vst v18;
	v17 =	vand.u32 $0x60, v17  }
0x41: {  	[tilespmem:$0x1B70] =	vst v17  }
0x42: {  	v17 =	vld.idx.msk [tilespmem:v8+s22+$0x0], $0xffff;
	_ =	sdelay $0x4  }
0x43: {  	v18 =	vshra.s32 v17, $0x2;
	v17 =	vshll.u32 v17, $0x5  }
0x44: {  	[tilespmem:$0x1980] =	vst v18;
	v17 =	vand.u32 $0x60, v17  }
0x45: {  	[tilespmem:$0x1B80] =	vst v17  }
0x46: {  	v17 =	vld.idx.msk [tilespmem:v9+s22+$0x0], $0xffff;
	_ =	sdelay $0x4  }
0x47: {  	v18 =	vshra.s32 v17, $0x2;
	v17 =	vshll.u32 v17, $0x5  }
0x48: {  	[tilespmem:$0x1990] =	vst v18;
	v17 =	vand.u32 $0x60, v17  }
0x49: {  	[tilespmem:$0x1B90] =	vst v17  }
0x4a: {  	v17 =	vld.idx.msk [tilespmem:v10+s22+$0x0], $0xffff;
	_ =	sdelay $0x4  }
0x4b: {  	v18 =	vshra.s32 v17, $0x2;
	v17 =	vshll.u32 v17, $0x5  }
0x4c: {  	[tilespmem:$0x19A0] =	vst v18;
	v17 =	vand.u32 $0x60, v17  }
0x4d: {  	[tilespmem:$0x1BA0] =	vst v17  }
0x4e: {  	v17 =	vld.idx.msk [tilespmem:v11+s22+$0x0], $0xffff;
	_ =	sdelay $0x4  }
0x4f: {  	v18 =	vshra.s32 v17, $0x2;
	v17 =	vshll.u32 v17, $0x5  }
0x50: {  	[tilespmem:$0x19B0] =	vst v18;
	v17 =	vand.u32 $0x60, v17  }
0x51: {  	[tilespmem:$0x1BB0] =	vst v17  }
0x52: {  	v17 =	vld.idx.msk [tilespmem:v12+s22+$0x0], $0xffff;
	_ =	sdelay $0x4  }
0x53: {  	v18 =	vshra.s32 v17, $0x2;
	v17 =	vshll.u32 v17, $0x5  }
0x54: {  	[tilespmem:$0x19C0] =	vst v18;
	v17 =	vand.u32 $0x60, v17  }
0x55: {  	[tilespmem:$0x1BC0] =	vst v17  }
0x56: {  	v17 =	vld.idx.msk [tilespmem:v13+s22+$0x0], $0xffff;
	_ =	sdelay $0x4  }
0x57: {  	v18 =	vshra.s32 v17, $0x2;
	v17 =	vshll.u32 v17, $0x5  }
0x58: {  	[tilespmem:$0x19D0] =	vst v18;
	v17 =	vand.u32 $0x60, v17  }
0x59: {  	[tilespmem:$0x1BD0] =	vst v17  }
0x5a: {  	v17 =	vld.idx.msk [tilespmem:v14+s22+$0x0], $0xffff;
	_ =	sdelay $0x4  }
0x5b: {  	v18 =	vshra.s32 v17, $0x2;
	v17 =	vshll.u32 v17, $0x5  }
0x5c: {  	[tilespmem:$0x19E0] =	vst v18;
	v17 =	vand.u32 $0x60, v17  }
0x5d: {  	[tilespmem:$0x1BE0] =	vst v17  }
0x5e: {  	v17 =	vld.idx.msk [tilespmem:v15+s22+$0x0], $0xffff;
	_ =	sdelay $0x3  }
.Ltmp4:
0x5f: {  	_ = 	snop;
	(pc) =	sbr.rel .LBB2_3-.Ltmp4, $4  }
0x60: {  	v18 =	vshra.s32 v17, $0x2;
	v17 =	vshll.u32 v17, $0x5  }
0x61: {  	[tilespmem:$0x19F0] =	vst v18;
	v17 =	vand.u32 $0x60, v17  }
0x62: {  	s23 =	sshll.u32 s23, $0xA;
	[tilespmem:$0x1BF0] =	vst v17  }
0x63: {  	[tilespmem:s11], [sflag:$0x1] =	stream.indirect.gather [hbm4b:s2+s9], $0x80, s10, s9, $0xb8;
	[tilespmem:$0x13D00] =	vst v63  }
.LBB2_16:
0x64: {  	s22 =	sadd.s32 $0x1, s22  }
0x65: {  	p0 =	sne.s32 s22, $0x19  }
.Ltmp5:
0x66: {  	_ = 	snop;
	(pc) =	sbr.rel @!p0 .LBB2_17-.Ltmp5, $4  }
0x67: {  	_ = 	snop  }
0x68: {  	s24 =	sor.u32 $0x10000, s24  }
0x69: {  	s24 =	sadd.s32 s3, s24  }
0x6a: {  	[hbm4b:s24+s14] =	stream.strided.scatter [tilespmem:s17], [sflag:$0x2], $0x1000, s15, s14, $0x38;
	[tilespmem:$0x13D00] =	vst v63  }
.LBB2_3:
0x6b: {  	p0 =	seq.s32 s22, $0x18  }
.Ltmp6:
0x6c: {  	_ = 	snop;
	(pc) =	sbr.rel @p0 .LBB2_7-.Ltmp6, $1  }
0x6d: {  	_ =	sdelay $0x3  }
0x6e: {  	s25 =	sand.u32 $0x1, s22  }
0x6f: {  	p0 =	seq.s32 s25, $0x1  }
.Ltmp7:
0x70: {  	_ = 	snop;
	(pc) =	sbr.rel @!p0 .LBB2_5-.Ltmp7, $4  }
0x71: {  	_ = 	snop  }
0x72: {  	s24 =	sshll.u32 s22, $0x1  }
0x73: {  	s31 =	sadd.s32 $0x322, s24  }
0x74: {  	v17 =	vadd.s32 s31, v0  }
0x75: {  	s25 =	sadd.s32 $0x2, s24  }
0x76: {  	v18 =	vadd.s32 s25, v0;
	_ =	sdelay $0x4  }
0x77: {  	v18 =	vld.idx.msk [tilespmem:v18+s4+$0x0], $0xffff;
	_ =	sdelay $0x4  }
0x78: {  	v19 =	vshra.s32 v18, $0x2;
	v18 =	vshll.u32 v18, $0x5  }
0x79: {  	[tilespmem:$0x1900] =	vst v19;
	v18 =	vand.u32 $0x60, v18  }
0x7a: {  	[tilespmem:$0x1B00] =	vst v18  }
0x7b: {  	v17 =	vld.idx.msk [tilespmem:v17+s4+$0x0], $0xffff;
	_ =	sdelay $0x1  }
0x7c: {  	s28 =	sadd.s32 $0x642, s24  }
0x7d: {  	v18 =	vadd.s32 s28, v0;
	_ =	sdelay $0x1  }
0x7e: {  	v19 =	vshra.s32 v17, $0x2;
	v17 =	vshll.u32 v17, $0x5  }
0x7f: {  	[tilespmem:$0x1910] =	vst v19;
	v17 =	vand.u32 $0x60, v17  }
0x80: {  	[tilespmem:$0x1B10] =	vst v17  }
0x81: {  	v17 =	vld.idx.msk [tilespmem:v18+s4+$0x0], $0xffff;
	_ =	sdelay $0x1  }
0x82: {  	s29 =	sadd.s32 $0x962, s24  }
0x83: {  	v18 =	vadd.s32 s29, v0;
	_ =	sdelay $0x1  }
0x84: {  	v19 =	vshra.s32 v17, $0x2;
	v17 =	vshll.u32 v17, $0x5  }
0x85: {  	[tilespmem:$0x1920] =	vst v19;
	v17 =	vand.u32 $0x60, v17  }
0x86: {  	[tilespmem:$0x1B20] =	vst v17  }
0x87: {  	v17 =	vld.idx.msk [tilespmem:v18+s4+$0x0], $0xffff;
	_ =	sdelay $0x1  }
0x88: {  	s30 =	sadd.s32 $0xC82, s24  }
0x89: {  	v18 =	vadd.s32 s30, v0;
	_ =	sdelay $0x1  }
0x8a: {  	v19 =	vshra.s32 v17, $0x2;
	v17 =	vshll.u32 v17, $0x5  }
0x8b: {  	[tilespmem:$0x1930] =	vst v19;
	v17 =	vand.u32 $0x60, v17  }
0x8c: {  	[tilespmem:$0x1B30] =	vst v17  }
0x8d: {  	v17 =	vld.idx.msk [tilespmem:v18+s4+$0x0], $0xffff;
	_ =	sdelay $0x1  }
0x8e: {  	s31 =	sadd.s32 $0xFA2, s24  }
0x8f: {  	v18 =	vadd.s32 s31, v0;
	_ =	sdelay $0x1  }
0x90: {  	v19 =	vshra.s32 v17, $0x2;
	v17 =	vshll.u32 v17, $0x5  }
0x91: {  	[tilespmem:$0x1940] =	vst v19;
	v17 =	vand.u32 $0x60, v17  }
0x92: {  	[tilespmem:$0x1B40] =	vst v17  }
0x93: {  	v17 =	vld.idx.msk [tilespmem:v18+s4+$0x0], $0xffff;
	_ =	sdelay $0x1  }
0x94: {  	s26 =	sadd.s32 $0x12C2, s24  }
0x95: {  	v18 =	vadd.s32 s26, v0;
	_ =	sdelay $0x1  }
0x96: {  	v19 =	vshra.s32 v17, $0x2;
	v17 =	vshll.u32 v17, $0x5  }
0x97: {  	[tilespmem:$0x1950] =	vst v19;
	v17 =	vand.u32 $0x60, v17  }
0x98: {  	[tilespmem:$0x1B50] =	vst v17  }
0x99: {  	v17 =	vld.idx.msk [tilespmem:v18+s4+$0x0], $0xffff;
	_ =	sdelay $0x1  }
0x9a: {  	s28 =	sadd.s32 $0x15E2, s24  }
0x9b: {  	v18 =	vadd.s32 s28, v0;
	_ =	sdelay $0x1  }
0x9c: {  	v19 =	vshra.s32 v17, $0x2;
	v17 =	vshll.u32 v17, $0x5  }
0x9d: {  	[tilespmem:$0x1960] =	vst v19;
	v17 =	vand.u32 $0x60, v17  }
0x9e: {  	[tilespmem:$0x1B60] =	vst v17  }
0x9f: {  	v17 =	vld.idx.msk [tilespmem:v18+s4+$0x0], $0xffff;
	_ =	sdelay $0x1  }
0xa0: {  	s29 =	sadd.s32 $0x3, s24  }
0xa1: {  	v18 =	vadd.s32 s29, v0;
	_ =	sdelay $0x1  }
0xa2: {  	v19 =	vshra.s32 v17, $0x2;
	v17 =	vshll.u32 v17, $0x5  }
0xa3: {  	[tilespmem:$0x1970] =	vst v19;
	v17 =	vand.u32 $0x60, v17  }
0xa4: {  	[tilespmem:$0x1B70] =	vst v17  }
0xa5: {  	v17 =	vld.idx.msk [tilespmem:v18+s4+$0x0], $0xffff;
	_ =	sdelay $0x1  }
0xa6: {  	s30 =	sadd.s32 $0x323, s24  }
0xa7: {  	v18 =	vadd.s32 s30, v0;
	_ =	sdelay $0x1  }
0xa8: {  	v19 =	vshra.s32 v17, $0x2;
	v17 =	vshll.u32 v17, $0x5  }
0xa9: {  	[tilespmem:$0x1980] =	vst v19;
	v17 =	vand.u32 $0x60, v17  }
0xaa: {  	[tilespmem:$0x1B80] =	vst v17  }
0xab: {  	v17 =	vld.idx.msk [tilespmem:v18+s4+$0x0], $0xffff;
	_ =	sdelay $0x1  }
0xac: {  	s31 =	sadd.s32 $0x643, s24  }
0xad: {  	v18 =	vadd.s32 s31, v0;
	_ =	sdelay $0x1  }
0xae: {  	v19 =	vshra.s32 v17, $0x2;
	v17 =	vshll.u32 v17, $0x5  }
0xaf: {  	[tilespmem:$0x1990] =	vst v19;
	v17 =	vand.u32 $0x60, v17  }
0xb0: {  	[tilespmem:$0x1B90] =	vst v17  }
0xb1: {  	v17 =	vld.idx.msk [tilespmem:v18+s4+$0x0], $0xffff;
	_ =	sdelay $0x1  }
0xb2: {  	s26 =	sadd.s32 $0x963, s24  }
0xb3: {  	v18 =	vadd.s32 s26, v0;
	_ =	sdelay $0x1  }
0xb4: {  	v19 =	vshra.s32 v17, $0x2;
	v17 =	vshll.u32 v17, $0x5  }
0xb5: {  	[tilespmem:$0x19A0] =	vst v19;
	v17 =	vand.u32 $0x60, v17  }
0xb6: {  	[tilespmem:$0x1BA0] =	vst v17  }
0xb7: {  	v17 =	vld.idx.msk [tilespmem:v18+s4+$0x0], $0xffff;
	_ =	sdelay $0x1  }
0xb8: {  	s28 =	sadd.s32 $0xC83, s24  }
0xb9: {  	v18 =	vadd.s32 s28, v0;
	_ =	sdelay $0x1  }
0xba: {  	v19 =	vshra.s32 v17, $0x2;
	v17 =	vshll.u32 v17, $0x5  }
0xbb: {  	[tilespmem:$0x19B0] =	vst v19;
	v17 =	vand.u32 $0x60, v17  }
0xbc: {  	[tilespmem:$0x1BB0] =	vst v17  }
0xbd: {  	v17 =	vld.idx.msk [tilespmem:v18+s4+$0x0], $0xffff;
	_ =	sdelay $0x1  }
0xbe: {  	s29 =	sadd.s32 $0xFA3, s24  }
0xbf: {  	v18 =	vadd.s32 s29, v0;
	_ =	sdelay $0x1  }
0xc0: {  	v19 =	vshra.s32 v17, $0x2;
	v17 =	vshll.u32 v17, $0x5  }
0xc1: {  	[tilespmem:$0x19C0] =	vst v19;
	v17 =	vand.u32 $0x60, v17  }
0xc2: {  	[tilespmem:$0x1BC0] =	vst v17  }
0xc3: {  	v17 =	vld.idx.msk [tilespmem:v18+s4+$0x0], $0xffff;
	_ =	sdelay $0x1  }
0xc4: {  	s30 =	sadd.s32 $0x12C3, s24  }
0xc5: {  	v18 =	vadd.s32 s30, v0;
	_ =	sdelay $0x1  }
0xc6: {  	v19 =	vshra.s32 v17, $0x2;
	v17 =	vshll.u32 v17, $0x5  }
0xc7: {  	[tilespmem:$0x19D0] =	vst v19;
	v17 =	vand.u32 $0x60, v17  }
0xc8: {  	[tilespmem:$0x1BD0] =	vst v17  }
0xc9: {  	v17 =	vld.idx.msk [tilespmem:v18+s4+$0x0], $0xffff;
	_ =	sdelay $0x1  }
0xca: {  	s31 =	sadd.s32 $0x15E3, s24  }
0xcb: {  	v18 =	vadd.s32 s31, v0;
	_ =	sdelay $0x1  }
0xcc: {  	v19 =	vshra.s32 v17, $0x2;
	v17 =	vshll.u32 v17, $0x5  }
0xcd: {  	[tilespmem:$0x19E0] =	vst v19;
	v17 =	vand.u32 $0x60, v17  }
0xce: {  	[tilespmem:$0x1BE0] =	vst v17  }
0xcf: {  	v17 =	vld.idx.msk [tilespmem:v18+s4+$0x0], $0xffff;
	_ =	sdelay $0x3  }
.Ltmp8:
0xd0: {  	_ = 	snop;
	(pc) =	sbr.rel .LBB2_7-.Ltmp8, $4  }
0xd1: {  	v18 =	vshra.s32 v17, $0x2;
	v17 =	vshll.u32 v17, $0x5  }
0xd2: {  	[tilespmem:$0x19F0] =	vst v18;
	v17 =	vand.u32 $0x60, v17  }
0xd3: {  	[tilespmem:$0x1BF0] =	vst v17  }
0xd4: {  	[tilespmem:s11], [sflag:$0x1] =	stream.indirect.gather [hbm4b:s2+s9], $0x80, s10, s9, $0xb8;
	[tilespmem:$0x13D00] =	vst v63  }
.LBB2_5:
0xd5: {  	s25 =	sor.u32 $0x2, s24  }
0xd6: {  	v18 =	vadd.s32 s25, v0;
	_ =	sdelay $0x4  }
0xd7: {  	v18 =	vld.idx.msk [tilespmem:v18+s4+$0x0], $0xffff;
	_ =	sdelay $0x4  }
0xd8: {  	v19 =	vshra.s32 v18, $0x2;
	v18 =	vshll.u32 v18, $0x5  }
0xd9: {  	[tilespmem:$0x1A00] =	vst v19;
	v18 =	vand.u32 $0x60, v18  }
0xda: {  	[tilespmem:$0x1C00] =	vst v18  }
0xdb: {  	v17 =	vld.idx.msk [tilespmem:v17+s4+$0x0], $0xffff;
	_ =	sdelay $0x1  }
0xdc: {  	s28 =	sor.u32 $0x642, s24  }
0xdd: {  	v18 =	vadd.s32 s28, v0;
	_ =	sdelay $0x1  }
0xde: {  	v19 =	vshra.s32 v17, $0x2;
	v17 =	vshll.u32 v17, $0x5  }
0xdf: {  	[tilespmem:$0x1A10] =	vst v19;
	v17 =	vand.u32 $0x60, v17  }
0xe0: {  	[tilespmem:$0x1C10] =	vst v17  }
0xe1: {  	v17 =	vld.idx.msk [tilespmem:v18+s4+$0x0], $0xffff;
	_ =	sdelay $0x1  }
0xe2: {  	s29 =	sadd.s32 $0x962, s24  }
0xe3: {  	v18 =	vadd.s32 s29, v0;
	_ =	sdelay $0x1  }
0xe4: {  	v19 =	vshra.s32 v17, $0x2;
	v17 =	vshll.u32 v17, $0x5  }
0xe5: {  	[tilespmem:$0x1A20] =	vst v19;
	v17 =	vand.u32 $0x60, v17  }
0xe6: {  	[tilespmem:$0x1C20] =	vst v17  }
0xe7: {  	v17 =	vld.idx.msk [tilespmem:v18+s4+$0x0], $0xffff;
	_ =	sdelay $0x1  }
0xe8: {  	s30 =	sor.u32 $0xC82, s24  }
0xe9: {  	v18 =	vadd.s32 s30, v0;
	_ =	sdelay $0x1  }
0xea: {  	v19 =	vshra.s32 v17, $0x2;
	v17 =	vshll.u32 v17, $0x5  }
0xeb: {  	[tilespmem:$0x1A30] =	vst v19;
	v17 =	vand.u32 $0x60, v17  }
0xec: {  	[tilespmem:$0x1C30] =	vst v17  }
0xed: {  	v17 =	vld.idx.msk [tilespmem:v18+s4+$0x0], $0xffff;
	_ =	sdelay $0x1  }
0xee: {  	s31 =	sadd.s32 $0xFA2, s24  }
0xef: {  	v18 =	vadd.s32 s31, v0;
	_ =	sdelay $0x1  }
0xf0: {  	v19 =	vshra.s32 v17, $0x2;
	v17 =	vshll.u32 v17, $0x5  }
0xf1: {  	[tilespmem:$0x1A40] =	vst v19;
	v17 =	vand.u32 $0x60, v17  }
0xf2: {  	[tilespmem:$0x1C40] =	vst v17  }
0xf3: {  	v17 =	vld.idx.msk [tilespmem:v18+s4+$0x0], $0xffff;
	_ =	sdelay $0x1  }
0xf4: {  	s26 =	sor.u32 $0x12C2, s24  }
0xf5: {  	v18 =	vadd.s32 s26, v0;
	_ =	sdelay $0x1  }
0xf6: {  	v19 =	vshra.s32 v17, $0x2;
	v17 =	vshll.u32 v17, $0x5  }
0xf7: {  	[tilespmem:$0x1A50] =	vst v19;
	v17 =	vand.u32 $0x60, v17  }
0xf8: {  	[tilespmem:$0x1C50] =	vst v17  }
0xf9: {  	v17 =	vld.idx.msk [tilespmem:v18+s4+$0x0], $0xffff;
	_ =	sdelay $0x1  }
0xfa: {  	s28 =	sadd.s32 $0x15E2, s24  }
0xfb: {  	v18 =	vadd.s32 s28, v0;
	_ =	sdelay $0x1  }
0xfc: {  	v19 =	vshra.s32 v17, $0x2;
	v17 =	vshll.u32 v17, $0x5  }
0xfd: {  	[tilespmem:$0x1A60] =	vst v19;
	v17 =	vand.u32 $0x60, v17  }
0xfe: {  	[tilespmem:$0x1C60] =	vst v17  }
0xff: {  	v17 =	vld.idx.msk [tilespmem:v18+s4+$0x0], $0xffff;
	_ =	sdelay $0x1  }
0x100: {  	s29 =	sor.u32 $0x3, s24  }
0x101: {  	v18 =	vadd.s32 s29, v0;
	_ =	sdelay $0x1  }
0x102: {  	v19 =	vshra.s32 v17, $0x2;
	v17 =	vshll.u32 v17, $0x5  }
0x103: {  	[tilespmem:$0x1A70] =	vst v19;
	v17 =	vand.u32 $0x60, v17  }
0x104: {  	[tilespmem:$0x1C70] =	vst v17  }
0x105: {  	v17 =	vld.idx.msk [tilespmem:v18+s4+$0x0], $0xffff;
	_ =	sdelay $0x1  }
0x106: {  	s30 =	sadd.s32 $0x323, s24  }
0x107: {  	v18 =	vadd.s32 s30, v0;
	_ =	sdelay $0x1  }
0x108: {  	v19 =	vshra.s32 v17, $0x2;
	v17 =	vshll.u32 v17, $0x5  }
0x109: {  	[tilespmem:$0x1A80] =	vst v19;
	v17 =	vand.u32 $0x60, v17  }
0x10a: {  	[tilespmem:$0x1C80] =	vst v17  }
0x10b: {  	v17 =	vld.idx.msk [tilespmem:v18+s4+$0x0], $0xffff;
	_ =	sdelay $0x1  }
0x10c: {  	s31 =	sor.u32 $0x643, s24  }
0x10d: {  	v18 =	vadd.s32 s31, v0;
	_ =	sdelay $0x1  }
0x10e: {  	v19 =	vshra.s32 v17, $0x2;
	v17 =	vshll.u32 v17, $0x5  }
0x10f: {  	[tilespmem:$0x1A90] =	vst v19;
	v17 =	vand.u32 $0x60, v17  }
0x110: {  	[tilespmem:$0x1C90] =	vst v17  }
0x111: {  	v17 =	vld.idx.msk [tilespmem:v18+s4+$0x0], $0xffff;
	_ =	sdelay $0x1  }
0x112: {  	s26 =	sadd.s32 $0x963, s24  }
0x113: {  	v18 =	vadd.s32 s26, v0;
	_ =	sdelay $0x1  }
0x114: {  	v19 =	vshra.s32 v17, $0x2;
	v17 =	vshll.u32 v17, $0x5  }
0x115: {  	[tilespmem:$0x1AA0] =	vst v19;
	v17 =	vand.u32 $0x60, v17  }
0x116: {  	[tilespmem:$0x1CA0] =	vst v17  }
0x117: {  	v17 =	vld.idx.msk [tilespmem:v18+s4+$0x0], $0xffff;
	_ =	sdelay $0x1  }
0x118: {  	s28 =	sor.u32 $0xC83, s24  }
0x119: {  	v18 =	vadd.s32 s28, v0;
	_ =	sdelay $0x1  }
0x11a: {  	v19 =	vshra.s32 v17, $0x2;
	v17 =	vshll.u32 v17, $0x5  }
0x11b: {  	[tilespmem:$0x1AB0] =	vst v19;
	v17 =	vand.u32 $0x60, v17  }
0x11c: {  	[tilespmem:$0x1CB0] =	vst v17  }
0x11d: {  	v17 =	vld.idx.msk [tilespmem:v18+s4+$0x0], $0xffff;
	_ =	sdelay $0x1  }
0x11e: {  	s29 =	sadd.s32 $0xFA3, s24  }
0x11f: {  	v18 =	vadd.s32 s29, v0;
	_ =	sdelay $0x1  }
0x120: {  	v19 =	vshra.s32 v17, $0x2;
	v17 =	vshll.u32 v17, $0x5  }
0x121: {  	[tilespmem:$0x1AC0] =	vst v19;
	v17 =	vand.u32 $0x60, v17  }
0x122: {  	[tilespmem:$0x1CC0] =	vst v17  }
0x123: {  	v17 =	vld.idx.msk [tilespmem:v18+s4+$0x0], $0xffff;
	_ =	sdelay $0x1  }
0x124: {  	s30 =	sor.u32 $0x12C3, s24  }
0x125: {  	v18 =	vadd.s32 s30, v0;
	_ =	sdelay $0x1  }
0x126: {  	v19 =	vshra.s32 v17, $0x2;
	v17 =	vshll.u32 v17, $0x5  }
0x127: {  	[tilespmem:$0x1AD0] =	vst v19;
	v17 =	vand.u32 $0x60, v17  }
0x128: {  	[tilespmem:$0x1CD0] =	vst v17  }
0x129: {  	v17 =	vld.idx.msk [tilespmem:v18+s4+$0x0], $0xffff;
	_ =	sdelay $0x1  }
0x12a: {  	s31 =	sadd.s32 $0x15E3, s24  }
0x12b: {  	v18 =	vadd.s32 s31, v0;
	_ =	sdelay $0x1  }
0x12c: {  	v19 =	vshra.s32 v17, $0x2;
	v17 =	vshll.u32 v17, $0x5  }
0x12d: {  	[tilespmem:$0x1AE0] =	vst v19;
	v17 =	vand.u32 $0x60, v17  }
0x12e: {  	[tilespmem:$0x1CE0] =	vst v17  }
0x12f: {  	v17 =	vld.idx.msk [tilespmem:v18+s4+$0x0], $0xffff;
	_ =	sdelay $0x4  }
0x130: {  	v18 =	vshra.s32 v17, $0x2;
	v17 =	vshll.u32 v17, $0x5  }
0x131: {  	[tilespmem:$0x1AF0] =	vst v18;
	v17 =	vand.u32 $0x60, v17  }
0x132: {  	[tilespmem:$0x1CF0] =	vst v17  }
0x133: {  	[tilespmem:s13], [sflag:$0x1] =	stream.indirect.gather [hbm4b:s2+s9], $0x80, s19, s9, $0xb8;
	[tilespmem:$0x13D00] =	vst v63  }
.LBB2_7:
0x134: {  	_ =	swait.ge [sflag:s12], $0x8000;
	p0 =	seq.s32 s22, $0x0  }
0x135: {  	[sflag:s12] =	ssyncset.done $0x0;
	s25 =	sand.u32 @!p0 $0x1, s22  }
0x136: {  	s24 =	simm.s32 @!p0 $0x2;
	[sflag:s12] =	ssyncadd.s32 $0xFFFF8000;
	p1 =	seq.s32 @!p0 s25, $0x1  }
0x137: {  	_ =	swait.ge @!p0 [sflag:s24], $0x1000;
	p1 =	por p0, !p1  }
.Ltmp9:
0x138: {  	[sflag:s24] =	ssyncset.done @!p0 $0x0;
	(pc) =	sbr.rel @p1 .LBB2_12-.Ltmp9, $4  }
0x139: {  	[sflag:s24] =	ssyncadd.s32 @!p0 $0xFFFFF000  }
0x13a: {  	_ =	swait.ge @!p0 [sflag:s24], $0x1000  }
0x13b: {  	[sflag:s24] =	ssyncset.done @!p0 $0x0  }
0x13c: {  	[sflag:s24] =	ssyncadd.s32 @!p0 $0xFFFFF000;
	s24 =	sshll.u32 @!p0 s22, $0x14  }
0x13d: {  	s25 =	simm.s32 @!p0 $0xFFFFFFFE  }
0x13e: {  	s26 =	simm.s32 @!p0 $0x0;
	s28 =	simm.s32 @!p0 $0x1C10;
	s29 =	simm.s32 @!p0 $0x12500  }
.LBB2_9:
0x13f: {  	v18 =	vld [tilespmem:s28+$0xFFFFFFF0];
	_ =	sdelay $0x2  }
0x140: {  	v17 =	vmov s26  }
0x141: {  	v17 =	vshll.u32 v17, $0x7  }
0x142: {  	v17 =	vor.u32 v16, v17;
	v19 =	vand.u32 $0xFFFFFF80, v18  }
0x143: {  	v20 =	vand.u32 $0x7F, v18;
	v19 =	vadd.s32 v17, v19  }
0x144: {  	v19 =	vor.u32 v20, v19;
	_ =	sdelay $0x2  }
0x145: {  	v52 =	vadd.s32 $0x1, v18  }
0x146: {  	v21 =	vand.u32 $0xFFFFFF80, v52  }
0x147: {  	v20 =	vand.u32 $0x7F, v52;
	v21 =	vadd.s32 v17, v21;
	v19 =	vld.idx.msk [tilespmem:v19+s13+$0x0], $0xffff  }
0x148: {  	v20 =	vor.u32 v20, v21;
	_ =	sdelay $0x2  }
0x149: {  	v53 =	vadd.s32 $0x2, v18  }
0x14a: {  	[tilespmem:s29+$0xFFFFF800] =	vst v19;
	v19 =	vand.u32 $0xFFFFFF80, v53  }
0x14b: {  	v21 =	vand.u32 $0x7F, v53;
	v20 =	vld.idx.msk [tilespmem:v20+s13+$0x0], $0xffff;
	v19 =	vadd.s32 v17, v19  }
0x14c: {  	v19 =	vor.u32 v21, v19;
	_ =	sdelay $0x2  }
0x14d: {  	v54 =	vadd.s32 $0x3, v18  }
0x14e: {  	v55 =	vand.u32 $0xFFFFFF80, v54;
	[tilespmem:s29+$0xFFFFF880] =	vst v20  }
0x14f: {  	v21 =	vand.u32 $0x7F, v54;
	v20 =	vadd.s32 v17, v55;
	v19 =	vld.idx.msk [tilespmem:v19+s13+$0x0], $0xffff  }
0x150: {  	v20 =	vor.u32 v21, v20;
	_ =	sdelay $0x2  }
0x151: {  	v56 =	vadd.s32 $0x4, v18  }
0x152: {  	[tilespmem:s29+$0xFFFFF900] =	vst v19;
	v19 =	vand.u32 $0xFFFFFF80, v56  }
0x153: {  	v21 =	vand.u32 $0x7F, v56;
	v20 =	vld.idx.msk [tilespmem:v20+s13+$0x0], $0xffff;
	v19 =	vadd.s32 v17, v19  }
0x154: {  	v19 =	vor.u32 v21, v19;
	_ =	sdelay $0x2  }
0x155: {  	v57 =	vadd.s32 $0x5, v18  }
0x156: {  	v58 =	vand.u32 $0xFFFFFF80, v57;
	[tilespmem:s29+$0xFFFFF980] =	vst v20  }
0x157: {  	v21 =	vand.u32 $0x7F, v57;
	v20 =	vadd.s32 v17, v58;
	v19 =	vld.idx.msk [tilespmem:v19+s13+$0x0], $0xffff  }
0x158: {  	v20 =	vor.u32 v21, v20;
	_ =	sdelay $0x2  }
0x159: {  	v59 =	vadd.s32 $0x6, v18  }
0x15a: {  	[tilespmem:s29+$0xFFFFFA00] =	vst v19;
	v19 =	vand.u32 $0xFFFFFF80, v59  }
0x15b: {  	v21 =	vand.u32 $0x7F, v59;
	v20 =	vld.idx.msk [tilespmem:v20+s13+$0x0], $0xffff;
	v19 =	vadd.s32 v17, v19  }
0x15c: {  	v19 =	vor.u32 v21, v19;
	_ =	sdelay $0x2  }
0x15d: {  	v60 =	vadd.s32 $0x7, v18  }
0x15e: {  	v61 =	vand.u32 $0xFFFFFF80, v60;
	[tilespmem:s29+$0xFFFFFA80] =	vst v20  }
0x15f: {  	v21 =	vand.u32 $0x7F, v60;
	v20 =	vadd.s32 v17, v61;
	v19 =	vld.idx.msk [tilespmem:v19+s13+$0x0], $0xffff  }
0x160: {  	v20 =	vor.u32 v21, v20;
	_ =	sdelay $0x2  }
0x161: {  	v62 =	vadd.s32 $0x8, v18  }
0x162: {  	[tilespmem:s29+$0xFFFFFB00] =	vst v19;
	v19 =	vand.u32 $0xFFFFFF80, v62  }
0x163: {  	v21 =	vand.u32 $0x7F, v62;
	v20 =	vld.idx.msk [tilespmem:v20+s13+$0x0], $0xffff;
	v19 =	vadd.s32 v17, v19  }
0x164: {  	v19 =	vor.u32 v21, v19;
	_ =	sdelay $0x2  }
0x165: {  	v63 =	vadd.s32 $0x9, v18  }
0x166: {  	v24 =	vand.u32 $0xFFFFFF80, v63;
	[tilespmem:s29+$0xFFFFFB80] =	vst v20  }
0x167: {  	v21 =	vand.u32 $0x7F, v63;
	v20 =	vadd.s32 v17, v24;
	v19 =	vld.idx.msk [tilespmem:v19+s13+$0x0], $0xffff  }
0x168: {  	v20 =	vor.u32 v21, v20;
	_ =	sdelay $0x2  }
0x169: {  	v25 =	vadd.s32 $0xA, v18  }
0x16a: {  	[tilespmem:s29+$0xFFFFFC00] =	vst v19;
	v19 =	vand.u32 $0xFFFFFF80, v25  }
0x16b: {  	v21 =	vand.u32 $0x7F, v25;
	v20 =	vld.idx.msk [tilespmem:v20+s13+$0x0], $0xffff;
	v19 =	vadd.s32 v17, v19  }
0x16c: {  	v19 =	vor.u32 v21, v19;
	_ =	sdelay $0x2  }
0x16d: {  	v26 =	vadd.s32 $0xB, v18  }
0x16e: {  	v27 =	vand.u32 $0xFFFFFF80, v26;
	[tilespmem:s29+$0xFFFFFC80] =	vst v20  }
0x16f: {  	v21 =	vand.u32 $0x7F, v26;
	v20 =	vadd.s32 v17, v27;
	v19 =	vld.idx.msk [tilespmem:v19+s13+$0x0], $0xffff  }
0x170: {  	v20 =	vor.u32 v21, v20;
	_ =	sdelay $0x2  }
0x171: {  	v28 =	vadd.s32 $0xC, v18  }
0x172: {  	[tilespmem:s29+$0xFFFFFD00] =	vst v19;
	v19 =	vand.u32 $0xFFFFFF80, v28  }
0x173: {  	v21 =	vand.u32 $0x7F, v28;
	v20 =	vld.idx.msk [tilespmem:v20+s13+$0x0], $0xffff;
	v19 =	vadd.s32 v17, v19  }
0x174: {  	v19 =	vor.u32 v21, v19;
	_ =	sdelay $0x2  }
0x175: {  	v29 =	vadd.s32 $0xD, v18  }
0x176: {  	v30 =	vand.u32 $0xFFFFFF80, v29;
	[tilespmem:s29+$0xFFFFFD80] =	vst v20  }
0x177: {  	v21 =	vand.u32 $0x7F, v29;
	v20 =	vadd.s32 v17, v30;
	v19 =	vld.idx.msk [tilespmem:v19+s13+$0x0], $0xffff  }
0x178: {  	v20 =	vor.u32 v21, v20;
	_ =	sdelay $0x2  }
0x179: {  	v31 =	vadd.s32 $0xE, v18  }
0x17a: {  	[tilespmem:s29+$0xFFFFFE00] =	vst v19;
	v19 =	vand.u32 $0xFFFFFF80, v31  }
0x17b: {  	v21 =	vand.u32 $0x7F, v31;
	v20 =	vld.idx.msk [tilespmem:v20+s13+$0x0], $0xffff;
	v19 =	vadd.s32 v17, v19  }
0x17c: {  	v19 =	vor.u32 v21, v19;
	_ =	sdelay $0x2  }
0x17d: {  	v32 =	vadd.s32 $0xF, v18  }
0x17e: {  	v33 =	vand.u32 $0xFFFFFF80, v32;
	[tilespmem:s29+$0xFFFFFE80] =	vst v20  }
0x17f: {  	v21 =	vand.u32 $0x7F, v32;
	v20 =	vadd.s32 v17, v33;
	v19 =	vld.idx.msk [tilespmem:v19+s13+$0x0], $0xffff  }
0x180: {  	v20 =	vor.u32 v21, v20;
	_ =	sdelay $0x2  }
0x181: {  	v34 =	vadd.s32 $0x10, v18  }
0x182: {  	[tilespmem:s29+$0xFFFFFF00] =	vst v19;
	v19 =	vand.u32 $0xFFFFFF80, v34  }
0x183: {  	v21 =	vand.u32 $0x7F, v34;
	v20 =	vld.idx.msk [tilespmem:v20+s13+$0x0], $0xffff;
	v19 =	vadd.s32 v17, v19  }
0x184: {  	v19 =	vor.u32 v21, v19;
	_ =	sdelay $0x2  }
0x185: {  	v35 =	vadd.s32 $0x11, v18  }
0x186: {  	v36 =	vand.u32 $0xFFFFFF80, v35;
	[tilespmem:s29+$0xFFFFFF80] =	vst v20  }
0x187: {  	v21 =	vand.u32 $0x7F, v35;
	v20 =	vadd.s32 v17, v36;
	v19 =	vld.idx.msk [tilespmem:v19+s13+$0x0], $0xffff  }
0x188: {  	v20 =	vor.u32 v21, v20;
	_ =	sdelay $0x2  }
0x189: {  	v37 =	vadd.s32 $0x12, v18  }
0x18a: {  	[tilespmem:s29+$0x0] =	vst v19;
	v19 =	vand.u32 $0xFFFFFF80, v37  }
0x18b: {  	v21 =	vand.u32 $0x7F, v37;
	v20 =	vld.idx.msk [tilespmem:v20+s13+$0x0], $0xffff;
	v19 =	vadd.s32 v17, v19  }
0x18c: {  	v19 =	vor.u32 v21, v19;
	_ =	sdelay $0x2  }
0x18d: {  	v38 =	vadd.s32 $0x13, v18  }
0x18e: {  	v39 =	vand.u32 $0xFFFFFF80, v38;
	[tilespmem:s29+$0x80] =	vst v20  }
0x18f: {  	v21 =	vand.u32 $0x7F, v38;
	v20 =	vadd.s32 v17, v39;
	v19 =	vld.idx.msk [tilespmem:v19+s13+$0x0], $0xffff  }
0x190: {  	v20 =	vor.u32 v21, v20;
	_ =	sdelay $0x2  }
0x191: {  	v40 =	vadd.s32 $0x14, v18  }
0x192: {  	[tilespmem:s29+$0x100] =	vst v19;
	v19 =	vand.u32 $0xFFFFFF80, v40  }
0x193: {  	v21 =	vand.u32 $0x7F, v40;
	v20 =	vld.idx.msk [tilespmem:v20+s13+$0x0], $0xffff;
	v19 =	vadd.s32 v17, v19  }
0x194: {  	v19 =	vor.u32 v21, v19;
	_ =	sdelay $0x2  }
0x195: {  	v41 =	vadd.s32 $0x15, v18  }
0x196: {  	v42 =	vand.u32 $0xFFFFFF80, v41;
	[tilespmem:s29+$0x180] =	vst v20  }
0x197: {  	v21 =	vand.u32 $0x7F, v41;
	v20 =	vadd.s32 v17, v42;
	v19 =	vld.idx.msk [tilespmem:v19+s13+$0x0], $0xffff  }
0x198: {  	v20 =	vor.u32 v21, v20;
	_ =	sdelay $0x2  }
0x199: {  	v43 =	vadd.s32 $0x16, v18  }
0x19a: {  	[tilespmem:s29+$0x200] =	vst v19;
	v19 =	vand.u32 $0xFFFFFF80, v43  }
0x19b: {  	v21 =	vand.u32 $0x7F, v43;
	v20 =	vld.idx.msk [tilespmem:v20+s13+$0x0], $0xffff;
	v19 =	vadd.s32 v17, v19  }
0x19c: {  	v19 =	vor.u32 v21, v19;
	_ =	sdelay $0x2  }
0x19d: {  	v44 =	vadd.s32 $0x17, v18  }
0x19e: {  	v45 =	vand.u32 $0xFFFFFF80, v44;
	[tilespmem:s29+$0x280] =	vst v20  }
0x19f: {  	v21 =	vand.u32 $0x7F, v44;
	v20 =	vadd.s32 v17, v45;
	v19 =	vld.idx.msk [tilespmem:v19+s13+$0x0], $0xffff  }
0x1a0: {  	v20 =	vor.u32 v21, v20;
	_ =	sdelay $0x2  }
0x1a1: {  	v46 =	vadd.s32 $0x18, v18  }
0x1a2: {  	[tilespmem:s29+$0x300] =	vst v19;
	v19 =	vand.u32 $0xFFFFFF80, v46  }
0x1a3: {  	v21 =	vand.u32 $0x7F, v46;
	v20 =	vld.idx.msk [tilespmem:v20+s13+$0x0], $0xffff;
	v19 =	vadd.s32 v17, v19  }
0x1a4: {  	v19 =	vor.u32 v21, v19;
	_ =	sdelay $0x2  }
0x1a5: {  	v47 =	vadd.s32 $0x19, v18  }
0x1a6: {  	v48 =	vand.u32 $0xFFFFFF80, v47;
	[tilespmem:s29+$0x380] =	vst v20  }
0x1a7: {  	v21 =	vand.u32 $0x7F, v47;
	v20 =	vadd.s32 v17, v48;
	v19 =	vld.idx.msk [tilespmem:v19+s13+$0x0], $0xffff  }
0x1a8: {  	v20 =	vor.u32 v21, v20;
	_ =	sdelay $0x2  }
0x1a9: {  	v49 =	vadd.s32 $0x1A, v18  }
0x1aa: {  	[tilespmem:s29+$0x400] =	vst v19;
	v19 =	vand.u32 $0xFFFFFF80, v49  }
0x1ab: {  	v21 =	vand.u32 $0x7F, v49;
	v20 =	vld.idx.msk [tilespmem:v20+s13+$0x0], $0xffff;
	v19 =	vadd.s32 v17, v19  }
0x1ac: {  	v19 =	vor.u32 v21, v19;
	_ =	sdelay $0x2  }
0x1ad: {  	v50 =	vadd.s32 $0x1B, v18  }
0x1ae: {  	v51 =	vand.u32 $0xFFFFFF80, v50;
	[tilespmem:s29+$0x480] =	vst v20  }
0x1af: {  	v21 =	vand.u32 $0x7F, v50;
	v20 =	vadd.s32 v17, v51;
	v19 =	vld.idx.msk [tilespmem:v19+s13+$0x0], $0xffff  }
0x1b0: {  	v20 =	vor.u32 v21, v20;
	_ =	sdelay $0x2  }
0x1b1: {  	v52 =	vadd.s32 $0x1C, v18  }
0x1b2: {  	[tilespmem:s29+$0x500] =	vst v19;
	v19 =	vand.u32 $0xFFFFFF80, v52  }
0x1b3: {  	v21 =	vand.u32 $0x7F, v52;
	v20 =	vld.idx.msk [tilespmem:v20+s13+$0x0], $0xffff;
	v19 =	vadd.s32 v17, v19  }
0x1b4: {  	v19 =	vor.u32 v21, v19;
	_ =	sdelay $0x2  }
0x1b5: {  	v53 =	vadd.s32 $0x1D, v18  }
0x1b6: {  	v54 =	vand.u32 $0xFFFFFF80, v53;
	[tilespmem:s29+$0x580] =	vst v20  }
0x1b7: {  	v21 =	vand.u32 $0x7F, v53;
	v20 =	vadd.s32 v17, v54;
	v19 =	vld.idx.msk [tilespmem:v19+s13+$0x0], $0xffff  }
0x1b8: {  	v20 =	vor.u32 v21, v20;
	_ =	sdelay $0x2  }
0x1b9: {  	v55 =	vadd.s32 $0x1E, v18  }
0x1ba: {  	[tilespmem:s29+$0x600] =	vst v19;
	v19 =	vand.u32 $0xFFFFFF80, v55  }
0x1bb: {  	v21 =	vand.u32 $0x7F, v55;
	v20 =	vld.idx.msk [tilespmem:v20+s13+$0x0], $0xffff;
	v19 =	vadd.s32 v17, v19  }
0x1bc: {  	v19 =	vor.u32 v21, v19;
	_ =	sdelay $0x2  }
0x1bd: {  	v18 =	vadd.s32 $0x1F, v18  }
0x1be: {  	v56 =	vand.u32 $0xFFFFFF80, v18;
	[tilespmem:s29+$0x680] =	vst v20  }
0x1bf: {  	v18 =	vand.u32 $0x7F, v18;
	v17 =	vadd.s32 v17, v56;
	v19 =	vld.idx.msk [tilespmem:v19+s13+$0x0], $0xffff  }
0x1c0: {  	v17 =	vor.u32 v18, v17;
	_ =	sdelay $0x3  }
0x1c1: {  	[tilespmem:s29+$0x700] =	vst v19  }
0x1c2: {  	v17 =	vld.idx.msk [tilespmem:v17+s13+$0x0], $0xffff;
	_ =	sdelay $0x4  }
0x1c3: {  	[tilespmem:s29+$0x780] =	vst v17  }
0x1c4: {  	v17 =	vld [tilespmem:s28+$0x0];
	_ =	sdelay $0x1  }
0x1c5: {  	s30 =	sadd.s32 $0x10, s26  }
0x1c6: {  	v18 =	vmov s30  }
0x1c7: {  	v18 =	vshll.u32 v18, $0x7  }
0x1c8: {  	v18 =	vor.u32 v16, v18;
	v19 =	vand.u32 $0xFFFFFF80, v17  }
0x1c9: {  	v57 =	vand.u32 $0x7F, v17;
	v19 =	vadd.s32 v18, v19  }
0x1ca: {  	v19 =	vor.u32 v57, v19;
	_ =	sdelay $0x2  }
0x1cb: {  	v58 =	vadd.s32 $0x1, v17  }
0x1cc: {  	v59 =	vand.u32 $0xFFFFFF80, v58  }
0x1cd: {  	v20 =	vand.u32 $0x7F, v58;
	v21 =	vadd.s32 v18, v59;
	v19 =	vld.idx.msk [tilespmem:v19+s13+$0x0], $0xffff  }
0x1ce: {  	v20 =	vor.u32 v20, v21;
	_ =	sdelay $0x2  }
0x1cf: {  	v60 =	vadd.s32 $0x2, v17  }
0x1d0: {  	[tilespmem:s29+$0xFFFFF810] =	vst v19;
	v19 =	vand.u32 $0xFFFFFF80, v60  }
0x1d1: {  	v21 =	vand.u32 $0x7F, v60;
	v20 =	vld.idx.msk [tilespmem:v20+s13+$0x0], $0xffff;
	v19 =	vadd.s32 v18, v19  }
0x1d2: {  	v19 =	vor.u32 v21, v19;
	_ =	sdelay $0x2  }
0x1d3: {  	v61 =	vadd.s32 $0x3, v17  }
0x1d4: {  	v62 =	vand.u32 $0xFFFFFF80, v61;
	[tilespmem:s29+$0xFFFFF890] =	vst v20  }
0x1d5: {  	v21 =	vand.u32 $0x7F, v61;
	v20 =	vadd.s32 v18, v62;
	v19 =	vld.idx.msk [tilespmem:v19+s13+$0x0], $0xffff  }
0x1d6: {  	v20 =	vor.u32 v21, v20;
	_ =	sdelay $0x2  }
0x1d7: {  	v63 =	vadd.s32 $0x4, v17  }
0x1d8: {  	[tilespmem:s29+$0xFFFFF910] =	vst v19;
	v19 =	vand.u32 $0xFFFFFF80, v63  }
0x1d9: {  	v21 =	vand.u32 $0x7F, v63;
	v20 =	vld.idx.msk [tilespmem:v20+s13+$0x0], $0xffff;
	v19 =	vadd.s32 v18, v19  }
0x1da: {  	v19 =	vor.u32 v21, v19;
	_ =	sdelay $0x2  }
0x1db: {  	v24 =	vadd.s32 $0x5, v17  }
0x1dc: {  	v25 =	vand.u32 $0xFFFFFF80, v24;
	[tilespmem:s29+$0xFFFFF990] =	vst v20  }
0x1dd: {  	v21 =	vand.u32 $0x7F, v24;
	v20 =	vadd.s32 v18, v25;
	v19 =	vld.idx.msk [tilespmem:v19+s13+$0x0], $0xffff  }
0x1de: {  	v20 =	vor.u32 v21, v20;
	_ =	sdelay $0x2  }
0x1df: {  	v26 =	vadd.s32 $0x6, v17  }
0x1e0: {  	[tilespmem:s29+$0xFFFFFA10] =	vst v19;
	v19 =	vand.u32 $0xFFFFFF80, v26  }
0x1e1: {  	v21 =	vand.u32 $0x7F, v26;
	v20 =	vld.idx.msk [tilespmem:v20+s13+$0x0], $0xffff;
	v19 =	vadd.s32 v18, v19  }
0x1e2: {  	v19 =	vor.u32 v21, v19;
	_ =	sdelay $0x2  }
0x1e3: {  	v27 =	vadd.s32 $0x7, v17  }
0x1e4: {  	v28 =	vand.u32 $0xFFFFFF80, v27;
	[tilespmem:s29+$0xFFFFFA90] =	vst v20  }
0x1e5: {  	v21 =	vand.u32 $0x7F, v27;
	v20 =	vadd.s32 v18, v28;
	v19 =	vld.idx.msk [tilespmem:v19+s13+$0x0], $0xffff  }
0x1e6: {  	v20 =	vor.u32 v21, v20;
	_ =	sdelay $0x2  }
0x1e7: {  	v29 =	vadd.s32 $0x8, v17  }
0x1e8: {  	[tilespmem:s29+$0xFFFFFB10] =	vst v19;
	v19 =	vand.u32 $0xFFFFFF80, v29  }
0x1e9: {  	v21 =	vand.u32 $0x7F, v29;
	v20 =	vld.idx.msk [tilespmem:v20+s13+$0x0], $0xffff;
	v19 =	vadd.s32 v18, v19  }
0x1ea: {  	v19 =	vor.u32 v21, v19;
	_ =	sdelay $0x2  }
0x1eb: {  	v30 =	vadd.s32 $0x9, v17  }
0x1ec: {  	v31 =	vand.u32 $0xFFFFFF80, v30;
	[tilespmem:s29+$0xFFFFFB90] =	vst v20  }
0x1ed: {  	v21 =	vand.u32 $0x7F, v30;
	v20 =	vadd.s32 v18, v31;
	v19 =	vld.idx.msk [tilespmem:v19+s13+$0x0], $0xffff  }
0x1ee: {  	v20 =	vor.u32 v21, v20;
	_ =	sdelay $0x2  }
0x1ef: {  	v32 =	vadd.s32 $0xA, v17  }
0x1f0: {  	[tilespmem:s29+$0xFFFFFC10] =	vst v19;
	v19 =	vand.u32 $0xFFFFFF80, v32  }
0x1f1: {  	v21 =	vand.u32 $0x7F, v32;
	v20 =	vld.idx.msk [tilespmem:v20+s13+$0x0], $0xffff;
	v19 =	vadd.s32 v18, v19  }
0x1f2: {  	v19 =	vor.u32 v21, v19;
	_ =	sdelay $0x2  }
0x1f3: {  	v33 =	vadd.s32 $0xB, v17  }
0x1f4: {  	v34 =	vand.u32 $0xFFFFFF80, v33;
	[tilespmem:s29+$0xFFFFFC90] =	vst v20  }
0x1f5: {  	v21 =	vand.u32 $0x7F, v33;
	v20 =	vadd.s32 v18, v34;
	v19 =	vld.idx.msk [tilespmem:v19+s13+$0x0], $0xffff  }
0x1f6: {  	v20 =	vor.u32 v21, v20;
	_ =	sdelay $0x2  }
0x1f7: {  	v35 =	vadd.s32 $0xC, v17  }
0x1f8: {  	[tilespmem:s29+$0xFFFFFD10] =	vst v19;
	v19 =	vand.u32 $0xFFFFFF80, v35  }
0x1f9: {  	v21 =	vand.u32 $0x7F, v35;
	v20 =	vld.idx.msk [tilespmem:v20+s13+$0x0], $0xffff;
	v19 =	vadd.s32 v18, v19  }
0x1fa: {  	v19 =	vor.u32 v21, v19;
	_ =	sdelay $0x2  }
0x1fb: {  	v36 =	vadd.s32 $0xD, v17  }
0x1fc: {  	v37 =	vand.u32 $0xFFFFFF80, v36;
	[tilespmem:s29+$0xFFFFFD90] =	vst v20  }
0x1fd: {  	v21 =	vand.u32 $0x7F, v36;
	v20 =	vadd.s32 v18, v37;
	v19 =	vld.idx.msk [tilespmem:v19+s13+$0x0], $0xffff  }
0x1fe: {  	v20 =	vor.u32 v21, v20;
	_ =	sdelay $0x2  }
0x1ff: {  	v38 =	vadd.s32 $0xE, v17  }
0x200: {  	[tilespmem:s29+$0xFFFFFE10] =	vst v19;
	v19 =	vand.u32 $0xFFFFFF80, v38  }
0x201: {  	v21 =	vand.u32 $0x7F, v38;
	v20 =	vld.idx.msk [tilespmem:v20+s13+$0x0], $0xffff;
	v19 =	vadd.s32 v18, v19  }
0x202: {  	v19 =	vor.u32 v21, v19;
	_ =	sdelay $0x2  }
0x203: {  	v39 =	vadd.s32 $0xF, v17  }
0x204: {  	v40 =	vand.u32 $0xFFFFFF80, v39;
	[tilespmem:s29+$0xFFFFFE90] =	vst v20  }
0x205: {  	v21 =	vand.u32 $0x7F, v39;
	v20 =	vadd.s32 v18, v40;
	v19 =	vld.idx.msk [tilespmem:v19+s13+$0x0], $0xffff  }
0x206: {  	v20 =	vor.u32 v21, v20;
	_ =	sdelay $0x2  }
0x207: {  	v41 =	vadd.s32 $0x10, v17  }
0x208: {  	[tilespmem:s29+$0xFFFFFF10] =	vst v19;
	v19 =	vand.u32 $0xFFFFFF80, v41  }
0x209: {  	v21 =	vand.u32 $0x7F, v41;
	v20 =	vld.idx.msk [tilespmem:v20+s13+$0x0], $0xffff;
	v19 =	vadd.s32 v18, v19  }
0x20a: {  	v19 =	vor.u32 v21, v19;
	_ =	sdelay $0x2  }
0x20b: {  	v42 =	vadd.s32 $0x11, v17  }
0x20c: {  	v43 =	vand.u32 $0xFFFFFF80, v42;
	[tilespmem:s29+$0xFFFFFF90] =	vst v20  }
0x20d: {  	v21 =	vand.u32 $0x7F, v42;
	v20 =	vadd.s32 v18, v43;
	v19 =	vld.idx.msk [tilespmem:v19+s13+$0x0], $0xffff  }
0x20e: {  	v20 =	vor.u32 v21, v20;
	_ =	sdelay $0x2  }
0x20f: {  	v44 =	vadd.s32 $0x12, v17  }
0x210: {  	[tilespmem:s29+$0x10] =	vst v19;
	v19 =	vand.u32 $0xFFFFFF80, v44  }
0x211: {  	v21 =	vand.u32 $0x7F, v44;
	v20 =	vld.idx.msk [tilespmem:v20+s13+$0x0], $0xffff;
	v19 =	vadd.s32 v18, v19  }
0x212: {  	v19 =	vor.u32 v21, v19;
	_ =	sdelay $0x2  }
0x213: {  	v45 =	vadd.s32 $0x13, v17  }
0x214: {  	v46 =	vand.u32 $0xFFFFFF80, v45;
	[tilespmem:s29+$0x90] =	vst v20  }
0x215: {  	v21 =	vand.u32 $0x7F, v45;
	v20 =	vadd.s32 v18, v46;
	v19 =	vld.idx.msk [tilespmem:v19+s13+$0x0], $0xffff  }
0x216: {  	v20 =	vor.u32 v21, v20;
	_ =	sdelay $0x2  }
0x217: {  	v47 =	vadd.s32 $0x14, v17  }
0x218: {  	[tilespmem:s29+$0x110] =	vst v19;
	v19 =	vand.u32 $0xFFFFFF80, v47  }
0x219: {  	v21 =	vand.u32 $0x7F, v47;
	v20 =	vld.idx.msk [tilespmem:v20+s13+$0x0], $0xffff;
	v19 =	vadd.s32 v18, v19  }
0x21a: {  	v19 =	vor.u32 v21, v19;
	_ =	sdelay $0x2  }
0x21b: {  	v48 =	vadd.s32 $0x15, v17  }
0x21c: {  	v49 =	vand.u32 $0xFFFFFF80, v48;
	[tilespmem:s29+$0x190] =	vst v20  }
0x21d: {  	v21 =	vand.u32 $0x7F, v48;
	v20 =	vadd.s32 v18, v49;
	v19 =	vld.idx.msk [tilespmem:v19+s13+$0x0], $0xffff  }
0x21e: {  	v20 =	vor.u32 v21, v20;
	_ =	sdelay $0x2  }
0x21f: {  	v50 =	vadd.s32 $0x16, v17  }
0x220: {  	[tilespmem:s29+$0x210] =	vst v19;
	v19 =	vand.u32 $0xFFFFFF80, v50  }
0x221: {  	v21 =	vand.u32 $0x7F, v50;
	v20 =	vld.idx.msk [tilespmem:v20+s13+$0x0], $0xffff;
	v19 =	vadd.s32 v18, v19  }
0x222: {  	v19 =	vor.u32 v21, v19;
	_ =	sdelay $0x2  }
0x223: {  	v51 =	vadd.s32 $0x17, v17  }
0x224: {  	v52 =	vand.u32 $0xFFFFFF80, v51;
	[tilespmem:s29+$0x290] =	vst v20  }
0x225: {  	v21 =	vand.u32 $0x7F, v51;
	v20 =	vadd.s32 v18, v52;
	v19 =	vld.idx.msk [tilespmem:v19+s13+$0x0], $0xffff  }
0x226: {  	v20 =	vor.u32 v21, v20;
	_ =	sdelay $0x2  }
0x227: {  	v53 =	vadd.s32 $0x18, v17  }
0x228: {  	[tilespmem:s29+$0x310] =	vst v19;
	v19 =	vand.u32 $0xFFFFFF80, v53  }
0x229: {  	v21 =	vand.u32 $0x7F, v53;
	v20 =	vld.idx.msk [tilespmem:v20+s13+$0x0], $0xffff;
	v19 =	vadd.s32 v18, v19  }
0x22a: {  	v19 =	vor.u32 v21, v19;
	_ =	sdelay $0x2  }
0x22b: {  	v54 =	vadd.s32 $0x19, v17  }
0x22c: {  	v55 =	vand.u32 $0xFFFFFF80, v54;
	[tilespmem:s29+$0x390] =	vst v20  }
0x22d: {  	v21 =	vand.u32 $0x7F, v54;
	v20 =	vadd.s32 v18, v55;
	v19 =	vld.idx.msk [tilespmem:v19+s13+$0x0], $0xffff  }
0x22e: {  	v20 =	vor.u32 v21, v20;
	_ =	sdelay $0x2  }
0x22f: {  	v56 =	vadd.s32 $0x1A, v17  }
0x230: {  	[tilespmem:s29+$0x410] =	vst v19;
	v19 =	vand.u32 $0xFFFFFF80, v56  }
0x231: {  	v21 =	vand.u32 $0x7F, v56;
	v20 =	vld.idx.msk [tilespmem:v20+s13+$0x0], $0xffff;
	v19 =	vadd.s32 v18, v19  }
0x232: {  	v19 =	vor.u32 v21, v19;
	_ =	sdelay $0x2  }
0x233: {  	v57 =	vadd.s32 $0x1B, v17  }
0x234: {  	v58 =	vand.u32 $0xFFFFFF80, v57;
	[tilespmem:s29+$0x490] =	vst v20  }
0x235: {  	v21 =	vand.u32 $0x7F, v57;
	v20 =	vadd.s32 v18, v58;
	v19 =	vld.idx.msk [tilespmem:v19+s13+$0x0], $0xffff  }
0x236: {  	v20 =	vor.u32 v21, v20;
	_ =	sdelay $0x2  }
0x237: {  	v59 =	vadd.s32 $0x1C, v17  }
0x238: {  	[tilespmem:s29+$0x510] =	vst v19;
	v19 =	vand.u32 $0xFFFFFF80, v59  }
0x239: {  	v21 =	vand.u32 $0x7F, v59;
	v20 =	vld.idx.msk [tilespmem:v20+s13+$0x0], $0xffff;
	v19 =	vadd.s32 v18, v19  }
0x23a: {  	v19 =	vor.u32 v21, v19;
	_ =	sdelay $0x2  }
0x23b: {  	v60 =	vadd.s32 $0x1D, v17  }
0x23c: {  	v61 =	vand.u32 $0xFFFFFF80, v60;
	[tilespmem:s29+$0x590] =	vst v20  }
0x23d: {  	v21 =	vand.u32 $0x7F, v60;
	v20 =	vadd.s32 v18, v61;
	v19 =	vld.idx.msk [tilespmem:v19+s13+$0x0], $0xffff  }
0x23e: {  	v20 =	vor.u32 v21, v20;
	_ =	sdelay $0x2  }
0x23f: {  	v62 =	vadd.s32 $0x1E, v17  }
0x240: {  	[tilespmem:s29+$0x610] =	vst v19;
	v19 =	vand.u32 $0xFFFFFF80, v62  }
0x241: {  	v21 =	vand.u32 $0x7F, v62;
	v20 =	vld.idx.msk [tilespmem:v20+s13+$0x0], $0xffff;
	v19 =	vadd.s32 v18, v19  }
0x242: {  	v19 =	vor.u32 v21, v19;
	_ =	sdelay $0x2  }
0x243: {  	v17 =	vadd.s32 $0x1F, v17  }
0x244: {  	v63 =	vand.u32 $0xFFFFFF80, v17;
	[tilespmem:s29+$0x690] =	vst v20  }
0x245: {  	v17 =	vand.u32 $0x7F, v17;
	v18 =	vadd.s32 v18, v63;
	v19 =	vld.idx.msk [tilespmem:v19+s13+$0x0], $0xffff  }
0x246: {  	v17 =	vor.u32 v17, v18;
	_ =	sdelay $0x3  }
0x247: {  	s25 =	sadd.s32 $0x2, s25;
	[tilespmem:s29+$0x710] =	vst v19  }
0x248: {  	p0 =	slt.u32 s25, $0x6;
	v17 =	vld.idx.msk [tilespmem:v17+s13+$0x0], $0xffff  }
.Ltmp10:
0x249: {  	_ = 	snop;
	(pc) =	sbr.rel @p0 .LBB2_9-.Ltmp10, $2  }
0x24a: {  	_ =	sdelay $0x2  }
0x24b: {  	s26 =	sadd.s32 $0x20, s26;
	s28 =	sadd.s32 $0x20, s28;
	[tilespmem:s29+$0x790] =	vst v17;
	s29 =	sadd.s32 $0x20, s29  }
0x24c: {  	s24 =	sadd.s32 s23, s24  }
0x24d: {  	s24 =	sshrl.u32 s24, $0x3  }
0x24e: {  	s26 =	simm.s32 $0x90;
	s25 =	sadd.s32 s3, s24  }
0x24f: {  	[hbm4b:s25+s14] =	stream.strided.scatter [tilespmem:s16], [sflag:$0x2], $0x1000, s15, s14, $0x38;
	[tilespmem:$0x13D00] =	vst v63  }
0x250: {  	s28 =	simm.s32 $0x1C90;
	s29 =	simm.s32 $0x13500;
	s25 =	simm.s32 $0xFFFFFFFE  }
.LBB2_11:
0x251: {  	v17 =	vld [tilespmem:s28+$0xFFFFFFF0];
	_ =	sdelay $0x1  }
0x252: {  	s30 =	sadd.s32 $0xFFFFFFF0, s26  }
0x253: {  	v18 =	vmov s30  }
0x254: {  	v18 =	vshll.u32 v18, $0x7  }
0x255: {  	v18 =	vor.u32 v16, v18;
	v19 =	vand.u32 $0xFFFFFF80, v17  }
0x256: {  	v20 =	vand.u32 $0x7F, v17;
	v19 =	vadd.s32 v18, v19  }
0x257: {  	v19 =	vor.u32 v20, v19;
	_ =	sdelay $0x2  }
0x258: {  	v52 =	vadd.s32 $0x1, v17  }
0x259: {  	v21 =	vand.u32 $0xFFFFFF80, v52  }
0x25a: {  	v20 =	vand.u32 $0x7F, v52;
	v21 =	vadd.s32 v18, v21;
	v19 =	vld.idx.msk [tilespmem:v19+s13+$0x0], $0xffff  }
0x25b: {  	v20 =	vor.u32 v20, v21;
	_ =	sdelay $0x2  }
0x25c: {  	v53 =	vadd.s32 $0x2, v17  }
0x25d: {  	[tilespmem:s29+$0xFFFFF800] =	vst v19;
	v19 =	vand.u32 $0xFFFFFF80, v53  }
0x25e: {  	v21 =	vand.u32 $0x7F, v53;
	v20 =	vld.idx.msk [tilespmem:v20+s13+$0x0], $0xffff;
	v19 =	vadd.s32 v18, v19  }
0x25f: {  	v19 =	vor.u32 v21, v19;
	_ =	sdelay $0x2  }
0x260: {  	v54 =	vadd.s32 $0x3, v17  }
0x261: {  	v55 =	vand.u32 $0xFFFFFF80, v54;
	[tilespmem:s29+$0xFFFFF880] =	vst v20  }
0x262: {  	v21 =	vand.u32 $0x7F, v54;
	v20 =	vadd.s32 v18, v55;
	v19 =	vld.idx.msk [tilespmem:v19+s13+$0x0], $0xffff  }
0x263: {  	v20 =	vor.u32 v21, v20;
	_ =	sdelay $0x2  }
0x264: {  	v56 =	vadd.s32 $0x4, v17  }
0x265: {  	[tilespmem:s29+$0xFFFFF900] =	vst v19;
	v19 =	vand.u32 $0xFFFFFF80, v56  }
0x266: {  	v21 =	vand.u32 $0x7F, v56;
	v20 =	vld.idx.msk [tilespmem:v20+s13+$0x0], $0xffff;
	v19 =	vadd.s32 v18, v19  }
0x267: {  	v19 =	vor.u32 v21, v19;
	_ =	sdelay $0x2  }
0x268: {  	v57 =	vadd.s32 $0x5, v17  }
0x269: {  	v58 =	vand.u32 $0xFFFFFF80, v57;
	[tilespmem:s29+$0xFFFFF980] =	vst v20  }
0x26a: {  	v21 =	vand.u32 $0x7F, v57;
	v20 =	vadd.s32 v18, v58;
	v19 =	vld.idx.msk [tilespmem:v19+s13+$0x0], $0xffff  }
0x26b: {  	v20 =	vor.u32 v21, v20;
	_ =	sdelay $0x2  }
0x26c: {  	v59 =	vadd.s32 $0x6, v17  }
0x26d: {  	[tilespmem:s29+$0xFFFFFA00] =	vst v19;
	v19 =	vand.u32 $0xFFFFFF80, v59  }
0x26e: {  	v21 =	vand.u32 $0x7F, v59;
	v20 =	vld.idx.msk [tilespmem:v20+s13+$0x0], $0xffff;
	v19 =	vadd.s32 v18, v19  }
0x26f: {  	v19 =	vor.u32 v21, v19;
	_ =	sdelay $0x2  }
0x270: {  	v60 =	vadd.s32 $0x7, v17  }
0x271: {  	v61 =	vand.u32 $0xFFFFFF80, v60;
	[tilespmem:s29+$0xFFFFFA80] =	vst v20  }
0x272: {  	v21 =	vand.u32 $0x7F, v60;
	v20 =	vadd.s32 v18, v61;
	v19 =	vld.idx.msk [tilespmem:v19+s13+$0x0], $0xffff  }
0x273: {  	v20 =	vor.u32 v21, v20;
	_ =	sdelay $0x2  }
0x274: {  	v62 =	vadd.s32 $0x8, v17  }
0x275: {  	[tilespmem:s29+$0xFFFFFB00] =	vst v19;
	v19 =	vand.u32 $0xFFFFFF80, v62  }
0x276: {  	v21 =	vand.u32 $0x7F, v62;
	v20 =	vld.idx.msk [tilespmem:v20+s13+$0x0], $0xffff;
	v19 =	vadd.s32 v18, v19  }
0x277: {  	v19 =	vor.u32 v21, v19;
	_ =	sdelay $0x2  }
0x278: {  	v63 =	vadd.s32 $0x9, v17  }
0x279: {  	v24 =	vand.u32 $0xFFFFFF80, v63;
	[tilespmem:s29+$0xFFFFFB80] =	vst v20  }
0x27a: {  	v21 =	vand.u32 $0x7F, v63;
	v20 =	vadd.s32 v18, v24;
	v19 =	vld.idx.msk [tilespmem:v19+s13+$0x0], $0xffff  }
0x27b: {  	v20 =	vor.u32 v21, v20;
	_ =	sdelay $0x2  }
0x27c: {  	v25 =	vadd.s32 $0xA, v17  }
0x27d: {  	[tilespmem:s29+$0xFFFFFC00] =	vst v19;
	v19 =	vand.u32 $0xFFFFFF80, v25  }
0x27e: {  	v21 =	vand.u32 $0x7F, v25;
	v20 =	vld.idx.msk [tilespmem:v20+s13+$0x0], $0xffff;
	v19 =	vadd.s32 v18, v19  }
0x27f: {  	v19 =	vor.u32 v21, v19;
	_ =	sdelay $0x2  }
0x280: {  	v26 =	vadd.s32 $0xB, v17  }
0x281: {  	v27 =	vand.u32 $0xFFFFFF80, v26;
	[tilespmem:s29+$0xFFFFFC80] =	vst v20  }
0x282: {  	v21 =	vand.u32 $0x7F, v26;
	v20 =	vadd.s32 v18, v27;
	v19 =	vld.idx.msk [tilespmem:v19+s13+$0x0], $0xffff  }
0x283: {  	v20 =	vor.u32 v21, v20;
	_ =	sdelay $0x2  }
0x284: {  	v28 =	vadd.s32 $0xC, v17  }
0x285: {  	[tilespmem:s29+$0xFFFFFD00] =	vst v19;
	v19 =	vand.u32 $0xFFFFFF80, v28  }
0x286: {  	v21 =	vand.u32 $0x7F, v28;
	v20 =	vld.idx.msk [tilespmem:v20+s13+$0x0], $0xffff;
	v19 =	vadd.s32 v18, v19  }
0x287: {  	v19 =	vor.u32 v21, v19;
	_ =	sdelay $0x2  }
0x288: {  	v29 =	vadd.s32 $0xD, v17  }
0x289: {  	v30 =	vand.u32 $0xFFFFFF80, v29;
	[tilespmem:s29+$0xFFFFFD80] =	vst v20  }
0x28a: {  	v21 =	vand.u32 $0x7F, v29;
	v20 =	vadd.s32 v18, v30;
	v19 =	vld.idx.msk [tilespmem:v19+s13+$0x0], $0xffff  }
0x28b: {  	v20 =	vor.u32 v21, v20;
	_ =	sdelay $0x2  }
0x28c: {  	v31 =	vadd.s32 $0xE, v17  }
0x28d: {  	[tilespmem:s29+$0xFFFFFE00] =	vst v19;
	v19 =	vand.u32 $0xFFFFFF80, v31  }
0x28e: {  	v21 =	vand.u32 $0x7F, v31;
	v20 =	vld.idx.msk [tilespmem:v20+s13+$0x0], $0xffff;
	v19 =	vadd.s32 v18, v19  }
0x28f: {  	v19 =	vor.u32 v21, v19;
	_ =	sdelay $0x2  }
0x290: {  	v32 =	vadd.s32 $0xF, v17  }
0x291: {  	v33 =	vand.u32 $0xFFFFFF80, v32;
	[tilespmem:s29+$0xFFFFFE80] =	vst v20  }
0x292: {  	v21 =	vand.u32 $0x7F, v32;
	v20 =	vadd.s32 v18, v33;
	v19 =	vld.idx.msk [tilespmem:v19+s13+$0x0], $0xffff  }
0x293: {  	v20 =	vor.u32 v21, v20;
	_ =	sdelay $0x2  }
0x294: {  	v34 =	vadd.s32 $0x10, v17  }
0x295: {  	[tilespmem:s29+$0xFFFFFF00] =	vst v19;
	v19 =	vand.u32 $0xFFFFFF80, v34  }
0x296: {  	v21 =	vand.u32 $0x7F, v34;
	v20 =	vld.idx.msk [tilespmem:v20+s13+$0x0], $0xffff;
	v19 =	vadd.s32 v18, v19  }
0x297: {  	v19 =	vor.u32 v21, v19;
	_ =	sdelay $0x2  }
0x298: {  	v35 =	vadd.s32 $0x11, v17  }
0x299: {  	v36 =	vand.u32 $0xFFFFFF80, v35;
	[tilespmem:s29+$0xFFFFFF80] =	vst v20  }
0x29a: {  	v21 =	vand.u32 $0x7F, v35;
	v20 =	vadd.s32 v18, v36;
	v19 =	vld.idx.msk [tilespmem:v19+s13+$0x0], $0xffff  }
0x29b: {  	v20 =	vor.u32 v21, v20;
	_ =	sdelay $0x2  }
0x29c: {  	v37 =	vadd.s32 $0x12, v17  }
0x29d: {  	[tilespmem:s29+$0x0] =	vst v19;
	v19 =	vand.u32 $0xFFFFFF80, v37  }
0x29e: {  	v21 =	vand.u32 $0x7F, v37;
	v20 =	vld.idx.msk [tilespmem:v20+s13+$0x0], $0xffff;
	v19 =	vadd.s32 v18, v19  }
0x29f: {  	v19 =	vor.u32 v21, v19;
	_ =	sdelay $0x2  }
0x2a0: {  	v38 =	vadd.s32 $0x13, v17  }
0x2a1: {  	v39 =	vand.u32 $0xFFFFFF80, v38;
	[tilespmem:s29+$0x80] =	vst v20  }
0x2a2: {  	v21 =	vand.u32 $0x7F, v38;
	v20 =	vadd.s32 v18, v39;
	v19 =	vld.idx.msk [tilespmem:v19+s13+$0x0], $0xffff  }
0x2a3: {  	v20 =	vor.u32 v21, v20;
	_ =	sdelay $0x2  }
0x2a4: {  	v40 =	vadd.s32 $0x14, v17  }
0x2a5: {  	[tilespmem:s29+$0x100] =	vst v19;
	v19 =	vand.u32 $0xFFFFFF80, v40  }
0x2a6: {  	v21 =	vand.u32 $0x7F, v40;
	v20 =	vld.idx.msk [tilespmem:v20+s13+$0x0], $0xffff;
	v19 =	vadd.s32 v18, v19  }
0x2a7: {  	v19 =	vor.u32 v21, v19;
	_ =	sdelay $0x2  }
0x2a8: {  	v41 =	vadd.s32 $0x15, v17  }
0x2a9: {  	v42 =	vand.u32 $0xFFFFFF80, v41;
	[tilespmem:s29+$0x180] =	vst v20  }
0x2aa: {  	v21 =	vand.u32 $0x7F, v41;
	v20 =	vadd.s32 v18, v42;
	v19 =	vld.idx.msk [tilespmem:v19+s13+$0x0], $0xffff  }
0x2ab: {  	v20 =	vor.u32 v21, v20;
	_ =	sdelay $0x2  }
0x2ac: {  	v43 =	vadd.s32 $0x16, v17  }
0x2ad: {  	[tilespmem:s29+$0x200] =	vst v19;
	v19 =	vand.u32 $0xFFFFFF80, v43  }
0x2ae: {  	v21 =	vand.u32 $0x7F, v43;
	v20 =	vld.idx.msk [tilespmem:v20+s13+$0x0], $0xffff;
	v19 =	vadd.s32 v18, v19  }
0x2af: {  	v19 =	vor.u32 v21, v19;
	_ =	sdelay $0x2  }
0x2b0: {  	v44 =	vadd.s32 $0x17, v17  }
0x2b1: {  	v45 =	vand.u32 $0xFFFFFF80, v44;
	[tilespmem:s29+$0x280] =	vst v20  }
0x2b2: {  	v21 =	vand.u32 $0x7F, v44;
	v20 =	vadd.s32 v18, v45;
	v19 =	vld.idx.msk [tilespmem:v19+s13+$0x0], $0xffff  }
0x2b3: {  	v20 =	vor.u32 v21, v20;
	_ =	sdelay $0x2  }
0x2b4: {  	v46 =	vadd.s32 $0x18, v17  }
0x2b5: {  	[tilespmem:s29+$0x300] =	vst v19;
	v19 =	vand.u32 $0xFFFFFF80, v46  }
0x2b6: {  	v21 =	vand.u32 $0x7F, v46;
	v20 =	vld.idx.msk [tilespmem:v20+s13+$0x0], $0xffff;
	v19 =	vadd.s32 v18, v19  }
0x2b7: {  	v19 =	vor.u32 v21, v19;
	_ =	sdelay $0x2  }
0x2b8: {  	v47 =	vadd.s32 $0x19, v17  }
0x2b9: {  	v48 =	vand.u32 $0xFFFFFF80, v47;
	[tilespmem:s29+$0x380] =	vst v20  }
0x2ba: {  	v21 =	vand.u32 $0x7F, v47;
	v20 =	vadd.s32 v18, v48;
	v19 =	vld.idx.msk [tilespmem:v19+s13+$0x0], $0xffff  }
0x2bb: {  	v20 =	vor.u32 v21, v20;
	_ =	sdelay $0x2  }
0x2bc: {  	v49 =	vadd.s32 $0x1A, v17  }
0x2bd: {  	[tilespmem:s29+$0x400] =	vst v19;
	v19 =	vand.u32 $0xFFFFFF80, v49  }
0x2be: {  	v21 =	vand.u32 $0x7F, v49;
	v20 =	vld.idx.msk [tilespmem:v20+s13+$0x0], $0xffff;
	v19 =	vadd.s32 v18, v19  }
0x2bf: {  	v19 =	vor.u32 v21, v19;
	_ =	sdelay $0x2  }
0x2c0: {  	v50 =	vadd.s32 $0x1B, v17  }
0x2c1: {  	v51 =	vand.u32 $0xFFFFFF80, v50;
	[tilespmem:s29+$0x480] =	vst v20  }
0x2c2: {  	v21 =	vand.u32 $0x7F, v50;
	v20 =	vadd.s32 v18, v51;
	v19 =	vld.idx.msk [tilespmem:v19+s13+$0x0], $0xffff  }
0x2c3: {  	v20 =	vor.u32 v21, v20;
	_ =	sdelay $0x2  }
0x2c4: {  	v52 =	vadd.s32 $0x1C, v17  }
0x2c5: {  	[tilespmem:s29+$0x500] =	vst v19;
	v19 =	vand.u32 $0xFFFFFF80, v52  }
0x2c6: {  	v21 =	vand.u32 $0x7F, v52;
	v20 =	vld.idx.msk [tilespmem:v20+s13+$0x0], $0xffff;
	v19 =	vadd.s32 v18, v19  }
0x2c7: {  	v19 =	vor.u32 v21, v19;
	_ =	sdelay $0x2  }
0x2c8: {  	v53 =	vadd.s32 $0x1D, v17  }
0x2c9: {  	v54 =	vand.u32 $0xFFFFFF80, v53;
	[tilespmem:s29+$0x580] =	vst v20  }
0x2ca: {  	v21 =	vand.u32 $0x7F, v53;
	v20 =	vadd.s32 v18, v54;
	v19 =	vld.idx.msk [tilespmem:v19+s13+$0x0], $0xffff  }
0x2cb: {  	v20 =	vor.u32 v21, v20;
	_ =	sdelay $0x2  }
0x2cc: {  	v55 =	vadd.s32 $0x1E, v17  }
0x2cd: {  	[tilespmem:s29+$0x600] =	vst v19;
	v19 =	vand.u32 $0xFFFFFF80, v55  }
0x2ce: {  	v21 =	vand.u32 $0x7F, v55;
	v20 =	vld.idx.msk [tilespmem:v20+s13+$0x0], $0xffff;
	v19 =	vadd.s32 v18, v19  }
0x2cf: {  	v19 =	vor.u32 v21, v19;
	_ =	sdelay $0x2  }
0x2d0: {  	v17 =	vadd.s32 $0x1F, v17  }
0x2d1: {  	v56 =	vand.u32 $0xFFFFFF80, v17;
	[tilespmem:s29+$0x680] =	vst v20  }
0x2d2: {  	v17 =	vand.u32 $0x7F, v17;
	v18 =	vadd.s32 v18, v56;
	v19 =	vld.idx.msk [tilespmem:v19+s13+$0x0], $0xffff  }
0x2d3: {  	v17 =	vor.u32 v17, v18;
	_ =	sdelay $0x3  }
0x2d4: {  	[tilespmem:s29+$0x700] =	vst v19  }
0x2d5: {  	v17 =	vld.idx.msk [tilespmem:v17+s13+$0x0], $0xffff;
	_ =	sdelay $0x4  }
0x2d6: {  	[tilespmem:s29+$0x780] =	vst v17  }
0x2d7: {  	v18 =	vld [tilespmem:s28+$0x0];
	_ =	sdelay $0x2  }
0x2d8: {  	v17 =	vmov s26  }
0x2d9: {  	v17 =	vshll.u32 v17, $0x7  }
0x2da: {  	v17 =	vor.u32 v16, v17;
	v19 =	vand.u32 $0xFFFFFF80, v18  }
0x2db: {  	v57 =	vand.u32 $0x7F, v18;
	v19 =	vadd.s32 v17, v19  }
0x2dc: {  	v19 =	vor.u32 v57, v19;
	_ =	sdelay $0x2  }
0x2dd: {  	v58 =	vadd.s32 $0x1, v18  }
0x2de: {  	v59 =	vand.u32 $0xFFFFFF80, v58  }
0x2df: {  	v20 =	vand.u32 $0x7F, v58;
	v21 =	vadd.s32 v17, v59;
	v19 =	vld.idx.msk [tilespmem:v19+s13+$0x0], $0xffff  }
0x2e0: {  	v20 =	vor.u32 v20, v21;
	_ =	sdelay $0x2  }
0x2e1: {  	v60 =	vadd.s32 $0x2, v18  }
0x2e2: {  	[tilespmem:s29+$0xFFFFF810] =	vst v19;
	v19 =	vand.u32 $0xFFFFFF80, v60  }
0x2e3: {  	v21 =	vand.u32 $0x7F, v60;
	v20 =	vld.idx.msk [tilespmem:v20+s13+$0x0], $0xffff;
	v19 =	vadd.s32 v17, v19  }
0x2e4: {  	v19 =	vor.u32 v21, v19;
	_ =	sdelay $0x2  }
0x2e5: {  	v61 =	vadd.s32 $0x3, v18  }
0x2e6: {  	v62 =	vand.u32 $0xFFFFFF80, v61;
	[tilespmem:s29+$0xFFFFF890] =	vst v20  }
0x2e7: {  	v21 =	vand.u32 $0x7F, v61;
	v20 =	vadd.s32 v17, v62;
	v19 =	vld.idx.msk [tilespmem:v19+s13+$0x0], $0xffff  }
0x2e8: {  	v20 =	vor.u32 v21, v20;
	_ =	sdelay $0x2  }
0x2e9: {  	v63 =	vadd.s32 $0x4, v18  }
0x2ea: {  	[tilespmem:s29+$0xFFFFF910] =	vst v19;
	v19 =	vand.u32 $0xFFFFFF80, v63  }
0x2eb: {  	v21 =	vand.u32 $0x7F, v63;
	v20 =	vld.idx.msk [tilespmem:v20+s13+$0x0], $0xffff;
	v19 =	vadd.s32 v17, v19  }
0x2ec: {  	v19 =	vor.u32 v21, v19;
	_ =	sdelay $0x2  }
0x2ed: {  	v24 =	vadd.s32 $0x5, v18  }
0x2ee: {  	v25 =	vand.u32 $0xFFFFFF80, v24;
	[tilespmem:s29+$0xFFFFF990] =	vst v20  }
0x2ef: {  	v21 =	vand.u32 $0x7F, v24;
	v20 =	vadd.s32 v17, v25;
	v19 =	vld.idx.msk [tilespmem:v19+s13+$0x0], $0xffff  }
0x2f0: {  	v20 =	vor.u32 v21, v20;
	_ =	sdelay $0x2  }
0x2f1: {  	v26 =	vadd.s32 $0x6, v18  }
0x2f2: {  	[tilespmem:s29+$0xFFFFFA10] =	vst v19;
	v19 =	vand.u32 $0xFFFFFF80, v26  }
0x2f3: {  	v21 =	vand.u32 $0x7F, v26;
	v20 =	vld.idx.msk [tilespmem:v20+s13+$0x0], $0xffff;
	v19 =	vadd.s32 v17, v19  }
0x2f4: {  	v19 =	vor.u32 v21, v19;
	_ =	sdelay $0x2  }
0x2f5: {  	v27 =	vadd.s32 $0x7, v18  }
0x2f6: {  	v28 =	vand.u32 $0xFFFFFF80, v27;
	[tilespmem:s29+$0xFFFFFA90] =	vst v20  }
0x2f7: {  	v21 =	vand.u32 $0x7F, v27;
	v20 =	vadd.s32 v17, v28;
	v19 =	vld.idx.msk [tilespmem:v19+s13+$0x0], $0xffff  }
0x2f8: {  	v20 =	vor.u32 v21, v20;
	_ =	sdelay $0x2  }
0x2f9: {  	v29 =	vadd.s32 $0x8, v18  }
0x2fa: {  	[tilespmem:s29+$0xFFFFFB10] =	vst v19;
	v19 =	vand.u32 $0xFFFFFF80, v29  }
0x2fb: {  	v21 =	vand.u32 $0x7F, v29;
	v20 =	vld.idx.msk [tilespmem:v20+s13+$0x0], $0xffff;
	v19 =	vadd.s32 v17, v19  }
0x2fc: {  	v19 =	vor.u32 v21, v19;
	_ =	sdelay $0x2  }
0x2fd: {  	v30 =	vadd.s32 $0x9, v18  }
0x2fe: {  	v31 =	vand.u32 $0xFFFFFF80, v30;
	[tilespmem:s29+$0xFFFFFB90] =	vst v20  }
0x2ff: {  	v21 =	vand.u32 $0x7F, v30;
	v20 =	vadd.s32 v17, v31;
	v19 =	vld.idx.msk [tilespmem:v19+s13+$0x0], $0xffff  }
0x300: {  	v20 =	vor.u32 v21, v20;
	_ =	sdelay $0x2  }
0x301: {  	v32 =	vadd.s32 $0xA, v18  }
0x302: {  	[tilespmem:s29+$0xFFFFFC10] =	vst v19;
	v19 =	vand.u32 $0xFFFFFF80, v32  }
0x303: {  	v21 =	vand.u32 $0x7F, v32;
	v20 =	vld.idx.msk [tilespmem:v20+s13+$0x0], $0xffff;
	v19 =	vadd.s32 v17, v19  }
0x304: {  	v19 =	vor.u32 v21, v19;
	_ =	sdelay $0x2  }
0x305: {  	v33 =	vadd.s32 $0xB, v18  }
0x306: {  	v34 =	vand.u32 $0xFFFFFF80, v33;
	[tilespmem:s29+$0xFFFFFC90] =	vst v20  }
0x307: {  	v21 =	vand.u32 $0x7F, v33;
	v20 =	vadd.s32 v17, v34;
	v19 =	vld.idx.msk [tilespmem:v19+s13+$0x0], $0xffff  }
0x308: {  	v20 =	vor.u32 v21, v20;
	_ =	sdelay $0x2  }
0x309: {  	v35 =	vadd.s32 $0xC, v18  }
0x30a: {  	[tilespmem:s29+$0xFFFFFD10] =	vst v19;
	v19 =	vand.u32 $0xFFFFFF80, v35  }
0x30b: {  	v21 =	vand.u32 $0x7F, v35;
	v20 =	vld.idx.msk [tilespmem:v20+s13+$0x0], $0xffff;
	v19 =	vadd.s32 v17, v19  }
0x30c: {  	v19 =	vor.u32 v21, v19;
	_ =	sdelay $0x2  }
0x30d: {  	v36 =	vadd.s32 $0xD, v18  }
0x30e: {  	v37 =	vand.u32 $0xFFFFFF80, v36;
	[tilespmem:s29+$0xFFFFFD90] =	vst v20  }
0x30f: {  	v21 =	vand.u32 $0x7F, v36;
	v20 =	vadd.s32 v17, v37;
	v19 =	vld.idx.msk [tilespmem:v19+s13+$0x0], $0xffff  }
0x310: {  	v20 =	vor.u32 v21, v20;
	_ =	sdelay $0x2  }
0x311: {  	v38 =	vadd.s32 $0xE, v18  }
0x312: {  	[tilespmem:s29+$0xFFFFFE10] =	vst v19;
	v19 =	vand.u32 $0xFFFFFF80, v38  }
0x313: {  	v21 =	vand.u32 $0x7F, v38;
	v20 =	vld.idx.msk [tilespmem:v20+s13+$0x0], $0xffff;
	v19 =	vadd.s32 v17, v19  }
0x314: {  	v19 =	vor.u32 v21, v19;
	_ =	sdelay $0x2  }
0x315: {  	v39 =	vadd.s32 $0xF, v18  }
0x316: {  	v40 =	vand.u32 $0xFFFFFF80, v39;
	[tilespmem:s29+$0xFFFFFE90] =	vst v20  }
0x317: {  	v21 =	vand.u32 $0x7F, v39;
	v20 =	vadd.s32 v17, v40;
	v19 =	vld.idx.msk [tilespmem:v19+s13+$0x0], $0xffff  }
0x318: {  	v20 =	vor.u32 v21, v20;
	_ =	sdelay $0x2  }
0x319: {  	v41 =	vadd.s32 $0x10, v18  }
0x31a: {  	[tilespmem:s29+$0xFFFFFF10] =	vst v19;
	v19 =	vand.u32 $0xFFFFFF80, v41  }
0x31b: {  	v21 =	vand.u32 $0x7F, v41;
	v20 =	vld.idx.msk [tilespmem:v20+s13+$0x0], $0xffff;
	v19 =	vadd.s32 v17, v19  }
0x31c: {  	v19 =	vor.u32 v21, v19;
	_ =	sdelay $0x2  }
0x31d: {  	v42 =	vadd.s32 $0x11, v18  }
0x31e: {  	v43 =	vand.u32 $0xFFFFFF80, v42;
	[tilespmem:s29+$0xFFFFFF90] =	vst v20  }
0x31f: {  	v21 =	vand.u32 $0x7F, v42;
	v20 =	vadd.s32 v17, v43;
	v19 =	vld.idx.msk [tilespmem:v19+s13+$0x0], $0xffff  }
0x320: {  	v20 =	vor.u32 v21, v20;
	_ =	sdelay $0x2  }
0x321: {  	v44 =	vadd.s32 $0x12, v18  }
0x322: {  	[tilespmem:s29+$0x10] =	vst v19;
	v19 =	vand.u32 $0xFFFFFF80, v44  }
0x323: {  	v21 =	vand.u32 $0x7F, v44;
	v20 =	vld.idx.msk [tilespmem:v20+s13+$0x0], $0xffff;
	v19 =	vadd.s32 v17, v19  }
0x324: {  	v19 =	vor.u32 v21, v19;
	_ =	sdelay $0x2  }
0x325: {  	v45 =	vadd.s32 $0x13, v18  }
0x326: {  	v46 =	vand.u32 $0xFFFFFF80, v45;
	[tilespmem:s29+$0x90] =	vst v20  }
0x327: {  	v21 =	vand.u32 $0x7F, v45;
	v20 =	vadd.s32 v17, v46;
	v19 =	vld.idx.msk [tilespmem:v19+s13+$0x0], $0xffff  }
0x328: {  	v20 =	vor.u32 v21, v20;
	_ =	sdelay $0x2  }
0x329: {  	v47 =	vadd.s32 $0x14, v18  }
0x32a: {  	[tilespmem:s29+$0x110] =	vst v19;
	v19 =	vand.u32 $0xFFFFFF80, v47  }
0x32b: {  	v21 =	vand.u32 $0x7F, v47;
	v20 =	vld.idx.msk [tilespmem:v20+s13+$0x0], $0xffff;
	v19 =	vadd.s32 v17, v19  }
0x32c: {  	v19 =	vor.u32 v21, v19;
	_ =	sdelay $0x2  }
0x32d: {  	v48 =	vadd.s32 $0x15, v18  }
0x32e: {  	v49 =	vand.u32 $0xFFFFFF80, v48;
	[tilespmem:s29+$0x190] =	vst v20  }
0x32f: {  	v21 =	vand.u32 $0x7F, v48;
	v20 =	vadd.s32 v17, v49;
	v19 =	vld.idx.msk [tilespmem:v19+s13+$0x0], $0xffff  }
0x330: {  	v20 =	vor.u32 v21, v20;
	_ =	sdelay $0x2  }
0x331: {  	v50 =	vadd.s32 $0x16, v18  }
0x332: {  	[tilespmem:s29+$0x210] =	vst v19;
	v19 =	vand.u32 $0xFFFFFF80, v50  }
0x333: {  	v21 =	vand.u32 $0x7F, v50;
	v20 =	vld.idx.msk [tilespmem:v20+s13+$0x0], $0xffff;
	v19 =	vadd.s32 v17, v19  }
0x334: {  	v19 =	vor.u32 v21, v19;
	_ =	sdelay $0x2  }
0x335: {  	v51 =	vadd.s32 $0x17, v18  }
0x336: {  	v52 =	vand.u32 $0xFFFFFF80, v51;
	[tilespmem:s29+$0x290] =	vst v20  }
0x337: {  	v21 =	vand.u32 $0x7F, v51;
	v20 =	vadd.s32 v17, v52;
	v19 =	vld.idx.msk [tilespmem:v19+s13+$0x0], $0xffff  }
0x338: {  	v20 =	vor.u32 v21, v20;
	_ =	sdelay $0x2  }
0x339: {  	v53 =	vadd.s32 $0x18, v18  }
0x33a: {  	[tilespmem:s29+$0x310] =	vst v19;
	v19 =	vand.u32 $0xFFFFFF80, v53  }
0x33b: {  	v21 =	vand.u32 $0x7F, v53;
	v20 =	vld.idx.msk [tilespmem:v20+s13+$0x0], $0xffff;
	v19 =	vadd.s32 v17, v19  }
0x33c: {  	v19 =	vor.u32 v21, v19;
	_ =	sdelay $0x2  }
0x33d: {  	v54 =	vadd.s32 $0x19, v18  }
0x33e: {  	v55 =	vand.u32 $0xFFFFFF80, v54;
	[tilespmem:s29+$0x390] =	vst v20  }
0x33f: {  	v21 =	vand.u32 $0x7F, v54;
	v20 =	vadd.s32 v17, v55;
	v19 =	vld.idx.msk [tilespmem:v19+s13+$0x0], $0xffff  }
0x340: {  	v20 =	vor.u32 v21, v20;
	_ =	sdelay $0x2  }
0x341: {  	v56 =	vadd.s32 $0x1A, v18  }
0x342: {  	[tilespmem:s29+$0x410] =	vst v19;
	v19 =	vand.u32 $0xFFFFFF80, v56  }
0x343: {  	v21 =	vand.u32 $0x7F, v56;
	v20 =	vld.idx.msk [tilespmem:v20+s13+$0x0], $0xffff;
	v19 =	vadd.s32 v17, v19  }
0x344: {  	v19 =	vor.u32 v21, v19;
	_ =	sdelay $0x2  }
0x345: {  	v57 =	vadd.s32 $0x1B, v18  }
0x346: {  	v58 =	vand.u32 $0xFFFFFF80, v57;
	[tilespmem:s29+$0x490] =	vst v20  }
0x347: {  	v21 =	vand.u32 $0x7F, v57;
	v20 =	vadd.s32 v17, v58;
	v19 =	vld.idx.msk [tilespmem:v19+s13+$0x0], $0xffff  }
0x348: {  	v20 =	vor.u32 v21, v20;
	_ =	sdelay $0x2  }
0x349: {  	v59 =	vadd.s32 $0x1C, v18  }
0x34a: {  	[tilespmem:s29+$0x510] =	vst v19;
	v19 =	vand.u32 $0xFFFFFF80, v59  }
0x34b: {  	v21 =	vand.u32 $0x7F, v59;
	v20 =	vld.idx.msk [tilespmem:v20+s13+$0x0], $0xffff;
	v19 =	vadd.s32 v17, v19  }
0x34c: {  	v19 =	vor.u32 v21, v19;
	_ =	sdelay $0x2  }
0x34d: {  	v60 =	vadd.s32 $0x1D, v18  }
0x34e: {  	v61 =	vand.u32 $0xFFFFFF80, v60;
	[tilespmem:s29+$0x590] =	vst v20  }
0x34f: {  	v21 =	vand.u32 $0x7F, v60;
	v20 =	vadd.s32 v17, v61;
	v19 =	vld.idx.msk [tilespmem:v19+s13+$0x0], $0xffff  }
0x350: {  	v20 =	vor.u32 v21, v20;
	_ =	sdelay $0x2  }
0x351: {  	v62 =	vadd.s32 $0x1E, v18  }
0x352: {  	[tilespmem:s29+$0x610] =	vst v19;
	v19 =	vand.u32 $0xFFFFFF80, v62  }
0x353: {  	v21 =	vand.u32 $0x7F, v62;
	v20 =	vld.idx.msk [tilespmem:v20+s13+$0x0], $0xffff;
	v19 =	vadd.s32 v17, v19  }
0x354: {  	v19 =	vor.u32 v21, v19;
	_ =	sdelay $0x2  }
0x355: {  	v18 =	vadd.s32 $0x1F, v18  }
0x356: {  	v63 =	vand.u32 $0xFFFFFF80, v18;
	[tilespmem:s29+$0x690] =	vst v20  }
0x357: {  	v18 =	vand.u32 $0x7F, v18;
	v17 =	vadd.s32 v17, v63;
	v19 =	vld.idx.msk [tilespmem:v19+s13+$0x0], $0xffff  }
0x358: {  	v17 =	vor.u32 v18, v17;
	_ =	sdelay $0x3  }
0x359: {  	s25 =	sadd.s32 $0x2, s25;
	[tilespmem:s29+$0x710] =	vst v19  }
0x35a: {  	p0 =	slt.u32 s25, $0x6;
	v17 =	vld.idx.msk [tilespmem:v17+s13+$0x0], $0xffff  }
.Ltmp11:
0x35b: {  	_ = 	snop;
	(pc) =	sbr.rel @p0 .LBB2_11-.Ltmp11, $2  }
0x35c: {  	_ =	sdelay $0x2  }
0x35d: {  	s26 =	sadd.s32 $0x20, s26;
	s28 =	sadd.s32 $0x20, s28;
	[tilespmem:s29+$0x790] =	vst v17;
	s29 =	sadd.s32 $0x20, s29  }
.Ltmp12:
0x35e: {  	_ = 	snop;
	(pc) =	sbr.rel .LBB2_16-.Ltmp12, $1  }
0x35f: {  	_ =	sdelay $0x3  }
.LBB2_12:
0x360: {  	s24 =	simm.s32 @p0 $0x0;
	s25 =	simm.s32 $0xFFFFFFFE  }
0x361: {  	s26 =	simm.s32 $0x0;
	s28 =	simm.s32 $0x1B10;
	s29 =	simm.s32 $0x12500  }
.LBB2_13:
0x362: {  	v18 =	vld [tilespmem:s28+$0xFFFFFFF0];
	_ =	sdelay $0x2  }
0x363: {  	v17 =	vmov s26  }
0x364: {  	v17 =	vshll.u32 v17, $0x7  }
0x365: {  	v17 =	vor.u32 v16, v17;
	v19 =	vand.u32 $0xFFFFFF80, v18  }
0x366: {  	v20 =	vand.u32 $0x7F, v18;
	v19 =	vadd.s32 v17, v19  }
0x367: {  	v19 =	vor.u32 v20, v19;
	_ =	sdelay $0x2  }
0x368: {  	v52 =	vadd.s32 $0x1, v18  }
0x369: {  	v21 =	vand.u32 $0xFFFFFF80, v52  }
0x36a: {  	v20 =	vand.u32 $0x7F, v52;
	v21 =	vadd.s32 v17, v21;
	v19 =	vld.idx.msk [tilespmem:v19+s11+$0x0], $0xffff  }
0x36b: {  	v20 =	vor.u32 v20, v21;
	_ =	sdelay $0x2  }
0x36c: {  	v53 =	vadd.s32 $0x2, v18  }
0x36d: {  	[tilespmem:s29+$0xFFFFF800] =	vst v19;
	v19 =	vand.u32 $0xFFFFFF80, v53  }
0x36e: {  	v21 =	vand.u32 $0x7F, v53;
	v20 =	vld.idx.msk [tilespmem:v20+s11+$0x0], $0xffff;
	v19 =	vadd.s32 v17, v19  }
0x36f: {  	v19 =	vor.u32 v21, v19;
	_ =	sdelay $0x2  }
0x370: {  	v54 =	vadd.s32 $0x3, v18  }
0x371: {  	v55 =	vand.u32 $0xFFFFFF80, v54;
	[tilespmem:s29+$0xFFFFF880] =	vst v20  }
0x372: {  	v21 =	vand.u32 $0x7F, v54;
	v20 =	vadd.s32 v17, v55;
	v19 =	vld.idx.msk [tilespmem:v19+s11+$0x0], $0xffff  }
0x373: {  	v20 =	vor.u32 v21, v20;
	_ =	sdelay $0x2  }
0x374: {  	v56 =	vadd.s32 $0x4, v18  }
0x375: {  	[tilespmem:s29+$0xFFFFF900] =	vst v19;
	v19 =	vand.u32 $0xFFFFFF80, v56  }
0x376: {  	v21 =	vand.u32 $0x7F, v56;
	v20 =	vld.idx.msk [tilespmem:v20+s11+$0x0], $0xffff;
	v19 =	vadd.s32 v17, v19  }
0x377: {  	v19 =	vor.u32 v21, v19;
	_ =	sdelay $0x2  }
0x378: {  	v57 =	vadd.s32 $0x5, v18  }
0x379: {  	v58 =	vand.u32 $0xFFFFFF80, v57;
	[tilespmem:s29+$0xFFFFF980] =	vst v20  }
0x37a: {  	v21 =	vand.u32 $0x7F, v57;
	v20 =	vadd.s32 v17, v58;
	v19 =	vld.idx.msk [tilespmem:v19+s11+$0x0], $0xffff  }
0x37b: {  	v20 =	vor.u32 v21, v20;
	_ =	sdelay $0x2  }
0x37c: {  	v59 =	vadd.s32 $0x6, v18  }
0x37d: {  	[tilespmem:s29+$0xFFFFFA00] =	vst v19;
	v19 =	vand.u32 $0xFFFFFF80, v59  }
0x37e: {  	v21 =	vand.u32 $0x7F, v59;
	v20 =	vld.idx.msk [tilespmem:v20+s11+$0x0], $0xffff;
	v19 =	vadd.s32 v17, v19  }
0x37f: {  	v19 =	vor.u32 v21, v19;
	_ =	sdelay $0x2  }
0x380: {  	v60 =	vadd.s32 $0x7, v18  }
0x381: {  	v61 =	vand.u32 $0xFFFFFF80, v60;
	[tilespmem:s29+$0xFFFFFA80] =	vst v20  }
0x382: {  	v21 =	vand.u32 $0x7F, v60;
	v20 =	vadd.s32 v17, v61;
	v19 =	vld.idx.msk [tilespmem:v19+s11+$0x0], $0xffff  }
0x383: {  	v20 =	vor.u32 v21, v20;
	_ =	sdelay $0x2  }
0x384: {  	v62 =	vadd.s32 $0x8, v18  }
0x385: {  	[tilespmem:s29+$0xFFFFFB00] =	vst v19;
	v19 =	vand.u32 $0xFFFFFF80, v62  }
0x386: {  	v21 =	vand.u32 $0x7F, v62;
	v20 =	vld.idx.msk [tilespmem:v20+s11+$0x0], $0xffff;
	v19 =	vadd.s32 v17, v19  }
0x387: {  	v19 =	vor.u32 v21, v19;
	_ =	sdelay $0x2  }
0x388: {  	v63 =	vadd.s32 $0x9, v18  }
0x389: {  	v24 =	vand.u32 $0xFFFFFF80, v63;
	[tilespmem:s29+$0xFFFFFB80] =	vst v20  }
0x38a: {  	v21 =	vand.u32 $0x7F, v63;
	v20 =	vadd.s32 v17, v24;
	v19 =	vld.idx.msk [tilespmem:v19+s11+$0x0], $0xffff  }
0x38b: {  	v20 =	vor.u32 v21, v20;
	_ =	sdelay $0x2  }
0x38c: {  	v25 =	vadd.s32 $0xA, v18  }
0x38d: {  	[tilespmem:s29+$0xFFFFFC00] =	vst v19;
	v19 =	vand.u32 $0xFFFFFF80, v25  }
0x38e: {  	v21 =	vand.u32 $0x7F, v25;
	v20 =	vld.idx.msk [tilespmem:v20+s11+$0x0], $0xffff;
	v19 =	vadd.s32 v17, v19  }
0x38f: {  	v19 =	vor.u32 v21, v19;
	_ =	sdelay $0x2  }
0x390: {  	v26 =	vadd.s32 $0xB, v18  }
0x391: {  	v27 =	vand.u32 $0xFFFFFF80, v26;
	[tilespmem:s29+$0xFFFFFC80] =	vst v20  }
0x392: {  	v21 =	vand.u32 $0x7F, v26;
	v20 =	vadd.s32 v17, v27;
	v19 =	vld.idx.msk [tilespmem:v19+s11+$0x0], $0xffff  }
0x393: {  	v20 =	vor.u32 v21, v20;
	_ =	sdelay $0x2  }
0x394: {  	v28 =	vadd.s32 $0xC, v18  }
0x395: {  	[tilespmem:s29+$0xFFFFFD00] =	vst v19;
	v19 =	vand.u32 $0xFFFFFF80, v28  }
0x396: {  	v21 =	vand.u32 $0x7F, v28;
	v20 =	vld.idx.msk [tilespmem:v20+s11+$0x0], $0xffff;
	v19 =	vadd.s32 v17, v19  }
0x397: {  	v19 =	vor.u32 v21, v19;
	_ =	sdelay $0x2  }
0x398: {  	v29 =	vadd.s32 $0xD, v18  }
0x399: {  	v30 =	vand.u32 $0xFFFFFF80, v29;
	[tilespmem:s29+$0xFFFFFD80] =	vst v20  }
0x39a: {  	v21 =	vand.u32 $0x7F, v29;
	v20 =	vadd.s32 v17, v30;
	v19 =	vld.idx.msk [tilespmem:v19+s11+$0x0], $0xffff  }
0x39b: {  	v20 =	vor.u32 v21, v20;
	_ =	sdelay $0x2  }
0x39c: {  	v31 =	vadd.s32 $0xE, v18  }
0x39d: {  	[tilespmem:s29+$0xFFFFFE00] =	vst v19;
	v19 =	vand.u32 $0xFFFFFF80, v31  }
0x39e: {  	v21 =	vand.u32 $0x7F, v31;
	v20 =	vld.idx.msk [tilespmem:v20+s11+$0x0], $0xffff;
	v19 =	vadd.s32 v17, v19  }
0x39f: {  	v19 =	vor.u32 v21, v19;
	_ =	sdelay $0x2  }
0x3a0: {  	v32 =	vadd.s32 $0xF, v18  }
0x3a1: {  	v33 =	vand.u32 $0xFFFFFF80, v32;
	[tilespmem:s29+$0xFFFFFE80] =	vst v20  }
0x3a2: {  	v21 =	vand.u32 $0x7F, v32;
	v20 =	vadd.s32 v17, v33;
	v19 =	vld.idx.msk [tilespmem:v19+s11+$0x0], $0xffff  }
0x3a3: {  	v20 =	vor.u32 v21, v20;
	_ =	sdelay $0x2  }
0x3a4: {  	v34 =	vadd.s32 $0x10, v18  }
0x3a5: {  	[tilespmem:s29+$0xFFFFFF00] =	vst v19;
	v19 =	vand.u32 $0xFFFFFF80, v34  }
0x3a6: {  	v21 =	vand.u32 $0x7F, v34;
	v20 =	vld.idx.msk [tilespmem:v20+s11+$0x0], $0xffff;
	v19 =	vadd.s32 v17, v19  }
0x3a7: {  	v19 =	vor.u32 v21, v19;
	_ =	sdelay $0x2  }
0x3a8: {  	v35 =	vadd.s32 $0x11, v18  }
0x3a9: {  	v36 =	vand.u32 $0xFFFFFF80, v35;
	[tilespmem:s29+$0xFFFFFF80] =	vst v20  }
0x3aa: {  	v21 =	vand.u32 $0x7F, v35;
	v20 =	vadd.s32 v17, v36;
	v19 =	vld.idx.msk [tilespmem:v19+s11+$0x0], $0xffff  }
0x3ab: {  	v20 =	vor.u32 v21, v20;
	_ =	sdelay $0x2  }
0x3ac: {  	v37 =	vadd.s32 $0x12, v18  }
0x3ad: {  	[tilespmem:s29+$0x0] =	vst v19;
	v19 =	vand.u32 $0xFFFFFF80, v37  }
0x3ae: {  	v21 =	vand.u32 $0x7F, v37;
	v20 =	vld.idx.msk [tilespmem:v20+s11+$0x0], $0xffff;
	v19 =	vadd.s32 v17, v19  }
0x3af: {  	v19 =	vor.u32 v21, v19;
	_ =	sdelay $0x2  }
0x3b0: {  	v38 =	vadd.s32 $0x13, v18  }
0x3b1: {  	v39 =	vand.u32 $0xFFFFFF80, v38;
	[tilespmem:s29+$0x80] =	vst v20  }
0x3b2: {  	v21 =	vand.u32 $0x7F, v38;
	v20 =	vadd.s32 v17, v39;
	v19 =	vld.idx.msk [tilespmem:v19+s11+$0x0], $0xffff  }
0x3b3: {  	v20 =	vor.u32 v21, v20;
	_ =	sdelay $0x2  }
0x3b4: {  	v40 =	vadd.s32 $0x14, v18  }
0x3b5: {  	[tilespmem:s29+$0x100] =	vst v19;
	v19 =	vand.u32 $0xFFFFFF80, v40  }
0x3b6: {  	v21 =	vand.u32 $0x7F, v40;
	v20 =	vld.idx.msk [tilespmem:v20+s11+$0x0], $0xffff;
	v19 =	vadd.s32 v17, v19  }
0x3b7: {  	v19 =	vor.u32 v21, v19;
	_ =	sdelay $0x2  }
0x3b8: {  	v41 =	vadd.s32 $0x15, v18  }
0x3b9: {  	v42 =	vand.u32 $0xFFFFFF80, v41;
	[tilespmem:s29+$0x180] =	vst v20  }
0x3ba: {  	v21 =	vand.u32 $0x7F, v41;
	v20 =	vadd.s32 v17, v42;
	v19 =	vld.idx.msk [tilespmem:v19+s11+$0x0], $0xffff  }
0x3bb: {  	v20 =	vor.u32 v21, v20;
	_ =	sdelay $0x2  }
0x3bc: {  	v43 =	vadd.s32 $0x16, v18  }
0x3bd: {  	[tilespmem:s29+$0x200] =	vst v19;
	v19 =	vand.u32 $0xFFFFFF80, v43  }
0x3be: {  	v21 =	vand.u32 $0x7F, v43;
	v20 =	vld.idx.msk [tilespmem:v20+s11+$0x0], $0xffff;
	v19 =	vadd.s32 v17, v19  }
0x3bf: {  	v19 =	vor.u32 v21, v19;
	_ =	sdelay $0x2  }
0x3c0: {  	v44 =	vadd.s32 $0x17, v18  }
0x3c1: {  	v45 =	vand.u32 $0xFFFFFF80, v44;
	[tilespmem:s29+$0x280] =	vst v20  }
0x3c2: {  	v21 =	vand.u32 $0x7F, v44;
	v20 =	vadd.s32 v17, v45;
	v19 =	vld.idx.msk [tilespmem:v19+s11+$0x0], $0xffff  }
0x3c3: {  	v20 =	vor.u32 v21, v20;
	_ =	sdelay $0x2  }
0x3c4: {  	v46 =	vadd.s32 $0x18, v18  }
0x3c5: {  	[tilespmem:s29+$0x300] =	vst v19;
	v19 =	vand.u32 $0xFFFFFF80, v46  }
0x3c6: {  	v21 =	vand.u32 $0x7F, v46;
	v20 =	vld.idx.msk [tilespmem:v20+s11+$0x0], $0xffff;
	v19 =	vadd.s32 v17, v19  }
0x3c7: {  	v19 =	vor.u32 v21, v19;
	_ =	sdelay $0x2  }
0x3c8: {  	v47 =	vadd.s32 $0x19, v18  }
0x3c9: {  	v48 =	vand.u32 $0xFFFFFF80, v47;
	[tilespmem:s29+$0x380] =	vst v20  }
0x3ca: {  	v21 =	vand.u32 $0x7F, v47;
	v20 =	vadd.s32 v17, v48;
	v19 =	vld.idx.msk [tilespmem:v19+s11+$0x0], $0xffff  }
0x3cb: {  	v20 =	vor.u32 v21, v20;
	_ =	sdelay $0x2  }
0x3cc: {  	v49 =	vadd.s32 $0x1A, v18  }
0x3cd: {  	[tilespmem:s29+$0x400] =	vst v19;
	v19 =	vand.u32 $0xFFFFFF80, v49  }
0x3ce: {  	v21 =	vand.u32 $0x7F, v49;
	v20 =	vld.idx.msk [tilespmem:v20+s11+$0x0], $0xffff;
	v19 =	vadd.s32 v17, v19  }
0x3cf: {  	v19 =	vor.u32 v21, v19;
	_ =	sdelay $0x2  }
0x3d0: {  	v50 =	vadd.s32 $0x1B, v18  }
0x3d1: {  	v51 =	vand.u32 $0xFFFFFF80, v50;
	[tilespmem:s29+$0x480] =	vst v20  }
0x3d2: {  	v21 =	vand.u32 $0x7F, v50;
	v20 =	vadd.s32 v17, v51;
	v19 =	vld.idx.msk [tilespmem:v19+s11+$0x0], $0xffff  }
0x3d3: {  	v20 =	vor.u32 v21, v20;
	_ =	sdelay $0x2  }
0x3d4: {  	v52 =	vadd.s32 $0x1C, v18  }
0x3d5: {  	[tilespmem:s29+$0x500] =	vst v19;
	v19 =	vand.u32 $0xFFFFFF80, v52  }
0x3d6: {  	v21 =	vand.u32 $0x7F, v52;
	v20 =	vld.idx.msk [tilespmem:v20+s11+$0x0], $0xffff;
	v19 =	vadd.s32 v17, v19  }
0x3d7: {  	v19 =	vor.u32 v21, v19;
	_ =	sdelay $0x2  }
0x3d8: {  	v53 =	vadd.s32 $0x1D, v18  }
0x3d9: {  	v54 =	vand.u32 $0xFFFFFF80, v53;
	[tilespmem:s29+$0x580] =	vst v20  }
0x3da: {  	v21 =	vand.u32 $0x7F, v53;
	v20 =	vadd.s32 v17, v54;
	v19 =	vld.idx.msk [tilespmem:v19+s11+$0x0], $0xffff  }
0x3db: {  	v20 =	vor.u32 v21, v20;
	_ =	sdelay $0x2  }
0x3dc: {  	v55 =	vadd.s32 $0x1E, v18  }
0x3dd: {  	[tilespmem:s29+$0x600] =	vst v19;
	v19 =	vand.u32 $0xFFFFFF80, v55  }
0x3de: {  	v21 =	vand.u32 $0x7F, v55;
	v20 =	vld.idx.msk [tilespmem:v20+s11+$0x0], $0xffff;
	v19 =	vadd.s32 v17, v19  }
0x3df: {  	v19 =	vor.u32 v21, v19;
	_ =	sdelay $0x2  }
0x3e0: {  	v18 =	vadd.s32 $0x1F, v18  }
0x3e1: {  	v56 =	vand.u32 $0xFFFFFF80, v18;
	[tilespmem:s29+$0x680] =	vst v20  }
0x3e2: {  	v18 =	vand.u32 $0x7F, v18;
	v17 =	vadd.s32 v17, v56;
	v19 =	vld.idx.msk [tilespmem:v19+s11+$0x0], $0xffff  }
0x3e3: {  	v17 =	vor.u32 v18, v17;
	_ =	sdelay $0x3  }
0x3e4: {  	[tilespmem:s29+$0x700] =	vst v19  }
0x3e5: {  	v17 =	vld.idx.msk [tilespmem:v17+s11+$0x0], $0xffff;
	_ =	sdelay $0x4  }
0x3e6: {  	[tilespmem:s29+$0x780] =	vst v17  }
0x3e7: {  	v17 =	vld [tilespmem:s28+$0x0];
	_ =	sdelay $0x1  }
0x3e8: {  	s30 =	sadd.s32 $0x10, s26  }
0x3e9: {  	v18 =	vmov s30  }
0x3ea: {  	v18 =	vshll.u32 v18, $0x7  }
0x3eb: {  	v18 =	vor.u32 v16, v18;
	v19 =	vand.u32 $0xFFFFFF80, v17  }
0x3ec: {  	v57 =	vand.u32 $0x7F, v17;
	v19 =	vadd.s32 v18, v19  }
0x3ed: {  	v19 =	vor.u32 v57, v19;
	_ =	sdelay $0x2  }
0x3ee: {  	v58 =	vadd.s32 $0x1, v17  }
0x3ef: {  	v59 =	vand.u32 $0xFFFFFF80, v58  }
0x3f0: {  	v20 =	vand.u32 $0x7F, v58;
	v21 =	vadd.s32 v18, v59;
	v19 =	vld.idx.msk [tilespmem:v19+s11+$0x0], $0xffff  }
0x3f1: {  	v20 =	vor.u32 v20, v21;
	_ =	sdelay $0x2  }
0x3f2: {  	v60 =	vadd.s32 $0x2, v17  }
0x3f3: {  	[tilespmem:s29+$0xFFFFF810] =	vst v19;
	v19 =	vand.u32 $0xFFFFFF80, v60  }
0x3f4: {  	v21 =	vand.u32 $0x7F, v60;
	v20 =	vld.idx.msk [tilespmem:v20+s11+$0x0], $0xffff;
	v19 =	vadd.s32 v18, v19  }
0x3f5: {  	v19 =	vor.u32 v21, v19;
	_ =	sdelay $0x2  }
0x3f6: {  	v61 =	vadd.s32 $0x3, v17  }
0x3f7: {  	v62 =	vand.u32 $0xFFFFFF80, v61;
	[tilespmem:s29+$0xFFFFF890] =	vst v20  }
0x3f8: {  	v21 =	vand.u32 $0x7F, v61;
	v20 =	vadd.s32 v18, v62;
	v19 =	vld.idx.msk [tilespmem:v19+s11+$0x0], $0xffff  }
0x3f9: {  	v20 =	vor.u32 v21, v20;
	_ =	sdelay $0x2  }
0x3fa: {  	v63 =	vadd.s32 $0x4, v17  }
0x3fb: {  	[tilespmem:s29+$0xFFFFF910] =	vst v19;
	v19 =	vand.u32 $0xFFFFFF80, v63  }
0x3fc: {  	v21 =	vand.u32 $0x7F, v63;
	v20 =	vld.idx.msk [tilespmem:v20+s11+$0x0], $0xffff;
	v19 =	vadd.s32 v18, v19  }
0x3fd: {  	v19 =	vor.u32 v21, v19;
	_ =	sdelay $0x2  }
0x3fe: {  	v24 =	vadd.s32 $0x5, v17  }
0x3ff: {  	v25 =	vand.u32 $0xFFFFFF80, v24;
	[tilespmem:s29+$0xFFFFF990] =	vst v20  }
0x400: {  	v21 =	vand.u32 $0x7F, v24;
	v20 =	vadd.s32 v18, v25;
	v19 =	vld.idx.msk [tilespmem:v19+s11+$0x0], $0xffff  }
0x401: {  	v20 =	vor.u32 v21, v20;
	_ =	sdelay $0x2  }
0x402: {  	v26 =	vadd.s32 $0x6, v17  }
0x403: {  	[tilespmem:s29+$0xFFFFFA10] =	vst v19;
	v19 =	vand.u32 $0xFFFFFF80, v26  }
0x404: {  	v21 =	vand.u32 $0x7F, v26;
	v20 =	vld.idx.msk [tilespmem:v20+s11+$0x0], $0xffff;
	v19 =	vadd.s32 v18, v19  }
0x405: {  	v19 =	vor.u32 v21, v19;
	_ =	sdelay $0x2  }
0x406: {  	v27 =	vadd.s32 $0x7, v17  }
0x407: {  	v28 =	vand.u32 $0xFFFFFF80, v27;
	[tilespmem:s29+$0xFFFFFA90] =	vst v20  }
0x408: {  	v21 =	vand.u32 $0x7F, v27;
	v20 =	vadd.s32 v18, v28;
	v19 =	vld.idx.msk [tilespmem:v19+s11+$0x0], $0xffff  }
0x409: {  	v20 =	vor.u32 v21, v20;
	_ =	sdelay $0x2  }
0x40a: {  	v29 =	vadd.s32 $0x8, v17  }
0x40b: {  	[tilespmem:s29+$0xFFFFFB10] =	vst v19;
	v19 =	vand.u32 $0xFFFFFF80, v29  }
0x40c: {  	v21 =	vand.u32 $0x7F, v29;
	v20 =	vld.idx.msk [tilespmem:v20+s11+$0x0], $0xffff;
	v19 =	vadd.s32 v18, v19  }
0x40d: {  	v19 =	vor.u32 v21, v19;
	_ =	sdelay $0x2  }
0x40e: {  	v30 =	vadd.s32 $0x9, v17  }
0x40f: {  	v31 =	vand.u32 $0xFFFFFF80, v30;
	[tilespmem:s29+$0xFFFFFB90] =	vst v20  }
0x410: {  	v21 =	vand.u32 $0x7F, v30;
	v20 =	vadd.s32 v18, v31;
	v19 =	vld.idx.msk [tilespmem:v19+s11+$0x0], $0xffff  }
0x411: {  	v20 =	vor.u32 v21, v20;
	_ =	sdelay $0x2  }
0x412: {  	v32 =	vadd.s32 $0xA, v17  }
0x413: {  	[tilespmem:s29+$0xFFFFFC10] =	vst v19;
	v19 =	vand.u32 $0xFFFFFF80, v32  }
0x414: {  	v21 =	vand.u32 $0x7F, v32;
	v20 =	vld.idx.msk [tilespmem:v20+s11+$0x0], $0xffff;
	v19 =	vadd.s32 v18, v19  }
0x415: {  	v19 =	vor.u32 v21, v19;
	_ =	sdelay $0x2  }
0x416: {  	v33 =	vadd.s32 $0xB, v17  }
0x417: {  	v34 =	vand.u32 $0xFFFFFF80, v33;
	[tilespmem:s29+$0xFFFFFC90] =	vst v20  }
0x418: {  	v21 =	vand.u32 $0x7F, v33;
	v20 =	vadd.s32 v18, v34;
	v19 =	vld.idx.msk [tilespmem:v19+s11+$0x0], $0xffff  }
0x419: {  	v20 =	vor.u32 v21, v20;
	_ =	sdelay $0x2  }
0x41a: {  	v35 =	vadd.s32 $0xC, v17  }
0x41b: {  	[tilespmem:s29+$0xFFFFFD10] =	vst v19;
	v19 =	vand.u32 $0xFFFFFF80, v35  }
0x41c: {  	v21 =	vand.u32 $0x7F, v35;
	v20 =	vld.idx.msk [tilespmem:v20+s11+$0x0], $0xffff;
	v19 =	vadd.s32 v18, v19  }
0x41d: {  	v19 =	vor.u32 v21, v19;
	_ =	sdelay $0x2  }
0x41e: {  	v36 =	vadd.s32 $0xD, v17  }
0x41f: {  	v37 =	vand.u32 $0xFFFFFF80, v36;
	[tilespmem:s29+$0xFFFFFD90] =	vst v20  }
0x420: {  	v21 =	vand.u32 $0x7F, v36;
	v20 =	vadd.s32 v18, v37;
	v19 =	vld.idx.msk [tilespmem:v19+s11+$0x0], $0xffff  }
0x421: {  	v20 =	vor.u32 v21, v20;
	_ =	sdelay $0x2  }
0x422: {  	v38 =	vadd.s32 $0xE, v17  }
0x423: {  	[tilespmem:s29+$0xFFFFFE10] =	vst v19;
	v19 =	vand.u32 $0xFFFFFF80, v38  }
0x424: {  	v21 =	vand.u32 $0x7F, v38;
	v20 =	vld.idx.msk [tilespmem:v20+s11+$0x0], $0xffff;
	v19 =	vadd.s32 v18, v19  }
0x425: {  	v19 =	vor.u32 v21, v19;
	_ =	sdelay $0x2  }
0x426: {  	v39 =	vadd.s32 $0xF, v17  }
0x427: {  	v40 =	vand.u32 $0xFFFFFF80, v39;
	[tilespmem:s29+$0xFFFFFE90] =	vst v20  }
0x428: {  	v21 =	vand.u32 $0x7F, v39;
	v20 =	vadd.s32 v18, v40;
	v19 =	vld.idx.msk [tilespmem:v19+s11+$0x0], $0xffff  }
0x429: {  	v20 =	vor.u32 v21, v20;
	_ =	sdelay $0x2  }
0x42a: {  	v41 =	vadd.s32 $0x10, v17  }
0x42b: {  	[tilespmem:s29+$0xFFFFFF10] =	vst v19;
	v19 =	vand.u32 $0xFFFFFF80, v41  }
0x42c: {  	v21 =	vand.u32 $0x7F, v41;
	v20 =	vld.idx.msk [tilespmem:v20+s11+$0x0], $0xffff;
	v19 =	vadd.s32 v18, v19  }
0x42d: {  	v19 =	vor.u32 v21, v19;
	_ =	sdelay $0x2  }
0x42e: {  	v42 =	vadd.s32 $0x11, v17  }
0x42f: {  	v43 =	vand.u32 $0xFFFFFF80, v42;
	[tilespmem:s29+$0xFFFFFF90] =	vst v20  }
0x430: {  	v21 =	vand.u32 $0x7F, v42;
	v20 =	vadd.s32 v18, v43;
	v19 =	vld.idx.msk [tilespmem:v19+s11+$0x0], $0xffff  }
0x431: {  	v20 =	vor.u32 v21, v20;
	_ =	sdelay $0x2  }
0x432: {  	v44 =	vadd.s32 $0x12, v17  }
0x433: {  	[tilespmem:s29+$0x10] =	vst v19;
	v19 =	vand.u32 $0xFFFFFF80, v44  }
0x434: {  	v21 =	vand.u32 $0x7F, v44;
	v20 =	vld.idx.msk [tilespmem:v20+s11+$0x0], $0xffff;
	v19 =	vadd.s32 v18, v19  }
0x435: {  	v19 =	vor.u32 v21, v19;
	_ =	sdelay $0x2  }
0x436: {  	v45 =	vadd.s32 $0x13, v17  }
0x437: {  	v46 =	vand.u32 $0xFFFFFF80, v45;
	[tilespmem:s29+$0x90] =	vst v20  }
0x438: {  	v21 =	vand.u32 $0x7F, v45;
	v20 =	vadd.s32 v18, v46;
	v19 =	vld.idx.msk [tilespmem:v19+s11+$0x0], $0xffff  }
0x439: {  	v20 =	vor.u32 v21, v20;
	_ =	sdelay $0x2  }
0x43a: {  	v47 =	vadd.s32 $0x14, v17  }
0x43b: {  	[tilespmem:s29+$0x110] =	vst v19;
	v19 =	vand.u32 $0xFFFFFF80, v47  }
0x43c: {  	v21 =	vand.u32 $0x7F, v47;
	v20 =	vld.idx.msk [tilespmem:v20+s11+$0x0], $0xffff;
	v19 =	vadd.s32 v18, v19  }
0x43d: {  	v19 =	vor.u32 v21, v19;
	_ =	sdelay $0x2  }
0x43e: {  	v48 =	vadd.s32 $0x15, v17  }
0x43f: {  	v49 =	vand.u32 $0xFFFFFF80, v48;
	[tilespmem:s29+$0x190] =	vst v20  }
0x440: {  	v21 =	vand.u32 $0x7F, v48;
	v20 =	vadd.s32 v18, v49;
	v19 =	vld.idx.msk [tilespmem:v19+s11+$0x0], $0xffff  }
0x441: {  	v20 =	vor.u32 v21, v20;
	_ =	sdelay $0x2  }
0x442: {  	v50 =	vadd.s32 $0x16, v17  }
0x443: {  	[tilespmem:s29+$0x210] =	vst v19;
	v19 =	vand.u32 $0xFFFFFF80, v50  }
0x444: {  	v21 =	vand.u32 $0x7F, v50;
	v20 =	vld.idx.msk [tilespmem:v20+s11+$0x0], $0xffff;
	v19 =	vadd.s32 v18, v19  }
0x445: {  	v19 =	vor.u32 v21, v19;
	_ =	sdelay $0x2  }
0x446: {  	v51 =	vadd.s32 $0x17, v17  }
0x447: {  	v52 =	vand.u32 $0xFFFFFF80, v51;
	[tilespmem:s29+$0x290] =	vst v20  }
0x448: {  	v21 =	vand.u32 $0x7F, v51;
	v20 =	vadd.s32 v18, v52;
	v19 =	vld.idx.msk [tilespmem:v19+s11+$0x0], $0xffff  }
0x449: {  	v20 =	vor.u32 v21, v20;
	_ =	sdelay $0x2  }
0x44a: {  	v53 =	vadd.s32 $0x18, v17  }
0x44b: {  	[tilespmem:s29+$0x310] =	vst v19;
	v19 =	vand.u32 $0xFFFFFF80, v53  }
0x44c: {  	v21 =	vand.u32 $0x7F, v53;
	v20 =	vld.idx.msk [tilespmem:v20+s11+$0x0], $0xffff;
	v19 =	vadd.s32 v18, v19  }
0x44d: {  	v19 =	vor.u32 v21, v19;
	_ =	sdelay $0x2  }
0x44e: {  	v54 =	vadd.s32 $0x19, v17  }
0x44f: {  	v55 =	vand.u32 $0xFFFFFF80, v54;
	[tilespmem:s29+$0x390] =	vst v20  }
0x450: {  	v21 =	vand.u32 $0x7F, v54;
	v20 =	vadd.s32 v18, v55;
	v19 =	vld.idx.msk [tilespmem:v19+s11+$0x0], $0xffff  }
0x451: {  	v20 =	vor.u32 v21, v20;
	_ =	sdelay $0x2  }
0x452: {  	v56 =	vadd.s32 $0x1A, v17  }
0x453: {  	[tilespmem:s29+$0x410] =	vst v19;
	v19 =	vand.u32 $0xFFFFFF80, v56  }
0x454: {  	v21 =	vand.u32 $0x7F, v56;
	v20 =	vld.idx.msk [tilespmem:v20+s11+$0x0], $0xffff;
	v19 =	vadd.s32 v18, v19  }
0x455: {  	v19 =	vor.u32 v21, v19;
	_ =	sdelay $0x2  }
0x456: {  	v57 =	vadd.s32 $0x1B, v17  }
0x457: {  	v58 =	vand.u32 $0xFFFFFF80, v57;
	[tilespmem:s29+$0x490] =	vst v20  }
0x458: {  	v21 =	vand.u32 $0x7F, v57;
	v20 =	vadd.s32 v18, v58;
	v19 =	vld.idx.msk [tilespmem:v19+s11+$0x0], $0xffff  }
0x459: {  	v20 =	vor.u32 v21, v20;
	_ =	sdelay $0x2  }
0x45a: {  	v59 =	vadd.s32 $0x1C, v17  }
0x45b: {  	[tilespmem:s29+$0x510] =	vst v19;
	v19 =	vand.u32 $0xFFFFFF80, v59  }
0x45c: {  	v21 =	vand.u32 $0x7F, v59;
	v20 =	vld.idx.msk [tilespmem:v20+s11+$0x0], $0xffff;
	v19 =	vadd.s32 v18, v19  }
0x45d: {  	v19 =	vor.u32 v21, v19;
	_ =	sdelay $0x2  }
0x45e: {  	v60 =	vadd.s32 $0x1D, v17  }
0x45f: {  	v61 =	vand.u32 $0xFFFFFF80, v60;
	[tilespmem:s29+$0x590] =	vst v20  }
0x460: {  	v21 =	vand.u32 $0x7F, v60;
	v20 =	vadd.s32 v18, v61;
	v19 =	vld.idx.msk [tilespmem:v19+s11+$0x0], $0xffff  }
0x461: {  	v20 =	vor.u32 v21, v20;
	_ =	sdelay $0x2  }
0x462: {  	v62 =	vadd.s32 $0x1E, v17  }
0x463: {  	[tilespmem:s29+$0x610] =	vst v19;
	v19 =	vand.u32 $0xFFFFFF80, v62  }
0x464: {  	v21 =	vand.u32 $0x7F, v62;
	v20 =	vld.idx.msk [tilespmem:v20+s11+$0x0], $0xffff;
	v19 =	vadd.s32 v18, v19  }
0x465: {  	v19 =	vor.u32 v21, v19;
	_ =	sdelay $0x2  }
0x466: {  	v17 =	vadd.s32 $0x1F, v17  }
0x467: {  	v63 =	vand.u32 $0xFFFFFF80, v17;
	[tilespmem:s29+$0x690] =	vst v20  }
0x468: {  	v17 =	vand.u32 $0x7F, v17;
	v18 =	vadd.s32 v18, v63;
	v19 =	vld.idx.msk [tilespmem:v19+s11+$0x0], $0xffff  }
0x469: {  	v17 =	vor.u32 v17, v18;
	_ =	sdelay $0x3  }
0x46a: {  	s25 =	sadd.s32 $0x2, s25;
	[tilespmem:s29+$0x710] =	vst v19  }
0x46b: {  	p0 =	slt.u32 s25, $0x6;
	v17 =	vld.idx.msk [tilespmem:v17+s11+$0x0], $0xffff  }
.Ltmp13:
0x46c: {  	_ = 	snop;
	(pc) =	sbr.rel @p0 .LBB2_13-.Ltmp13, $2  }
0x46d: {  	_ =	sdelay $0x2  }
0x46e: {  	s26 =	sadd.s32 $0x20, s26;
	s28 =	sadd.s32 $0x20, s28;
	[tilespmem:s29+$0x790] =	vst v17;
	s29 =	sadd.s32 $0x20, s29  }
0x46f: {  	s24 =	sadd.s32 s23, s24  }
0x470: {  	s24 =	sshrl.u32 s24, $0x3  }
0x471: {  	s26 =	simm.s32 $0x90;
	s25 =	sadd.s32 s3, s24  }
0x472: {  	[hbm4b:s25+s14] =	stream.strided.scatter [tilespmem:s16], [sflag:$0x2], $0x1000, s15, s14, $0x38;
	[tilespmem:$0x13D00] =	vst v63  }
0x473: {  	s28 =	simm.s32 $0x1B90;
	s29 =	simm.s32 $0x13500;
	s25 =	simm.s32 $0xFFFFFFFE  }
.LBB2_15:
0x474: {  	v17 =	vld [tilespmem:s28+$0xFFFFFFF0];
	_ =	sdelay $0x1  }
0x475: {  	s30 =	sadd.s32 $0xFFFFFFF0, s26  }
0x476: {  	v18 =	vmov s30  }
0x477: {  	v18 =	vshll.u32 v18, $0x7  }
0x478: {  	v18 =	vor.u32 v16, v18;
	v19 =	vand.u32 $0xFFFFFF80, v17  }
0x479: {  	v20 =	vand.u32 $0x7F, v17;
	v19 =	vadd.s32 v18, v19  }
0x47a: {  	v19 =	vor.u32 v20, v19;
	_ =	sdelay $0x2  }
0x47b: {  	v52 =	vadd.s32 $0x1, v17  }
0x47c: {  	v21 =	vand.u32 $0xFFFFFF80, v52  }
0x47d: {  	v20 =	vand.u32 $0x7F, v52;
	v21 =	vadd.s32 v18, v21;
	v19 =	vld.idx.msk [tilespmem:v19+s11+$0x0], $0xffff  }
0x47e: {  	v20 =	vor.u32 v20, v21;
	_ =	sdelay $0x2  }
0x47f: {  	v53 =	vadd.s32 $0x2, v17  }
0x480: {  	[tilespmem:s29+$0xFFFFF800] =	vst v19;
	v19 =	vand.u32 $0xFFFFFF80, v53  }
0x481: {  	v21 =	vand.u32 $0x7F, v53;
	v20 =	vld.idx.msk [tilespmem:v20+s11+$0x0], $0xffff;
	v19 =	vadd.s32 v18, v19  }
0x482: {  	v19 =	vor.u32 v21, v19;
	_ =	sdelay $0x2  }
0x483: {  	v54 =	vadd.s32 $0x3, v17  }
0x484: {  	v55 =	vand.u32 $0xFFFFFF80, v54;
	[tilespmem:s29+$0xFFFFF880] =	vst v20  }
0x485: {  	v21 =	vand.u32 $0x7F, v54;
	v20 =	vadd.s32 v18, v55;
	v19 =	vld.idx.msk [tilespmem:v19+s11+$0x0], $0xffff  }
0x486: {  	v20 =	vor.u32 v21, v20;
	_ =	sdelay $0x2  }
0x487: {  	v56 =	vadd.s32 $0x4, v17  }
0x488: {  	[tilespmem:s29+$0xFFFFF900] =	vst v19;
	v19 =	vand.u32 $0xFFFFFF80, v56  }
0x489: {  	v21 =	vand.u32 $0x7F, v56;
	v20 =	vld.idx.msk [tilespmem:v20+s11+$0x0], $0xffff;
	v19 =	vadd.s32 v18, v19  }
0x48a: {  	v19 =	vor.u32 v21, v19;
	_ =	sdelay $0x2  }
0x48b: {  	v57 =	vadd.s32 $0x5, v17  }
0x48c: {  	v58 =	vand.u32 $0xFFFFFF80, v57;
	[tilespmem:s29+$0xFFFFF980] =	vst v20  }
0x48d: {  	v21 =	vand.u32 $0x7F, v57;
	v20 =	vadd.s32 v18, v58;
	v19 =	vld.idx.msk [tilespmem:v19+s11+$0x0], $0xffff  }
0x48e: {  	v20 =	vor.u32 v21, v20;
	_ =	sdelay $0x2  }
0x48f: {  	v59 =	vadd.s32 $0x6, v17  }
0x490: {  	[tilespmem:s29+$0xFFFFFA00] =	vst v19;
	v19 =	vand.u32 $0xFFFFFF80, v59  }
0x491: {  	v21 =	vand.u32 $0x7F, v59;
	v20 =	vld.idx.msk [tilespmem:v20+s11+$0x0], $0xffff;
	v19 =	vadd.s32 v18, v19  }
0x492: {  	v19 =	vor.u32 v21, v19;
	_ =	sdelay $0x2  }
0x493: {  	v60 =	vadd.s32 $0x7, v17  }
0x494: {  	v61 =	vand.u32 $0xFFFFFF80, v60;
	[tilespmem:s29+$0xFFFFFA80] =	vst v20  }
0x495: {  	v21 =	vand.u32 $0x7F, v60;
	v20 =	vadd.s32 v18, v61;
	v19 =	vld.idx.msk [tilespmem:v19+s11+$0x0], $0xffff  }
0x496: {  	v20 =	vor.u32 v21, v20;
	_ =	sdelay $0x2  }
0x497: {  	v62 =	vadd.s32 $0x8, v17  }
0x498: {  	[tilespmem:s29+$0xFFFFFB00] =	vst v19;
	v19 =	vand.u32 $0xFFFFFF80, v62  }
0x499: {  	v21 =	vand.u32 $0x7F, v62;
	v20 =	vld.idx.msk [tilespmem:v20+s11+$0x0], $0xffff;
	v19 =	vadd.s32 v18, v19  }
0x49a: {  	v19 =	vor.u32 v21, v19;
	_ =	sdelay $0x2  }
0x49b: {  	v63 =	vadd.s32 $0x9, v17  }
0x49c: {  	v24 =	vand.u32 $0xFFFFFF80, v63;
	[tilespmem:s29+$0xFFFFFB80] =	vst v20  }
0x49d: {  	v21 =	vand.u32 $0x7F, v63;
	v20 =	vadd.s32 v18, v24;
	v19 =	vld.idx.msk [tilespmem:v19+s11+$0x0], $0xffff  }
0x49e: {  	v20 =	vor.u32 v21, v20;
	_ =	sdelay $0x2  }
0x49f: {  	v25 =	vadd.s32 $0xA, v17  }
0x4a0: {  	[tilespmem:s29+$0xFFFFFC00] =	vst v19;
	v19 =	vand.u32 $0xFFFFFF80, v25  }
0x4a1: {  	v21 =	vand.u32 $0x7F, v25;
	v20 =	vld.idx.msk [tilespmem:v20+s11+$0x0], $0xffff;
	v19 =	vadd.s32 v18, v19  }
0x4a2: {  	v19 =	vor.u32 v21, v19;
	_ =	sdelay $0x2  }
0x4a3: {  	v26 =	vadd.s32 $0xB, v17  }
0x4a4: {  	v27 =	vand.u32 $0xFFFFFF80, v26;
	[tilespmem:s29+$0xFFFFFC80] =	vst v20  }
0x4a5: {  	v21 =	vand.u32 $0x7F, v26;
	v20 =	vadd.s32 v18, v27;
	v19 =	vld.idx.msk [tilespmem:v19+s11+$0x0], $0xffff  }
0x4a6: {  	v20 =	vor.u32 v21, v20;
	_ =	sdelay $0x2  }
0x4a7: {  	v28 =	vadd.s32 $0xC, v17  }
0x4a8: {  	[tilespmem:s29+$0xFFFFFD00] =	vst v19;
	v19 =	vand.u32 $0xFFFFFF80, v28  }
0x4a9: {  	v21 =	vand.u32 $0x7F, v28;
	v20 =	vld.idx.msk [tilespmem:v20+s11+$0x0], $0xffff;
	v19 =	vadd.s32 v18, v19  }
0x4aa: {  	v19 =	vor.u32 v21, v19;
	_ =	sdelay $0x2  }
0x4ab: {  	v29 =	vadd.s32 $0xD, v17  }
0x4ac: {  	v30 =	vand.u32 $0xFFFFFF80, v29;
	[tilespmem:s29+$0xFFFFFD80] =	vst v20  }
0x4ad: {  	v21 =	vand.u32 $0x7F, v29;
	v20 =	vadd.s32 v18, v30;
	v19 =	vld.idx.msk [tilespmem:v19+s11+$0x0], $0xffff  }
0x4ae: {  	v20 =	vor.u32 v21, v20;
	_ =	sdelay $0x2  }
0x4af: {  	v31 =	vadd.s32 $0xE, v17  }
0x4b0: {  	[tilespmem:s29+$0xFFFFFE00] =	vst v19;
	v19 =	vand.u32 $0xFFFFFF80, v31  }
0x4b1: {  	v21 =	vand.u32 $0x7F, v31;
	v20 =	vld.idx.msk [tilespmem:v20+s11+$0x0], $0xffff;
	v19 =	vadd.s32 v18, v19  }
0x4b2: {  	v19 =	vor.u32 v21, v19;
	_ =	sdelay $0x2  }
0x4b3: {  	v32 =	vadd.s32 $0xF, v17  }
0x4b4: {  	v33 =	vand.u32 $0xFFFFFF80, v32;
	[tilespmem:s29+$0xFFFFFE80] =	vst v20  }
0x4b5: {  	v21 =	vand.u32 $0x7F, v32;
	v20 =	vadd.s32 v18, v33;
	v19 =	vld.idx.msk [tilespmem:v19+s11+$0x0], $0xffff  }
0x4b6: {  	v20 =	vor.u32 v21, v20;
	_ =	sdelay $0x2  }
0x4b7: {  	v34 =	vadd.s32 $0x10, v17  }
0x4b8: {  	[tilespmem:s29+$0xFFFFFF00] =	vst v19;
	v19 =	vand.u32 $0xFFFFFF80, v34  }
0x4b9: {  	v21 =	vand.u32 $0x7F, v34;
	v20 =	vld.idx.msk [tilespmem:v20+s11+$0x0], $0xffff;
	v19 =	vadd.s32 v18, v19  }
0x4ba: {  	v19 =	vor.u32 v21, v19;
	_ =	sdelay $0x2  }
0x4bb: {  	v35 =	vadd.s32 $0x11, v17  }
0x4bc: {  	v36 =	vand.u32 $0xFFFFFF80, v35;
	[tilespmem:s29+$0xFFFFFF80] =	vst v20  }
0x4bd: {  	v21 =	vand.u32 $0x7F, v35;
	v20 =	vadd.s32 v18, v36;
	v19 =	vld.idx.msk [tilespmem:v19+s11+$0x0], $0xffff  }
0x4be: {  	v20 =	vor.u32 v21, v20;
	_ =	sdelay $0x2  }
0x4bf: {  	v37 =	vadd.s32 $0x12, v17  }
0x4c0: {  	[tilespmem:s29+$0x0] =	vst v19;
	v19 =	vand.u32 $0xFFFFFF80, v37  }
0x4c1: {  	v21 =	vand.u32 $0x7F, v37;
	v20 =	vld.idx.msk [tilespmem:v20+s11+$0x0], $0xffff;
	v19 =	vadd.s32 v18, v19  }
0x4c2: {  	v19 =	vor.u32 v21, v19;
	_ =	sdelay $0x2  }
0x4c3: {  	v38 =	vadd.s32 $0x13, v17  }
0x4c4: {  	v39 =	vand.u32 $0xFFFFFF80, v38;
	[tilespmem:s29+$0x80] =	vst v20  }
0x4c5: {  	v21 =	vand.u32 $0x7F, v38;
	v20 =	vadd.s32 v18, v39;
	v19 =	vld.idx.msk [tilespmem:v19+s11+$0x0], $0xffff  }
0x4c6: {  	v20 =	vor.u32 v21, v20;
	_ =	sdelay $0x2  }
0x4c7: {  	v40 =	vadd.s32 $0x14, v17  }
0x4c8: {  	[tilespmem:s29+$0x100] =	vst v19;
	v19 =	vand.u32 $0xFFFFFF80, v40  }
0x4c9: {  	v21 =	vand.u32 $0x7F, v40;
	v20 =	vld.idx.msk [tilespmem:v20+s11+$0x0], $0xffff;
	v19 =	vadd.s32 v18, v19  }
0x4ca: {  	v19 =	vor.u32 v21, v19;
	_ =	sdelay $0x2  }
0x4cb: {  	v41 =	vadd.s32 $0x15, v17  }
0x4cc: {  	v42 =	vand.u32 $0xFFFFFF80, v41;
	[tilespmem:s29+$0x180] =	vst v20  }
0x4cd: {  	v21 =	vand.u32 $0x7F, v41;
	v20 =	vadd.s32 v18, v42;
	v19 =	vld.idx.msk [tilespmem:v19+s11+$0x0], $0xffff  }
0x4ce: {  	v20 =	vor.u32 v21, v20;
	_ =	sdelay $0x2  }
0x4cf: {  	v43 =	vadd.s32 $0x16, v17  }
0x4d0: {  	[tilespmem:s29+$0x200] =	vst v19;
	v19 =	vand.u32 $0xFFFFFF80, v43  }
0x4d1: {  	v21 =	vand.u32 $0x7F, v43;
	v20 =	vld.idx.msk [tilespmem:v20+s11+$0x0], $0xffff;
	v19 =	vadd.s32 v18, v19  }
0x4d2: {  	v19 =	vor.u32 v21, v19;
	_ =	sdelay $0x2  }
0x4d3: {  	v44 =	vadd.s32 $0x17, v17  }
0x4d4: {  	v45 =	vand.u32 $0xFFFFFF80, v44;
	[tilespmem:s29+$0x280] =	vst v20  }
0x4d5: {  	v21 =	vand.u32 $0x7F, v44;
	v20 =	vadd.s32 v18, v45;
	v19 =	vld.idx.msk [tilespmem:v19+s11+$0x0], $0xffff  }
0x4d6: {  	v20 =	vor.u32 v21, v20;
	_ =	sdelay $0x2  }
0x4d7: {  	v46 =	vadd.s32 $0x18, v17  }
0x4d8: {  	[tilespmem:s29+$0x300] =	vst v19;
	v19 =	vand.u32 $0xFFFFFF80, v46  }
0x4d9: {  	v21 =	vand.u32 $0x7F, v46;
	v20 =	vld.idx.msk [tilespmem:v20+s11+$0x0], $0xffff;
	v19 =	vadd.s32 v18, v19  }
0x4da: {  	v19 =	vor.u32 v21, v19;
	_ =	sdelay $0x2  }
0x4db: {  	v47 =	vadd.s32 $0x19, v17  }
0x4dc: {  	v48 =	vand.u32 $0xFFFFFF80, v47;
	[tilespmem:s29+$0x380] =	vst v20  }
0x4dd: {  	v21 =	vand.u32 $0x7F, v47;
	v20 =	vadd.s32 v18, v48;
	v19 =	vld.idx.msk [tilespmem:v19+s11+$0x0], $0xffff  }
0x4de: {  	v20 =	vor.u32 v21, v20;
	_ =	sdelay $0x2  }
0x4df: {  	v49 =	vadd.s32 $0x1A, v17  }
0x4e0: {  	[tilespmem:s29+$0x400] =	vst v19;
	v19 =	vand.u32 $0xFFFFFF80, v49  }
0x4e1: {  	v21 =	vand.u32 $0x7F, v49;
	v20 =	vld.idx.msk [tilespmem:v20+s11+$0x0], $0xffff;
	v19 =	vadd.s32 v18, v19  }
0x4e2: {  	v19 =	vor.u32 v21, v19;
	_ =	sdelay $0x2  }
0x4e3: {  	v50 =	vadd.s32 $0x1B, v17  }
0x4e4: {  	v51 =	vand.u32 $0xFFFFFF80, v50;
	[tilespmem:s29+$0x480] =	vst v20  }
0x4e5: {  	v21 =	vand.u32 $0x7F, v50;
	v20 =	vadd.s32 v18, v51;
	v19 =	vld.idx.msk [tilespmem:v19+s11+$0x0], $0xffff  }
0x4e6: {  	v20 =	vor.u32 v21, v20;
	_ =	sdelay $0x2  }
0x4e7: {  	v52 =	vadd.s32 $0x1C, v17  }
0x4e8: {  	[tilespmem:s29+$0x500] =	vst v19;
	v19 =	vand.u32 $0xFFFFFF80, v52  }
0x4e9: {  	v21 =	vand.u32 $0x7F, v52;
	v20 =	vld.idx.msk [tilespmem:v20+s11+$0x0], $0xffff;
	v19 =	vadd.s32 v18, v19  }
0x4ea: {  	v19 =	vor.u32 v21, v19;
	_ =	sdelay $0x2  }
0x4eb: {  	v53 =	vadd.s32 $0x1D, v17  }
0x4ec: {  	v54 =	vand.u32 $0xFFFFFF80, v53;
	[tilespmem:s29+$0x580] =	vst v20  }
0x4ed: {  	v21 =	vand.u32 $0x7F, v53;
	v20 =	vadd.s32 v18, v54;
	v19 =	vld.idx.msk [tilespmem:v19+s11+$0x0], $0xffff  }
0x4ee: {  	v20 =	vor.u32 v21, v20;
	_ =	sdelay $0x2  }
0x4ef: {  	v55 =	vadd.s32 $0x1E, v17  }
0x4f0: {  	[tilespmem:s29+$0x600] =	vst v19;
	v19 =	vand.u32 $0xFFFFFF80, v55  }
0x4f1: {  	v21 =	vand.u32 $0x7F, v55;
	v20 =	vld.idx.msk [tilespmem:v20+s11+$0x0], $0xffff;
	v19 =	vadd.s32 v18, v19  }
0x4f2: {  	v19 =	vor.u32 v21, v19;
	_ =	sdelay $0x2  }
0x4f3: {  	v17 =	vadd.s32 $0x1F, v17  }
0x4f4: {  	v56 =	vand.u32 $0xFFFFFF80, v17;
	[tilespmem:s29+$0x680] =	vst v20  }
0x4f5: {  	v17 =	vand.u32 $0x7F, v17;
	v18 =	vadd.s32 v18, v56;
	v19 =	vld.idx.msk [tilespmem:v19+s11+$0x0], $0xffff  }
0x4f6: {  	v17 =	vor.u32 v17, v18;
	_ =	sdelay $0x3  }
0x4f7: {  	[tilespmem:s29+$0x700] =	vst v19  }
0x4f8: {  	v17 =	vld.idx.msk [tilespmem:v17+s11+$0x0], $0xffff;
	_ =	sdelay $0x4  }
0x4f9: {  	[tilespmem:s29+$0x780] =	vst v17  }
0x4fa: {  	v18 =	vld [tilespmem:s28+$0x0];
	_ =	sdelay $0x2  }
0x4fb: {  	v17 =	vmov s26  }
0x4fc: {  	v17 =	vshll.u32 v17, $0x7  }
0x4fd: {  	v17 =	vor.u32 v16, v17;
	v19 =	vand.u32 $0xFFFFFF80, v18  }
0x4fe: {  	v57 =	vand.u32 $0x7F, v18;
	v19 =	vadd.s32 v17, v19  }
0x4ff: {  	v19 =	vor.u32 v57, v19;
	_ =	sdelay $0x2  }
0x500: {  	v58 =	vadd.s32 $0x1, v18  }
0x501: {  	v59 =	vand.u32 $0xFFFFFF80, v58  }
0x502: {  	v20 =	vand.u32 $0x7F, v58;
	v21 =	vadd.s32 v17, v59;
	v19 =	vld.idx.msk [tilespmem:v19+s11+$0x0], $0xffff  }
0x503: {  	v20 =	vor.u32 v20, v21;
	_ =	sdelay $0x2  }
0x504: {  	v60 =	vadd.s32 $0x2, v18  }
0x505: {  	[tilespmem:s29+$0xFFFFF810] =	vst v19;
	v19 =	vand.u32 $0xFFFFFF80, v60  }
0x506: {  	v21 =	vand.u32 $0x7F, v60;
	v20 =	vld.idx.msk [tilespmem:v20+s11+$0x0], $0xffff;
	v19 =	vadd.s32 v17, v19  }
0x507: {  	v19 =	vor.u32 v21, v19;
	_ =	sdelay $0x2  }
0x508: {  	v61 =	vadd.s32 $0x3, v18  }
0x509: {  	v62 =	vand.u32 $0xFFFFFF80, v61;
	[tilespmem:s29+$0xFFFFF890] =	vst v20  }
0x50a: {  	v21 =	vand.u32 $0x7F, v61;
	v20 =	vadd.s32 v17, v62;
	v19 =	vld.idx.msk [tilespmem:v19+s11+$0x0], $0xffff  }
0x50b: {  	v20 =	vor.u32 v21, v20;
	_ =	sdelay $0x2  }
0x50c: {  	v63 =	vadd.s32 $0x4, v18  }
0x50d: {  	[tilespmem:s29+$0xFFFFF910] =	vst v19;
	v19 =	vand.u32 $0xFFFFFF80, v63  }
0x50e: {  	v21 =	vand.u32 $0x7F, v63;
	v20 =	vld.idx.msk [tilespmem:v20+s11+$0x0], $0xffff;
	v19 =	vadd.s32 v17, v19  }
0x50f: {  	v19 =	vor.u32 v21, v19;
	_ =	sdelay $0x2  }
0x510: {  	v24 =	vadd.s32 $0x5, v18  }
0x511: {  	v25 =	vand.u32 $0xFFFFFF80, v24;
	[tilespmem:s29+$0xFFFFF990] =	vst v20  }
0x512: {  	v21 =	vand.u32 $0x7F, v24;
	v20 =	vadd.s32 v17, v25;
	v19 =	vld.idx.msk [tilespmem:v19+s11+$0x0], $0xffff  }
0x513: {  	v20 =	vor.u32 v21, v20;
	_ =	sdelay $0x2  }
0x514: {  	v26 =	vadd.s32 $0x6, v18  }
0x515: {  	[tilespmem:s29+$0xFFFFFA10] =	vst v19;
	v19 =	vand.u32 $0xFFFFFF80, v26  }
0x516: {  	v21 =	vand.u32 $0x7F, v26;
	v20 =	vld.idx.msk [tilespmem:v20+s11+$0x0], $0xffff;
	v19 =	vadd.s32 v17, v19  }
0x517: {  	v19 =	vor.u32 v21, v19;
	_ =	sdelay $0x2  }
0x518: {  	v27 =	vadd.s32 $0x7, v18  }
0x519: {  	v28 =	vand.u32 $0xFFFFFF80, v27;
	[tilespmem:s29+$0xFFFFFA90] =	vst v20  }
0x51a: {  	v21 =	vand.u32 $0x7F, v27;
	v20 =	vadd.s32 v17, v28;
	v19 =	vld.idx.msk [tilespmem:v19+s11+$0x0], $0xffff  }
0x51b: {  	v20 =	vor.u32 v21, v20;
	_ =	sdelay $0x2  }
0x51c: {  	v29 =	vadd.s32 $0x8, v18  }
0x51d: {  	[tilespmem:s29+$0xFFFFFB10] =	vst v19;
	v19 =	vand.u32 $0xFFFFFF80, v29  }
0x51e: {  	v21 =	vand.u32 $0x7F, v29;
	v20 =	vld.idx.msk [tilespmem:v20+s11+$0x0], $0xffff;
	v19 =	vadd.s32 v17, v19  }
0x51f: {  	v19 =	vor.u32 v21, v19;
	_ =	sdelay $0x2  }
0x520: {  	v30 =	vadd.s32 $0x9, v18  }
0x521: {  	v31 =	vand.u32 $0xFFFFFF80, v30;
	[tilespmem:s29+$0xFFFFFB90] =	vst v20  }
0x522: {  	v21 =	vand.u32 $0x7F, v30;
	v20 =	vadd.s32 v17, v31;
	v19 =	vld.idx.msk [tilespmem:v19+s11+$0x0], $0xffff  }
0x523: {  	v20 =	vor.u32 v21, v20;
	_ =	sdelay $0x2  }
0x524: {  	v32 =	vadd.s32 $0xA, v18  }
0x525: {  	[tilespmem:s29+$0xFFFFFC10] =	vst v19;
	v19 =	vand.u32 $0xFFFFFF80, v32  }
0x526: {  	v21 =	vand.u32 $0x7F, v32;
	v20 =	vld.idx.msk [tilespmem:v20+s11+$0x0], $0xffff;
	v19 =	vadd.s32 v17, v19  }
0x527: {  	v19 =	vor.u32 v21, v19;
	_ =	sdelay $0x2  }
0x528: {  	v33 =	vadd.s32 $0xB, v18  }
0x529: {  	v34 =	vand.u32 $0xFFFFFF80, v33;
	[tilespmem:s29+$0xFFFFFC90] =	vst v20  }
0x52a: {  	v21 =	vand.u32 $0x7F, v33;
	v20 =	vadd.s32 v17, v34;
	v19 =	vld.idx.msk [tilespmem:v19+s11+$0x0], $0xffff  }
0x52b: {  	v20 =	vor.u32 v21, v20;
	_ =	sdelay $0x2  }
0x52c: {  	v35 =	vadd.s32 $0xC, v18  }
0x52d: {  	[tilespmem:s29+$0xFFFFFD10] =	vst v19;
	v19 =	vand.u32 $0xFFFFFF80, v35  }
0x52e: {  	v21 =	vand.u32 $0x7F, v35;
	v20 =	vld.idx.msk [tilespmem:v20+s11+$0x0], $0xffff;
	v19 =	vadd.s32 v17, v19  }
0x52f: {  	v19 =	vor.u32 v21, v19;
	_ =	sdelay $0x2  }
0x530: {  	v36 =	vadd.s32 $0xD, v18  }
0x531: {  	v37 =	vand.u32 $0xFFFFFF80, v36;
	[tilespmem:s29+$0xFFFFFD90] =	vst v20  }
0x532: {  	v21 =	vand.u32 $0x7F, v36;
	v20 =	vadd.s32 v17, v37;
	v19 =	vld.idx.msk [tilespmem:v19+s11+$0x0], $0xffff  }
0x533: {  	v20 =	vor.u32 v21, v20;
	_ =	sdelay $0x2  }
0x534: {  	v38 =	vadd.s32 $0xE, v18  }
0x535: {  	[tilespmem:s29+$0xFFFFFE10] =	vst v19;
	v19 =	vand.u32 $0xFFFFFF80, v38  }
0x536: {  	v21 =	vand.u32 $0x7F, v38;
	v20 =	vld.idx.msk [tilespmem:v20+s11+$0x0], $0xffff;
	v19 =	vadd.s32 v17, v19  }
0x537: {  	v19 =	vor.u32 v21, v19;
	_ =	sdelay $0x2  }
0x538: {  	v39 =	vadd.s32 $0xF, v18  }
0x539: {  	v40 =	vand.u32 $0xFFFFFF80, v39;
	[tilespmem:s29+$0xFFFFFE90] =	vst v20  }
0x53a: {  	v21 =	vand.u32 $0x7F, v39;
	v20 =	vadd.s32 v17, v40;
	v19 =	vld.idx.msk [tilespmem:v19+s11+$0x0], $0xffff  }
0x53b: {  	v20 =	vor.u32 v21, v20;
	_ =	sdelay $0x2  }
0x53c: {  	v41 =	vadd.s32 $0x10, v18  }
0x53d: {  	[tilespmem:s29+$0xFFFFFF10] =	vst v19;
	v19 =	vand.u32 $0xFFFFFF80, v41  }
0x53e: {  	v21 =	vand.u32 $0x7F, v41;
	v20 =	vld.idx.msk [tilespmem:v20+s11+$0x0], $0xffff;
	v19 =	vadd.s32 v17, v19  }
0x53f: {  	v19 =	vor.u32 v21, v19;
	_ =	sdelay $0x2  }
0x540: {  	v42 =	vadd.s32 $0x11, v18  }
0x541: {  	v43 =	vand.u32 $0xFFFFFF80, v42;
	[tilespmem:s29+$0xFFFFFF90] =	vst v20  }
0x542: {  	v21 =	vand.u32 $0x7F, v42;
	v20 =	vadd.s32 v17, v43;
	v19 =	vld.idx.msk [tilespmem:v19+s11+$0x0], $0xffff  }
0x543: {  	v20 =	vor.u32 v21, v20;
	_ =	sdelay $0x2  }
0x544: {  	v44 =	vadd.s32 $0x12, v18  }
0x545: {  	[tilespmem:s29+$0x10] =	vst v19;
	v19 =	vand.u32 $0xFFFFFF80, v44  }
0x546: {  	v21 =	vand.u32 $0x7F, v44;
	v20 =	vld.idx.msk [tilespmem:v20+s11+$0x0], $0xffff;
	v19 =	vadd.s32 v17, v19  }
0x547: {  	v19 =	vor.u32 v21, v19;
	_ =	sdelay $0x2  }
0x548: {  	v45 =	vadd.s32 $0x13, v18  }
0x549: {  	v46 =	vand.u32 $0xFFFFFF80, v45;
	[tilespmem:s29+$0x90] =	vst v20  }
0x54a: {  	v21 =	vand.u32 $0x7F, v45;
	v20 =	vadd.s32 v17, v46;
	v19 =	vld.idx.msk [tilespmem:v19+s11+$0x0], $0xffff  }
0x54b: {  	v20 =	vor.u32 v21, v20;
	_ =	sdelay $0x2  }
0x54c: {  	v47 =	vadd.s32 $0x14, v18  }
0x54d: {  	[tilespmem:s29+$0x110] =	vst v19;
	v19 =	vand.u32 $0xFFFFFF80, v47  }
0x54e: {  	v21 =	vand.u32 $0x7F, v47;
	v20 =	vld.idx.msk [tilespmem:v20+s11+$0x0], $0xffff;
	v19 =	vadd.s32 v17, v19  }
0x54f: {  	v19 =	vor.u32 v21, v19;
	_ =	sdelay $0x2  }
0x550: {  	v48 =	vadd.s32 $0x15, v18  }
0x551: {  	v49 =	vand.u32 $0xFFFFFF80, v48;
	[tilespmem:s29+$0x190] =	vst v20  }
0x552: {  	v21 =	vand.u32 $0x7F, v48;
	v20 =	vadd.s32 v17, v49;
	v19 =	vld.idx.msk [tilespmem:v19+s11+$0x0], $0xffff  }
0x553: {  	v20 =	vor.u32 v21, v20;
	_ =	sdelay $0x2  }
0x554: {  	v50 =	vadd.s32 $0x16, v18  }
0x555: {  	[tilespmem:s29+$0x210] =	vst v19;
	v19 =	vand.u32 $0xFFFFFF80, v50  }
0x556: {  	v21 =	vand.u32 $0x7F, v50;
	v20 =	vld.idx.msk [tilespmem:v20+s11+$0x0], $0xffff;
	v19 =	vadd.s32 v17, v19  }
0x557: {  	v19 =	vor.u32 v21, v19;
	_ =	sdelay $0x2  }
0x558: {  	v51 =	vadd.s32 $0x17, v18  }
0x559: {  	v52 =	vand.u32 $0xFFFFFF80, v51;
	[tilespmem:s29+$0x290] =	vst v20  }
0x55a: {  	v21 =	vand.u32 $0x7F, v51;
	v20 =	vadd.s32 v17, v52;
	v19 =	vld.idx.msk [tilespmem:v19+s11+$0x0], $0xffff  }
0x55b: {  	v20 =	vor.u32 v21, v20;
	_ =	sdelay $0x2  }
0x55c: {  	v53 =	vadd.s32 $0x18, v18  }
0x55d: {  	[tilespmem:s29+$0x310] =	vst v19;
	v19 =	vand.u32 $0xFFFFFF80, v53  }
0x55e: {  	v21 =	vand.u32 $0x7F, v53;
	v20 =	vld.idx.msk [tilespmem:v20+s11+$0x0], $0xffff;
	v19 =	vadd.s32 v17, v19  }
0x55f: {  	v19 =	vor.u32 v21, v19;
	_ =	sdelay $0x2  }
0x560: {  	v54 =	vadd.s32 $0x19, v18  }
0x561: {  	v55 =	vand.u32 $0xFFFFFF80, v54;
	[tilespmem:s29+$0x390] =	vst v20  }
0x562: {  	v21 =	vand.u32 $0x7F, v54;
	v20 =	vadd.s32 v17, v55;
	v19 =	vld.idx.msk [tilespmem:v19+s11+$0x0], $0xffff  }
0x563: {  	v20 =	vor.u32 v21, v20;
	_ =	sdelay $0x2  }
0x564: {  	v56 =	vadd.s32 $0x1A, v18  }
0x565: {  	[tilespmem:s29+$0x410] =	vst v19;
	v19 =	vand.u32 $0xFFFFFF80, v56  }
0x566: {  	v21 =	vand.u32 $0x7F, v56;
	v20 =	vld.idx.msk [tilespmem:v20+s11+$0x0], $0xffff;
	v19 =	vadd.s32 v17, v19  }
0x567: {  	v19 =	vor.u32 v21, v19;
	_ =	sdelay $0x2  }
0x568: {  	v57 =	vadd.s32 $0x1B, v18  }
0x569: {  	v58 =	vand.u32 $0xFFFFFF80, v57;
	[tilespmem:s29+$0x490] =	vst v20  }
0x56a: {  	v21 =	vand.u32 $0x7F, v57;
	v20 =	vadd.s32 v17, v58;
	v19 =	vld.idx.msk [tilespmem:v19+s11+$0x0], $0xffff  }
0x56b: {  	v20 =	vor.u32 v21, v20;
	_ =	sdelay $0x2  }
0x56c: {  	v59 =	vadd.s32 $0x1C, v18  }
0x56d: {  	[tilespmem:s29+$0x510] =	vst v19;
	v19 =	vand.u32 $0xFFFFFF80, v59  }
0x56e: {  	v21 =	vand.u32 $0x7F, v59;
	v20 =	vld.idx.msk [tilespmem:v20+s11+$0x0], $0xffff;
	v19 =	vadd.s32 v17, v19  }
0x56f: {  	v19 =	vor.u32 v21, v19;
	_ =	sdelay $0x2  }
0x570: {  	v60 =	vadd.s32 $0x1D, v18  }
0x571: {  	v61 =	vand.u32 $0xFFFFFF80, v60;
	[tilespmem:s29+$0x590] =	vst v20  }
0x572: {  	v21 =	vand.u32 $0x7F, v60;
	v20 =	vadd.s32 v17, v61;
	v19 =	vld.idx.msk [tilespmem:v19+s11+$0x0], $0xffff  }
0x573: {  	v20 =	vor.u32 v21, v20;
	_ =	sdelay $0x2  }
0x574: {  	v62 =	vadd.s32 $0x1E, v18  }
0x575: {  	[tilespmem:s29+$0x610] =	vst v19;
	v19 =	vand.u32 $0xFFFFFF80, v62  }
0x576: {  	v21 =	vand.u32 $0x7F, v62;
	v20 =	vld.idx.msk [tilespmem:v20+s11+$0x0], $0xffff;
	v19 =	vadd.s32 v17, v19  }
0x577: {  	v19 =	vor.u32 v21, v19;
	_ =	sdelay $0x2  }
0x578: {  	v18 =	vadd.s32 $0x1F, v18  }
0x579: {  	v63 =	vand.u32 $0xFFFFFF80, v18;
	[tilespmem:s29+$0x690] =	vst v20  }
0x57a: {  	v18 =	vand.u32 $0x7F, v18;
	v17 =	vadd.s32 v17, v63;
	v19 =	vld.idx.msk [tilespmem:v19+s11+$0x0], $0xffff  }
0x57b: {  	v17 =	vor.u32 v18, v17;
	_ =	sdelay $0x3  }
0x57c: {  	s25 =	sadd.s32 $0x2, s25;
	[tilespmem:s29+$0x710] =	vst v19  }
0x57d: {  	p0 =	slt.u32 s25, $0x6;
	v17 =	vld.idx.msk [tilespmem:v17+s11+$0x0], $0xffff  }
.Ltmp14:
0x57e: {  	_ = 	snop;
	(pc) =	sbr.rel @p0 .LBB2_15-.Ltmp14, $2  }
0x57f: {  	_ =	sdelay $0x2  }
0x580: {  	s26 =	sadd.s32 $0x20, s26;
	s28 =	sadd.s32 $0x20, s28;
	[tilespmem:s29+$0x790] =	vst v17;
	s29 =	sadd.s32 $0x20, s29  }
.Ltmp15:
0x581: {  	_ = 	snop;
	(pc) =	sbr.rel .LBB2_16-.Ltmp15, $1  }
0x582: {  	_ =	sdelay $0x3  }
.LBB2_19:
0x583: {  	_ =	sfence.sel $0x180000  }
0x584: {  	[bflag:$0x0] =	sbarrier.arrive $0xFFFF  }
0x585: {  	p0 =	sne.s32 s5, $0x0;
	_ =	strace $0x90000047  }
0x586: {  	s0 =	sadd.s32 @!p0 $0x100000, s0;
	[bflag:$0x2] =	sbarrier.arrive $0xFFFF  }
0x587: {  	[sflag:s0] =	ssyncadd.tile.s32 @!p0 $0x1;
	_ =	shalt  }
.Lfunc_end2:
_tile_overlayer_lowered:
.L_overlay_start_2:
0x588: {  	(tag) =	ssettag $0x2  }
0x589: {  	s0 =	rddreg [dreg:$0x0];
	s2 =	stileid.u32  }
0x58a: {  	s1 =	rddreg [dreg:$0x1];
	p0 =	sne.s32 s2, $0x0  }
0x58b: {  	s3 =	rddreg [dreg:$0x2];
	[bflag:$0x3] =	sbarrier.arrive $0xFFFF;
	s2 =	simm.s32 @!p0 $0x1C03  }
0x58c: {  	[timem:s3], [sflag:s2] =	dma.local @!p0 [hbm:s0], s1  }
0x58d: {  	s0 =	simm.s32 @!p0 $0x3  }
0x58e: {  	_ =	swait.ge @!p0 [sflag:s0], s1  }
0x58f: {  	s1 =	ssub.s32 @!p0 $0x0, s1;
	[sflag:s0] =	ssyncset.done @!p0 $0x0  }
0x590: {  	[sflag:s0] =	ssyncadd.s32 @!p0 s1  }
0x591: {  	[bflag:$0x3] =	sbarrier.arrive $0xFFFF  }
0x592: {  	_ =	shalt  }

</sc_bundles>
